<compile_context>
chip_gen: v7x
topology: tpu7x:2x2x1
jax: 0.10.2.dev20260603
libtpu: 0.0.44.dev20260713+nightly
codegen_flags: <defaults>
</compile_context>

<pallas_src>
import functools

import jax
import jax.numpy as jnp
from jax import lax
from jax.experimental import pallas as pl
from jax.experimental.pallas import tpu as pltpu
from jax.experimental.pallas import tpu_sc as plsc

B = 4
S = 2048
D = 768
L = 16
NC = 2
NS = 16
NW = NC * NS
POS_W = S // NW
CP = 8
CHUNKS = POS_W // CP
ROWS = B * CP
DV = D // L
NSLOT = 3


def _emb_lookup_body(
    xt_hbm, tab_hbm, pos_hbm, out_hbm, idx_v, rows_v, pos_v, sem_pos, *sems
):
    sg = sems[0:NSLOT]
    so = sems[NSLOT:2 * NSLOT]
    wid = lax.axis_index("s") * NC + lax.axis_index("c")
    p_w = wid * POS_W
    pos_cp = pltpu.async_copy(pos_hbm.at[pl.ds(p_w, POS_W)], pos_v, sem_pos)
    pltpu.sync_copy(xt_hbm.at[wid], idx_v)

    def start_in(c):
        slot = c % NSLOT
        return pltpu.async_copy(
            tab_hbm.at[idx_v.at[c]], rows_v.at[slot], sg[slot]
        )

    def start_out(c):
        slot = c % NSLOT
        return [
            pltpu.async_copy(
                rows_v.at[slot, pl.ds(b * CP, CP)],
                out_hbm.at[pl.ds(b * S + p_w + c * CP, CP)],
                so[slot],
            )
            for b in range(B)
        ]

    in_d = {0: start_in(0), 1: start_in(1)}
    out_d = {}
    in_d[0].wait()
    pos_cp.wait()
    for c in range(CHUNKS):
        slot = c % NSLOT
        nxt = c + 2
        if nxt < CHUNKS:
            if nxt - NSLOT >= 0:
                for dsc in out_d[nxt - NSLOT]:
                    dsc.wait()
            in_d[nxt] = start_in(nxt)
        if c > 0:
            with jax.named_scope("wait_in"):
                in_d[c].wait()

        def d_body(d, carry):
            col = d * L
            for i in range(CP):
                pv = pos_v[c * CP + i, pl.ds(col, L)]
                for b in range(B):
                    plsc.addupdate(
                        rows_v.at[slot, b * CP + i, pl.ds(col, L)], pv
                    )
            return carry

        with jax.named_scope("add"):
            lax.fori_loop(0, DV, d_body, 0)
        out_d[c] = start_out(c)

    with jax.named_scope("drain"):
        for c in range(max(0, CHUNKS - NSLOT), CHUNKS):
            for dsc in out_d[c]:
                dsc.wait()


@functools.cache
def _build(interpret: bool = False):
    mesh = plsc.VectorSubcoreMesh(
        core_axis_name="c", subcore_axis_name="s", num_cores=NC, num_subcores=NS
    )
    return pl.kernel(
        _emb_lookup_body,
        out_type=jax.ShapeDtypeStruct((B * S, D), jnp.float32),
        mesh=mesh,
        scratch_types=[
            pltpu.VMEM((CHUNKS, ROWS), jnp.int32),
            pltpu.VMEM((NSLOT, ROWS, D), jnp.float32),
            pltpu.VMEM((POS_W, D), jnp.float32),
            pltpu.SemaphoreType.DMA,
        ] + [pltpu.SemaphoreType.DMA] * (2 * NSLOT),
        interpret=interpret,
    )


def kernel(x, input_embeddings, positional_embeddings):
    xt = (
        x.astype(jnp.int32)
        .reshape(B, NW, CHUNKS, CP)
        .transpose(1, 2, 0, 3)
        .reshape(NW, CHUNKS, ROWS)
    )
    out = _build()(xt, input_embeddings, positional_embeddings)
    return out.reshape(B, S, D)

# --- scband reference (transcript-rebuilt; emitter-appended) ---
"""Pipeline reference for scband-clip-embeddings-21930103013400 (READ-ONLY COPY).

The authoritative reference and input builder live on the scoring server;
editing this copy changes nothing except your own understanding.
"""

import jax, jax.numpy as jnp
import numpy as np

VOCAB = 100000
D_MODEL = 768
SEQ_LEN = 2048
BATCH = 4


def setup_inputs(seed: int = 0) -> dict:
    key = jax.random.key(seed)
    k_idx, k_tab, k_pos = jax.random.split(key, 3)
    x = jax.random.randint(k_idx, (BATCH, SEQ_LEN), 0, VOCAB, dtype=jnp.int64 if jax.config.jax_enable_x64 else jnp.int32)
    input_embeddings = jax.random.normal(k_tab, (VOCAB, D_MODEL), dtype=jnp.float32) * 0.02
    positional_embeddings = jax.random.normal(k_pos, (SEQ_LEN, D_MODEL), dtype=jnp.float32) * 0.02
    return {"x": x, "input_embeddings": input_embeddings, "positional_embeddings": positional_embeddings}


def reference(x, input_embeddings, positional_embeddings):
    # x: int[B, S]; embedding gather then broadcast-add positional embeddings
    emb = jnp.take(input_embeddings, x, axis=0)  # [B, S, D]
    out = emb + positional_embeddings[None, :, :]
    return out

if __name__ == "__main__":
    import jax
    _d = setup_inputs()
    print(jax.jit(kernel)(*tuple(_d.values())))

</pallas_src>

<mosaic_0001>
#map = affine_map<(d0, d1) -> (0, 0, 0)>
#map1 = affine_map<(d0, d1) -> (0, 0)>
module attributes {stable_mosaic.version = 14 : i64} {
  func.func @_emb_lookup_body(%arg0: i32, %arg1: i32, %arg2: memref<32x8x32xi32, #tpu.memory_space<hbm>>, %arg3: memref<100000x768xf32, #tpu.memory_space<hbm>>, %arg4: memref<2048x768xf32, #tpu.memory_space<hbm>>, %arg5: memref<8192x768xf32, #tpu.memory_space<hbm>>, %arg6: memref<8x32xi32, #tpu.memory_space<vmem>>, %arg7: memref<3x32x768xf32, #tpu.memory_space<vmem>>, %arg8: memref<64x768xf32, #tpu.memory_space<vmem>>, %arg9: memref<!tpu.dma_semaphore, #tpu.memory_space<semaphore_mem>>, %arg10: memref<!tpu.dma_semaphore, #tpu.memory_space<semaphore_mem>>, %arg11: memref<!tpu.dma_semaphore, #tpu.memory_space<semaphore_mem>>, %arg12: memref<!tpu.dma_semaphore, #tpu.memory_space<semaphore_mem>>, %arg13: memref<!tpu.dma_semaphore, #tpu.memory_space<semaphore_mem>>, %arg14: memref<!tpu.dma_semaphore, #tpu.memory_space<semaphore_mem>>, %arg15: memref<!tpu.dma_semaphore, #tpu.memory_space<semaphore_mem>>) attributes {dimension_semantics = [#tpu.dimension_semantics<core_parallel>, #tpu.dimension_semantics<subcore_parallel>], iteration_bounds = array<i64: 2, 16>, scalar_prefetch = 0 : i64, scratch_operands = 10 : i64, tpu.core_type = #tpu.core_type<sc_vector_subcore>, window_params = [{transform_indices = #map}, {transform_indices = #map1}, {transform_indices = #map1}, {transform_indices = #map1}]} {
    %mul3A = arith.constant 2 : i32
    %mul3A_0 = arith.muli %arg1, %mul3A : i32
    %add3A = arith.addi %mul3A_0, %arg0 : i32
    %mul3A_1 = arith.constant 64 : i32
    %mul3A_2 = arith.muli %add3A, %mul3A_1 : i32
    %dma_start3A = arith.constant 0 : i32
    %dma_start3A_3 = tpu.memref_slice %arg4[%mul3A_2, %dma_start3A] : memref<2048x768xf32, #tpu.memory_space<hbm>> -> memref<64x768xf32, #tpu.memory_space<hbm>>
    %dma_start3A_4 = arith.constant 0 : i32
    %dma_start3A_5 = tpu.memref_slice %arg4[%mul3A_2, %dma_start3A_4] : memref<2048x768xf32, #tpu.memory_space<hbm>> -> memref<64x768xf32, #tpu.memory_space<hbm>>
    tpu.enqueue_dma source(%dma_start3A_5 : memref<64x768xf32, #tpu.memory_space<hbm>>) target(%arg8 : memref<64x768xf32, #tpu.memory_space<vmem>>) target_semaphore(%arg9 : memref<!tpu.dma_semaphore, #tpu.memory_space<semaphore_mem>>)
    "tpu.region"() ({
      %run_scoped3A = tpu.sem_alloc : memref<!tpu.dma_semaphore, #tpu.memory_space<semaphore_mem>>
      %dma_start3A_1208 = arith.constant 0 : i32
      %dma_start3A_1209 = arith.constant 0 : i32
      %dma_start3A_1210 = tpu.memref_slice %arg2[%add3A, %dma_start3A_1208, %dma_start3A_1209] : memref<32x8x32xi32, #tpu.memory_space<hbm>> -> memref<1x8x32xi32, #tpu.memory_space<hbm>>
      %dma_start3A_1211 = tpu.memref_squeeze %dma_start3A_1210 : memref<1x8x32xi32, #tpu.memory_space<hbm>> -> memref<8x32xi32, #tpu.memory_space<hbm>>
      %dma_start3A_1212 = arith.constant 0 : i32
      %dma_start3A_1213 = arith.constant 0 : i32
      %dma_start3A_1214 = tpu.memref_slice %arg2[%add3A, %dma_start3A_1212, %dma_start3A_1213] : memref<32x8x32xi32, #tpu.memory_space<hbm>> -> memref<1x8x32xi32, #tpu.memory_space<hbm>>
      %dma_start3A_1215 = tpu.memref_squeeze %dma_start3A_1214 : memref<1x8x32xi32, #tpu.memory_space<hbm>> -> memref<8x32xi32, #tpu.memory_space<hbm>>
      tpu.enqueue_dma source(%dma_start3A_1215 : memref<8x32xi32, #tpu.memory_space<hbm>>) target(%arg6 : memref<8x32xi32, #tpu.memory_space<vmem>>) target_semaphore(%run_scoped3A : memref<!tpu.dma_semaphore, #tpu.memory_space<semaphore_mem>>)
      %dma_wait3A_1216 = arith.constant 0 : i32
      %dma_wait3A_1217 = arith.constant 0 : i32
      %dma_wait3A_1218 = tpu.memref_slice %arg2[%add3A, %dma_wait3A_1216, %dma_wait3A_1217] : memref<32x8x32xi32, #tpu.memory_space<hbm>> -> memref<1x8x32xi32, #tpu.memory_space<hbm>>
      %dma_wait3A_1219 = tpu.memref_squeeze %dma_wait3A_1218 : memref<1x8x32xi32, #tpu.memory_space<hbm>> -> memref<8x32xi32, #tpu.memory_space<hbm>>
      %dma_wait3A_1220 = arith.constant 0 : i32
      %dma_wait3A_1221 = arith.constant 0 : i32
      %dma_wait3A_1222 = tpu.memref_slice %arg2[%add3A, %dma_wait3A_1220, %dma_wait3A_1221] : memref<32x8x32xi32, #tpu.memory_space<hbm>> -> memref<1x8x32xi32, #tpu.memory_space<hbm>>
      %dma_wait3A_1223 = tpu.memref_squeeze %dma_wait3A_1222 : memref<1x8x32xi32, #tpu.memory_space<hbm>> -> memref<8x32xi32, #tpu.memory_space<hbm>>
      tpu.wait_dma2 semaphore(%run_scoped3A : memref<!tpu.dma_semaphore, #tpu.memory_space<semaphore_mem>>) src(%dma_wait3A_1223 : memref<8x32xi32, #tpu.memory_space<hbm>>) dst(%arg6 : memref<8x32xi32, #tpu.memory_space<vmem>>)
      tpu.yield
    }) : () -> ()
    %dma_start3A_6 = arith.constant 0 : i32
    %dma_start3A_7 = arith.constant 0 : i32
    %dma_start3A_8 = arith.constant 0 : i32
    %dma_start3A_9 = arith.constant 0 : i32
    %dma_start3A_10 = tpu.memref_slice %arg7[%dma_start3A_7, %dma_start3A_8, %dma_start3A_9] : memref<3x32x768xf32, #tpu.memory_space<vmem>> -> memref<1x32x768xf32, #tpu.memory_space<vmem>>
    %dma_start3A_11 = tpu.memref_squeeze %dma_start3A_10 : memref<1x32x768xf32, #tpu.memory_space<vmem>> -> memref<32x768xf32, #tpu.memory_space<vmem>>
    %dma_start3A_12 = arith.constant 0 : i32
    %dma_start3A_13 = tpu.memref_slice %arg6[%dma_start3A_6, %dma_start3A_12] : memref<8x32xi32, #tpu.memory_space<vmem>> -> memref<1x32xi32, #tpu.memory_space<vmem>>
    %dma_start3A_14 = tpu.memref_squeeze %dma_start3A_13 : memref<1x32xi32, #tpu.memory_space<vmem>> -> memref<32xi32, #tpu.memory_space<vmem>>
    %dma_start3A_15 = arith.constant 0 : i32
    %dma_start3A_16 = arith.constant 0 : i32
    %dma_start3A_17 = tpu.memref_slice %arg3[%dma_start3A_15, %dma_start3A_16] : memref<100000x768xf32, #tpu.memory_space<hbm>> -> memref<100000x768xf32, #tpu.memory_space<hbm>>
    tpu.enqueue_indirect_dma source(%dma_start3A_17 : memref<100000x768xf32, #tpu.memory_space<hbm>>) target(%dma_start3A_11 : memref<32x768xf32, #tpu.memory_space<vmem>>) offsets(%dma_start3A_14 : memref<32xi32, #tpu.memory_space<vmem>>) semaphore(%arg10 : memref<!tpu.dma_semaphore, #tpu.memory_space<semaphore_mem>>)
    %dma_start3A_18 = arith.constant 1 : i32
    %dma_start3A_19 = arith.constant 1 : i32
    %dma_start3A_20 = arith.constant 0 : i32
    %dma_start3A_21 = arith.constant 0 : i32
    %dma_start3A_22 = tpu.memref_slice %arg7[%dma_start3A_19, %dma_start3A_20, %dma_start3A_21] : memref<3x32x768xf32, #tpu.memory_space<vmem>> -> memref<1x32x768xf32, #tpu.memory_space<vmem>>
    %dma_start3A_23 = tpu.memref_squeeze %dma_start3A_22 : memref<1x32x768xf32, #tpu.memory_space<vmem>> -> memref<32x768xf32, #tpu.memory_space<vmem>>
    %dma_start3A_24 = arith.constant 0 : i32
    %dma_start3A_25 = tpu.memref_slice %arg6[%dma_start3A_18, %dma_start3A_24] : memref<8x32xi32, #tpu.memory_space<vmem>> -> memref<1x32xi32, #tpu.memory_space<vmem>>
    %dma_start3A_26 = tpu.memref_squeeze %dma_start3A_25 : memref<1x32xi32, #tpu.memory_space<vmem>> -> memref<32xi32, #tpu.memory_space<vmem>>
    %dma_start3A_27 = arith.constant 0 : i32
    %dma_start3A_28 = arith.constant 0 : i32
    %dma_start3A_29 = tpu.memref_slice %arg3[%dma_start3A_27, %dma_start3A_28] : memref<100000x768xf32, #tpu.memory_space<hbm>> -> memref<100000x768xf32, #tpu.memory_space<hbm>>
    tpu.enqueue_indirect_dma source(%dma_start3A_29 : memref<100000x768xf32, #tpu.memory_space<hbm>>) target(%dma_start3A_23 : memref<32x768xf32, #tpu.memory_space<vmem>>) offsets(%dma_start3A_26 : memref<32xi32, #tpu.memory_space<vmem>>) semaphore(%arg11 : memref<!tpu.dma_semaphore, #tpu.memory_space<semaphore_mem>>)
    %dma_wait3A = arith.constant 0 : i32
    %dma_wait3A_30 = arith.constant 0 : i32
    %dma_wait3A_31 = arith.constant 0 : i32
    %dma_wait3A_32 = arith.constant 0 : i32
    %dma_wait3A_33 = tpu.memref_slice %arg7[%dma_wait3A_30, %dma_wait3A_31, %dma_wait3A_32] : memref<3x32x768xf32, #tpu.memory_space<vmem>> -> memref<1x32x768xf32, #tpu.memory_space<vmem>>
    %dma_wait3A_34 = tpu.memref_squeeze %dma_wait3A_33 : memref<1x32x768xf32, #tpu.memory_space<vmem>> -> memref<32x768xf32, #tpu.memory_space<vmem>>
    %dma_wait3A_35 = arith.constant 0 : i32
    %dma_wait3A_36 = tpu.memref_slice %arg6[%dma_wait3A, %dma_wait3A_35] : memref<8x32xi32, #tpu.memory_space<vmem>> -> memref<1x32xi32, #tpu.memory_space<vmem>>
    %dma_wait3A_37 = tpu.memref_squeeze %dma_wait3A_36 : memref<1x32xi32, #tpu.memory_space<vmem>> -> memref<32xi32, #tpu.memory_space<vmem>>
    %dma_wait3A_38 = arith.constant 0 : i32
    %dma_wait3A_39 = arith.constant 0 : i32
    %dma_wait3A_40 = tpu.memref_slice %arg3[%dma_wait3A_38, %dma_wait3A_39] : memref<100000x768xf32, #tpu.memory_space<hbm>> -> memref<100000x768xf32, #tpu.memory_space<hbm>>
    tpu.wait_indirect_dma semaphore(%arg10 : memref<!tpu.dma_semaphore, #tpu.memory_space<semaphore_mem>>) src(%dma_wait3A_40 : memref<100000x768xf32, #tpu.memory_space<hbm>>) dst(%dma_wait3A_34 : memref<32x768xf32, #tpu.memory_space<vmem>>)
    %dma_wait3A_41 = arith.constant 0 : i32
    %dma_wait3A_42 = tpu.memref_slice %arg4[%mul3A_2, %dma_wait3A_41] : memref<2048x768xf32, #tpu.memory_space<hbm>> -> memref<64x768xf32, #tpu.memory_space<hbm>>
    %dma_wait3A_43 = arith.constant 0 : i32
    %dma_wait3A_44 = tpu.memref_slice %arg4[%mul3A_2, %dma_wait3A_43] : memref<2048x768xf32, #tpu.memory_space<hbm>> -> memref<64x768xf32, #tpu.memory_space<hbm>>
    tpu.wait_dma2 semaphore(%arg9 : memref<!tpu.dma_semaphore, #tpu.memory_space<semaphore_mem>>) src(%dma_wait3A_44 : memref<64x768xf32, #tpu.memory_space<hbm>>) dst(%arg8 : memref<64x768xf32, #tpu.memory_space<vmem>>)
    %dma_start3A_45 = arith.constant 2 : i32
    %dma_start3A_46 = arith.constant 2 : i32
    %dma_start3A_47 = arith.constant 0 : i32
    %dma_start3A_48 = arith.constant 0 : i32
    %dma_start3A_49 = tpu.memref_slice %arg7[%dma_start3A_46, %dma_start3A_47, %dma_start3A_48] : memref<3x32x768xf32, #tpu.memory_space<vmem>> -> memref<1x32x768xf32, #tpu.memory_space<vmem>>
    %dma_start3A_50 = tpu.memref_squeeze %dma_start3A_49 : memref<1x32x768xf32, #tpu.memory_space<vmem>> -> memref<32x768xf32, #tpu.memory_space<vmem>>
    %dma_start3A_51 = arith.constant 0 : i32
    %dma_start3A_52 = tpu.memref_slice %arg6[%dma_start3A_45, %dma_start3A_51] : memref<8x32xi32, #tpu.memory_space<vmem>> -> memref<1x32xi32, #tpu.memory_space<vmem>>
    %dma_start3A_53 = tpu.memref_squeeze %dma_start3A_52 : memref<1x32xi32, #tpu.memory_space<vmem>> -> memref<32xi32, #tpu.memory_space<vmem>>
    %dma_start3A_54 = arith.constant 0 : i32
    %dma_start3A_55 = arith.constant 0 : i32
    %dma_start3A_56 = tpu.memref_slice %arg3[%dma_start3A_54, %dma_start3A_55] : memref<100000x768xf32, #tpu.memory_space<hbm>> -> memref<100000x768xf32, #tpu.memory_space<hbm>>
    tpu.enqueue_indirect_dma source(%dma_start3A_56 : memref<100000x768xf32, #tpu.memory_space<hbm>>) target(%dma_start3A_50 : memref<32x768xf32, #tpu.memory_space<vmem>>) offsets(%dma_start3A_53 : memref<32xi32, #tpu.memory_space<vmem>>) semaphore(%arg12 : memref<!tpu.dma_semaphore, #tpu.memory_space<semaphore_mem>>)
    "tpu.trace_start"() <{level = 10 : i32, message = "add"}> : () -> ()
    %scan3A = arith.constant 0 : i32
    %scan3A_57 = arith.constant 0 : i32
    %scan3A_58 = arith.constant 48 : i32
    %scan3A_59 = arith.addi %scan3A_57, %scan3A_58 : i32
    %scan3A_60 = arith.constant 1 : i32
    scf.for %scan3A_1208 = %scan3A_57 to %scan3A_59 step %scan3A_60  : i32 {
      %mul3A_1209 = arith.constant 16 : i32
      %mul3A_1210 = arith.muli %scan3A_1208, %mul3A_1209 : i32
      %get3A = arith.constant 0 : i32
      %get3A_1211 = arith.index_cast %get3A : i32 to index
      %get3A_1212 = arith.index_cast %mul3A_1210 : i32 to index
      %get3A_1213 = tpu.vector_load %arg8[%get3A_1211, %get3A_1212] {strides = array<i32>} : memref<64x768xf32, #tpu.memory_space<vmem>>, vector<1x16xf32>,
      %get3A_1214 = vector.shape_cast %get3A_1213 : vector<1x16xf32> to vector<16xf32>
      %swap3A = arith.constant 0 : i32
      %swap3A_1215 = arith.constant 0 : i32
      %swap3A_1216 = arith.index_cast %swap3A : i32 to index
      %swap3A_1217 = arith.index_cast %swap3A_1215 : i32 to index
      %swap3A_1218 = arith.index_cast %mul3A_1210 : i32 to index
      %swap3A_1219 = tpu.vector_load %arg7[%swap3A_1216, %swap3A_1217, %swap3A_1218] {strides = array<i32>} : memref<3x32x768xf32, #tpu.memory_space<vmem>>, vector<1x1x16xf32>,
      %swap3A_1220 = vector.shape_cast %swap3A_1219 : vector<1x1x16xf32> to vector<16xf32>
      %swap3A_1221 = vector.shape_cast %get3A_1214 : vector<16xf32> to vector<1x1x16xf32>
      tpu.vector_store %arg7[%swap3A_1216, %swap3A_1217, %swap3A_1218], %swap3A_1221 {add = true, strides = array<i32>} : memref<3x32x768xf32, #tpu.memory_space<vmem>>, vector<1x1x16xf32>,
      %swap3A_1222 = arith.constant 0 : i32
      %swap3A_1223 = arith.constant 8 : i32
      %swap3A_1224 = arith.index_cast %swap3A_1222 : i32 to index
      %swap3A_1225 = arith.index_cast %swap3A_1223 : i32 to index
      %swap3A_1226 = arith.index_cast %mul3A_1210 : i32 to index
      %swap3A_1227 = tpu.vector_load %arg7[%swap3A_1224, %swap3A_1225, %swap3A_1226] {strides = array<i32>} : memref<3x32x768xf32, #tpu.memory_space<vmem>>, vector<1x1x16xf32>,
      %swap3A_1228 = vector.shape_cast %swap3A_1227 : vector<1x1x16xf32> to vector<16xf32>
      %swap3A_1229 = vector.shape_cast %get3A_1214 : vector<16xf32> to vector<1x1x16xf32>
      tpu.vector_store %arg7[%swap3A_1224, %swap3A_1225, %swap3A_1226], %swap3A_1229 {add = true, strides = array<i32>} : memref<3x32x768xf32, #tpu.memory_space<vmem>>, vector<1x1x16xf32>,
      %swap3A_1230 = arith.constant 0 : i32
      %swap3A_1231 = arith.constant 16 : i32
      %swap3A_1232 = arith.index_cast %swap3A_1230 : i32 to index
      %swap3A_1233 = arith.index_cast %swap3A_1231 : i32 to index
      %swap3A_1234 = arith.index_cast %mul3A_1210 : i32 to index
      %swap3A_1235 = tpu.vector_load %arg7[%swap3A_1232, %swap3A_1233, %swap3A_1234] {strides = array<i32>} : memref<3x32x768xf32, #tpu.memory_space<vmem>>, vector<1x1x16xf32>,
      %swap3A_1236 = vector.shape_cast %swap3A_1235 : vector<1x1x16xf32> to vector<16xf32>
      %swap3A_1237 = vector.shape_cast %get3A_1214 : vector<16xf32> to vector<1x1x16xf32>
      tpu.vector_store %arg7[%swap3A_1232, %swap3A_1233, %swap3A_1234], %swap3A_1237 {add = true, strides = array<i32>} : memref<3x32x768xf32, #tpu.memory_space<vmem>>, vector<1x1x16xf32>,
      %swap3A_1238 = arith.constant 0 : i32
      %swap3A_1239 = arith.constant 24 : i32
      %swap3A_1240 = arith.index_cast %swap3A_1238 : i32 to index
      %swap3A_1241 = arith.index_cast %swap3A_1239 : i32 to index
      %swap3A_1242 = arith.index_cast %mul3A_1210 : i32 to index
      %swap3A_1243 = tpu.vector_load %arg7[%swap3A_1240, %swap3A_1241, %swap3A_1242] {strides = array<i32>} : memref<3x32x768xf32, #tpu.memory_space<vmem>>, vector<1x1x16xf32>,
      %swap3A_1244 = vector.shape_cast %swap3A_1243 : vector<1x1x16xf32> to vector<16xf32>
      %swap3A_1245 = vector.shape_cast %get3A_1214 : vector<16xf32> to vector<1x1x16xf32>
      tpu.vector_store %arg7[%swap3A_1240, %swap3A_1241, %swap3A_1242], %swap3A_1245 {add = true, strides = array<i32>} : memref<3x32x768xf32, #tpu.memory_space<vmem>>, vector<1x1x16xf32>,
      %get3A_1246 = arith.constant 1 : i32
      %get3A_1247 = arith.index_cast %get3A_1246 : i32 to index
      %get3A_1248 = arith.index_cast %mul3A_1210 : i32 to index
      %get3A_1249 = tpu.vector_load %arg8[%get3A_1247, %get3A_1248] {strides = array<i32>} : memref<64x768xf32, #tpu.memory_space<vmem>>, vector<1x16xf32>,
      %get3A_1250 = vector.shape_cast %get3A_1249 : vector<1x16xf32> to vector<16xf32>
      %swap3A_1251 = arith.constant 0 : i32
      %swap3A_1252 = arith.constant 1 : i32
      %swap3A_1253 = arith.index_cast %swap3A_1251 : i32 to index
      %swap3A_1254 = arith.index_cast %swap3A_1252 : i32 to index
      %swap3A_1255 = arith.index_cast %mul3A_1210 : i32 to index
      %swap3A_1256 = tpu.vector_load %arg7[%swap3A_1253, %swap3A_1254, %swap3A_1255] {strides = array<i32>} : memref<3x32x768xf32, #tpu.memory_space<vmem>>, vector<1x1x16xf32>,
      %swap3A_1257 = vector.shape_cast %swap3A_1256 : vector<1x1x16xf32> to vector<16xf32>
      %swap3A_1258 = vector.shape_cast %get3A_1250 : vector<16xf32> to vector<1x1x16xf32>
      tpu.vector_store %arg7[%swap3A_1253, %swap3A_1254, %swap3A_1255], %swap3A_1258 {add = true, strides = array<i32>} : memref<3x32x768xf32, #tpu.memory_space<vmem>>, vector<1x1x16xf32>,
      %swap3A_1259 = arith.constant 0 : i32
      %swap3A_1260 = arith.constant 9 : i32
      %swap3A_1261 = arith.index_cast %swap3A_1259 : i32 to index
      %swap3A_1262 = arith.index_cast %swap3A_1260 : i32 to index
      %swap3A_1263 = arith.index_cast %mul3A_1210 : i32 to index
      %swap3A_1264 = tpu.vector_load %arg7[%swap3A_1261, %swap3A_1262, %swap3A_1263] {strides = array<i32>} : memref<3x32x768xf32, #tpu.memory_space<vmem>>, vector<1x1x16xf32>,
      %swap3A_1265 = vector.shape_cast %swap3A_1264 : vector<1x1x16xf32> to vector<16xf32>
      %swap3A_1266 = vector.shape_cast %get3A_1250 : vector<16xf32> to vector<1x1x16xf32>
      tpu.vector_store %arg7[%swap3A_1261, %swap3A_1262, %swap3A_1263], %swap3A_1266 {add = true, strides = array<i32>} : memref<3x32x768xf32, #tpu.memory_space<vmem>>, vector<1x1x16xf32>,
      %swap3A_1267 = arith.constant 0 : i32
      %swap3A_1268 = arith.constant 17 : i32
      %swap3A_1269 = arith.index_cast %swap3A_1267 : i32 to index
      %swap3A_1270 = arith.index_cast %swap3A_1268 : i32 to index
      %swap3A_1271 = arith.index_cast %mul3A_1210 : i32 to index
      %swap3A_1272 = tpu.vector_load %arg7[%swap3A_1269, %swap3A_1270, %swap3A_1271] {strides = array<i32>} : memref<3x32x768xf32, #tpu.memory_space<vmem>>, vector<1x1x16xf32>,
      %swap3A_1273 = vector.shape_cast %swap3A_1272 : vector<1x1x16xf32> to vector<16xf32>
      %swap3A_1274 = vector.shape_cast %get3A_1250 : vector<16xf32> to vector<1x1x16xf32>
      tpu.vector_store %arg7[%swap3A_1269, %swap3A_1270, %swap3A_1271], %swap3A_1274 {add = true, strides = array<i32>} : memref<3x32x768xf32, #tpu.memory_space<vmem>>, vector<1x1x16xf32>,
      %swap3A_1275 = arith.constant 0 : i32
      %swap3A_1276 = arith.constant 25 : i32
      %swap3A_1277 = arith.index_cast %swap3A_1275 : i32 to index
      %swap3A_1278 = arith.index_cast %swap3A_1276 : i32 to index
      %swap3A_1279 = arith.index_cast %mul3A_1210 : i32 to index
      %swap3A_1280 = tpu.vector_load %arg7[%swap3A_1277, %swap3A_1278, %swap3A_1279] {strides = array<i32>} : memref<3x32x768xf32, #tpu.memory_space<vmem>>, vector<1x1x16xf32>,
      %swap3A_1281 = vector.shape_cast %swap3A_1280 : vector<1x1x16xf32> to vector<16xf32>
      %swap3A_1282 = vector.shape_cast %get3A_1250 : vector<16xf32> to vector<1x1x16xf32>
      tpu.vector_store %arg7[%swap3A_1277, %swap3A_1278, %swap3A_1279], %swap3A_1282 {add = true, strides = array<i32>} : memref<3x32x768xf32, #tpu.memory_space<vmem>>, vector<1x1x16xf32>,
      %get3A_1283 = arith.constant 2 : i32
      %get3A_1284 = arith.index_cast %get3A_1283 : i32 to index
      %get3A_1285 = arith.index_cast %mul3A_1210 : i32 to index
      %get3A_1286 = tpu.vector_load %arg8[%get3A_1284, %get3A_1285] {strides = array<i32>} : memref<64x768xf32, #tpu.memory_space<vmem>>, vector<1x16xf32>,
      %get3A_1287 = vector.shape_cast %get3A_1286 : vector<1x16xf32> to vector<16xf32>
      %swap3A_1288 = arith.constant 0 : i32
      %swap3A_1289 = arith.constant 2 : i32
      %swap3A_1290 = arith.index_cast %swap3A_1288 : i32 to index
      %swap3A_1291 = arith.index_cast %swap3A_1289 : i32 to index
      %swap3A_1292 = arith.index_cast %mul3A_1210 : i32 to index
      %swap3A_1293 = tpu.vector_load %arg7[%swap3A_1290, %swap3A_1291, %swap3A_1292] {strides = array<i32>} : memref<3x32x768xf32, #tpu.memory_space<vmem>>, vector<1x1x16xf32>,
      %swap3A_1294 = vector.shape_cast %swap3A_1293 : vector<1x1x16xf32> to vector<16xf32>
      %swap3A_1295 = vector.shape_cast %get3A_1287 : vector<16xf32> to vector<1x1x16xf32>
      tpu.vector_store %arg7[%swap3A_1290, %swap3A_1291, %swap3A_1292], %swap3A_1295 {add = true, strides = array<i32>} : memref<3x32x768xf32, #tpu.memory_space<vmem>>, vector<1x1x16xf32>,
      %swap3A_1296 = arith.constant 0 : i32
      %swap3A_1297 = arith.constant 10 : i32
      %swap3A_1298 = arith.index_cast %swap3A_1296 : i32 to index
      %swap3A_1299 = arith.index_cast %swap3A_1297 : i32 to index
      %swap3A_1300 = arith.index_cast %mul3A_1210 : i32 to index
      %swap3A_1301 = tpu.vector_load %arg7[%swap3A_1298, %swap3A_1299, %swap3A_1300] {strides = array<i32>} : memref<3x32x768xf32, #tpu.memory_space<vmem>>, vector<1x1x16xf32>,
      %swap3A_1302 = vector.shape_cast %swap3A_1301 : vector<1x1x16xf32> to vector<16xf32>
      %swap3A_1303 = vector.shape_cast %get3A_1287 : vector<16xf32> to vector<1x1x16xf32>
      tpu.vector_store %arg7[%swap3A_1298, %swap3A_1299, %swap3A_1300], %swap3A_1303 {add = true, strides = array<i32>} : memref<3x32x768xf32, #tpu.memory_space<vmem>>, vector<1x1x16xf32>,
      %swap3A_1304 = arith.constant 0 : i32
      %swap3A_1305 = arith.constant 18 : i32
      %swap3A_1306 = arith.index_cast %swap3A_1304 : i32 to index
      %swap3A_1307 = arith.index_cast %swap3A_1305 : i32 to index
      %swap3A_1308 = arith.index_cast %mul3A_1210 : i32 to index
      %swap3A_1309 = tpu.vector_load %arg7[%swap3A_1306, %swap3A_1307, %swap3A_1308] {strides = array<i32>} : memref<3x32x768xf32, #tpu.memory_space<vmem>>, vector<1x1x16xf32>,
      %swap3A_1310 = vector.shape_cast %swap3A_1309 : vector<1x1x16xf32> to vector<16xf32>
      %swap3A_1311 = vector.shape_cast %get3A_1287 : vector<16xf32> to vector<1x1x16xf32>
      tpu.vector_store %arg7[%swap3A_1306, %swap3A_1307, %swap3A_1308], %swap3A_1311 {add = true, strides = array<i32>} : memref<3x32x768xf32, #tpu.memory_space<vmem>>, vector<1x1x16xf32>,
      %swap3A_1312 = arith.constant 0 : i32
      %swap3A_1313 = arith.constant 26 : i32
      %swap3A_1314 = arith.index_cast %swap3A_1312 : i32 to index
      %swap3A_1315 = arith.index_cast %swap3A_1313 : i32 to index
      %swap3A_1316 = arith.index_cast %mul3A_1210 : i32 to index
      %swap3A_1317 = tpu.vector_load %arg7[%swap3A_1314, %swap3A_1315, %swap3A_1316] {strides = array<i32>} : memref<3x32x768xf32, #tpu.memory_space<vmem>>, vector<1x1x16xf32>,
      %swap3A_1318 = vector.shape_cast %swap3A_1317 : vector<1x1x16xf32> to vector<16xf32>
      %swap3A_1319 = vector.shape_cast %get3A_1287 : vector<16xf32> to vector<1x1x16xf32>
      tpu.vector_store %arg7[%swap3A_1314, %swap3A_1315, %swap3A_1316], %swap3A_1319 {add = true, strides = array<i32>} : memref<3x32x768xf32, #tpu.memory_space<vmem>>, vector<1x1x16xf32>,
      %get3A_1320 = arith.constant 3 : i32
      %get3A_1321 = arith.index_cast %get3A_1320 : i32 to index
      %get3A_1322 = arith.index_cast %mul3A_1210 : i32 to index
      %get3A_1323 = tpu.vector_load %arg8[%get3A_1321, %get3A_1322] {strides = array<i32>} : memref<64x768xf32, #tpu.memory_space<vmem>>, vector<1x16xf32>,
      %get3A_1324 = vector.shape_cast %get3A_1323 : vector<1x16xf32> to vector<16xf32>
      %swap3A_1325 = arith.constant 0 : i32
      %swap3A_1326 = arith.constant 3 : i32
      %swap3A_1327 = arith.index_cast %swap3A_1325 : i32 to index
      %swap3A_1328 = arith.index_cast %swap3A_1326 : i32 to index
      %swap3A_1329 = arith.index_cast %mul3A_1210 : i32 to index
      %swap3A_1330 = tpu.vector_load %arg7[%swap3A_1327, %swap3A_1328, %swap3A_1329] {strides = array<i32>} : memref<3x32x768xf32, #tpu.memory_space<vmem>>, vector<1x1x16xf32>,
      %swap3A_1331 = vector.shape_cast %swap3A_1330 : vector<1x1x16xf32> to vector<16xf32>
      %swap3A_1332 = vector.shape_cast %get3A_1324 : vector<16xf32> to vector<1x1x16xf32>
      tpu.vector_store %arg7[%swap3A_1327, %swap3A_1328, %swap3A_1329], %swap3A_1332 {add = true, strides = array<i32>} : memref<3x32x768xf32, #tpu.memory_space<vmem>>, vector<1x1x16xf32>,
      %swap3A_1333 = arith.constant 0 : i32
      %swap3A_1334 = arith.constant 11 : i32
      %swap3A_1335 = arith.index_cast %swap3A_1333 : i32 to index
      %swap3A_1336 = arith.index_cast %swap3A_1334 : i32 to index
      %swap3A_1337 = arith.index_cast %mul3A_1210 : i32 to index
      %swap3A_1338 = tpu.vector_load %arg7[%swap3A_1335, %swap3A_1336, %swap3A_1337] {strides = array<i32>} : memref<3x32x768xf32, #tpu.memory_space<vmem>>, vector<1x1x16xf32>,
      %swap3A_1339 = vector.shape_cast %swap3A_1338 : vector<1x1x16xf32> to vector<16xf32>
      %swap3A_1340 = vector.shape_cast %get3A_1324 : vector<16xf32> to vector<1x1x16xf32>
      tpu.vector_store %arg7[%swap3A_1335, %swap3A_1336, %swap3A_1337], %swap3A_1340 {add = true, strides = array<i32>} : memref<3x32x768xf32, #tpu.memory_space<vmem>>, vector<1x1x16xf32>,
      %swap3A_1341 = arith.constant 0 : i32
      %swap3A_1342 = arith.constant 19 : i32
      %swap3A_1343 = arith.index_cast %swap3A_1341 : i32 to index
      %swap3A_1344 = arith.index_cast %swap3A_1342 : i32 to index
      %swap3A_1345 = arith.index_cast %mul3A_1210 : i32 to index
      %swap3A_1346 = tpu.vector_load %arg7[%swap3A_1343, %swap3A_1344, %swap3A_1345] {strides = array<i32>} : memref<3x32x768xf32, #tpu.memory_space<vmem>>, vector<1x1x16xf32>,
      %swap3A_1347 = vector.shape_cast %swap3A_1346 : vector<1x1x16xf32> to vector<16xf32>
      %swap3A_1348 = vector.shape_cast %get3A_1324 : vector<16xf32> to vector<1x1x16xf32>
      tpu.vector_store %arg7[%swap3A_1343, %swap3A_1344, %swap3A_1345], %swap3A_1348 {add = true, strides = array<i32>} : memref<3x32x768xf32, #tpu.memory_space<vmem>>, vector<1x1x16xf32>,
      %swap3A_1349 = arith.constant 0 : i32
      %swap3A_1350 = arith.constant 27 : i32
      %swap3A_1351 = arith.index_cast %swap3A_1349 : i32 to index
      %swap3A_1352 = arith.index_cast %swap3A_1350 : i32 to index
      %swap3A_1353 = arith.index_cast %mul3A_1210 : i32 to index
      %swap3A_1354 = tpu.vector_load %arg7[%swap3A_1351, %swap3A_1352, %swap3A_1353] {strides = array<i32>} : memref<3x32x768xf32, #tpu.memory_space<vmem>>, vector<1x1x16xf32>,
      %swap3A_1355 = vector.shape_cast %swap3A_1354 : vector<1x1x16xf32> to vector<16xf32>
      %swap3A_1356 = vector.shape_cast %get3A_1324 : vector<16xf32> to vector<1x1x16xf32>
      tpu.vector_store %arg7[%swap3A_1351, %swap3A_1352, %swap3A_1353], %swap3A_1356 {add = true, strides = array<i32>} : memref<3x32x768xf32, #tpu.memory_space<vmem>>, vector<1x1x16xf32>,
      %get3A_1357 = arith.constant 4 : i32
      %get3A_1358 = arith.index_cast %get3A_1357 : i32 to index
      %get3A_1359 = arith.index_cast %mul3A_1210 : i32 to index
      %get3A_1360 = tpu.vector_load %arg8[%get3A_1358, %get3A_1359] {strides = array<i32>} : memref<64x768xf32, #tpu.memory_space<vmem>>, vector<1x16xf32>,
      %get3A_1361 = vector.shape_cast %get3A_1360 : vector<1x16xf32> to vector<16xf32>
      %swap3A_1362 = arith.constant 0 : i32
      %swap3A_1363 = arith.constant 4 : i32
      %swap3A_1364 = arith.index_cast %swap3A_1362 : i32 to index
      %swap3A_1365 = arith.index_cast %swap3A_1363 : i32 to index
      %swap3A_1366 = arith.index_cast %mul3A_1210 : i32 to index
      %swap3A_1367 = tpu.vector_load %arg7[%swap3A_1364, %swap3A_1365, %swap3A_1366] {strides = array<i32>} : memref<3x32x768xf32, #tpu.memory_space<vmem>>, vector<1x1x16xf32>,
      %swap3A_1368 = vector.shape_cast %swap3A_1367 : vector<1x1x16xf32> to vector<16xf32>
      %swap3A_1369 = vector.shape_cast %get3A_1361 : vector<16xf32> to vector<1x1x16xf32>
      tpu.vector_store %arg7[%swap3A_1364, %swap3A_1365, %swap3A_1366], %swap3A_1369 {add = true, strides = array<i32>} : memref<3x32x768xf32, #tpu.memory_space<vmem>>, vector<1x1x16xf32>,
      %swap3A_1370 = arith.constant 0 : i32
      %swap3A_1371 = arith.constant 12 : i32
      %swap3A_1372 = arith.index_cast %swap3A_1370 : i32 to index
      %swap3A_1373 = arith.index_cast %swap3A_1371 : i32 to index
      %swap3A_1374 = arith.index_cast %mul3A_1210 : i32 to index
      %swap3A_1375 = tpu.vector_load %arg7[%swap3A_1372, %swap3A_1373, %swap3A_1374] {strides = array<i32>} : memref<3x32x768xf32, #tpu.memory_space<vmem>>, vector<1x1x16xf32>,
      %swap3A_1376 = vector.shape_cast %swap3A_1375 : vector<1x1x16xf32> to vector<16xf32>
      %swap3A_1377 = vector.shape_cast %get3A_1361 : vector<16xf32> to vector<1x1x16xf32>
      tpu.vector_store %arg7[%swap3A_1372, %swap3A_1373, %swap3A_1374], %swap3A_1377 {add = true, strides = array<i32>} : memref<3x32x768xf32, #tpu.memory_space<vmem>>, vector<1x1x16xf32>,
      %swap3A_1378 = arith.constant 0 : i32
      %swap3A_1379 = arith.constant 20 : i32
      %swap3A_1380 = arith.index_cast %swap3A_1378 : i32 to index
      %swap3A_1381 = arith.index_cast %swap3A_1379 : i32 to index
      %swap3A_1382 = arith.index_cast %mul3A_1210 : i32 to index
      %swap3A_1383 = tpu.vector_load %arg7[%swap3A_1380, %swap3A_1381, %swap3A_1382] {strides = array<i32>} : memref<3x32x768xf32, #tpu.memory_space<vmem>>, vector<1x1x16xf32>,
      %swap3A_1384 = vector.shape_cast %swap3A_1383 : vector<1x1x16xf32> to vector<16xf32>
      %swap3A_1385 = vector.shape_cast %get3A_1361 : vector<16xf32> to vector<1x1x16xf32>
      tpu.vector_store %arg7[%swap3A_1380, %swap3A_1381, %swap3A_1382], %swap3A_1385 {add = true, strides = array<i32>} : memref<3x32x768xf32, #tpu.memory_space<vmem>>, vector<1x1x16xf32>,
      %swap3A_1386 = arith.constant 0 : i32
      %swap3A_1387 = arith.constant 28 : i32
      %swap3A_1388 = arith.index_cast %swap3A_1386 : i32 to index
      %swap3A_1389 = arith.index_cast %swap3A_1387 : i32 to index
      %swap3A_1390 = arith.index_cast %mul3A_1210 : i32 to index
      %swap3A_1391 = tpu.vector_load %arg7[%swap3A_1388, %swap3A_1389, %swap3A_1390] {strides = array<i32>} : memref<3x32x768xf32, #tpu.memory_space<vmem>>, vector<1x1x16xf32>,
      %swap3A_1392 = vector.shape_cast %swap3A_1391 : vector<1x1x16xf32> to vector<16xf32>
      %swap3A_1393 = vector.shape_cast %get3A_1361 : vector<16xf32> to vector<1x1x16xf32>
      tpu.vector_store %arg7[%swap3A_1388, %swap3A_1389, %swap3A_1390], %swap3A_1393 {add = true, strides = array<i32>} : memref<3x32x768xf32, #tpu.memory_space<vmem>>, vector<1x1x16xf32>,
      %get3A_1394 = arith.constant 5 : i32
      %get3A_1395 = arith.index_cast %get3A_1394 : i32 to index
      %get3A_1396 = arith.index_cast %mul3A_1210 : i32 to index
      %get3A_1397 = tpu.vector_load %arg8[%get3A_1395, %get3A_1396] {strides = array<i32>} : memref<64x768xf32, #tpu.memory_space<vmem>>, vector<1x16xf32>,
      %get3A_1398 = vector.shape_cast %get3A_1397 : vector<1x16xf32> to vector<16xf32>
      %swap3A_1399 = arith.constant 0 : i32
      %swap3A_1400 = arith.constant 5 : i32
      %swap3A_1401 = arith.index_cast %swap3A_1399 : i32 to index
      %swap3A_1402 = arith.index_cast %swap3A_1400 : i32 to index
      %swap3A_1403 = arith.index_cast %mul3A_1210 : i32 to index
      %swap3A_1404 = tpu.vector_load %arg7[%swap3A_1401, %swap3A_1402, %swap3A_1403] {strides = array<i32>} : memref<3x32x768xf32, #tpu.memory_space<vmem>>, vector<1x1x16xf32>,
      %swap3A_1405 = vector.shape_cast %swap3A_1404 : vector<1x1x16xf32> to vector<16xf32>
      %swap3A_1406 = vector.shape_cast %get3A_1398 : vector<16xf32> to vector<1x1x16xf32>
      tpu.vector_store %arg7[%swap3A_1401, %swap3A_1402, %swap3A_1403], %swap3A_1406 {add = true, strides = array<i32>} : memref<3x32x768xf32, #tpu.memory_space<vmem>>, vector<1x1x16xf32>,
      %swap3A_1407 = arith.constant 0 : i32
      %swap3A_1408 = arith.constant 13 : i32
      %swap3A_1409 = arith.index_cast %swap3A_1407 : i32 to index
      %swap3A_1410 = arith.index_cast %swap3A_1408 : i32 to index
      %swap3A_1411 = arith.index_cast %mul3A_1210 : i32 to index
      %swap3A_1412 = tpu.vector_load %arg7[%swap3A_1409, %swap3A_1410, %swap3A_1411] {strides = array<i32>} : memref<3x32x768xf32, #tpu.memory_space<vmem>>, vector<1x1x16xf32>,
      %swap3A_1413 = vector.shape_cast %swap3A_1412 : vector<1x1x16xf32> to vector<16xf32>
      %swap3A_1414 = vector.shape_cast %get3A_1398 : vector<16xf32> to vector<1x1x16xf32>
      tpu.vector_store %arg7[%swap3A_1409, %swap3A_1410, %swap3A_1411], %swap3A_1414 {add = true, strides = array<i32>} : memref<3x32x768xf32, #tpu.memory_space<vmem>>, vector<1x1x16xf32>,
      %swap3A_1415 = arith.constant 0 : i32
      %swap3A_1416 = arith.constant 21 : i32
      %swap3A_1417 = arith.index_cast %swap3A_1415 : i32 to index
      %swap3A_1418 = arith.index_cast %swap3A_1416 : i32 to index
      %swap3A_1419 = arith.index_cast %mul3A_1210 : i32 to index
      %swap3A_1420 = tpu.vector_load %arg7[%swap3A_1417, %swap3A_1418, %swap3A_1419] {strides = array<i32>} : memref<3x32x768xf32, #tpu.memory_space<vmem>>, vector<1x1x16xf32>,
      %swap3A_1421 = vector.shape_cast %swap3A_1420 : vector<1x1x16xf32> to vector<16xf32>
      %swap3A_1422 = vector.shape_cast %get3A_1398 : vector<16xf32> to vector<1x1x16xf32>
      tpu.vector_store %arg7[%swap3A_1417, %swap3A_1418, %swap3A_1419], %swap3A_1422 {add = true, strides = array<i32>} : memref<3x32x768xf32, #tpu.memory_space<vmem>>, vector<1x1x16xf32>,
      %swap3A_1423 = arith.constant 0 : i32
      %swap3A_1424 = arith.constant 29 : i32
      %swap3A_1425 = arith.index_cast %swap3A_1423 : i32 to index
      %swap3A_1426 = arith.index_cast %swap3A_1424 : i32 to index
      %swap3A_1427 = arith.index_cast %mul3A_1210 : i32 to index
      %swap3A_1428 = tpu.vector_load %arg7[%swap3A_1425, %swap3A_1426, %swap3A_1427] {strides = array<i32>} : memref<3x32x768xf32, #tpu.memory_space<vmem>>, vector<1x1x16xf32>,
      %swap3A_1429 = vector.shape_cast %swap3A_1428 : vector<1x1x16xf32> to vector<16xf32>
      %swap3A_1430 = vector.shape_cast %get3A_1398 : vector<16xf32> to vector<1x1x16xf32>
      tpu.vector_store %arg7[%swap3A_1425, %swap3A_1426, %swap3A_1427], %swap3A_1430 {add = true, strides = array<i32>} : memref<3x32x768xf32, #tpu.memory_space<vmem>>, vector<1x1x16xf32>,
      %get3A_1431 = arith.constant 6 : i32
      %get3A_1432 = arith.index_cast %get3A_1431 : i32 to index
      %get3A_1433 = arith.index_cast %mul3A_1210 : i32 to index
      %get3A_1434 = tpu.vector_load %arg8[%get3A_1432, %get3A_1433] {strides = array<i32>} : memref<64x768xf32, #tpu.memory_space<vmem>>, vector<1x16xf32>,
      %get3A_1435 = vector.shape_cast %get3A_1434 : vector<1x16xf32> to vector<16xf32>
      %swap3A_1436 = arith.constant 0 : i32
      %swap3A_1437 = arith.constant 6 : i32
      %swap3A_1438 = arith.index_cast %swap3A_1436 : i32 to index
      %swap3A_1439 = arith.index_cast %swap3A_1437 : i32 to index
      %swap3A_1440 = arith.index_cast %mul3A_1210 : i32 to index
      %swap3A_1441 = tpu.vector_load %arg7[%swap3A_1438, %swap3A_1439, %swap3A_1440] {strides = array<i32>} : memref<3x32x768xf32, #tpu.memory_space<vmem>>, vector<1x1x16xf32>,
      %swap3A_1442 = vector.shape_cast %swap3A_1441 : vector<1x1x16xf32> to vector<16xf32>
      %swap3A_1443 = vector.shape_cast %get3A_1435 : vector<16xf32> to vector<1x1x16xf32>
      tpu.vector_store %arg7[%swap3A_1438, %swap3A_1439, %swap3A_1440], %swap3A_1443 {add = true, strides = array<i32>} : memref<3x32x768xf32, #tpu.memory_space<vmem>>, vector<1x1x16xf32>,
      %swap3A_1444 = arith.constant 0 : i32
      %swap3A_1445 = arith.constant 14 : i32
      %swap3A_1446 = arith.index_cast %swap3A_1444 : i32 to index
      %swap3A_1447 = arith.index_cast %swap3A_1445 : i32 to index
      %swap3A_1448 = arith.index_cast %mul3A_1210 : i32 to index
      %swap3A_1449 = tpu.vector_load %arg7[%swap3A_1446, %swap3A_1447, %swap3A_1448] {strides = array<i32>} : memref<3x32x768xf32, #tpu.memory_space<vmem>>, vector<1x1x16xf32>,
      %swap3A_1450 = vector.shape_cast %swap3A_1449 : vector<1x1x16xf32> to vector<16xf32>
      %swap3A_1451 = vector.shape_cast %get3A_1435 : vector<16xf32> to vector<1x1x16xf32>
      tpu.vector_store %arg7[%swap3A_1446, %swap3A_1447, %swap3A_1448], %swap3A_1451 {add = true, strides = array<i32>} : memref<3x32x768xf32, #tpu.memory_space<vmem>>, vector<1x1x16xf32>,
      %swap3A_1452 = arith.constant 0 : i32
      %swap3A_1453 = arith.constant 22 : i32
      %swap3A_1454 = arith.index_cast %swap3A_1452 : i32 to index
      %swap3A_1455 = arith.index_cast %swap3A_1453 : i32 to index
      %swap3A_1456 = arith.index_cast %mul3A_1210 : i32 to index
      %swap3A_1457 = tpu.vector_load %arg7[%swap3A_1454, %swap3A_1455, %swap3A_1456] {strides = array<i32>} : memref<3x32x768xf32, #tpu.memory_space<vmem>>, vector<1x1x16xf32>,
      %swap3A_1458 = vector.shape_cast %swap3A_1457 : vector<1x1x16xf32> to vector<16xf32>
      %swap3A_1459 = vector.shape_cast %get3A_1435 : vector<16xf32> to vector<1x1x16xf32>
      tpu.vector_store %arg7[%swap3A_1454, %swap3A_1455, %swap3A_1456], %swap3A_1459 {add = true, strides = array<i32>} : memref<3x32x768xf32, #tpu.memory_space<vmem>>, vector<1x1x16xf32>,
      %swap3A_1460 = arith.constant 0 : i32
      %swap3A_1461 = arith.constant 30 : i32
      %swap3A_1462 = arith.index_cast %swap3A_1460 : i32 to index
      %swap3A_1463 = arith.index_cast %swap3A_1461 : i32 to index
      %swap3A_1464 = arith.index_cast %mul3A_1210 : i32 to index
      %swap3A_1465 = tpu.vector_load %arg7[%swap3A_1462, %swap3A_1463, %swap3A_1464] {strides = array<i32>} : memref<3x32x768xf32, #tpu.memory_space<vmem>>, vector<1x1x16xf32>,
      %swap3A_1466 = vector.shape_cast %swap3A_1465 : vector<1x1x16xf32> to vector<16xf32>
      %swap3A_1467 = vector.shape_cast %get3A_1435 : vector<16xf32> to vector<1x1x16xf32>
      tpu.vector_store %arg7[%swap3A_1462, %swap3A_1463, %swap3A_1464], %swap3A_1467 {add = true, strides = array<i32>} : memref<3x32x768xf32, #tpu.memory_space<vmem>>, vector<1x1x16xf32>,
      %get3A_1468 = arith.constant 7 : i32
      %get3A_1469 = arith.index_cast %get3A_1468 : i32 to index
      %get3A_1470 = arith.index_cast %mul3A_1210 : i32 to index
      %get3A_1471 = tpu.vector_load %arg8[%get3A_1469, %get3A_1470] {strides = array<i32>} : memref<64x768xf32, #tpu.memory_space<vmem>>, vector<1x16xf32>,
      %get3A_1472 = vector.shape_cast %get3A_1471 : vector<1x16xf32> to vector<16xf32>
      %swap3A_1473 = arith.constant 0 : i32
      %swap3A_1474 = arith.constant 7 : i32
      %swap3A_1475 = arith.index_cast %swap3A_1473 : i32 to index
      %swap3A_1476 = arith.index_cast %swap3A_1474 : i32 to index
      %swap3A_1477 = arith.index_cast %mul3A_1210 : i32 to index
      %swap3A_1478 = tpu.vector_load %arg7[%swap3A_1475, %swap3A_1476, %swap3A_1477] {strides = array<i32>} : memref<3x32x768xf32, #tpu.memory_space<vmem>>, vector<1x1x16xf32>,
      %swap3A_1479 = vector.shape_cast %swap3A_1478 : vector<1x1x16xf32> to vector<16xf32>
      %swap3A_1480 = vector.shape_cast %get3A_1472 : vector<16xf32> to vector<1x1x16xf32>
      tpu.vector_store %arg7[%swap3A_1475, %swap3A_1476, %swap3A_1477], %swap3A_1480 {add = true, strides = array<i32>} : memref<3x32x768xf32, #tpu.memory_space<vmem>>, vector<1x1x16xf32>,
      %swap3A_1481 = arith.constant 0 : i32
      %swap3A_1482 = arith.constant 15 : i32
      %swap3A_1483 = arith.index_cast %swap3A_1481 : i32 to index
      %swap3A_1484 = arith.index_cast %swap3A_1482 : i32 to index
      %swap3A_1485 = arith.index_cast %mul3A_1210 : i32 to index
      %swap3A_1486 = tpu.vector_load %arg7[%swap3A_1483, %swap3A_1484, %swap3A_1485] {strides = array<i32>} : memref<3x32x768xf32, #tpu.memory_space<vmem>>, vector<1x1x16xf32>,
      %swap3A_1487 = vector.shape_cast %swap3A_1486 : vector<1x1x16xf32> to vector<16xf32>
      %swap3A_1488 = vector.shape_cast %get3A_1472 : vector<16xf32> to vector<1x1x16xf32>
      tpu.vector_store %arg7[%swap3A_1483, %swap3A_1484, %swap3A_1485], %swap3A_1488 {add = true, strides = array<i32>} : memref<3x32x768xf32, #tpu.memory_space<vmem>>, vector<1x1x16xf32>,
      %swap3A_1489 = arith.constant 0 : i32
      %swap3A_1490 = arith.constant 23 : i32
      %swap3A_1491 = arith.index_cast %swap3A_1489 : i32 to index
      %swap3A_1492 = arith.index_cast %swap3A_1490 : i32 to index
      %swap3A_1493 = arith.index_cast %mul3A_1210 : i32 to index
      %swap3A_1494 = tpu.vector_load %arg7[%swap3A_1491, %swap3A_1492, %swap3A_1493] {strides = array<i32>} : memref<3x32x768xf32, #tpu.memory_space<vmem>>, vector<1x1x16xf32>,
      %swap3A_1495 = vector.shape_cast %swap3A_1494 : vector<1x1x16xf32> to vector<16xf32>
      %swap3A_1496 = vector.shape_cast %get3A_1472 : vector<16xf32> to vector<1x1x16xf32>
      tpu.vector_store %arg7[%swap3A_1491, %swap3A_1492, %swap3A_1493], %swap3A_1496 {add = true, strides = array<i32>} : memref<3x32x768xf32, #tpu.memory_space<vmem>>, vector<1x1x16xf32>,
      %swap3A_1497 = arith.constant 0 : i32
      %swap3A_1498 = arith.constant 31 : i32
      %swap3A_1499 = arith.index_cast %swap3A_1497 : i32 to index
      %swap3A_1500 = arith.index_cast %swap3A_1498 : i32 to index
      %swap3A_1501 = arith.index_cast %mul3A_1210 : i32 to index
      %swap3A_1502 = tpu.vector_load %arg7[%swap3A_1499, %swap3A_1500, %swap3A_1501] {strides = array<i32>} : memref<3x32x768xf32, #tpu.memory_space<vmem>>, vector<1x1x16xf32>,
      %swap3A_1503 = vector.shape_cast %swap3A_1502 : vector<1x1x16xf32> to vector<16xf32>
      %swap3A_1504 = vector.shape_cast %get3A_1472 : vector<16xf32> to vector<1x1x16xf32>
      tpu.vector_store %arg7[%swap3A_1499, %swap3A_1500, %swap3A_1501], %swap3A_1504 {add = true, strides = array<i32>} : memref<3x32x768xf32, #tpu.memory_space<vmem>>, vector<1x1x16xf32>,
    }
    %scan3A_61 = arith.constant 48 : i32
    "tpu.trace_stop"() : () -> ()
    %add3A_62 = arith.constant 0 : i32
    %add3A_63 = arith.addi %add3A_62, %mul3A_2 : i32
    %add3A_64 = arith.constant 0 : i32
    %add3A_65 = arith.addi %add3A_63, %add3A_64 : i32
    %dma_start3A_66 = arith.constant 0 : i32
    %dma_start3A_67 = arith.constant 0 : i32
    %dma_start3A_68 = arith.constant 0 : i32
    %dma_start3A_69 = tpu.memref_slice %arg7[%dma_start3A_66, %dma_start3A_67, %dma_start3A_68] : memref<3x32x768xf32, #tpu.memory_space<vmem>> -> memref<1x8x768xf32, #tpu.memory_space<vmem>>
    %dma_start3A_70 = tpu.memref_squeeze %dma_start3A_69 : memref<1x8x768xf32, #tpu.memory_space<vmem>> -> memref<8x768xf32, #tpu.memory_space<vmem>>
    %dma_start3A_71 = arith.constant 0 : i32
    %dma_start3A_72 = tpu.memref_slice %arg5[%add3A_65, %dma_start3A_71] : memref<8192x768xf32, #tpu.memory_space<hbm>> -> memref<8x768xf32, #tpu.memory_space<hbm>>
    %dma_start3A_73 = arith.constant 0 : i32
    %dma_start3A_74 = tpu.memref_slice %arg5[%add3A_65, %dma_start3A_73] : memref<8192x768xf32, #tpu.memory_space<hbm>> -> memref<8x768xf32, #tpu.memory_space<hbm>>
    %dma_start3A_75 = arith.constant 0 : i32
    %dma_start3A_76 = arith.constant 0 : i32
    %dma_start3A_77 = tpu.memref_slice %arg7[%dma_start3A_66, %dma_start3A_75, %dma_start3A_76] : memref<3x32x768xf32, #tpu.memory_space<vmem>> -> memref<1x8x768xf32, #tpu.memory_space<vmem>>
    %dma_start3A_78 = tpu.memref_squeeze %dma_start3A_77 : memref<1x8x768xf32, #tpu.memory_space<vmem>> -> memref<8x768xf32, #tpu.memory_space<vmem>>
    tpu.enqueue_dma source(%dma_start3A_78 : memref<8x768xf32, #tpu.memory_space<vmem>>) target(%dma_start3A_74 : memref<8x768xf32, #tpu.memory_space<hbm>>) target_semaphore(%arg13 : memref<!tpu.dma_semaphore, #tpu.memory_space<semaphore_mem>>)
    %add3A_79 = arith.constant 2048 : i32
    %add3A_80 = arith.addi %add3A_79, %mul3A_2 : i32
    %add3A_81 = arith.constant 0 : i32
    %add3A_82 = arith.addi %add3A_80, %add3A_81 : i32
    %dma_start3A_83 = arith.constant 0 : i32
    %dma_start3A_84 = arith.constant 8 : i32
    %dma_start3A_85 = arith.constant 0 : i32
    %dma_start3A_86 = tpu.memref_slice %arg7[%dma_start3A_83, %dma_start3A_84, %dma_start3A_85] : memref<3x32x768xf32, #tpu.memory_space<vmem>> -> memref<1x8x768xf32, #tpu.memory_space<vmem>>
    %dma_start3A_87 = tpu.memref_squeeze %dma_start3A_86 : memref<1x8x768xf32, #tpu.memory_space<vmem>> -> memref<8x768xf32, #tpu.memory_space<vmem>>
    %dma_start3A_88 = arith.constant 0 : i32
    %dma_start3A_89 = tpu.memref_slice %arg5[%add3A_82, %dma_start3A_88] : memref<8192x768xf32, #tpu.memory_space<hbm>> -> memref<8x768xf32, #tpu.memory_space<hbm>>
    %dma_start3A_90 = arith.constant 0 : i32
    %dma_start3A_91 = tpu.memref_slice %arg5[%add3A_82, %dma_start3A_90] : memref<8192x768xf32, #tpu.memory_space<hbm>> -> memref<8x768xf32, #tpu.memory_space<hbm>>
    %dma_start3A_92 = arith.constant 8 : i32
    %dma_start3A_93 = arith.constant 0 : i32
    %dma_start3A_94 = tpu.memref_slice %arg7[%dma_start3A_83, %dma_start3A_92, %dma_start3A_93] : memref<3x32x768xf32, #tpu.memory_space<vmem>> -> memref<1x8x768xf32, #tpu.memory_space<vmem>>
    %dma_start3A_95 = tpu.memref_squeeze %dma_start3A_94 : memref<1x8x768xf32, #tpu.memory_space<vmem>> -> memref<8x768xf32, #tpu.memory_space<vmem>>
    tpu.enqueue_dma source(%dma_start3A_95 : memref<8x768xf32, #tpu.memory_space<vmem>>) target(%dma_start3A_91 : memref<8x768xf32, #tpu.memory_space<hbm>>) target_semaphore(%arg13 : memref<!tpu.dma_semaphore, #tpu.memory_space<semaphore_mem>>)
    %add3A_96 = arith.constant 4096 : i32
    %add3A_97 = arith.addi %add3A_96, %mul3A_2 : i32
    %add3A_98 = arith.constant 0 : i32
    %add3A_99 = arith.addi %add3A_97, %add3A_98 : i32
    %dma_start3A_100 = arith.constant 0 : i32
    %dma_start3A_101 = arith.constant 16 : i32
    %dma_start3A_102 = arith.constant 0 : i32
    %dma_start3A_103 = tpu.memref_slice %arg7[%dma_start3A_100, %dma_start3A_101, %dma_start3A_102] : memref<3x32x768xf32, #tpu.memory_space<vmem>> -> memref<1x8x768xf32, #tpu.memory_space<vmem>>
    %dma_start3A_104 = tpu.memref_squeeze %dma_start3A_103 : memref<1x8x768xf32, #tpu.memory_space<vmem>> -> memref<8x768xf32, #tpu.memory_space<vmem>>
    %dma_start3A_105 = arith.constant 0 : i32
    %dma_start3A_106 = tpu.memref_slice %arg5[%add3A_99, %dma_start3A_105] : memref<8192x768xf32, #tpu.memory_space<hbm>> -> memref<8x768xf32, #tpu.memory_space<hbm>>
    %dma_start3A_107 = arith.constant 0 : i32
    %dma_start3A_108 = tpu.memref_slice %arg5[%add3A_99, %dma_start3A_107] : memref<8192x768xf32, #tpu.memory_space<hbm>> -> memref<8x768xf32, #tpu.memory_space<hbm>>
    %dma_start3A_109 = arith.constant 16 : i32
    %dma_start3A_110 = arith.constant 0 : i32
    %dma_start3A_111 = tpu.memref_slice %arg7[%dma_start3A_100, %dma_start3A_109, %dma_start3A_110] : memref<3x32x768xf32, #tpu.memory_space<vmem>> -> memref<1x8x768xf32, #tpu.memory_space<vmem>>
    %dma_start3A_112 = tpu.memref_squeeze %dma_start3A_111 : memref<1x8x768xf32, #tpu.memory_space<vmem>> -> memref<8x768xf32, #tpu.memory_space<vmem>>
    tpu.enqueue_dma source(%dma_start3A_112 : memref<8x768xf32, #tpu.memory_space<vmem>>) target(%dma_start3A_108 : memref<8x768xf32, #tpu.memory_space<hbm>>) target_semaphore(%arg13 : memref<!tpu.dma_semaphore, #tpu.memory_space<semaphore_mem>>)
    %add3A_113 = arith.constant 6144 : i32
    %add3A_114 = arith.addi %add3A_113, %mul3A_2 : i32
    %add3A_115 = arith.constant 0 : i32
    %add3A_116 = arith.addi %add3A_114, %add3A_115 : i32
    %dma_start3A_117 = arith.constant 0 : i32
    %dma_start3A_118 = arith.constant 24 : i32
    %dma_start3A_119 = arith.constant 0 : i32
    %dma_start3A_120 = tpu.memref_slice %arg7[%dma_start3A_117, %dma_start3A_118, %dma_start3A_119] : memref<3x32x768xf32, #tpu.memory_space<vmem>> -> memref<1x8x768xf32, #tpu.memory_space<vmem>>
    %dma_start3A_121 = tpu.memref_squeeze %dma_start3A_120 : memref<1x8x768xf32, #tpu.memory_space<vmem>> -> memref<8x768xf32, #tpu.memory_space<vmem>>
    %dma_start3A_122 = arith.constant 0 : i32
    %dma_start3A_123 = tpu.memref_slice %arg5[%add3A_116, %dma_start3A_122] : memref<8192x768xf32, #tpu.memory_space<hbm>> -> memref<8x768xf32, #tpu.memory_space<hbm>>
    %dma_start3A_124 = arith.constant 0 : i32
    %dma_start3A_125 = tpu.memref_slice %arg5[%add3A_116, %dma_start3A_124] : memref<8192x768xf32, #tpu.memory_space<hbm>> -> memref<8x768xf32, #tpu.memory_space<hbm>>
    %dma_start3A_126 = arith.constant 24 : i32
    %dma_start3A_127 = arith.constant 0 : i32
    %dma_start3A_128 = tpu.memref_slice %arg7[%dma_start3A_117, %dma_start3A_126, %dma_start3A_127] : memref<3x32x768xf32, #tpu.memory_space<vmem>> -> memref<1x8x768xf32, #tpu.memory_space<vmem>>
    %dma_start3A_129 = tpu.memref_squeeze %dma_start3A_128 : memref<1x8x768xf32, #tpu.memory_space<vmem>> -> memref<8x768xf32, #tpu.memory_space<vmem>>
    tpu.enqueue_dma source(%dma_start3A_129 : memref<8x768xf32, #tpu.memory_space<vmem>>) target(%dma_start3A_125 : memref<8x768xf32, #tpu.memory_space<hbm>>) target_semaphore(%arg13 : memref<!tpu.dma_semaphore, #tpu.memory_space<semaphore_mem>>)
    %dma_wait3A_130 = arith.constant 0 : i32
    %dma_wait3A_131 = arith.constant 0 : i32
    %dma_wait3A_132 = arith.constant 0 : i32
    %dma_wait3A_133 = tpu.memref_slice %arg7[%dma_wait3A_130, %dma_wait3A_131, %dma_wait3A_132] : memref<3x32x768xf32, #tpu.memory_space<vmem>> -> memref<1x8x768xf32, #tpu.memory_space<vmem>>
    %dma_wait3A_134 = tpu.memref_squeeze %dma_wait3A_133 : memref<1x8x768xf32, #tpu.memory_space<vmem>> -> memref<8x768xf32, #tpu.memory_space<vmem>>
    %dma_wait3A_135 = arith.constant 0 : i32
    %dma_wait3A_136 = tpu.memref_slice %arg5[%add3A_65, %dma_wait3A_135] : memref<8192x768xf32, #tpu.memory_space<hbm>> -> memref<8x768xf32, #tpu.memory_space<hbm>>
    %dma_wait3A_137 = arith.constant 0 : i32
    %dma_wait3A_138 = tpu.memref_slice %arg5[%add3A_65, %dma_wait3A_137] : memref<8192x768xf32, #tpu.memory_space<hbm>> -> memref<8x768xf32, #tpu.memory_space<hbm>>
    %dma_wait3A_139 = arith.constant 0 : i32
    %dma_wait3A_140 = arith.constant 0 : i32
    %dma_wait3A_141 = tpu.memref_slice %arg7[%dma_wait3A_130, %dma_wait3A_139, %dma_wait3A_140] : memref<3x32x768xf32, #tpu.memory_space<vmem>> -> memref<1x8x768xf32, #tpu.memory_space<vmem>>
    %dma_wait3A_142 = tpu.memref_squeeze %dma_wait3A_141 : memref<1x8x768xf32, #tpu.memory_space<vmem>> -> memref<8x768xf32, #tpu.memory_space<vmem>>
    tpu.wait_dma2 semaphore(%arg13 : memref<!tpu.dma_semaphore, #tpu.memory_space<semaphore_mem>>) src(%dma_wait3A_142 : memref<8x768xf32, #tpu.memory_space<vmem>>) dst(%dma_wait3A_138 : memref<8x768xf32, #tpu.memory_space<hbm>>)
    %dma_wait3A_143 = arith.constant 0 : i32
    %dma_wait3A_144 = arith.constant 8 : i32
    %dma_wait3A_145 = arith.constant 0 : i32
    %dma_wait3A_146 = tpu.memref_slice %arg7[%dma_wait3A_143, %dma_wait3A_144, %dma_wait3A_145] : memref<3x32x768xf32, #tpu.memory_space<vmem>> -> memref<1x8x768xf32, #tpu.memory_space<vmem>>
    %dma_wait3A_147 = tpu.memref_squeeze %dma_wait3A_146 : memref<1x8x768xf32, #tpu.memory_space<vmem>> -> memref<8x768xf32, #tpu.memory_space<vmem>>
    %dma_wait3A_148 = arith.constant 0 : i32
    %dma_wait3A_149 = tpu.memref_slice %arg5[%add3A_82, %dma_wait3A_148] : memref<8192x768xf32, #tpu.memory_space<hbm>> -> memref<8x768xf32, #tpu.memory_space<hbm>>
    %dma_wait3A_150 = arith.constant 0 : i32
    %dma_wait3A_151 = tpu.memref_slice %arg5[%add3A_82, %dma_wait3A_150] : memref<8192x768xf32, #tpu.memory_space<hbm>> -> memref<8x768xf32, #tpu.memory_space<hbm>>
    %dma_wait3A_152 = arith.constant 8 : i32
    %dma_wait3A_153 = arith.constant 0 : i32
    %dma_wait3A_154 = tpu.memref_slice %arg7[%dma_wait3A_143, %dma_wait3A_152, %dma_wait3A_153] : memref<3x32x768xf32, #tpu.memory_space<vmem>> -> memref<1x8x768xf32, #tpu.memory_space<vmem>>
    %dma_wait3A_155 = tpu.memref_squeeze %dma_wait3A_154 : memref<1x8x768xf32, #tpu.memory_space<vmem>> -> memref<8x768xf32, #tpu.memory_space<vmem>>
    tpu.wait_dma2 semaphore(%arg13 : memref<!tpu.dma_semaphore, #tpu.memory_space<semaphore_mem>>) src(%dma_wait3A_155 : memref<8x768xf32, #tpu.memory_space<vmem>>) dst(%dma_wait3A_151 : memref<8x768xf32, #tpu.memory_space<hbm>>)
    %dma_wait3A_156 = arith.constant 0 : i32
    %dma_wait3A_157 = arith.constant 16 : i32
    %dma_wait3A_158 = arith.constant 0 : i32
    %dma_wait3A_159 = tpu.memref_slice %arg7[%dma_wait3A_156, %dma_wait3A_157, %dma_wait3A_158] : memref<3x32x768xf32, #tpu.memory_space<vmem>> -> memref<1x8x768xf32, #tpu.memory_space<vmem>>
    %dma_wait3A_160 = tpu.memref_squeeze %dma_wait3A_159 : memref<1x8x768xf32, #tpu.memory_space<vmem>> -> memref<8x768xf32, #tpu.memory_space<vmem>>
    %dma_wait3A_161 = arith.constant 0 : i32
    %dma_wait3A_162 = tpu.memref_slice %arg5[%add3A_99, %dma_wait3A_161] : memref<8192x768xf32, #tpu.memory_space<hbm>> -> memref<8x768xf32, #tpu.memory_space<hbm>>
    %dma_wait3A_163 = arith.constant 0 : i32
    %dma_wait3A_164 = tpu.memref_slice %arg5[%add3A_99, %dma_wait3A_163] : memref<8192x768xf32, #tpu.memory_space<hbm>> -> memref<8x768xf32, #tpu.memory_space<hbm>>
    %dma_wait3A_165 = arith.constant 16 : i32
    %dma_wait3A_166 = arith.constant 0 : i32
    %dma_wait3A_167 = tpu.memref_slice %arg7[%dma_wait3A_156, %dma_wait3A_165, %dma_wait3A_166] : memref<3x32x768xf32, #tpu.memory_space<vmem>> -> memref<1x8x768xf32, #tpu.memory_space<vmem>>
    %dma_wait3A_168 = tpu.memref_squeeze %dma_wait3A_167 : memref<1x8x768xf32, #tpu.memory_space<vmem>> -> memref<8x768xf32, #tpu.memory_space<vmem>>
    tpu.wait_dma2 semaphore(%arg13 : memref<!tpu.dma_semaphore, #tpu.memory_space<semaphore_mem>>) src(%dma_wait3A_168 : memref<8x768xf32, #tpu.memory_space<vmem>>) dst(%dma_wait3A_164 : memref<8x768xf32, #tpu.memory_space<hbm>>)
    %dma_wait3A_169 = arith.constant 0 : i32
    %dma_wait3A_170 = arith.constant 24 : i32
    %dma_wait3A_171 = arith.constant 0 : i32
    %dma_wait3A_172 = tpu.memref_slice %arg7[%dma_wait3A_169, %dma_wait3A_170, %dma_wait3A_171] : memref<3x32x768xf32, #tpu.memory_space<vmem>> -> memref<1x8x768xf32, #tpu.memory_space<vmem>>
    %dma_wait3A_173 = tpu.memref_squeeze %dma_wait3A_172 : memref<1x8x768xf32, #tpu.memory_space<vmem>> -> memref<8x768xf32, #tpu.memory_space<vmem>>
    %dma_wait3A_174 = arith.constant 0 : i32
    %dma_wait3A_175 = tpu.memref_slice %arg5[%add3A_116, %dma_wait3A_174] : memref<8192x768xf32, #tpu.memory_space<hbm>> -> memref<8x768xf32, #tpu.memory_space<hbm>>
    %dma_wait3A_176 = arith.constant 0 : i32
    %dma_wait3A_177 = tpu.memref_slice %arg5[%add3A_116, %dma_wait3A_176] : memref<8192x768xf32, #tpu.memory_space<hbm>> -> memref<8x768xf32, #tpu.memory_space<hbm>>
    %dma_wait3A_178 = arith.constant 24 : i32
    %dma_wait3A_179 = arith.constant 0 : i32
    %dma_wait3A_180 = tpu.memref_slice %arg7[%dma_wait3A_169, %dma_wait3A_178, %dma_wait3A_179] : memref<3x32x768xf32, #tpu.memory_space<vmem>> -> memref<1x8x768xf32, #tpu.memory_space<vmem>>
    %dma_wait3A_181 = tpu.memref_squeeze %dma_wait3A_180 : memref<1x8x768xf32, #tpu.memory_space<vmem>> -> memref<8x768xf32, #tpu.memory_space<vmem>>
    tpu.wait_dma2 semaphore(%arg13 : memref<!tpu.dma_semaphore, #tpu.memory_space<semaphore_mem>>) src(%dma_wait3A_181 : memref<8x768xf32, #tpu.memory_space<vmem>>) dst(%dma_wait3A_177 : memref<8x768xf32, #tpu.memory_space<hbm>>)
    %dma_start3A_182 = arith.constant 3 : i32
    %dma_start3A_183 = arith.constant 0 : i32
    %dma_start3A_184 = arith.constant 0 : i32
    %dma_start3A_185 = arith.constant 0 : i32
    %dma_start3A_186 = tpu.memref_slice %arg7[%dma_start3A_183, %dma_start3A_184, %dma_start3A_185] : memref<3x32x768xf32, #tpu.memory_space<vmem>> -> memref<1x32x768xf32, #tpu.memory_space<vmem>>
    %dma_start3A_187 = tpu.memref_squeeze %dma_start3A_186 : memref<1x32x768xf32, #tpu.memory_space<vmem>> -> memref<32x768xf32, #tpu.memory_space<vmem>>
    %dma_start3A_188 = arith.constant 0 : i32
    %dma_start3A_189 = tpu.memref_slice %arg6[%dma_start3A_182, %dma_start3A_188] : memref<8x32xi32, #tpu.memory_space<vmem>> -> memref<1x32xi32, #tpu.memory_space<vmem>>
    %dma_start3A_190 = tpu.memref_squeeze %dma_start3A_189 : memref<1x32xi32, #tpu.memory_space<vmem>> -> memref<32xi32, #tpu.memory_space<vmem>>
    %dma_start3A_191 = arith.constant 0 : i32
    %dma_start3A_192 = arith.constant 0 : i32
    %dma_start3A_193 = tpu.memref_slice %arg3[%dma_start3A_191, %dma_start3A_192] : memref<100000x768xf32, #tpu.memory_space<hbm>> -> memref<100000x768xf32, #tpu.memory_space<hbm>>
    tpu.enqueue_indirect_dma source(%dma_start3A_193 : memref<100000x768xf32, #tpu.memory_space<hbm>>) target(%dma_start3A_187 : memref<32x768xf32, #tpu.memory_space<vmem>>) offsets(%dma_start3A_190 : memref<32xi32, #tpu.memory_space<vmem>>) semaphore(%arg10 : memref<!tpu.dma_semaphore, #tpu.memory_space<semaphore_mem>>)
    %dma_wait3A_194 = arith.constant 1 : i32
    %dma_wait3A_195 = arith.constant 1 : i32
    "tpu.trace_start"() <{level = 10 : i32, message = "wait_in"}> : () -> ()
    %dma_wait3A_196 = arith.constant 0 : i32
    %dma_wait3A_197 = arith.constant 0 : i32
    %dma_wait3A_198 = tpu.memref_slice %arg7[%dma_wait3A_195, %dma_wait3A_196, %dma_wait3A_197] : memref<3x32x768xf32, #tpu.memory_space<vmem>> -> memref<1x32x768xf32, #tpu.memory_space<vmem>>
    %dma_wait3A_199 = tpu.memref_squeeze %dma_wait3A_198 : memref<1x32x768xf32, #tpu.memory_space<vmem>> -> memref<32x768xf32, #tpu.memory_space<vmem>>
    %dma_wait3A_200 = arith.constant 0 : i32
    %dma_wait3A_201 = tpu.memref_slice %arg6[%dma_wait3A_194, %dma_wait3A_200] : memref<8x32xi32, #tpu.memory_space<vmem>> -> memref<1x32xi32, #tpu.memory_space<vmem>>
    %dma_wait3A_202 = tpu.memref_squeeze %dma_wait3A_201 : memref<1x32xi32, #tpu.memory_space<vmem>> -> memref<32xi32, #tpu.memory_space<vmem>>
    %dma_wait3A_203 = arith.constant 0 : i32
    %dma_wait3A_204 = arith.constant 0 : i32
    %dma_wait3A_205 = tpu.memref_slice %arg3[%dma_wait3A_203, %dma_wait3A_204] : memref<100000x768xf32, #tpu.memory_space<hbm>> -> memref<100000x768xf32, #tpu.memory_space<hbm>>
    tpu.wait_indirect_dma semaphore(%arg11 : memref<!tpu.dma_semaphore, #tpu.memory_space<semaphore_mem>>) src(%dma_wait3A_205 : memref<100000x768xf32, #tpu.memory_space<hbm>>) dst(%dma_wait3A_199 : memref<32x768xf32, #tpu.memory_space<vmem>>)
    "tpu.trace_stop"() : () -> ()
    "tpu.trace_start"() <{level = 10 : i32, message = "add"}> : () -> ()
    %scan3A_206 = arith.constant 0 : i32
    %scan3A_207 = arith.constant 0 : i32
    %scan3A_208 = arith.constant 48 : i32
    %scan3A_209 = arith.addi %scan3A_207, %scan3A_208 : i32
    %scan3A_210 = arith.constant 1 : i32
    scf.for %scan3A_1208 = %scan3A_207 to %scan3A_209 step %scan3A_210  : i32 {
      %mul3A_1209 = arith.constant 16 : i32
      %mul3A_1210 = arith.muli %scan3A_1208, %mul3A_1209 : i32
      %get3A = arith.constant 8 : i32
      %get3A_1211 = arith.index_cast %get3A : i32 to index
      %get3A_1212 = arith.index_cast %mul3A_1210 : i32 to index
      %get3A_1213 = tpu.vector_load %arg8[%get3A_1211, %get3A_1212] {strides = array<i32>} : memref<64x768xf32, #tpu.memory_space<vmem>>, vector<1x16xf32>,
      %get3A_1214 = vector.shape_cast %get3A_1213 : vector<1x16xf32> to vector<16xf32>
      %swap3A = arith.constant 1 : i32
      %swap3A_1215 = arith.constant 0 : i32
      %swap3A_1216 = arith.index_cast %swap3A : i32 to index
      %swap3A_1217 = arith.index_cast %swap3A_1215 : i32 to index
      %swap3A_1218 = arith.index_cast %mul3A_1210 : i32 to index
      %swap3A_1219 = tpu.vector_load %arg7[%swap3A_1216, %swap3A_1217, %swap3A_1218] {strides = array<i32>} : memref<3x32x768xf32, #tpu.memory_space<vmem>>, vector<1x1x16xf32>,
      %swap3A_1220 = vector.shape_cast %swap3A_1219 : vector<1x1x16xf32> to vector<16xf32>
      %swap3A_1221 = vector.shape_cast %get3A_1214 : vector<16xf32> to vector<1x1x16xf32>
      tpu.vector_store %arg7[%swap3A_1216, %swap3A_1217, %swap3A_1218], %swap3A_1221 {add = true, strides = array<i32>} : memref<3x32x768xf32, #tpu.memory_space<vmem>>, vector<1x1x16xf32>,
      %swap3A_1222 = arith.constant 1 : i32
      %swap3A_1223 = arith.constant 8 : i32
      %swap3A_1224 = arith.index_cast %swap3A_1222 : i32 to index
      %swap3A_1225 = arith.index_cast %swap3A_1223 : i32 to index
      %swap3A_1226 = arith.index_cast %mul3A_1210 : i32 to index
      %swap3A_1227 = tpu.vector_load %arg7[%swap3A_1224, %swap3A_1225, %swap3A_1226] {strides = array<i32>} : memref<3x32x768xf32, #tpu.memory_space<vmem>>, vector<1x1x16xf32>,
      %swap3A_1228 = vector.shape_cast %swap3A_1227 : vector<1x1x16xf32> to vector<16xf32>
      %swap3A_1229 = vector.shape_cast %get3A_1214 : vector<16xf32> to vector<1x1x16xf32>
      tpu.vector_store %arg7[%swap3A_1224, %swap3A_1225, %swap3A_1226], %swap3A_1229 {add = true, strides = array<i32>} : memref<3x32x768xf32, #tpu.memory_space<vmem>>, vector<1x1x16xf32>,
      %swap3A_1230 = arith.constant 1 : i32
      %swap3A_1231 = arith.constant 16 : i32
      %swap3A_1232 = arith.index_cast %swap3A_1230 : i32 to index
      %swap3A_1233 = arith.index_cast %swap3A_1231 : i32 to index
      %swap3A_1234 = arith.index_cast %mul3A_1210 : i32 to index
      %swap3A_1235 = tpu.vector_load %arg7[%swap3A_1232, %swap3A_1233, %swap3A_1234] {strides = array<i32>} : memref<3x32x768xf32, #tpu.memory_space<vmem>>, vector<1x1x16xf32>,
      %swap3A_1236 = vector.shape_cast %swap3A_1235 : vector<1x1x16xf32> to vector<16xf32>
      %swap3A_1237 = vector.shape_cast %get3A_1214 : vector<16xf32> to vector<1x1x16xf32>
      tpu.vector_store %arg7[%swap3A_1232, %swap3A_1233, %swap3A_1234], %swap3A_1237 {add = true, strides = array<i32>} : memref<3x32x768xf32, #tpu.memory_space<vmem>>, vector<1x1x16xf32>,
      %swap3A_1238 = arith.constant 1 : i32
      %swap3A_1239 = arith.constant 24 : i32
      %swap3A_1240 = arith.index_cast %swap3A_1238 : i32 to index
      %swap3A_1241 = arith.index_cast %swap3A_1239 : i32 to index
      %swap3A_1242 = arith.index_cast %mul3A_1210 : i32 to index
      %swap3A_1243 = tpu.vector_load %arg7[%swap3A_1240, %swap3A_1241, %swap3A_1242] {strides = array<i32>} : memref<3x32x768xf32, #tpu.memory_space<vmem>>, vector<1x1x16xf32>,
      %swap3A_1244 = vector.shape_cast %swap3A_1243 : vector<1x1x16xf32> to vector<16xf32>
      %swap3A_1245 = vector.shape_cast %get3A_1214 : vector<16xf32> to vector<1x1x16xf32>
      tpu.vector_store %arg7[%swap3A_1240, %swap3A_1241, %swap3A_1242], %swap3A_1245 {add = true, strides = array<i32>} : memref<3x32x768xf32, #tpu.memory_space<vmem>>, vector<1x1x16xf32>,
      %get3A_1246 = arith.constant 9 : i32
      %get3A_1247 = arith.index_cast %get3A_1246 : i32 to index
      %get3A_1248 = arith.index_cast %mul3A_1210 : i32 to index
      %get3A_1249 = tpu.vector_load %arg8[%get3A_1247, %get3A_1248] {strides = array<i32>} : memref<64x768xf32, #tpu.memory_space<vmem>>, vector<1x16xf32>,
      %get3A_1250 = vector.shape_cast %get3A_1249 : vector<1x16xf32> to vector<16xf32>
      %swap3A_1251 = arith.constant 1 : i32
      %swap3A_1252 = arith.constant 1 : i32
      %swap3A_1253 = arith.index_cast %swap3A_1251 : i32 to index
      %swap3A_1254 = arith.index_cast %swap3A_1252 : i32 to index
      %swap3A_1255 = arith.index_cast %mul3A_1210 : i32 to index
      %swap3A_1256 = tpu.vector_load %arg7[%swap3A_1253, %swap3A_1254, %swap3A_1255] {strides = array<i32>} : memref<3x32x768xf32, #tpu.memory_space<vmem>>, vector<1x1x16xf32>,
      %swap3A_1257 = vector.shape_cast %swap3A_1256 : vector<1x1x16xf32> to vector<16xf32>
      %swap3A_1258 = vector.shape_cast %get3A_1250 : vector<16xf32> to vector<1x1x16xf32>
      tpu.vector_store %arg7[%swap3A_1253, %swap3A_1254, %swap3A_1255], %swap3A_1258 {add = true, strides = array<i32>} : memref<3x32x768xf32, #tpu.memory_space<vmem>>, vector<1x1x16xf32>,
      %swap3A_1259 = arith.constant 1 : i32
      %swap3A_1260 = arith.constant 9 : i32
      %swap3A_1261 = arith.index_cast %swap3A_1259 : i32 to index
      %swap3A_1262 = arith.index_cast %swap3A_1260 : i32 to index
      %swap3A_1263 = arith.index_cast %mul3A_1210 : i32 to index
      %swap3A_1264 = tpu.vector_load %arg7[%swap3A_1261, %swap3A_1262, %swap3A_1263] {strides = array<i32>} : memref<3x32x768xf32, #tpu.memory_space<vmem>>, vector<1x1x16xf32>,
      %swap3A_1265 = vector.shape_cast %swap3A_1264 : vector<1x1x16xf32> to vector<16xf32>
      %swap3A_1266 = vector.shape_cast %get3A_1250 : vector<16xf32> to vector<1x1x16xf32>
      tpu.vector_store %arg7[%swap3A_1261, %swap3A_1262, %swap3A_1263], %swap3A_1266 {add = true, strides = array<i32>} : memref<3x32x768xf32, #tpu.memory_space<vmem>>, vector<1x1x16xf32>,
      %swap3A_1267 = arith.constant 1 : i32
      %swap3A_1268 = arith.constant 17 : i32
      %swap3A_1269 = arith.index_cast %swap3A_1267 : i32 to index
      %swap3A_1270 = arith.index_cast %swap3A_1268 : i32 to index
      %swap3A_1271 = arith.index_cast %mul3A_1210 : i32 to index
      %swap3A_1272 = tpu.vector_load %arg7[%swap3A_1269, %swap3A_1270, %swap3A_1271] {strides = array<i32>} : memref<3x32x768xf32, #tpu.memory_space<vmem>>, vector<1x1x16xf32>,
      %swap3A_1273 = vector.shape_cast %swap3A_1272 : vector<1x1x16xf32> to vector<16xf32>
      %swap3A_1274 = vector.shape_cast %get3A_1250 : vector<16xf32> to vector<1x1x16xf32>
      tpu.vector_store %arg7[%swap3A_1269, %swap3A_1270, %swap3A_1271], %swap3A_1274 {add = true, strides = array<i32>} : memref<3x32x768xf32, #tpu.memory_space<vmem>>, vector<1x1x16xf32>,
      %swap3A_1275 = arith.constant 1 : i32
      %swap3A_1276 = arith.constant 25 : i32
      %swap3A_1277 = arith.index_cast %swap3A_1275 : i32 to index
      %swap3A_1278 = arith.index_cast %swap3A_1276 : i32 to index
      %swap3A_1279 = arith.index_cast %mul3A_1210 : i32 to index
      %swap3A_1280 = tpu.vector_load %arg7[%swap3A_1277, %swap3A_1278, %swap3A_1279] {strides = array<i32>} : memref<3x32x768xf32, #tpu.memory_space<vmem>>, vector<1x1x16xf32>,
      %swap3A_1281 = vector.shape_cast %swap3A_1280 : vector<1x1x16xf32> to vector<16xf32>
      %swap3A_1282 = vector.shape_cast %get3A_1250 : vector<16xf32> to vector<1x1x16xf32>
      tpu.vector_store %arg7[%swap3A_1277, %swap3A_1278, %swap3A_1279], %swap3A_1282 {add = true, strides = array<i32>} : memref<3x32x768xf32, #tpu.memory_space<vmem>>, vector<1x1x16xf32>,
      %get3A_1283 = arith.constant 10 : i32
      %get3A_1284 = arith.index_cast %get3A_1283 : i32 to index
      %get3A_1285 = arith.index_cast %mul3A_1210 : i32 to index
      %get3A_1286 = tpu.vector_load %arg8[%get3A_1284, %get3A_1285] {strides = array<i32>} : memref<64x768xf32, #tpu.memory_space<vmem>>, vector<1x16xf32>,
      %get3A_1287 = vector.shape_cast %get3A_1286 : vector<1x16xf32> to vector<16xf32>
      %swap3A_1288 = arith.constant 1 : i32
      %swap3A_1289 = arith.constant 2 : i32
      %swap3A_1290 = arith.index_cast %swap3A_1288 : i32 to index
      %swap3A_1291 = arith.index_cast %swap3A_1289 : i32 to index
      %swap3A_1292 = arith.index_cast %mul3A_1210 : i32 to index
      %swap3A_1293 = tpu.vector_load %arg7[%swap3A_1290, %swap3A_1291, %swap3A_1292] {strides = array<i32>} : memref<3x32x768xf32, #tpu.memory_space<vmem>>, vector<1x1x16xf32>,
      %swap3A_1294 = vector.shape_cast %swap3A_1293 : vector<1x1x16xf32> to vector<16xf32>
      %swap3A_1295 = vector.shape_cast %get3A_1287 : vector<16xf32> to vector<1x1x16xf32>
      tpu.vector_store %arg7[%swap3A_1290, %swap3A_1291, %swap3A_1292], %swap3A_1295 {add = true, strides = array<i32>} : memref<3x32x768xf32, #tpu.memory_space<vmem>>, vector<1x1x16xf32>,
      %swap3A_1296 = arith.constant 1 : i32
      %swap3A_1297 = arith.constant 10 : i32
      %swap3A_1298 = arith.index_cast %swap3A_1296 : i32 to index
      %swap3A_1299 = arith.index_cast %swap3A_1297 : i32 to index
      %swap3A_1300 = arith.index_cast %mul3A_1210 : i32 to index
      %swap3A_1301 = tpu.vector_load %arg7[%swap3A_1298, %swap3A_1299, %swap3A_1300] {strides = array<i32>} : memref<3x32x768xf32, #tpu.memory_space<vmem>>, vector<1x1x16xf32>,
      %swap3A_1302 = vector.shape_cast %swap3A_1301 : vector<1x1x16xf32> to vector<16xf32>
      %swap3A_1303 = vector.shape_cast %get3A_1287 : vector<16xf32> to vector<1x1x16xf32>
      tpu.vector_store %arg7[%swap3A_1298, %swap3A_1299, %swap3A_1300], %swap3A_1303 {add = true, strides = array<i32>} : memref<3x32x768xf32, #tpu.memory_space<vmem>>, vector<1x1x16xf32>,
      %swap3A_1304 = arith.constant 1 : i32
      %swap3A_1305 = arith.constant 18 : i32
      %swap3A_1306 = arith.index_cast %swap3A_1304 : i32 to index
      %swap3A_1307 = arith.index_cast %swap3A_1305 : i32 to index
      %swap3A_1308 = arith.index_cast %mul3A_1210 : i32 to index
      %swap3A_1309 = tpu.vector_load %arg7[%swap3A_1306, %swap3A_1307, %swap3A_1308] {strides = array<i32>} : memref<3x32x768xf32, #tpu.memory_space<vmem>>, vector<1x1x16xf32>,
      %swap3A_1310 = vector.shape_cast %swap3A_1309 : vector<1x1x16xf32> to vector<16xf32>
      %swap3A_1311 = vector.shape_cast %get3A_1287 : vector<16xf32> to vector<1x1x16xf32>
      tpu.vector_store %arg7[%swap3A_1306, %swap3A_1307, %swap3A_1308], %swap3A_1311 {add = true, strides = array<i32>} : memref<3x32x768xf32, #tpu.memory_space<vmem>>, vector<1x1x16xf32>,
      %swap3A_1312 = arith.constant 1 : i32
      %swap3A_1313 = arith.constant 26 : i32
      %swap3A_1314 = arith.index_cast %swap3A_1312 : i32 to index
      %swap3A_1315 = arith.index_cast %swap3A_1313 : i32 to index
      %swap3A_1316 = arith.index_cast %mul3A_1210 : i32 to index
      %swap3A_1317 = tpu.vector_load %arg7[%swap3A_1314, %swap3A_1315, %swap3A_1316] {strides = array<i32>} : memref<3x32x768xf32, #tpu.memory_space<vmem>>, vector<1x1x16xf32>,
      %swap3A_1318 = vector.shape_cast %swap3A_1317 : vector<1x1x16xf32> to vector<16xf32>
      %swap3A_1319 = vector.shape_cast %get3A_1287 : vector<16xf32> to vector<1x1x16xf32>
      tpu.vector_store %arg7[%swap3A_1314, %swap3A_1315, %swap3A_1316], %swap3A_1319 {add = true, strides = array<i32>} : memref<3x32x768xf32, #tpu.memory_space<vmem>>, vector<1x1x16xf32>,
      %get3A_1320 = arith.constant 11 : i32
      %get3A_1321 = arith.index_cast %get3A_1320 : i32 to index
      %get3A_1322 = arith.index_cast %mul3A_1210 : i32 to index
      %get3A_1323 = tpu.vector_load %arg8[%get3A_1321, %get3A_1322] {strides = array<i32>} : memref<64x768xf32, #tpu.memory_space<vmem>>, vector<1x16xf32>,
      %get3A_1324 = vector.shape_cast %get3A_1323 : vector<1x16xf32> to vector<16xf32>
      %swap3A_1325 = arith.constant 1 : i32
      %swap3A_1326 = arith.constant 3 : i32
      %swap3A_1327 = arith.index_cast %swap3A_1325 : i32 to index
      %swap3A_1328 = arith.index_cast %swap3A_1326 : i32 to index
      %swap3A_1329 = arith.index_cast %mul3A_1210 : i32 to index
      %swap3A_1330 = tpu.vector_load %arg7[%swap3A_1327, %swap3A_1328, %swap3A_1329] {strides = array<i32>} : memref<3x32x768xf32, #tpu.memory_space<vmem>>, vector<1x1x16xf32>,
      %swap3A_1331 = vector.shape_cast %swap3A_1330 : vector<1x1x16xf32> to vector<16xf32>
      %swap3A_1332 = vector.shape_cast %get3A_1324 : vector<16xf32> to vector<1x1x16xf32>
      tpu.vector_store %arg7[%swap3A_1327, %swap3A_1328, %swap3A_1329], %swap3A_1332 {add = true, strides = array<i32>} : memref<3x32x768xf32, #tpu.memory_space<vmem>>, vector<1x1x16xf32>,
      %swap3A_1333 = arith.constant 1 : i32
      %swap3A_1334 = arith.constant 11 : i32
      %swap3A_1335 = arith.index_cast %swap3A_1333 : i32 to index
      %swap3A_1336 = arith.index_cast %swap3A_1334 : i32 to index
      %swap3A_1337 = arith.index_cast %mul3A_1210 : i32 to index
      %swap3A_1338 = tpu.vector_load %arg7[%swap3A_1335, %swap3A_1336, %swap3A_1337] {strides = array<i32>} : memref<3x32x768xf32, #tpu.memory_space<vmem>>, vector<1x1x16xf32>,
      %swap3A_1339 = vector.shape_cast %swap3A_1338 : vector<1x1x16xf32> to vector<16xf32>
      %swap3A_1340 = vector.shape_cast %get3A_1324 : vector<16xf32> to vector<1x1x16xf32>
      tpu.vector_store %arg7[%swap3A_1335, %swap3A_1336, %swap3A_1337], %swap3A_1340 {add = true, strides = array<i32>} : memref<3x32x768xf32, #tpu.memory_space<vmem>>, vector<1x1x16xf32>,
      %swap3A_1341 = arith.constant 1 : i32
      %swap3A_1342 = arith.constant 19 : i32
      %swap3A_1343 = arith.index_cast %swap3A_1341 : i32 to index
      %swap3A_1344 = arith.index_cast %swap3A_1342 : i32 to index
      %swap3A_1345 = arith.index_cast %mul3A_1210 : i32 to index
      %swap3A_1346 = tpu.vector_load %arg7[%swap3A_1343, %swap3A_1344, %swap3A_1345] {strides = array<i32>} : memref<3x32x768xf32, #tpu.memory_space<vmem>>, vector<1x1x16xf32>,
      %swap3A_1347 = vector.shape_cast %swap3A_1346 : vector<1x1x16xf32> to vector<16xf32>
      %swap3A_1348 = vector.shape_cast %get3A_1324 : vector<16xf32> to vector<1x1x16xf32>
      tpu.vector_store %arg7[%swap3A_1343, %swap3A_1344, %swap3A_1345], %swap3A_1348 {add = true, strides = array<i32>} : memref<3x32x768xf32, #tpu.memory_space<vmem>>, vector<1x1x16xf32>,
      %swap3A_1349 = arith.constant 1 : i32
      %swap3A_1350 = arith.constant 27 : i32
      %swap3A_1351 = arith.index_cast %swap3A_1349 : i32 to index
      %swap3A_1352 = arith.index_cast %swap3A_1350 : i32 to index
      %swap3A_1353 = arith.index_cast %mul3A_1210 : i32 to index
      %swap3A_1354 = tpu.vector_load %arg7[%swap3A_1351, %swap3A_1352, %swap3A_1353] {strides = array<i32>} : memref<3x32x768xf32, #tpu.memory_space<vmem>>, vector<1x1x16xf32>,
      %swap3A_1355 = vector.shape_cast %swap3A_1354 : vector<1x1x16xf32> to vector<16xf32>
      %swap3A_1356 = vector.shape_cast %get3A_1324 : vector<16xf32> to vector<1x1x16xf32>
      tpu.vector_store %arg7[%swap3A_1351, %swap3A_1352, %swap3A_1353], %swap3A_1356 {add = true, strides = array<i32>} : memref<3x32x768xf32, #tpu.memory_space<vmem>>, vector<1x1x16xf32>,
      %get3A_1357 = arith.constant 12 : i32
      %get3A_1358 = arith.index_cast %get3A_1357 : i32 to index
      %get3A_1359 = arith.index_cast %mul3A_1210 : i32 to index
      %get3A_1360 = tpu.vector_load %arg8[%get3A_1358, %get3A_1359] {strides = array<i32>} : memref<64x768xf32, #tpu.memory_space<vmem>>, vector<1x16xf32>,
      %get3A_1361 = vector.shape_cast %get3A_1360 : vector<1x16xf32> to vector<16xf32>
      %swap3A_1362 = arith.constant 1 : i32
      %swap3A_1363 = arith.constant 4 : i32
      %swap3A_1364 = arith.index_cast %swap3A_1362 : i32 to index
      %swap3A_1365 = arith.index_cast %swap3A_1363 : i32 to index
      %swap3A_1366 = arith.index_cast %mul3A_1210 : i32 to index
      %swap3A_1367 = tpu.vector_load %arg7[%swap3A_1364, %swap3A_1365, %swap3A_1366] {strides = array<i32>} : memref<3x32x768xf32, #tpu.memory_space<vmem>>, vector<1x1x16xf32>,
      %swap3A_1368 = vector.shape_cast %swap3A_1367 : vector<1x1x16xf32> to vector<16xf32>
      %swap3A_1369 = vector.shape_cast %get3A_1361 : vector<16xf32> to vector<1x1x16xf32>
      tpu.vector_store %arg7[%swap3A_1364, %swap3A_1365, %swap3A_1366], %swap3A_1369 {add = true, strides = array<i32>} : memref<3x32x768xf32, #tpu.memory_space<vmem>>, vector<1x1x16xf32>,
      %swap3A_1370 = arith.constant 1 : i32
      %swap3A_1371 = arith.constant 12 : i32
      %swap3A_1372 = arith.index_cast %swap3A_1370 : i32 to index
      %swap3A_1373 = arith.index_cast %swap3A_1371 : i32 to index
      %swap3A_1374 = arith.index_cast %mul3A_1210 : i32 to index
      %swap3A_1375 = tpu.vector_load %arg7[%swap3A_1372, %swap3A_1373, %swap3A_1374] {strides = array<i32>} : memref<3x32x768xf32, #tpu.memory_space<vmem>>, vector<1x1x16xf32>,
      %swap3A_1376 = vector.shape_cast %swap3A_1375 : vector<1x1x16xf32> to vector<16xf32>
      %swap3A_1377 = vector.shape_cast %get3A_1361 : vector<16xf32> to vector<1x1x16xf32>
      tpu.vector_store %arg7[%swap3A_1372, %swap3A_1373, %swap3A_1374], %swap3A_1377 {add = true, strides = array<i32>} : memref<3x32x768xf32, #tpu.memory_space<vmem>>, vector<1x1x16xf32>,
      %swap3A_1378 = arith.constant 1 : i32
      %swap3A_1379 = arith.constant 20 : i32
      %swap3A_1380 = arith.index_cast %swap3A_1378 : i32 to index
      %swap3A_1381 = arith.index_cast %swap3A_1379 : i32 to index
      %swap3A_1382 = arith.index_cast %mul3A_1210 : i32 to index
      %swap3A_1383 = tpu.vector_load %arg7[%swap3A_1380, %swap3A_1381, %swap3A_1382] {strides = array<i32>} : memref<3x32x768xf32, #tpu.memory_space<vmem>>, vector<1x1x16xf32>,
      %swap3A_1384 = vector.shape_cast %swap3A_1383 : vector<1x1x16xf32> to vector<16xf32>
      %swap3A_1385 = vector.shape_cast %get3A_1361 : vector<16xf32> to vector<1x1x16xf32>
      tpu.vector_store %arg7[%swap3A_1380, %swap3A_1381, %swap3A_1382], %swap3A_1385 {add = true, strides = array<i32>} : memref<3x32x768xf32, #tpu.memory_space<vmem>>, vector<1x1x16xf32>,
      %swap3A_1386 = arith.constant 1 : i32
      %swap3A_1387 = arith.constant 28 : i32
      %swap3A_1388 = arith.index_cast %swap3A_1386 : i32 to index
      %swap3A_1389 = arith.index_cast %swap3A_1387 : i32 to index
      %swap3A_1390 = arith.index_cast %mul3A_1210 : i32 to index
      %swap3A_1391 = tpu.vector_load %arg7[%swap3A_1388, %swap3A_1389, %swap3A_1390] {strides = array<i32>} : memref<3x32x768xf32, #tpu.memory_space<vmem>>, vector<1x1x16xf32>,
      %swap3A_1392 = vector.shape_cast %swap3A_1391 : vector<1x1x16xf32> to vector<16xf32>
      %swap3A_1393 = vector.shape_cast %get3A_1361 : vector<16xf32> to vector<1x1x16xf32>
      tpu.vector_store %arg7[%swap3A_1388, %swap3A_1389, %swap3A_1390], %swap3A_1393 {add = true, strides = array<i32>} : memref<3x32x768xf32, #tpu.memory_space<vmem>>, vector<1x1x16xf32>,
      %get3A_1394 = arith.constant 13 : i32
      %get3A_1395 = arith.index_cast %get3A_1394 : i32 to index
      %get3A_1396 = arith.index_cast %mul3A_1210 : i32 to index
      %get3A_1397 = tpu.vector_load %arg8[%get3A_1395, %get3A_1396] {strides = array<i32>} : memref<64x768xf32, #tpu.memory_space<vmem>>, vector<1x16xf32>,
      %get3A_1398 = vector.shape_cast %get3A_1397 : vector<1x16xf32> to vector<16xf32>
      %swap3A_1399 = arith.constant 1 : i32
      %swap3A_1400 = arith.constant 5 : i32
      %swap3A_1401 = arith.index_cast %swap3A_1399 : i32 to index
      %swap3A_1402 = arith.index_cast %swap3A_1400 : i32 to index
      %swap3A_1403 = arith.index_cast %mul3A_1210 : i32 to index
      %swap3A_1404 = tpu.vector_load %arg7[%swap3A_1401, %swap3A_1402, %swap3A_1403] {strides = array<i32>} : memref<3x32x768xf32, #tpu.memory_space<vmem>>, vector<1x1x16xf32>,
      %swap3A_1405 = vector.shape_cast %swap3A_1404 : vector<1x1x16xf32> to vector<16xf32>
      %swap3A_1406 = vector.shape_cast %get3A_1398 : vector<16xf32> to vector<1x1x16xf32>
      tpu.vector_store %arg7[%swap3A_1401, %swap3A_1402, %swap3A_1403], %swap3A_1406 {add = true, strides = array<i32>} : memref<3x32x768xf32, #tpu.memory_space<vmem>>, vector<1x1x16xf32>,
      %swap3A_1407 = arith.constant 1 : i32
      %swap3A_1408 = arith.constant 13 : i32
      %swap3A_1409 = arith.index_cast %swap3A_1407 : i32 to index
      %swap3A_1410 = arith.index_cast %swap3A_1408 : i32 to index
      %swap3A_1411 = arith.index_cast %mul3A_1210 : i32 to index
      %swap3A_1412 = tpu.vector_load %arg7[%swap3A_1409, %swap3A_1410, %swap3A_1411] {strides = array<i32>} : memref<3x32x768xf32, #tpu.memory_space<vmem>>, vector<1x1x16xf32>,
      %swap3A_1413 = vector.shape_cast %swap3A_1412 : vector<1x1x16xf32> to vector<16xf32>
      %swap3A_1414 = vector.shape_cast %get3A_1398 : vector<16xf32> to vector<1x1x16xf32>
      tpu.vector_store %arg7[%swap3A_1409, %swap3A_1410, %swap3A_1411], %swap3A_1414 {add = true, strides = array<i32>} : memref<3x32x768xf32, #tpu.memory_space<vmem>>, vector<1x1x16xf32>,
      %swap3A_1415 = arith.constant 1 : i32
      %swap3A_1416 = arith.constant 21 : i32
      %swap3A_1417 = arith.index_cast %swap3A_1415 : i32 to index
      %swap3A_1418 = arith.index_cast %swap3A_1416 : i32 to index
      %swap3A_1419 = arith.index_cast %mul3A_1210 : i32 to index
      %swap3A_1420 = tpu.vector_load %arg7[%swap3A_1417, %swap3A_1418, %swap3A_1419] {strides = array<i32>} : memref<3x32x768xf32, #tpu.memory_space<vmem>>, vector<1x1x16xf32>,
      %swap3A_1421 = vector.shape_cast %swap3A_1420 : vector<1x1x16xf32> to vector<16xf32>
      %swap3A_1422 = vector.shape_cast %get3A_1398 : vector<16xf32> to vector<1x1x16xf32>
      tpu.vector_store %arg7[%swap3A_1417, %swap3A_1418, %swap3A_1419], %swap3A_1422 {add = true, strides = array<i32>} : memref<3x32x768xf32, #tpu.memory_space<vmem>>, vector<1x1x16xf32>,
      %swap3A_1423 = arith.constant 1 : i32
      %swap3A_1424 = arith.constant 29 : i32
      %swap3A_1425 = arith.index_cast %swap3A_1423 : i32 to index
      %swap3A_1426 = arith.index_cast %swap3A_1424 : i32 to index
      %swap3A_1427 = arith.index_cast %mul3A_1210 : i32 to index
      %swap3A_1428 = tpu.vector_load %arg7[%swap3A_1425, %swap3A_1426, %swap3A_1427] {strides = array<i32>} : memref<3x32x768xf32, #tpu.memory_space<vmem>>, vector<1x1x16xf32>,
      %swap3A_1429 = vector.shape_cast %swap3A_1428 : vector<1x1x16xf32> to vector<16xf32>
      %swap3A_1430 = vector.shape_cast %get3A_1398 : vector<16xf32> to vector<1x1x16xf32>
      tpu.vector_store %arg7[%swap3A_1425, %swap3A_1426, %swap3A_1427], %swap3A_1430 {add = true, strides = array<i32>} : memref<3x32x768xf32, #tpu.memory_space<vmem>>, vector<1x1x16xf32>,
      %get3A_1431 = arith.constant 14 : i32
      %get3A_1432 = arith.index_cast %get3A_1431 : i32 to index
      %get3A_1433 = arith.index_cast %mul3A_1210 : i32 to index
      %get3A_1434 = tpu.vector_load %arg8[%get3A_1432, %get3A_1433] {strides = array<i32>} : memref<64x768xf32, #tpu.memory_space<vmem>>, vector<1x16xf32>,
      %get3A_1435 = vector.shape_cast %get3A_1434 : vector<1x16xf32> to vector<16xf32>
      %swap3A_1436 = arith.constant 1 : i32
      %swap3A_1437 = arith.constant 6 : i32
      %swap3A_1438 = arith.index_cast %swap3A_1436 : i32 to index
      %swap3A_1439 = arith.index_cast %swap3A_1437 : i32 to index
      %swap3A_1440 = arith.index_cast %mul3A_1210 : i32 to index
      %swap3A_1441 = tpu.vector_load %arg7[%swap3A_1438, %swap3A_1439, %swap3A_1440] {strides = array<i32>} : memref<3x32x768xf32, #tpu.memory_space<vmem>>, vector<1x1x16xf32>,
      %swap3A_1442 = vector.shape_cast %swap3A_1441 : vector<1x1x16xf32> to vector<16xf32>
      %swap3A_1443 = vector.shape_cast %get3A_1435 : vector<16xf32> to vector<1x1x16xf32>
      tpu.vector_store %arg7[%swap3A_1438, %swap3A_1439, %swap3A_1440], %swap3A_1443 {add = true, strides = array<i32>} : memref<3x32x768xf32, #tpu.memory_space<vmem>>, vector<1x1x16xf32>,
      %swap3A_1444 = arith.constant 1 : i32
      %swap3A_1445 = arith.constant 14 : i32
      %swap3A_1446 = arith.index_cast %swap3A_1444 : i32 to index
      %swap3A_1447 = arith.index_cast %swap3A_1445 : i32 to index
      %swap3A_1448 = arith.index_cast %mul3A_1210 : i32 to index
      %swap3A_1449 = tpu.vector_load %arg7[%swap3A_1446, %swap3A_1447, %swap3A_1448] {strides = array<i32>} : memref<3x32x768xf32, #tpu.memory_space<vmem>>, vector<1x1x16xf32>,
      %swap3A_1450 = vector.shape_cast %swap3A_1449 : vector<1x1x16xf32> to vector<16xf32>
      %swap3A_1451 = vector.shape_cast %get3A_1435 : vector<16xf32> to vector<1x1x16xf32>
      tpu.vector_store %arg7[%swap3A_1446, %swap3A_1447, %swap3A_1448], %swap3A_1451 {add = true, strides = array<i32>} : memref<3x32x768xf32, #tpu.memory_space<vmem>>, vector<1x1x16xf32>,
      %swap3A_1452 = arith.constant 1 : i32
      %swap3A_1453 = arith.constant 22 : i32
      %swap3A_1454 = arith.index_cast %swap3A_1452 : i32 to index
      %swap3A_1455 = arith.index_cast %swap3A_1453 : i32 to index
      %swap3A_1456 = arith.index_cast %mul3A_1210 : i32 to index
      %swap3A_1457 = tpu.vector_load %arg7[%swap3A_1454, %swap3A_1455, %swap3A_1456] {strides = array<i32>} : memref<3x32x768xf32, #tpu.memory_space<vmem>>, vector<1x1x16xf32>,
      %swap3A_1458 = vector.shape_cast %swap3A_1457 : vector<1x1x16xf32> to vector<16xf32>
      %swap3A_1459 = vector.shape_cast %get3A_1435 : vector<16xf32> to vector<1x1x16xf32>
      tpu.vector_store %arg7[%swap3A_1454, %swap3A_1455, %swap3A_1456], %swap3A_1459 {add = true, strides = array<i32>} : memref<3x32x768xf32, #tpu.memory_space<vmem>>, vector<1x1x16xf32>,
      %swap3A_1460 = arith.constant 1 : i32
      %swap3A_1461 = arith.constant 30 : i32
      %swap3A_1462 = arith.index_cast %swap3A_1460 : i32 to index
      %swap3A_1463 = arith.index_cast %swap3A_1461 : i32 to index
      %swap3A_1464 = arith.index_cast %mul3A_1210 : i32 to index
      %swap3A_1465 = tpu.vector_load %arg7[%swap3A_1462, %swap3A_1463, %swap3A_1464] {strides = array<i32>} : memref<3x32x768xf32, #tpu.memory_space<vmem>>, vector<1x1x16xf32>,
      %swap3A_1466 = vector.shape_cast %swap3A_1465 : vector<1x1x16xf32> to vector<16xf32>
      %swap3A_1467 = vector.shape_cast %get3A_1435 : vector<16xf32> to vector<1x1x16xf32>
      tpu.vector_store %arg7[%swap3A_1462, %swap3A_1463, %swap3A_1464], %swap3A_1467 {add = true, strides = array<i32>} : memref<3x32x768xf32, #tpu.memory_space<vmem>>, vector<1x1x16xf32>,
      %get3A_1468 = arith.constant 15 : i32
      %get3A_1469 = arith.index_cast %get3A_1468 : i32 to index
      %get3A_1470 = arith.index_cast %mul3A_1210 : i32 to index
      %get3A_1471 = tpu.vector_load %arg8[%get3A_1469, %get3A_1470] {strides = array<i32>} : memref<64x768xf32, #tpu.memory_space<vmem>>, vector<1x16xf32>,
      %get3A_1472 = vector.shape_cast %get3A_1471 : vector<1x16xf32> to vector<16xf32>
      %swap3A_1473 = arith.constant 1 : i32
      %swap3A_1474 = arith.constant 7 : i32
      %swap3A_1475 = arith.index_cast %swap3A_1473 : i32 to index
      %swap3A_1476 = arith.index_cast %swap3A_1474 : i32 to index
      %swap3A_1477 = arith.index_cast %mul3A_1210 : i32 to index
      %swap3A_1478 = tpu.vector_load %arg7[%swap3A_1475, %swap3A_1476, %swap3A_1477] {strides = array<i32>} : memref<3x32x768xf32, #tpu.memory_space<vmem>>, vector<1x1x16xf32>,
      %swap3A_1479 = vector.shape_cast %swap3A_1478 : vector<1x1x16xf32> to vector<16xf32>
      %swap3A_1480 = vector.shape_cast %get3A_1472 : vector<16xf32> to vector<1x1x16xf32>
      tpu.vector_store %arg7[%swap3A_1475, %swap3A_1476, %swap3A_1477], %swap3A_1480 {add = true, strides = array<i32>} : memref<3x32x768xf32, #tpu.memory_space<vmem>>, vector<1x1x16xf32>,
      %swap3A_1481 = arith.constant 1 : i32
      %swap3A_1482 = arith.constant 15 : i32
      %swap3A_1483 = arith.index_cast %swap3A_1481 : i32 to index
      %swap3A_1484 = arith.index_cast %swap3A_1482 : i32 to index
      %swap3A_1485 = arith.index_cast %mul3A_1210 : i32 to index
      %swap3A_1486 = tpu.vector_load %arg7[%swap3A_1483, %swap3A_1484, %swap3A_1485] {strides = array<i32>} : memref<3x32x768xf32, #tpu.memory_space<vmem>>, vector<1x1x16xf32>,
      %swap3A_1487 = vector.shape_cast %swap3A_1486 : vector<1x1x16xf32> to vector<16xf32>
      %swap3A_1488 = vector.shape_cast %get3A_1472 : vector<16xf32> to vector<1x1x16xf32>
      tpu.vector_store %arg7[%swap3A_1483, %swap3A_1484, %swap3A_1485], %swap3A_1488 {add = true, strides = array<i32>} : memref<3x32x768xf32, #tpu.memory_space<vmem>>, vector<1x1x16xf32>,
      %swap3A_1489 = arith.constant 1 : i32
      %swap3A_1490 = arith.constant 23 : i32
      %swap3A_1491 = arith.index_cast %swap3A_1489 : i32 to index
      %swap3A_1492 = arith.index_cast %swap3A_1490 : i32 to index
      %swap3A_1493 = arith.index_cast %mul3A_1210 : i32 to index
      %swap3A_1494 = tpu.vector_load %arg7[%swap3A_1491, %swap3A_1492, %swap3A_1493] {strides = array<i32>} : memref<3x32x768xf32, #tpu.memory_space<vmem>>, vector<1x1x16xf32>,
      %swap3A_1495 = vector.shape_cast %swap3A_1494 : vector<1x1x16xf32> to vector<16xf32>
      %swap3A_1496 = vector.shape_cast %get3A_1472 : vector<16xf32> to vector<1x1x16xf32>
      tpu.vector_store %arg7[%swap3A_1491, %swap3A_1492, %swap3A_1493], %swap3A_1496 {add = true, strides = array<i32>} : memref<3x32x768xf32, #tpu.memory_space<vmem>>, vector<1x1x16xf32>,
      %swap3A_1497 = arith.constant 1 : i32
      %swap3A_1498 = arith.constant 31 : i32
      %swap3A_1499 = arith.index_cast %swap3A_1497 : i32 to index
      %swap3A_1500 = arith.index_cast %swap3A_1498 : i32 to index
      %swap3A_1501 = arith.index_cast %mul3A_1210 : i32 to index
      %swap3A_1502 = tpu.vector_load %arg7[%swap3A_1499, %swap3A_1500, %swap3A_1501] {strides = array<i32>} : memref<3x32x768xf32, #tpu.memory_space<vmem>>, vector<1x1x16xf32>,
      %swap3A_1503 = vector.shape_cast %swap3A_1502 : vector<1x1x16xf32> to vector<16xf32>
      %swap3A_1504 = vector.shape_cast %get3A_1472 : vector<16xf32> to vector<1x1x16xf32>
      tpu.vector_store %arg7[%swap3A_1499, %swap3A_1500, %swap3A_1501], %swap3A_1504 {add = true, strides = array<i32>} : memref<3x32x768xf32, #tpu.memory_space<vmem>>, vector<1x1x16xf32>,
    }
    %scan3A_211 = arith.constant 48 : i32
    "tpu.trace_stop"() : () -> ()
    %add3A_212 = arith.constant 0 : i32
    %add3A_213 = arith.addi %add3A_212, %mul3A_2 : i32
    %add3A_214 = arith.constant 8 : i32
    %add3A_215 = arith.addi %add3A_213, %add3A_214 : i32
    %dma_start3A_216 = arith.constant 1 : i32
    %dma_start3A_217 = arith.constant 0 : i32
    %dma_start3A_218 = arith.constant 0 : i32
    %dma_start3A_219 = tpu.memref_slice %arg7[%dma_start3A_216, %dma_start3A_217, %dma_start3A_218] : memref<3x32x768xf32, #tpu.memory_space<vmem>> -> memref<1x8x768xf32, #tpu.memory_space<vmem>>
    %dma_start3A_220 = tpu.memref_squeeze %dma_start3A_219 : memref<1x8x768xf32, #tpu.memory_space<vmem>> -> memref<8x768xf32, #tpu.memory_space<vmem>>
    %dma_start3A_221 = arith.constant 0 : i32
    %dma_start3A_222 = tpu.memref_slice %arg5[%add3A_215, %dma_start3A_221] : memref<8192x768xf32, #tpu.memory_space<hbm>> -> memref<8x768xf32, #tpu.memory_space<hbm>>
    %dma_start3A_223 = arith.constant 0 : i32
    %dma_start3A_224 = tpu.memref_slice %arg5[%add3A_215, %dma_start3A_223] : memref<8192x768xf32, #tpu.memory_space<hbm>> -> memref<8x768xf32, #tpu.memory_space<hbm>>
    %dma_start3A_225 = arith.constant 0 : i32
    %dma_start3A_226 = arith.constant 0 : i32
    %dma_start3A_227 = tpu.memref_slice %arg7[%dma_start3A_216, %dma_start3A_225, %dma_start3A_226] : memref<3x32x768xf32, #tpu.memory_space<vmem>> -> memref<1x8x768xf32, #tpu.memory_space<vmem>>
    %dma_start3A_228 = tpu.memref_squeeze %dma_start3A_227 : memref<1x8x768xf32, #tpu.memory_space<vmem>> -> memref<8x768xf32, #tpu.memory_space<vmem>>
    tpu.enqueue_dma source(%dma_start3A_228 : memref<8x768xf32, #tpu.memory_space<vmem>>) target(%dma_start3A_224 : memref<8x768xf32, #tpu.memory_space<hbm>>) target_semaphore(%arg14 : memref<!tpu.dma_semaphore, #tpu.memory_space<semaphore_mem>>)
    %add3A_229 = arith.constant 2048 : i32
    %add3A_230 = arith.addi %add3A_229, %mul3A_2 : i32
    %add3A_231 = arith.constant 8 : i32
    %add3A_232 = arith.addi %add3A_230, %add3A_231 : i32
    %dma_start3A_233 = arith.constant 1 : i32
    %dma_start3A_234 = arith.constant 8 : i32
    %dma_start3A_235 = arith.constant 0 : i32
    %dma_start3A_236 = tpu.memref_slice %arg7[%dma_start3A_233, %dma_start3A_234, %dma_start3A_235] : memref<3x32x768xf32, #tpu.memory_space<vmem>> -> memref<1x8x768xf32, #tpu.memory_space<vmem>>
    %dma_start3A_237 = tpu.memref_squeeze %dma_start3A_236 : memref<1x8x768xf32, #tpu.memory_space<vmem>> -> memref<8x768xf32, #tpu.memory_space<vmem>>
    %dma_start3A_238 = arith.constant 0 : i32
    %dma_start3A_239 = tpu.memref_slice %arg5[%add3A_232, %dma_start3A_238] : memref<8192x768xf32, #tpu.memory_space<hbm>> -> memref<8x768xf32, #tpu.memory_space<hbm>>
    %dma_start3A_240 = arith.constant 0 : i32
    %dma_start3A_241 = tpu.memref_slice %arg5[%add3A_232, %dma_start3A_240] : memref<8192x768xf32, #tpu.memory_space<hbm>> -> memref<8x768xf32, #tpu.memory_space<hbm>>
    %dma_start3A_242 = arith.constant 8 : i32
    %dma_start3A_243 = arith.constant 0 : i32
    %dma_start3A_244 = tpu.memref_slice %arg7[%dma_start3A_233, %dma_start3A_242, %dma_start3A_243] : memref<3x32x768xf32, #tpu.memory_space<vmem>> -> memref<1x8x768xf32, #tpu.memory_space<vmem>>
    %dma_start3A_245 = tpu.memref_squeeze %dma_start3A_244 : memref<1x8x768xf32, #tpu.memory_space<vmem>> -> memref<8x768xf32, #tpu.memory_space<vmem>>
    tpu.enqueue_dma source(%dma_start3A_245 : memref<8x768xf32, #tpu.memory_space<vmem>>) target(%dma_start3A_241 : memref<8x768xf32, #tpu.memory_space<hbm>>) target_semaphore(%arg14 : memref<!tpu.dma_semaphore, #tpu.memory_space<semaphore_mem>>)
    %add3A_246 = arith.constant 4096 : i32
    %add3A_247 = arith.addi %add3A_246, %mul3A_2 : i32
    %add3A_248 = arith.constant 8 : i32
    %add3A_249 = arith.addi %add3A_247, %add3A_248 : i32
    %dma_start3A_250 = arith.constant 1 : i32
    %dma_start3A_251 = arith.constant 16 : i32
    %dma_start3A_252 = arith.constant 0 : i32
    %dma_start3A_253 = tpu.memref_slice %arg7[%dma_start3A_250, %dma_start3A_251, %dma_start3A_252] : memref<3x32x768xf32, #tpu.memory_space<vmem>> -> memref<1x8x768xf32, #tpu.memory_space<vmem>>
    %dma_start3A_254 = tpu.memref_squeeze %dma_start3A_253 : memref<1x8x768xf32, #tpu.memory_space<vmem>> -> memref<8x768xf32, #tpu.memory_space<vmem>>
    %dma_start3A_255 = arith.constant 0 : i32
    %dma_start3A_256 = tpu.memref_slice %arg5[%add3A_249, %dma_start3A_255] : memref<8192x768xf32, #tpu.memory_space<hbm>> -> memref<8x768xf32, #tpu.memory_space<hbm>>
    %dma_start3A_257 = arith.constant 0 : i32
    %dma_start3A_258 = tpu.memref_slice %arg5[%add3A_249, %dma_start3A_257] : memref<8192x768xf32, #tpu.memory_space<hbm>> -> memref<8x768xf32, #tpu.memory_space<hbm>>
    %dma_start3A_259 = arith.constant 16 : i32
    %dma_start3A_260 = arith.constant 0 : i32
    %dma_start3A_261 = tpu.memref_slice %arg7[%dma_start3A_250, %dma_start3A_259, %dma_start3A_260] : memref<3x32x768xf32, #tpu.memory_space<vmem>> -> memref<1x8x768xf32, #tpu.memory_space<vmem>>
    %dma_start3A_262 = tpu.memref_squeeze %dma_start3A_261 : memref<1x8x768xf32, #tpu.memory_space<vmem>> -> memref<8x768xf32, #tpu.memory_space<vmem>>
    tpu.enqueue_dma source(%dma_start3A_262 : memref<8x768xf32, #tpu.memory_space<vmem>>) target(%dma_start3A_258 : memref<8x768xf32, #tpu.memory_space<hbm>>) target_semaphore(%arg14 : memref<!tpu.dma_semaphore, #tpu.memory_space<semaphore_mem>>)
    %add3A_263 = arith.constant 6144 : i32
    %add3A_264 = arith.addi %add3A_263, %mul3A_2 : i32
    %add3A_265 = arith.constant 8 : i32
    %add3A_266 = arith.addi %add3A_264, %add3A_265 : i32
    %dma_start3A_267 = arith.constant 1 : i32
    %dma_start3A_268 = arith.constant 24 : i32
    %dma_start3A_269 = arith.constant 0 : i32
    %dma_start3A_270 = tpu.memref_slice %arg7[%dma_start3A_267, %dma_start3A_268, %dma_start3A_269] : memref<3x32x768xf32, #tpu.memory_space<vmem>> -> memref<1x8x768xf32, #tpu.memory_space<vmem>>
    %dma_start3A_271 = tpu.memref_squeeze %dma_start3A_270 : memref<1x8x768xf32, #tpu.memory_space<vmem>> -> memref<8x768xf32, #tpu.memory_space<vmem>>
    %dma_start3A_272 = arith.constant 0 : i32
    %dma_start3A_273 = tpu.memref_slice %arg5[%add3A_266, %dma_start3A_272] : memref<8192x768xf32, #tpu.memory_space<hbm>> -> memref<8x768xf32, #tpu.memory_space<hbm>>
    %dma_start3A_274 = arith.constant 0 : i32
    %dma_start3A_275 = tpu.memref_slice %arg5[%add3A_266, %dma_start3A_274] : memref<8192x768xf32, #tpu.memory_space<hbm>> -> memref<8x768xf32, #tpu.memory_space<hbm>>
    %dma_start3A_276 = arith.constant 24 : i32
    %dma_start3A_277 = arith.constant 0 : i32
    %dma_start3A_278 = tpu.memref_slice %arg7[%dma_start3A_267, %dma_start3A_276, %dma_start3A_277] : memref<3x32x768xf32, #tpu.memory_space<vmem>> -> memref<1x8x768xf32, #tpu.memory_space<vmem>>
    %dma_start3A_279 = tpu.memref_squeeze %dma_start3A_278 : memref<1x8x768xf32, #tpu.memory_space<vmem>> -> memref<8x768xf32, #tpu.memory_space<vmem>>
    tpu.enqueue_dma source(%dma_start3A_279 : memref<8x768xf32, #tpu.memory_space<vmem>>) target(%dma_start3A_275 : memref<8x768xf32, #tpu.memory_space<hbm>>) target_semaphore(%arg14 : memref<!tpu.dma_semaphore, #tpu.memory_space<semaphore_mem>>)
    %dma_wait3A_280 = arith.constant 1 : i32
    %dma_wait3A_281 = arith.constant 0 : i32
    %dma_wait3A_282 = arith.constant 0 : i32
    %dma_wait3A_283 = tpu.memref_slice %arg7[%dma_wait3A_280, %dma_wait3A_281, %dma_wait3A_282] : memref<3x32x768xf32, #tpu.memory_space<vmem>> -> memref<1x8x768xf32, #tpu.memory_space<vmem>>
    %dma_wait3A_284 = tpu.memref_squeeze %dma_wait3A_283 : memref<1x8x768xf32, #tpu.memory_space<vmem>> -> memref<8x768xf32, #tpu.memory_space<vmem>>
    %dma_wait3A_285 = arith.constant 0 : i32
    %dma_wait3A_286 = tpu.memref_slice %arg5[%add3A_215, %dma_wait3A_285] : memref<8192x768xf32, #tpu.memory_space<hbm>> -> memref<8x768xf32, #tpu.memory_space<hbm>>
    %dma_wait3A_287 = arith.constant 0 : i32
    %dma_wait3A_288 = tpu.memref_slice %arg5[%add3A_215, %dma_wait3A_287] : memref<8192x768xf32, #tpu.memory_space<hbm>> -> memref<8x768xf32, #tpu.memory_space<hbm>>
    %dma_wait3A_289 = arith.constant 0 : i32
    %dma_wait3A_290 = arith.constant 0 : i32
    %dma_wait3A_291 = tpu.memref_slice %arg7[%dma_wait3A_280, %dma_wait3A_289, %dma_wait3A_290] : memref<3x32x768xf32, #tpu.memory_space<vmem>> -> memref<1x8x768xf32, #tpu.memory_space<vmem>>
    %dma_wait3A_292 = tpu.memref_squeeze %dma_wait3A_291 : memref<1x8x768xf32, #tpu.memory_space<vmem>> -> memref<8x768xf32, #tpu.memory_space<vmem>>
    tpu.wait_dma2 semaphore(%arg14 : memref<!tpu.dma_semaphore, #tpu.memory_space<semaphore_mem>>) src(%dma_wait3A_292 : memref<8x768xf32, #tpu.memory_space<vmem>>) dst(%dma_wait3A_288 : memref<8x768xf32, #tpu.memory_space<hbm>>)
    %dma_wait3A_293 = arith.constant 1 : i32
    %dma_wait3A_294 = arith.constant 8 : i32
    %dma_wait3A_295 = arith.constant 0 : i32
    %dma_wait3A_296 = tpu.memref_slice %arg7[%dma_wait3A_293, %dma_wait3A_294, %dma_wait3A_295] : memref<3x32x768xf32, #tpu.memory_space<vmem>> -> memref<1x8x768xf32, #tpu.memory_space<vmem>>
    %dma_wait3A_297 = tpu.memref_squeeze %dma_wait3A_296 : memref<1x8x768xf32, #tpu.memory_space<vmem>> -> memref<8x768xf32, #tpu.memory_space<vmem>>
    %dma_wait3A_298 = arith.constant 0 : i32
    %dma_wait3A_299 = tpu.memref_slice %arg5[%add3A_232, %dma_wait3A_298] : memref<8192x768xf32, #tpu.memory_space<hbm>> -> memref<8x768xf32, #tpu.memory_space<hbm>>
    %dma_wait3A_300 = arith.constant 0 : i32
    %dma_wait3A_301 = tpu.memref_slice %arg5[%add3A_232, %dma_wait3A_300] : memref<8192x768xf32, #tpu.memory_space<hbm>> -> memref<8x768xf32, #tpu.memory_space<hbm>>
    %dma_wait3A_302 = arith.constant 8 : i32
    %dma_wait3A_303 = arith.constant 0 : i32
    %dma_wait3A_304 = tpu.memref_slice %arg7[%dma_wait3A_293, %dma_wait3A_302, %dma_wait3A_303] : memref<3x32x768xf32, #tpu.memory_space<vmem>> -> memref<1x8x768xf32, #tpu.memory_space<vmem>>
    %dma_wait3A_305 = tpu.memref_squeeze %dma_wait3A_304 : memref<1x8x768xf32, #tpu.memory_space<vmem>> -> memref<8x768xf32, #tpu.memory_space<vmem>>
    tpu.wait_dma2 semaphore(%arg14 : memref<!tpu.dma_semaphore, #tpu.memory_space<semaphore_mem>>) src(%dma_wait3A_305 : memref<8x768xf32, #tpu.memory_space<vmem>>) dst(%dma_wait3A_301 : memref<8x768xf32, #tpu.memory_space<hbm>>)
    %dma_wait3A_306 = arith.constant 1 : i32
    %dma_wait3A_307 = arith.constant 16 : i32
    %dma_wait3A_308 = arith.constant 0 : i32
    %dma_wait3A_309 = tpu.memref_slice %arg7[%dma_wait3A_306, %dma_wait3A_307, %dma_wait3A_308] : memref<3x32x768xf32, #tpu.memory_space<vmem>> -> memref<1x8x768xf32, #tpu.memory_space<vmem>>
    %dma_wait3A_310 = tpu.memref_squeeze %dma_wait3A_309 : memref<1x8x768xf32, #tpu.memory_space<vmem>> -> memref<8x768xf32, #tpu.memory_space<vmem>>
    %dma_wait3A_311 = arith.constant 0 : i32
    %dma_wait3A_312 = tpu.memref_slice %arg5[%add3A_249, %dma_wait3A_311] : memref<8192x768xf32, #tpu.memory_space<hbm>> -> memref<8x768xf32, #tpu.memory_space<hbm>>
    %dma_wait3A_313 = arith.constant 0 : i32
    %dma_wait3A_314 = tpu.memref_slice %arg5[%add3A_249, %dma_wait3A_313] : memref<8192x768xf32, #tpu.memory_space<hbm>> -> memref<8x768xf32, #tpu.memory_space<hbm>>
    %dma_wait3A_315 = arith.constant 16 : i32
    %dma_wait3A_316 = arith.constant 0 : i32
    %dma_wait3A_317 = tpu.memref_slice %arg7[%dma_wait3A_306, %dma_wait3A_315, %dma_wait3A_316] : memref<3x32x768xf32, #tpu.memory_space<vmem>> -> memref<1x8x768xf32, #tpu.memory_space<vmem>>
    %dma_wait3A_318 = tpu.memref_squeeze %dma_wait3A_317 : memref<1x8x768xf32, #tpu.memory_space<vmem>> -> memref<8x768xf32, #tpu.memory_space<vmem>>
    tpu.wait_dma2 semaphore(%arg14 : memref<!tpu.dma_semaphore, #tpu.memory_space<semaphore_mem>>) src(%dma_wait3A_318 : memref<8x768xf32, #tpu.memory_space<vmem>>) dst(%dma_wait3A_314 : memref<8x768xf32, #tpu.memory_space<hbm>>)
    %dma_wait3A_319 = arith.constant 1 : i32
    %dma_wait3A_320 = arith.constant 24 : i32
    %dma_wait3A_321 = arith.constant 0 : i32
    %dma_wait3A_322 = tpu.memref_slice %arg7[%dma_wait3A_319, %dma_wait3A_320, %dma_wait3A_321] : memref<3x32x768xf32, #tpu.memory_space<vmem>> -> memref<1x8x768xf32, #tpu.memory_space<vmem>>
    %dma_wait3A_323 = tpu.memref_squeeze %dma_wait3A_322 : memref<1x8x768xf32, #tpu.memory_space<vmem>> -> memref<8x768xf32, #tpu.memory_space<vmem>>
    %dma_wait3A_324 = arith.constant 0 : i32
    %dma_wait3A_325 = tpu.memref_slice %arg5[%add3A_266, %dma_wait3A_324] : memref<8192x768xf32, #tpu.memory_space<hbm>> -> memref<8x768xf32, #tpu.memory_space<hbm>>
    %dma_wait3A_326 = arith.constant 0 : i32
    %dma_wait3A_327 = tpu.memref_slice %arg5[%add3A_266, %dma_wait3A_326] : memref<8192x768xf32, #tpu.memory_space<hbm>> -> memref<8x768xf32, #tpu.memory_space<hbm>>
    %dma_wait3A_328 = arith.constant 24 : i32
    %dma_wait3A_329 = arith.constant 0 : i32
    %dma_wait3A_330 = tpu.memref_slice %arg7[%dma_wait3A_319, %dma_wait3A_328, %dma_wait3A_329] : memref<3x32x768xf32, #tpu.memory_space<vmem>> -> memref<1x8x768xf32, #tpu.memory_space<vmem>>
    %dma_wait3A_331 = tpu.memref_squeeze %dma_wait3A_330 : memref<1x8x768xf32, #tpu.memory_space<vmem>> -> memref<8x768xf32, #tpu.memory_space<vmem>>
    tpu.wait_dma2 semaphore(%arg14 : memref<!tpu.dma_semaphore, #tpu.memory_space<semaphore_mem>>) src(%dma_wait3A_331 : memref<8x768xf32, #tpu.memory_space<vmem>>) dst(%dma_wait3A_327 : memref<8x768xf32, #tpu.memory_space<hbm>>)
    %dma_start3A_332 = arith.constant 4 : i32
    %dma_start3A_333 = arith.constant 1 : i32
    %dma_start3A_334 = arith.constant 0 : i32
    %dma_start3A_335 = arith.constant 0 : i32
    %dma_start3A_336 = tpu.memref_slice %arg7[%dma_start3A_333, %dma_start3A_334, %dma_start3A_335] : memref<3x32x768xf32, #tpu.memory_space<vmem>> -> memref<1x32x768xf32, #tpu.memory_space<vmem>>
    %dma_start3A_337 = tpu.memref_squeeze %dma_start3A_336 : memref<1x32x768xf32, #tpu.memory_space<vmem>> -> memref<32x768xf32, #tpu.memory_space<vmem>>
    %dma_start3A_338 = arith.constant 0 : i32
    %dma_start3A_339 = tpu.memref_slice %arg6[%dma_start3A_332, %dma_start3A_338] : memref<8x32xi32, #tpu.memory_space<vmem>> -> memref<1x32xi32, #tpu.memory_space<vmem>>
    %dma_start3A_340 = tpu.memref_squeeze %dma_start3A_339 : memref<1x32xi32, #tpu.memory_space<vmem>> -> memref<32xi32, #tpu.memory_space<vmem>>
    %dma_start3A_341 = arith.constant 0 : i32
    %dma_start3A_342 = arith.constant 0 : i32
    %dma_start3A_343 = tpu.memref_slice %arg3[%dma_start3A_341, %dma_start3A_342] : memref<100000x768xf32, #tpu.memory_space<hbm>> -> memref<100000x768xf32, #tpu.memory_space<hbm>>
    tpu.enqueue_indirect_dma source(%dma_start3A_343 : memref<100000x768xf32, #tpu.memory_space<hbm>>) target(%dma_start3A_337 : memref<32x768xf32, #tpu.memory_space<vmem>>) offsets(%dma_start3A_340 : memref<32xi32, #tpu.memory_space<vmem>>) semaphore(%arg11 : memref<!tpu.dma_semaphore, #tpu.memory_space<semaphore_mem>>)
    %dma_wait3A_344 = arith.constant 2 : i32
    %dma_wait3A_345 = arith.constant 2 : i32
    "tpu.trace_start"() <{level = 10 : i32, message = "wait_in"}> : () -> ()
    %dma_wait3A_346 = arith.constant 0 : i32
    %dma_wait3A_347 = arith.constant 0 : i32
    %dma_wait3A_348 = tpu.memref_slice %arg7[%dma_wait3A_345, %dma_wait3A_346, %dma_wait3A_347] : memref<3x32x768xf32, #tpu.memory_space<vmem>> -> memref<1x32x768xf32, #tpu.memory_space<vmem>>
    %dma_wait3A_349 = tpu.memref_squeeze %dma_wait3A_348 : memref<1x32x768xf32, #tpu.memory_space<vmem>> -> memref<32x768xf32, #tpu.memory_space<vmem>>
    %dma_wait3A_350 = arith.constant 0 : i32
    %dma_wait3A_351 = tpu.memref_slice %arg6[%dma_wait3A_344, %dma_wait3A_350] : memref<8x32xi32, #tpu.memory_space<vmem>> -> memref<1x32xi32, #tpu.memory_space<vmem>>
    %dma_wait3A_352 = tpu.memref_squeeze %dma_wait3A_351 : memref<1x32xi32, #tpu.memory_space<vmem>> -> memref<32xi32, #tpu.memory_space<vmem>>
    %dma_wait3A_353 = arith.constant 0 : i32
    %dma_wait3A_354 = arith.constant 0 : i32
    %dma_wait3A_355 = tpu.memref_slice %arg3[%dma_wait3A_353, %dma_wait3A_354] : memref<100000x768xf32, #tpu.memory_space<hbm>> -> memref<100000x768xf32, #tpu.memory_space<hbm>>
    tpu.wait_indirect_dma semaphore(%arg12 : memref<!tpu.dma_semaphore, #tpu.memory_space<semaphore_mem>>) src(%dma_wait3A_355 : memref<100000x768xf32, #tpu.memory_space<hbm>>) dst(%dma_wait3A_349 : memref<32x768xf32, #tpu.memory_space<vmem>>)
    "tpu.trace_stop"() : () -> ()
    "tpu.trace_start"() <{level = 10 : i32, message = "add"}> : () -> ()
    %scan3A_356 = arith.constant 0 : i32
    %scan3A_357 = arith.constant 0 : i32
    %scan3A_358 = arith.constant 48 : i32
    %scan3A_359 = arith.addi %scan3A_357, %scan3A_358 : i32
    %scan3A_360 = arith.constant 1 : i32
    scf.for %scan3A_1208 = %scan3A_357 to %scan3A_359 step %scan3A_360  : i32 {
      %mul3A_1209 = arith.constant 16 : i32
      %mul3A_1210 = arith.muli %scan3A_1208, %mul3A_1209 : i32
      %get3A = arith.constant 16 : i32
      %get3A_1211 = arith.index_cast %get3A : i32 to index
      %get3A_1212 = arith.index_cast %mul3A_1210 : i32 to index
      %get3A_1213 = tpu.vector_load %arg8[%get3A_1211, %get3A_1212] {strides = array<i32>} : memref<64x768xf32, #tpu.memory_space<vmem>>, vector<1x16xf32>,
      %get3A_1214 = vector.shape_cast %get3A_1213 : vector<1x16xf32> to vector<16xf32>
      %swap3A = arith.constant 2 : i32
      %swap3A_1215 = arith.constant 0 : i32
      %swap3A_1216 = arith.index_cast %swap3A : i32 to index
      %swap3A_1217 = arith.index_cast %swap3A_1215 : i32 to index
      %swap3A_1218 = arith.index_cast %mul3A_1210 : i32 to index
      %swap3A_1219 = tpu.vector_load %arg7[%swap3A_1216, %swap3A_1217, %swap3A_1218] {strides = array<i32>} : memref<3x32x768xf32, #tpu.memory_space<vmem>>, vector<1x1x16xf32>,
      %swap3A_1220 = vector.shape_cast %swap3A_1219 : vector<1x1x16xf32> to vector<16xf32>
      %swap3A_1221 = vector.shape_cast %get3A_1214 : vector<16xf32> to vector<1x1x16xf32>
      tpu.vector_store %arg7[%swap3A_1216, %swap3A_1217, %swap3A_1218], %swap3A_1221 {add = true, strides = array<i32>} : memref<3x32x768xf32, #tpu.memory_space<vmem>>, vector<1x1x16xf32>,
      %swap3A_1222 = arith.constant 2 : i32
      %swap3A_1223 = arith.constant 8 : i32
      %swap3A_1224 = arith.index_cast %swap3A_1222 : i32 to index
      %swap3A_1225 = arith.index_cast %swap3A_1223 : i32 to index
      %swap3A_1226 = arith.index_cast %mul3A_1210 : i32 to index
      %swap3A_1227 = tpu.vector_load %arg7[%swap3A_1224, %swap3A_1225, %swap3A_1226] {strides = array<i32>} : memref<3x32x768xf32, #tpu.memory_space<vmem>>, vector<1x1x16xf32>,
      %swap3A_1228 = vector.shape_cast %swap3A_1227 : vector<1x1x16xf32> to vector<16xf32>
      %swap3A_1229 = vector.shape_cast %get3A_1214 : vector<16xf32> to vector<1x1x16xf32>
      tpu.vector_store %arg7[%swap3A_1224, %swap3A_1225, %swap3A_1226], %swap3A_1229 {add = true, strides = array<i32>} : memref<3x32x768xf32, #tpu.memory_space<vmem>>, vector<1x1x16xf32>,
      %swap3A_1230 = arith.constant 2 : i32
      %swap3A_1231 = arith.constant 16 : i32
      %swap3A_1232 = arith.index_cast %swap3A_1230 : i32 to index
      %swap3A_1233 = arith.index_cast %swap3A_1231 : i32 to index
      %swap3A_1234 = arith.index_cast %mul3A_1210 : i32 to index
      %swap3A_1235 = tpu.vector_load %arg7[%swap3A_1232, %swap3A_1233, %swap3A_1234] {strides = array<i32>} : memref<3x32x768xf32, #tpu.memory_space<vmem>>, vector<1x1x16xf32>,
      %swap3A_1236 = vector.shape_cast %swap3A_1235 : vector<1x1x16xf32> to vector<16xf32>
      %swap3A_1237 = vector.shape_cast %get3A_1214 : vector<16xf32> to vector<1x1x16xf32>
      tpu.vector_store %arg7[%swap3A_1232, %swap3A_1233, %swap3A_1234], %swap3A_1237 {add = true, strides = array<i32>} : memref<3x32x768xf32, #tpu.memory_space<vmem>>, vector<1x1x16xf32>,
      %swap3A_1238 = arith.constant 2 : i32
      %swap3A_1239 = arith.constant 24 : i32
      %swap3A_1240 = arith.index_cast %swap3A_1238 : i32 to index
      %swap3A_1241 = arith.index_cast %swap3A_1239 : i32 to index
      %swap3A_1242 = arith.index_cast %mul3A_1210 : i32 to index
      %swap3A_1243 = tpu.vector_load %arg7[%swap3A_1240, %swap3A_1241, %swap3A_1242] {strides = array<i32>} : memref<3x32x768xf32, #tpu.memory_space<vmem>>, vector<1x1x16xf32>,
      %swap3A_1244 = vector.shape_cast %swap3A_1243 : vector<1x1x16xf32> to vector<16xf32>
      %swap3A_1245 = vector.shape_cast %get3A_1214 : vector<16xf32> to vector<1x1x16xf32>
      tpu.vector_store %arg7[%swap3A_1240, %swap3A_1241, %swap3A_1242], %swap3A_1245 {add = true, strides = array<i32>} : memref<3x32x768xf32, #tpu.memory_space<vmem>>, vector<1x1x16xf32>,
      %get3A_1246 = arith.constant 17 : i32
      %get3A_1247 = arith.index_cast %get3A_1246 : i32 to index
      %get3A_1248 = arith.index_cast %mul3A_1210 : i32 to index
      %get3A_1249 = tpu.vector_load %arg8[%get3A_1247, %get3A_1248] {strides = array<i32>} : memref<64x768xf32, #tpu.memory_space<vmem>>, vector<1x16xf32>,
      %get3A_1250 = vector.shape_cast %get3A_1249 : vector<1x16xf32> to vector<16xf32>
      %swap3A_1251 = arith.constant 2 : i32
      %swap3A_1252 = arith.constant 1 : i32
      %swap3A_1253 = arith.index_cast %swap3A_1251 : i32 to index
      %swap3A_1254 = arith.index_cast %swap3A_1252 : i32 to index
      %swap3A_1255 = arith.index_cast %mul3A_1210 : i32 to index
      %swap3A_1256 = tpu.vector_load %arg7[%swap3A_1253, %swap3A_1254, %swap3A_1255] {strides = array<i32>} : memref<3x32x768xf32, #tpu.memory_space<vmem>>, vector<1x1x16xf32>,
      %swap3A_1257 = vector.shape_cast %swap3A_1256 : vector<1x1x16xf32> to vector<16xf32>
      %swap3A_1258 = vector.shape_cast %get3A_1250 : vector<16xf32> to vector<1x1x16xf32>
      tpu.vector_store %arg7[%swap3A_1253, %swap3A_1254, %swap3A_1255], %swap3A_1258 {add = true, strides = array<i32>} : memref<3x32x768xf32, #tpu.memory_space<vmem>>, vector<1x1x16xf32>,
      %swap3A_1259 = arith.constant 2 : i32
      %swap3A_1260 = arith.constant 9 : i32
      %swap3A_1261 = arith.index_cast %swap3A_1259 : i32 to index
      %swap3A_1262 = arith.index_cast %swap3A_1260 : i32 to index
      %swap3A_1263 = arith.index_cast %mul3A_1210 : i32 to index
      %swap3A_1264 = tpu.vector_load %arg7[%swap3A_1261, %swap3A_1262, %swap3A_1263] {strides = array<i32>} : memref<3x32x768xf32, #tpu.memory_space<vmem>>, vector<1x1x16xf32>,
      %swap3A_1265 = vector.shape_cast %swap3A_1264 : vector<1x1x16xf32> to vector<16xf32>
      %swap3A_1266 = vector.shape_cast %get3A_1250 : vector<16xf32> to vector<1x1x16xf32>
      tpu.vector_store %arg7[%swap3A_1261, %swap3A_1262, %swap3A_1263], %swap3A_1266 {add = true, strides = array<i32>} : memref<3x32x768xf32, #tpu.memory_space<vmem>>, vector<1x1x16xf32>,
      %swap3A_1267 = arith.constant 2 : i32
      %swap3A_1268 = arith.constant 17 : i32
      %swap3A_1269 = arith.index_cast %swap3A_1267 : i32 to index
      %swap3A_1270 = arith.index_cast %swap3A_1268 : i32 to index
      %swap3A_1271 = arith.index_cast %mul3A_1210 : i32 to index
      %swap3A_1272 = tpu.vector_load %arg7[%swap3A_1269, %swap3A_1270, %swap3A_1271] {strides = array<i32>} : memref<3x32x768xf32, #tpu.memory_space<vmem>>, vector<1x1x16xf32>,
      %swap3A_1273 = vector.shape_cast %swap3A_1272 : vector<1x1x16xf32> to vector<16xf32>
      %swap3A_1274 = vector.shape_cast %get3A_1250 : vector<16xf32> to vector<1x1x16xf32>
      tpu.vector_store %arg7[%swap3A_1269, %swap3A_1270, %swap3A_1271], %swap3A_1274 {add = true, strides = array<i32>} : memref<3x32x768xf32, #tpu.memory_space<vmem>>, vector<1x1x16xf32>,
      %swap3A_1275 = arith.constant 2 : i32
      %swap3A_1276 = arith.constant 25 : i32
      %swap3A_1277 = arith.index_cast %swap3A_1275 : i32 to index
      %swap3A_1278 = arith.index_cast %swap3A_1276 : i32 to index
      %swap3A_1279 = arith.index_cast %mul3A_1210 : i32 to index
      %swap3A_1280 = tpu.vector_load %arg7[%swap3A_1277, %swap3A_1278, %swap3A_1279] {strides = array<i32>} : memref<3x32x768xf32, #tpu.memory_space<vmem>>, vector<1x1x16xf32>,
      %swap3A_1281 = vector.shape_cast %swap3A_1280 : vector<1x1x16xf32> to vector<16xf32>
      %swap3A_1282 = vector.shape_cast %get3A_1250 : vector<16xf32> to vector<1x1x16xf32>
      tpu.vector_store %arg7[%swap3A_1277, %swap3A_1278, %swap3A_1279], %swap3A_1282 {add = true, strides = array<i32>} : memref<3x32x768xf32, #tpu.memory_space<vmem>>, vector<1x1x16xf32>,
      %get3A_1283 = arith.constant 18 : i32
      %get3A_1284 = arith.index_cast %get3A_1283 : i32 to index
      %get3A_1285 = arith.index_cast %mul3A_1210 : i32 to index
      %get3A_1286 = tpu.vector_load %arg8[%get3A_1284, %get3A_1285] {strides = array<i32>} : memref<64x768xf32, #tpu.memory_space<vmem>>, vector<1x16xf32>,
      %get3A_1287 = vector.shape_cast %get3A_1286 : vector<1x16xf32> to vector<16xf32>
      %swap3A_1288 = arith.constant 2 : i32
      %swap3A_1289 = arith.constant 2 : i32
      %swap3A_1290 = arith.index_cast %swap3A_1288 : i32 to index
      %swap3A_1291 = arith.index_cast %swap3A_1289 : i32 to index
      %swap3A_1292 = arith.index_cast %mul3A_1210 : i32 to index
      %swap3A_1293 = tpu.vector_load %arg7[%swap3A_1290, %swap3A_1291, %swap3A_1292] {strides = array<i32>} : memref<3x32x768xf32, #tpu.memory_space<vmem>>, vector<1x1x16xf32>,
      %swap3A_1294 = vector.shape_cast %swap3A_1293 : vector<1x1x16xf32> to vector<16xf32>
      %swap3A_1295 = vector.shape_cast %get3A_1287 : vector<16xf32> to vector<1x1x16xf32>
      tpu.vector_store %arg7[%swap3A_1290, %swap3A_1291, %swap3A_1292], %swap3A_1295 {add = true, strides = array<i32>} : memref<3x32x768xf32, #tpu.memory_space<vmem>>, vector<1x1x16xf32>,
      %swap3A_1296 = arith.constant 2 : i32
      %swap3A_1297 = arith.constant 10 : i32
      %swap3A_1298 = arith.index_cast %swap3A_1296 : i32 to index
      %swap3A_1299 = arith.index_cast %swap3A_1297 : i32 to index
      %swap3A_1300 = arith.index_cast %mul3A_1210 : i32 to index
      %swap3A_1301 = tpu.vector_load %arg7[%swap3A_1298, %swap3A_1299, %swap3A_1300] {strides = array<i32>} : memref<3x32x768xf32, #tpu.memory_space<vmem>>, vector<1x1x16xf32>,
      %swap3A_1302 = vector.shape_cast %swap3A_1301 : vector<1x1x16xf32> to vector<16xf32>
      %swap3A_1303 = vector.shape_cast %get3A_1287 : vector<16xf32> to vector<1x1x16xf32>
      tpu.vector_store %arg7[%swap3A_1298, %swap3A_1299, %swap3A_1300], %swap3A_1303 {add = true, strides = array<i32>} : memref<3x32x768xf32, #tpu.memory_space<vmem>>, vector<1x1x16xf32>,
      %swap3A_1304 = arith.constant 2 : i32
      %swap3A_1305 = arith.constant 18 : i32
      %swap3A_1306 = arith.index_cast %swap3A_1304 : i32 to index
      %swap3A_1307 = arith.index_cast %swap3A_1305 : i32 to index
      %swap3A_1308 = arith.index_cast %mul3A_1210 : i32 to index
      %swap3A_1309 = tpu.vector_load %arg7[%swap3A_1306, %swap3A_1307, %swap3A_1308] {strides = array<i32>} : memref<3x32x768xf32, #tpu.memory_space<vmem>>, vector<1x1x16xf32>,
      %swap3A_1310 = vector.shape_cast %swap3A_1309 : vector<1x1x16xf32> to vector<16xf32>
      %swap3A_1311 = vector.shape_cast %get3A_1287 : vector<16xf32> to vector<1x1x16xf32>
      tpu.vector_store %arg7[%swap3A_1306, %swap3A_1307, %swap3A_1308], %swap3A_1311 {add = true, strides = array<i32>} : memref<3x32x768xf32, #tpu.memory_space<vmem>>, vector<1x1x16xf32>,
      %swap3A_1312 = arith.constant 2 : i32
      %swap3A_1313 = arith.constant 26 : i32
      %swap3A_1314 = arith.index_cast %swap3A_1312 : i32 to index
      %swap3A_1315 = arith.index_cast %swap3A_1313 : i32 to index
      %swap3A_1316 = arith.index_cast %mul3A_1210 : i32 to index
      %swap3A_1317 = tpu.vector_load %arg7[%swap3A_1314, %swap3A_1315, %swap3A_1316] {strides = array<i32>} : memref<3x32x768xf32, #tpu.memory_space<vmem>>, vector<1x1x16xf32>,
      %swap3A_1318 = vector.shape_cast %swap3A_1317 : vector<1x1x16xf32> to vector<16xf32>
      %swap3A_1319 = vector.shape_cast %get3A_1287 : vector<16xf32> to vector<1x1x16xf32>
      tpu.vector_store %arg7[%swap3A_1314, %swap3A_1315, %swap3A_1316], %swap3A_1319 {add = true, strides = array<i32>} : memref<3x32x768xf32, #tpu.memory_space<vmem>>, vector<1x1x16xf32>,
      %get3A_1320 = arith.constant 19 : i32
      %get3A_1321 = arith.index_cast %get3A_1320 : i32 to index
      %get3A_1322 = arith.index_cast %mul3A_1210 : i32 to index
      %get3A_1323 = tpu.vector_load %arg8[%get3A_1321, %get3A_1322] {strides = array<i32>} : memref<64x768xf32, #tpu.memory_space<vmem>>, vector<1x16xf32>,
      %get3A_1324 = vector.shape_cast %get3A_1323 : vector<1x16xf32> to vector<16xf32>
      %swap3A_1325 = arith.constant 2 : i32
      %swap3A_1326 = arith.constant 3 : i32
      %swap3A_1327 = arith.index_cast %swap3A_1325 : i32 to index
      %swap3A_1328 = arith.index_cast %swap3A_1326 : i32 to index
      %swap3A_1329 = arith.index_cast %mul3A_1210 : i32 to index
      %swap3A_1330 = tpu.vector_load %arg7[%swap3A_1327, %swap3A_1328, %swap3A_1329] {strides = array<i32>} : memref<3x32x768xf32, #tpu.memory_space<vmem>>, vector<1x1x16xf32>,
      %swap3A_1331 = vector.shape_cast %swap3A_1330 : vector<1x1x16xf32> to vector<16xf32>
      %swap3A_1332 = vector.shape_cast %get3A_1324 : vector<16xf32> to vector<1x1x16xf32>
      tpu.vector_store %arg7[%swap3A_1327, %swap3A_1328, %swap3A_1329], %swap3A_1332 {add = true, strides = array<i32>} : memref<3x32x768xf32, #tpu.memory_space<vmem>>, vector<1x1x16xf32>,
      %swap3A_1333 = arith.constant 2 : i32
      %swap3A_1334 = arith.constant 11 : i32
      %swap3A_1335 = arith.index_cast %swap3A_1333 : i32 to index
      %swap3A_1336 = arith.index_cast %swap3A_1334 : i32 to index
      %swap3A_1337 = arith.index_cast %mul3A_1210 : i32 to index
      %swap3A_1338 = tpu.vector_load %arg7[%swap3A_1335, %swap3A_1336, %swap3A_1337] {strides = array<i32>} : memref<3x32x768xf32, #tpu.memory_space<vmem>>, vector<1x1x16xf32>,
      %swap3A_1339 = vector.shape_cast %swap3A_1338 : vector<1x1x16xf32> to vector<16xf32>
      %swap3A_1340 = vector.shape_cast %get3A_1324 : vector<16xf32> to vector<1x1x16xf32>
      tpu.vector_store %arg7[%swap3A_1335, %swap3A_1336, %swap3A_1337], %swap3A_1340 {add = true, strides = array<i32>} : memref<3x32x768xf32, #tpu.memory_space<vmem>>, vector<1x1x16xf32>,
      %swap3A_1341 = arith.constant 2 : i32
      %swap3A_1342 = arith.constant 19 : i32
      %swap3A_1343 = arith.index_cast %swap3A_1341 : i32 to index
      %swap3A_1344 = arith.index_cast %swap3A_1342 : i32 to index
      %swap3A_1345 = arith.index_cast %mul3A_1210 : i32 to index
      %swap3A_1346 = tpu.vector_load %arg7[%swap3A_1343, %swap3A_1344, %swap3A_1345] {strides = array<i32>} : memref<3x32x768xf32, #tpu.memory_space<vmem>>, vector<1x1x16xf32>,
      %swap3A_1347 = vector.shape_cast %swap3A_1346 : vector<1x1x16xf32> to vector<16xf32>
      %swap3A_1348 = vector.shape_cast %get3A_1324 : vector<16xf32> to vector<1x1x16xf32>
      tpu.vector_store %arg7[%swap3A_1343, %swap3A_1344, %swap3A_1345], %swap3A_1348 {add = true, strides = array<i32>} : memref<3x32x768xf32, #tpu.memory_space<vmem>>, vector<1x1x16xf32>,
      %swap3A_1349 = arith.constant 2 : i32
      %swap3A_1350 = arith.constant 27 : i32
      %swap3A_1351 = arith.index_cast %swap3A_1349 : i32 to index
      %swap3A_1352 = arith.index_cast %swap3A_1350 : i32 to index
      %swap3A_1353 = arith.index_cast %mul3A_1210 : i32 to index
      %swap3A_1354 = tpu.vector_load %arg7[%swap3A_1351, %swap3A_1352, %swap3A_1353] {strides = array<i32>} : memref<3x32x768xf32, #tpu.memory_space<vmem>>, vector<1x1x16xf32>,
      %swap3A_1355 = vector.shape_cast %swap3A_1354 : vector<1x1x16xf32> to vector<16xf32>
      %swap3A_1356 = vector.shape_cast %get3A_1324 : vector<16xf32> to vector<1x1x16xf32>
      tpu.vector_store %arg7[%swap3A_1351, %swap3A_1352, %swap3A_1353], %swap3A_1356 {add = true, strides = array<i32>} : memref<3x32x768xf32, #tpu.memory_space<vmem>>, vector<1x1x16xf32>,
      %get3A_1357 = arith.constant 20 : i32
      %get3A_1358 = arith.index_cast %get3A_1357 : i32 to index
      %get3A_1359 = arith.index_cast %mul3A_1210 : i32 to index
      %get3A_1360 = tpu.vector_load %arg8[%get3A_1358, %get3A_1359] {strides = array<i32>} : memref<64x768xf32, #tpu.memory_space<vmem>>, vector<1x16xf32>,
      %get3A_1361 = vector.shape_cast %get3A_1360 : vector<1x16xf32> to vector<16xf32>
      %swap3A_1362 = arith.constant 2 : i32
      %swap3A_1363 = arith.constant 4 : i32
      %swap3A_1364 = arith.index_cast %swap3A_1362 : i32 to index
      %swap3A_1365 = arith.index_cast %swap3A_1363 : i32 to index
      %swap3A_1366 = arith.index_cast %mul3A_1210 : i32 to index
      %swap3A_1367 = tpu.vector_load %arg7[%swap3A_1364, %swap3A_1365, %swap3A_1366] {strides = array<i32>} : memref<3x32x768xf32, #tpu.memory_space<vmem>>, vector<1x1x16xf32>,
      %swap3A_1368 = vector.shape_cast %swap3A_1367 : vector<1x1x16xf32> to vector<16xf32>
      %swap3A_1369 = vector.shape_cast %get3A_1361 : vector<16xf32> to vector<1x1x16xf32>
      tpu.vector_store %arg7[%swap3A_1364, %swap3A_1365, %swap3A_1366], %swap3A_1369 {add = true, strides = array<i32>} : memref<3x32x768xf32, #tpu.memory_space<vmem>>, vector<1x1x16xf32>,
      %swap3A_1370 = arith.constant 2 : i32
      %swap3A_1371 = arith.constant 12 : i32
      %swap3A_1372 = arith.index_cast %swap3A_1370 : i32 to index
      %swap3A_1373 = arith.index_cast %swap3A_1371 : i32 to index
      %swap3A_1374 = arith.index_cast %mul3A_1210 : i32 to index
      %swap3A_1375 = tpu.vector_load %arg7[%swap3A_1372, %swap3A_1373, %swap3A_1374] {strides = array<i32>} : memref<3x32x768xf32, #tpu.memory_space<vmem>>, vector<1x1x16xf32>,
      %swap3A_1376 = vector.shape_cast %swap3A_1375 : vector<1x1x16xf32> to vector<16xf32>
      %swap3A_1377 = vector.shape_cast %get3A_1361 : vector<16xf32> to vector<1x1x16xf32>
      tpu.vector_store %arg7[%swap3A_1372, %swap3A_1373, %swap3A_1374], %swap3A_1377 {add = true, strides = array<i32>} : memref<3x32x768xf32, #tpu.memory_space<vmem>>, vector<1x1x16xf32>,
      %swap3A_1378 = arith.constant 2 : i32
      %swap3A_1379 = arith.constant 20 : i32
      %swap3A_1380 = arith.index_cast %swap3A_1378 : i32 to index
      %swap3A_1381 = arith.index_cast %swap3A_1379 : i32 to index
      %swap3A_1382 = arith.index_cast %mul3A_1210 : i32 to index
      %swap3A_1383 = tpu.vector_load %arg7[%swap3A_1380, %swap3A_1381, %swap3A_1382] {strides = array<i32>} : memref<3x32x768xf32, #tpu.memory_space<vmem>>, vector<1x1x16xf32>,
      %swap3A_1384 = vector.shape_cast %swap3A_1383 : vector<1x1x16xf32> to vector<16xf32>
      %swap3A_1385 = vector.shape_cast %get3A_1361 : vector<16xf32> to vector<1x1x16xf32>
      tpu.vector_store %arg7[%swap3A_1380, %swap3A_1381, %swap3A_1382], %swap3A_1385 {add = true, strides = array<i32>} : memref<3x32x768xf32, #tpu.memory_space<vmem>>, vector<1x1x16xf32>,
      %swap3A_1386 = arith.constant 2 : i32
      %swap3A_1387 = arith.constant 28 : i32
      %swap3A_1388 = arith.index_cast %swap3A_1386 : i32 to index
      %swap3A_1389 = arith.index_cast %swap3A_1387 : i32 to index
      %swap3A_1390 = arith.index_cast %mul3A_1210 : i32 to index
      %swap3A_1391 = tpu.vector_load %arg7[%swap3A_1388, %swap3A_1389, %swap3A_1390] {strides = array<i32>} : memref<3x32x768xf32, #tpu.memory_space<vmem>>, vector<1x1x16xf32>,
      %swap3A_1392 = vector.shape_cast %swap3A_1391 : vector<1x1x16xf32> to vector<16xf32>
      %swap3A_1393 = vector.shape_cast %get3A_1361 : vector<16xf32> to vector<1x1x16xf32>
      tpu.vector_store %arg7[%swap3A_1388, %swap3A_1389, %swap3A_1390], %swap3A_1393 {add = true, strides = array<i32>} : memref<3x32x768xf32, #tpu.memory_space<vmem>>, vector<1x1x16xf32>,
      %get3A_1394 = arith.constant 21 : i32
      %get3A_1395 = arith.index_cast %get3A_1394 : i32 to index
      %get3A_1396 = arith.index_cast %mul3A_1210 : i32 to index
      %get3A_1397 = tpu.vector_load %arg8[%get3A_1395, %get3A_1396] {strides = array<i32>} : memref<64x768xf32, #tpu.memory_space<vmem>>, vector<1x16xf32>,
      %get3A_1398 = vector.shape_cast %get3A_1397 : vector<1x16xf32> to vector<16xf32>
      %swap3A_1399 = arith.constant 2 : i32
      %swap3A_1400 = arith.constant 5 : i32
      %swap3A_1401 = arith.index_cast %swap3A_1399 : i32 to index
      %swap3A_1402 = arith.index_cast %swap3A_1400 : i32 to index
      %swap3A_1403 = arith.index_cast %mul3A_1210 : i32 to index
      %swap3A_1404 = tpu.vector_load %arg7[%swap3A_1401, %swap3A_1402, %swap3A_1403] {strides = array<i32>} : memref<3x32x768xf32, #tpu.memory_space<vmem>>, vector<1x1x16xf32>,
      %swap3A_1405 = vector.shape_cast %swap3A_1404 : vector<1x1x16xf32> to vector<16xf32>
      %swap3A_1406 = vector.shape_cast %get3A_1398 : vector<16xf32> to vector<1x1x16xf32>
      tpu.vector_store %arg7[%swap3A_1401, %swap3A_1402, %swap3A_1403], %swap3A_1406 {add = true, strides = array<i32>} : memref<3x32x768xf32, #tpu.memory_space<vmem>>, vector<1x1x16xf32>,
      %swap3A_1407 = arith.constant 2 : i32
      %swap3A_1408 = arith.constant 13 : i32
      %swap3A_1409 = arith.index_cast %swap3A_1407 : i32 to index
      %swap3A_1410 = arith.index_cast %swap3A_1408 : i32 to index
      %swap3A_1411 = arith.index_cast %mul3A_1210 : i32 to index
      %swap3A_1412 = tpu.vector_load %arg7[%swap3A_1409, %swap3A_1410, %swap3A_1411] {strides = array<i32>} : memref<3x32x768xf32, #tpu.memory_space<vmem>>, vector<1x1x16xf32>,
      %swap3A_1413 = vector.shape_cast %swap3A_1412 : vector<1x1x16xf32> to vector<16xf32>
      %swap3A_1414 = vector.shape_cast %get3A_1398 : vector<16xf32> to vector<1x1x16xf32>
      tpu.vector_store %arg7[%swap3A_1409, %swap3A_1410, %swap3A_1411], %swap3A_1414 {add = true, strides = array<i32>} : memref<3x32x768xf32, #tpu.memory_space<vmem>>, vector<1x1x16xf32>,
      %swap3A_1415 = arith.constant 2 : i32
      %swap3A_1416 = arith.constant 21 : i32
      %swap3A_1417 = arith.index_cast %swap3A_1415 : i32 to index
      %swap3A_1418 = arith.index_cast %swap3A_1416 : i32 to index
      %swap3A_1419 = arith.index_cast %mul3A_1210 : i32 to index
      %swap3A_1420 = tpu.vector_load %arg7[%swap3A_1417, %swap3A_1418, %swap3A_1419] {strides = array<i32>} : memref<3x32x768xf32, #tpu.memory_space<vmem>>, vector<1x1x16xf32>,
      %swap3A_1421 = vector.shape_cast %swap3A_1420 : vector<1x1x16xf32> to vector<16xf32>
      %swap3A_1422 = vector.shape_cast %get3A_1398 : vector<16xf32> to vector<1x1x16xf32>
      tpu.vector_store %arg7[%swap3A_1417, %swap3A_1418, %swap3A_1419], %swap3A_1422 {add = true, strides = array<i32>} : memref<3x32x768xf32, #tpu.memory_space<vmem>>, vector<1x1x16xf32>,
      %swap3A_1423 = arith.constant 2 : i32
      %swap3A_1424 = arith.constant 29 : i32
      %swap3A_1425 = arith.index_cast %swap3A_1423 : i32 to index
      %swap3A_1426 = arith.index_cast %swap3A_1424 : i32 to index
      %swap3A_1427 = arith.index_cast %mul3A_1210 : i32 to index
      %swap3A_1428 = tpu.vector_load %arg7[%swap3A_1425, %swap3A_1426, %swap3A_1427] {strides = array<i32>} : memref<3x32x768xf32, #tpu.memory_space<vmem>>, vector<1x1x16xf32>,
      %swap3A_1429 = vector.shape_cast %swap3A_1428 : vector<1x1x16xf32> to vector<16xf32>
      %swap3A_1430 = vector.shape_cast %get3A_1398 : vector<16xf32> to vector<1x1x16xf32>
      tpu.vector_store %arg7[%swap3A_1425, %swap3A_1426, %swap3A_1427], %swap3A_1430 {add = true, strides = array<i32>} : memref<3x32x768xf32, #tpu.memory_space<vmem>>, vector<1x1x16xf32>,
      %get3A_1431 = arith.constant 22 : i32
      %get3A_1432 = arith.index_cast %get3A_1431 : i32 to index
      %get3A_1433 = arith.index_cast %mul3A_1210 : i32 to index
      %get3A_1434 = tpu.vector_load %arg8[%get3A_1432, %get3A_1433] {strides = array<i32>} : memref<64x768xf32, #tpu.memory_space<vmem>>, vector<1x16xf32>,
      %get3A_1435 = vector.shape_cast %get3A_1434 : vector<1x16xf32> to vector<16xf32>
      %swap3A_1436 = arith.constant 2 : i32
      %swap3A_1437 = arith.constant 6 : i32
      %swap3A_1438 = arith.index_cast %swap3A_1436 : i32 to index
      %swap3A_1439 = arith.index_cast %swap3A_1437 : i32 to index
      %swap3A_1440 = arith.index_cast %mul3A_1210 : i32 to index
      %swap3A_1441 = tpu.vector_load %arg7[%swap3A_1438, %swap3A_1439, %swap3A_1440] {strides = array<i32>} : memref<3x32x768xf32, #tpu.memory_space<vmem>>, vector<1x1x16xf32>,
      %swap3A_1442 = vector.shape_cast %swap3A_1441 : vector<1x1x16xf32> to vector<16xf32>
      %swap3A_1443 = vector.shape_cast %get3A_1435 : vector<16xf32> to vector<1x1x16xf32>
      tpu.vector_store %arg7[%swap3A_1438, %swap3A_1439, %swap3A_1440], %swap3A_1443 {add = true, strides = array<i32>} : memref<3x32x768xf32, #tpu.memory_space<vmem>>, vector<1x1x16xf32>,
      %swap3A_1444 = arith.constant 2 : i32
      %swap3A_1445 = arith.constant 14 : i32
      %swap3A_1446 = arith.index_cast %swap3A_1444 : i32 to index
      %swap3A_1447 = arith.index_cast %swap3A_1445 : i32 to index
      %swap3A_1448 = arith.index_cast %mul3A_1210 : i32 to index
      %swap3A_1449 = tpu.vector_load %arg7[%swap3A_1446, %swap3A_1447, %swap3A_1448] {strides = array<i32>} : memref<3x32x768xf32, #tpu.memory_space<vmem>>, vector<1x1x16xf32>,
      %swap3A_1450 = vector.shape_cast %swap3A_1449 : vector<1x1x16xf32> to vector<16xf32>
      %swap3A_1451 = vector.shape_cast %get3A_1435 : vector<16xf32> to vector<1x1x16xf32>
      tpu.vector_store %arg7[%swap3A_1446, %swap3A_1447, %swap3A_1448], %swap3A_1451 {add = true, strides = array<i32>} : memref<3x32x768xf32, #tpu.memory_space<vmem>>, vector<1x1x16xf32>,
      %swap3A_1452 = arith.constant 2 : i32
      %swap3A_1453 = arith.constant 22 : i32
      %swap3A_1454 = arith.index_cast %swap3A_1452 : i32 to index
      %swap3A_1455 = arith.index_cast %swap3A_1453 : i32 to index
      %swap3A_1456 = arith.index_cast %mul3A_1210 : i32 to index
      %swap3A_1457 = tpu.vector_load %arg7[%swap3A_1454, %swap3A_1455, %swap3A_1456] {strides = array<i32>} : memref<3x32x768xf32, #tpu.memory_space<vmem>>, vector<1x1x16xf32>,
      %swap3A_1458 = vector.shape_cast %swap3A_1457 : vector<1x1x16xf32> to vector<16xf32>
      %swap3A_1459 = vector.shape_cast %get3A_1435 : vector<16xf32> to vector<1x1x16xf32>
      tpu.vector_store %arg7[%swap3A_1454, %swap3A_1455, %swap3A_1456], %swap3A_1459 {add = true, strides = array<i32>} : memref<3x32x768xf32, #tpu.memory_space<vmem>>, vector<1x1x16xf32>,
      %swap3A_1460 = arith.constant 2 : i32
      %swap3A_1461 = arith.constant 30 : i32
      %swap3A_1462 = arith.index_cast %swap3A_1460 : i32 to index
      %swap3A_1463 = arith.index_cast %swap3A_1461 : i32 to index
      %swap3A_1464 = arith.index_cast %mul3A_1210 : i32 to index
      %swap3A_1465 = tpu.vector_load %arg7[%swap3A_1462, %swap3A_1463, %swap3A_1464] {strides = array<i32>} : memref<3x32x768xf32, #tpu.memory_space<vmem>>, vector<1x1x16xf32>,
      %swap3A_1466 = vector.shape_cast %swap3A_1465 : vector<1x1x16xf32> to vector<16xf32>
      %swap3A_1467 = vector.shape_cast %get3A_1435 : vector<16xf32> to vector<1x1x16xf32>
      tpu.vector_store %arg7[%swap3A_1462, %swap3A_1463, %swap3A_1464], %swap3A_1467 {add = true, strides = array<i32>} : memref<3x32x768xf32, #tpu.memory_space<vmem>>, vector<1x1x16xf32>,
      %get3A_1468 = arith.constant 23 : i32
      %get3A_1469 = arith.index_cast %get3A_1468 : i32 to index
      %get3A_1470 = arith.index_cast %mul3A_1210 : i32 to index
      %get3A_1471 = tpu.vector_load %arg8[%get3A_1469, %get3A_1470] {strides = array<i32>} : memref<64x768xf32, #tpu.memory_space<vmem>>, vector<1x16xf32>,
      %get3A_1472 = vector.shape_cast %get3A_1471 : vector<1x16xf32> to vector<16xf32>
      %swap3A_1473 = arith.constant 2 : i32
      %swap3A_1474 = arith.constant 7 : i32
      %swap3A_1475 = arith.index_cast %swap3A_1473 : i32 to index
      %swap3A_1476 = arith.index_cast %swap3A_1474 : i32 to index
      %swap3A_1477 = arith.index_cast %mul3A_1210 : i32 to index
      %swap3A_1478 = tpu.vector_load %arg7[%swap3A_1475, %swap3A_1476, %swap3A_1477] {strides = array<i32>} : memref<3x32x768xf32, #tpu.memory_space<vmem>>, vector<1x1x16xf32>,
      %swap3A_1479 = vector.shape_cast %swap3A_1478 : vector<1x1x16xf32> to vector<16xf32>
      %swap3A_1480 = vector.shape_cast %get3A_1472 : vector<16xf32> to vector<1x1x16xf32>
      tpu.vector_store %arg7[%swap3A_1475, %swap3A_1476, %swap3A_1477], %swap3A_1480 {add = true, strides = array<i32>} : memref<3x32x768xf32, #tpu.memory_space<vmem>>, vector<1x1x16xf32>,
      %swap3A_1481 = arith.constant 2 : i32
      %swap3A_1482 = arith.constant 15 : i32
      %swap3A_1483 = arith.index_cast %swap3A_1481 : i32 to index
      %swap3A_1484 = arith.index_cast %swap3A_1482 : i32 to index
      %swap3A_1485 = arith.index_cast %mul3A_1210 : i32 to index
      %swap3A_1486 = tpu.vector_load %arg7[%swap3A_1483, %swap3A_1484, %swap3A_1485] {strides = array<i32>} : memref<3x32x768xf32, #tpu.memory_space<vmem>>, vector<1x1x16xf32>,
      %swap3A_1487 = vector.shape_cast %swap3A_1486 : vector<1x1x16xf32> to vector<16xf32>
      %swap3A_1488 = vector.shape_cast %get3A_1472 : vector<16xf32> to vector<1x1x16xf32>
      tpu.vector_store %arg7[%swap3A_1483, %swap3A_1484, %swap3A_1485], %swap3A_1488 {add = true, strides = array<i32>} : memref<3x32x768xf32, #tpu.memory_space<vmem>>, vector<1x1x16xf32>,
      %swap3A_1489 = arith.constant 2 : i32
      %swap3A_1490 = arith.constant 23 : i32
      %swap3A_1491 = arith.index_cast %swap3A_1489 : i32 to index
      %swap3A_1492 = arith.index_cast %swap3A_1490 : i32 to index
      %swap3A_1493 = arith.index_cast %mul3A_1210 : i32 to index
      %swap3A_1494 = tpu.vector_load %arg7[%swap3A_1491, %swap3A_1492, %swap3A_1493] {strides = array<i32>} : memref<3x32x768xf32, #tpu.memory_space<vmem>>, vector<1x1x16xf32>,
      %swap3A_1495 = vector.shape_cast %swap3A_1494 : vector<1x1x16xf32> to vector<16xf32>
      %swap3A_1496 = vector.shape_cast %get3A_1472 : vector<16xf32> to vector<1x1x16xf32>
      tpu.vector_store %arg7[%swap3A_1491, %swap3A_1492, %swap3A_1493], %swap3A_1496 {add = true, strides = array<i32>} : memref<3x32x768xf32, #tpu.memory_space<vmem>>, vector<1x1x16xf32>,
      %swap3A_1497 = arith.constant 2 : i32
      %swap3A_1498 = arith.constant 31 : i32
      %swap3A_1499 = arith.index_cast %swap3A_1497 : i32 to index
      %swap3A_1500 = arith.index_cast %swap3A_1498 : i32 to index
      %swap3A_1501 = arith.index_cast %mul3A_1210 : i32 to index
      %swap3A_1502 = tpu.vector_load %arg7[%swap3A_1499, %swap3A_1500, %swap3A_1501] {strides = array<i32>} : memref<3x32x768xf32, #tpu.memory_space<vmem>>, vector<1x1x16xf32>,
      %swap3A_1503 = vector.shape_cast %swap3A_1502 : vector<1x1x16xf32> to vector<16xf32>
      %swap3A_1504 = vector.shape_cast %get3A_1472 : vector<16xf32> to vector<1x1x16xf32>
      tpu.vector_store %arg7[%swap3A_1499, %swap3A_1500, %swap3A_1501], %swap3A_1504 {add = true, strides = array<i32>} : memref<3x32x768xf32, #tpu.memory_space<vmem>>, vector<1x1x16xf32>,
    }
    %scan3A_361 = arith.constant 48 : i32
    "tpu.trace_stop"() : () -> ()
    %add3A_362 = arith.constant 0 : i32
    %add3A_363 = arith.addi %add3A_362, %mul3A_2 : i32
    %add3A_364 = arith.constant 16 : i32
    %add3A_365 = arith.addi %add3A_363, %add3A_364 : i32
    %dma_start3A_366 = arith.constant 2 : i32
    %dma_start3A_367 = arith.constant 0 : i32
    %dma_start3A_368 = arith.constant 0 : i32
    %dma_start3A_369 = tpu.memref_slice %arg7[%dma_start3A_366, %dma_start3A_367, %dma_start3A_368] : memref<3x32x768xf32, #tpu.memory_space<vmem>> -> memref<1x8x768xf32, #tpu.memory_space<vmem>>
    %dma_start3A_370 = tpu.memref_squeeze %dma_start3A_369 : memref<1x8x768xf32, #tpu.memory_space<vmem>> -> memref<8x768xf32, #tpu.memory_space<vmem>>
    %dma_start3A_371 = arith.constant 0 : i32
    %dma_start3A_372 = tpu.memref_slice %arg5[%add3A_365, %dma_start3A_371] : memref<8192x768xf32, #tpu.memory_space<hbm>> -> memref<8x768xf32, #tpu.memory_space<hbm>>
    %dma_start3A_373 = arith.constant 0 : i32
    %dma_start3A_374 = tpu.memref_slice %arg5[%add3A_365, %dma_start3A_373] : memref<8192x768xf32, #tpu.memory_space<hbm>> -> memref<8x768xf32, #tpu.memory_space<hbm>>
    %dma_start3A_375 = arith.constant 0 : i32
    %dma_start3A_376 = arith.constant 0 : i32
    %dma_start3A_377 = tpu.memref_slice %arg7[%dma_start3A_366, %dma_start3A_375, %dma_start3A_376] : memref<3x32x768xf32, #tpu.memory_space<vmem>> -> memref<1x8x768xf32, #tpu.memory_space<vmem>>
    %dma_start3A_378 = tpu.memref_squeeze %dma_start3A_377 : memref<1x8x768xf32, #tpu.memory_space<vmem>> -> memref<8x768xf32, #tpu.memory_space<vmem>>
    tpu.enqueue_dma source(%dma_start3A_378 : memref<8x768xf32, #tpu.memory_space<vmem>>) target(%dma_start3A_374 : memref<8x768xf32, #tpu.memory_space<hbm>>) target_semaphore(%arg15 : memref<!tpu.dma_semaphore, #tpu.memory_space<semaphore_mem>>)
    %add3A_379 = arith.constant 2048 : i32
    %add3A_380 = arith.addi %add3A_379, %mul3A_2 : i32
    %add3A_381 = arith.constant 16 : i32
    %add3A_382 = arith.addi %add3A_380, %add3A_381 : i32
    %dma_start3A_383 = arith.constant 2 : i32
    %dma_start3A_384 = arith.constant 8 : i32
    %dma_start3A_385 = arith.constant 0 : i32
    %dma_start3A_386 = tpu.memref_slice %arg7[%dma_start3A_383, %dma_start3A_384, %dma_start3A_385] : memref<3x32x768xf32, #tpu.memory_space<vmem>> -> memref<1x8x768xf32, #tpu.memory_space<vmem>>
    %dma_start3A_387 = tpu.memref_squeeze %dma_start3A_386 : memref<1x8x768xf32, #tpu.memory_space<vmem>> -> memref<8x768xf32, #tpu.memory_space<vmem>>
    %dma_start3A_388 = arith.constant 0 : i32
    %dma_start3A_389 = tpu.memref_slice %arg5[%add3A_382, %dma_start3A_388] : memref<8192x768xf32, #tpu.memory_space<hbm>> -> memref<8x768xf32, #tpu.memory_space<hbm>>
    %dma_start3A_390 = arith.constant 0 : i32
    %dma_start3A_391 = tpu.memref_slice %arg5[%add3A_382, %dma_start3A_390] : memref<8192x768xf32, #tpu.memory_space<hbm>> -> memref<8x768xf32, #tpu.memory_space<hbm>>
    %dma_start3A_392 = arith.constant 8 : i32
    %dma_start3A_393 = arith.constant 0 : i32
    %dma_start3A_394 = tpu.memref_slice %arg7[%dma_start3A_383, %dma_start3A_392, %dma_start3A_393] : memref<3x32x768xf32, #tpu.memory_space<vmem>> -> memref<1x8x768xf32, #tpu.memory_space<vmem>>
    %dma_start3A_395 = tpu.memref_squeeze %dma_start3A_394 : memref<1x8x768xf32, #tpu.memory_space<vmem>> -> memref<8x768xf32, #tpu.memory_space<vmem>>
    tpu.enqueue_dma source(%dma_start3A_395 : memref<8x768xf32, #tpu.memory_space<vmem>>) target(%dma_start3A_391 : memref<8x768xf32, #tpu.memory_space<hbm>>) target_semaphore(%arg15 : memref<!tpu.dma_semaphore, #tpu.memory_space<semaphore_mem>>)
    %add3A_396 = arith.constant 4096 : i32
    %add3A_397 = arith.addi %add3A_396, %mul3A_2 : i32
    %add3A_398 = arith.constant 16 : i32
    %add3A_399 = arith.addi %add3A_397, %add3A_398 : i32
    %dma_start3A_400 = arith.constant 2 : i32
    %dma_start3A_401 = arith.constant 16 : i32
    %dma_start3A_402 = arith.constant 0 : i32
    %dma_start3A_403 = tpu.memref_slice %arg7[%dma_start3A_400, %dma_start3A_401, %dma_start3A_402] : memref<3x32x768xf32, #tpu.memory_space<vmem>> -> memref<1x8x768xf32, #tpu.memory_space<vmem>>
    %dma_start3A_404 = tpu.memref_squeeze %dma_start3A_403 : memref<1x8x768xf32, #tpu.memory_space<vmem>> -> memref<8x768xf32, #tpu.memory_space<vmem>>
    %dma_start3A_405 = arith.constant 0 : i32
    %dma_start3A_406 = tpu.memref_slice %arg5[%add3A_399, %dma_start3A_405] : memref<8192x768xf32, #tpu.memory_space<hbm>> -> memref<8x768xf32, #tpu.memory_space<hbm>>
    %dma_start3A_407 = arith.constant 0 : i32
    %dma_start3A_408 = tpu.memref_slice %arg5[%add3A_399, %dma_start3A_407] : memref<8192x768xf32, #tpu.memory_space<hbm>> -> memref<8x768xf32, #tpu.memory_space<hbm>>
    %dma_start3A_409 = arith.constant 16 : i32
    %dma_start3A_410 = arith.constant 0 : i32
    %dma_start3A_411 = tpu.memref_slice %arg7[%dma_start3A_400, %dma_start3A_409, %dma_start3A_410] : memref<3x32x768xf32, #tpu.memory_space<vmem>> -> memref<1x8x768xf32, #tpu.memory_space<vmem>>
    %dma_start3A_412 = tpu.memref_squeeze %dma_start3A_411 : memref<1x8x768xf32, #tpu.memory_space<vmem>> -> memref<8x768xf32, #tpu.memory_space<vmem>>
    tpu.enqueue_dma source(%dma_start3A_412 : memref<8x768xf32, #tpu.memory_space<vmem>>) target(%dma_start3A_408 : memref<8x768xf32, #tpu.memory_space<hbm>>) target_semaphore(%arg15 : memref<!tpu.dma_semaphore, #tpu.memory_space<semaphore_mem>>)
    %add3A_413 = arith.constant 6144 : i32
    %add3A_414 = arith.addi %add3A_413, %mul3A_2 : i32
    %add3A_415 = arith.constant 16 : i32
    %add3A_416 = arith.addi %add3A_414, %add3A_415 : i32
    %dma_start3A_417 = arith.constant 2 : i32
    %dma_start3A_418 = arith.constant 24 : i32
    %dma_start3A_419 = arith.constant 0 : i32
    %dma_start3A_420 = tpu.memref_slice %arg7[%dma_start3A_417, %dma_start3A_418, %dma_start3A_419] : memref<3x32x768xf32, #tpu.memory_space<vmem>> -> memref<1x8x768xf32, #tpu.memory_space<vmem>>
    %dma_start3A_421 = tpu.memref_squeeze %dma_start3A_420 : memref<1x8x768xf32, #tpu.memory_space<vmem>> -> memref<8x768xf32, #tpu.memory_space<vmem>>
    %dma_start3A_422 = arith.constant 0 : i32
    %dma_start3A_423 = tpu.memref_slice %arg5[%add3A_416, %dma_start3A_422] : memref<8192x768xf32, #tpu.memory_space<hbm>> -> memref<8x768xf32, #tpu.memory_space<hbm>>
    %dma_start3A_424 = arith.constant 0 : i32
    %dma_start3A_425 = tpu.memref_slice %arg5[%add3A_416, %dma_start3A_424] : memref<8192x768xf32, #tpu.memory_space<hbm>> -> memref<8x768xf32, #tpu.memory_space<hbm>>
    %dma_start3A_426 = arith.constant 24 : i32
    %dma_start3A_427 = arith.constant 0 : i32
    %dma_start3A_428 = tpu.memref_slice %arg7[%dma_start3A_417, %dma_start3A_426, %dma_start3A_427] : memref<3x32x768xf32, #tpu.memory_space<vmem>> -> memref<1x8x768xf32, #tpu.memory_space<vmem>>
    %dma_start3A_429 = tpu.memref_squeeze %dma_start3A_428 : memref<1x8x768xf32, #tpu.memory_space<vmem>> -> memref<8x768xf32, #tpu.memory_space<vmem>>
    tpu.enqueue_dma source(%dma_start3A_429 : memref<8x768xf32, #tpu.memory_space<vmem>>) target(%dma_start3A_425 : memref<8x768xf32, #tpu.memory_space<hbm>>) target_semaphore(%arg15 : memref<!tpu.dma_semaphore, #tpu.memory_space<semaphore_mem>>)
    %dma_wait3A_430 = arith.constant 2 : i32
    %dma_wait3A_431 = arith.constant 0 : i32
    %dma_wait3A_432 = arith.constant 0 : i32
    %dma_wait3A_433 = tpu.memref_slice %arg7[%dma_wait3A_430, %dma_wait3A_431, %dma_wait3A_432] : memref<3x32x768xf32, #tpu.memory_space<vmem>> -> memref<1x8x768xf32, #tpu.memory_space<vmem>>
    %dma_wait3A_434 = tpu.memref_squeeze %dma_wait3A_433 : memref<1x8x768xf32, #tpu.memory_space<vmem>> -> memref<8x768xf32, #tpu.memory_space<vmem>>
    %dma_wait3A_435 = arith.constant 0 : i32
    %dma_wait3A_436 = tpu.memref_slice %arg5[%add3A_365, %dma_wait3A_435] : memref<8192x768xf32, #tpu.memory_space<hbm>> -> memref<8x768xf32, #tpu.memory_space<hbm>>
    %dma_wait3A_437 = arith.constant 0 : i32
    %dma_wait3A_438 = tpu.memref_slice %arg5[%add3A_365, %dma_wait3A_437] : memref<8192x768xf32, #tpu.memory_space<hbm>> -> memref<8x768xf32, #tpu.memory_space<hbm>>
    %dma_wait3A_439 = arith.constant 0 : i32
    %dma_wait3A_440 = arith.constant 0 : i32
    %dma_wait3A_441 = tpu.memref_slice %arg7[%dma_wait3A_430, %dma_wait3A_439, %dma_wait3A_440] : memref<3x32x768xf32, #tpu.memory_space<vmem>> -> memref<1x8x768xf32, #tpu.memory_space<vmem>>
    %dma_wait3A_442 = tpu.memref_squeeze %dma_wait3A_441 : memref<1x8x768xf32, #tpu.memory_space<vmem>> -> memref<8x768xf32, #tpu.memory_space<vmem>>
    tpu.wait_dma2 semaphore(%arg15 : memref<!tpu.dma_semaphore, #tpu.memory_space<semaphore_mem>>) src(%dma_wait3A_442 : memref<8x768xf32, #tpu.memory_space<vmem>>) dst(%dma_wait3A_438 : memref<8x768xf32, #tpu.memory_space<hbm>>)
    %dma_wait3A_443 = arith.constant 2 : i32
    %dma_wait3A_444 = arith.constant 8 : i32
    %dma_wait3A_445 = arith.constant 0 : i32
    %dma_wait3A_446 = tpu.memref_slice %arg7[%dma_wait3A_443, %dma_wait3A_444, %dma_wait3A_445] : memref<3x32x768xf32, #tpu.memory_space<vmem>> -> memref<1x8x768xf32, #tpu.memory_space<vmem>>
    %dma_wait3A_447 = tpu.memref_squeeze %dma_wait3A_446 : memref<1x8x768xf32, #tpu.memory_space<vmem>> -> memref<8x768xf32, #tpu.memory_space<vmem>>
    %dma_wait3A_448 = arith.constant 0 : i32
    %dma_wait3A_449 = tpu.memref_slice %arg5[%add3A_382, %dma_wait3A_448] : memref<8192x768xf32, #tpu.memory_space<hbm>> -> memref<8x768xf32, #tpu.memory_space<hbm>>
    %dma_wait3A_450 = arith.constant 0 : i32
    %dma_wait3A_451 = tpu.memref_slice %arg5[%add3A_382, %dma_wait3A_450] : memref<8192x768xf32, #tpu.memory_space<hbm>> -> memref<8x768xf32, #tpu.memory_space<hbm>>
    %dma_wait3A_452 = arith.constant 8 : i32
    %dma_wait3A_453 = arith.constant 0 : i32
    %dma_wait3A_454 = tpu.memref_slice %arg7[%dma_wait3A_443, %dma_wait3A_452, %dma_wait3A_453] : memref<3x32x768xf32, #tpu.memory_space<vmem>> -> memref<1x8x768xf32, #tpu.memory_space<vmem>>
    %dma_wait3A_455 = tpu.memref_squeeze %dma_wait3A_454 : memref<1x8x768xf32, #tpu.memory_space<vmem>> -> memref<8x768xf32, #tpu.memory_space<vmem>>
    tpu.wait_dma2 semaphore(%arg15 : memref<!tpu.dma_semaphore, #tpu.memory_space<semaphore_mem>>) src(%dma_wait3A_455 : memref<8x768xf32, #tpu.memory_space<vmem>>) dst(%dma_wait3A_451 : memref<8x768xf32, #tpu.memory_space<hbm>>)
    %dma_wait3A_456 = arith.constant 2 : i32
    %dma_wait3A_457 = arith.constant 16 : i32
    %dma_wait3A_458 = arith.constant 0 : i32
    %dma_wait3A_459 = tpu.memref_slice %arg7[%dma_wait3A_456, %dma_wait3A_457, %dma_wait3A_458] : memref<3x32x768xf32, #tpu.memory_space<vmem>> -> memref<1x8x768xf32, #tpu.memory_space<vmem>>
    %dma_wait3A_460 = tpu.memref_squeeze %dma_wait3A_459 : memref<1x8x768xf32, #tpu.memory_space<vmem>> -> memref<8x768xf32, #tpu.memory_space<vmem>>
    %dma_wait3A_461 = arith.constant 0 : i32
    %dma_wait3A_462 = tpu.memref_slice %arg5[%add3A_399, %dma_wait3A_461] : memref<8192x768xf32, #tpu.memory_space<hbm>> -> memref<8x768xf32, #tpu.memory_space<hbm>>
    %dma_wait3A_463 = arith.constant 0 : i32
    %dma_wait3A_464 = tpu.memref_slice %arg5[%add3A_399, %dma_wait3A_463] : memref<8192x768xf32, #tpu.memory_space<hbm>> -> memref<8x768xf32, #tpu.memory_space<hbm>>
    %dma_wait3A_465 = arith.constant 16 : i32
    %dma_wait3A_466 = arith.constant 0 : i32
    %dma_wait3A_467 = tpu.memref_slice %arg7[%dma_wait3A_456, %dma_wait3A_465, %dma_wait3A_466] : memref<3x32x768xf32, #tpu.memory_space<vmem>> -> memref<1x8x768xf32, #tpu.memory_space<vmem>>
    %dma_wait3A_468 = tpu.memref_squeeze %dma_wait3A_467 : memref<1x8x768xf32, #tpu.memory_space<vmem>> -> memref<8x768xf32, #tpu.memory_space<vmem>>
    tpu.wait_dma2 semaphore(%arg15 : memref<!tpu.dma_semaphore, #tpu.memory_space<semaphore_mem>>) src(%dma_wait3A_468 : memref<8x768xf32, #tpu.memory_space<vmem>>) dst(%dma_wait3A_464 : memref<8x768xf32, #tpu.memory_space<hbm>>)
    %dma_wait3A_469 = arith.constant 2 : i32
    %dma_wait3A_470 = arith.constant 24 : i32
    %dma_wait3A_471 = arith.constant 0 : i32
    %dma_wait3A_472 = tpu.memref_slice %arg7[%dma_wait3A_469, %dma_wait3A_470, %dma_wait3A_471] : memref<3x32x768xf32, #tpu.memory_space<vmem>> -> memref<1x8x768xf32, #tpu.memory_space<vmem>>
    %dma_wait3A_473 = tpu.memref_squeeze %dma_wait3A_472 : memref<1x8x768xf32, #tpu.memory_space<vmem>> -> memref<8x768xf32, #tpu.memory_space<vmem>>
    %dma_wait3A_474 = arith.constant 0 : i32
    %dma_wait3A_475 = tpu.memref_slice %arg5[%add3A_416, %dma_wait3A_474] : memref<8192x768xf32, #tpu.memory_space<hbm>> -> memref<8x768xf32, #tpu.memory_space<hbm>>
    %dma_wait3A_476 = arith.constant 0 : i32
    %dma_wait3A_477 = tpu.memref_slice %arg5[%add3A_416, %dma_wait3A_476] : memref<8192x768xf32, #tpu.memory_space<hbm>> -> memref<8x768xf32, #tpu.memory_space<hbm>>
    %dma_wait3A_478 = arith.constant 24 : i32
    %dma_wait3A_479 = arith.constant 0 : i32
    %dma_wait3A_480 = tpu.memref_slice %arg7[%dma_wait3A_469, %dma_wait3A_478, %dma_wait3A_479] : memref<3x32x768xf32, #tpu.memory_space<vmem>> -> memref<1x8x768xf32, #tpu.memory_space<vmem>>
    %dma_wait3A_481 = tpu.memref_squeeze %dma_wait3A_480 : memref<1x8x768xf32, #tpu.memory_space<vmem>> -> memref<8x768xf32, #tpu.memory_space<vmem>>
    tpu.wait_dma2 semaphore(%arg15 : memref<!tpu.dma_semaphore, #tpu.memory_space<semaphore_mem>>) src(%dma_wait3A_481 : memref<8x768xf32, #tpu.memory_space<vmem>>) dst(%dma_wait3A_477 : memref<8x768xf32, #tpu.memory_space<hbm>>)
    %dma_start3A_482 = arith.constant 5 : i32
    %dma_start3A_483 = arith.constant 2 : i32
    %dma_start3A_484 = arith.constant 0 : i32
    %dma_start3A_485 = arith.constant 0 : i32
    %dma_start3A_486 = tpu.memref_slice %arg7[%dma_start3A_483, %dma_start3A_484, %dma_start3A_485] : memref<3x32x768xf32, #tpu.memory_space<vmem>> -> memref<1x32x768xf32, #tpu.memory_space<vmem>>
    %dma_start3A_487 = tpu.memref_squeeze %dma_start3A_486 : memref<1x32x768xf32, #tpu.memory_space<vmem>> -> memref<32x768xf32, #tpu.memory_space<vmem>>
    %dma_start3A_488 = arith.constant 0 : i32
    %dma_start3A_489 = tpu.memref_slice %arg6[%dma_start3A_482, %dma_start3A_488] : memref<8x32xi32, #tpu.memory_space<vmem>> -> memref<1x32xi32, #tpu.memory_space<vmem>>
    %dma_start3A_490 = tpu.memref_squeeze %dma_start3A_489 : memref<1x32xi32, #tpu.memory_space<vmem>> -> memref<32xi32, #tpu.memory_space<vmem>>
    %dma_start3A_491 = arith.constant 0 : i32
    %dma_start3A_492 = arith.constant 0 : i32
    %dma_start3A_493 = tpu.memref_slice %arg3[%dma_start3A_491, %dma_start3A_492] : memref<100000x768xf32, #tpu.memory_space<hbm>> -> memref<100000x768xf32, #tpu.memory_space<hbm>>
    tpu.enqueue_indirect_dma source(%dma_start3A_493 : memref<100000x768xf32, #tpu.memory_space<hbm>>) target(%dma_start3A_487 : memref<32x768xf32, #tpu.memory_space<vmem>>) offsets(%dma_start3A_490 : memref<32xi32, #tpu.memory_space<vmem>>) semaphore(%arg12 : memref<!tpu.dma_semaphore, #tpu.memory_space<semaphore_mem>>)
    %dma_wait3A_494 = arith.constant 3 : i32
    %dma_wait3A_495 = arith.constant 0 : i32
    "tpu.trace_start"() <{level = 10 : i32, message = "wait_in"}> : () -> ()
    %dma_wait3A_496 = arith.constant 0 : i32
    %dma_wait3A_497 = arith.constant 0 : i32
    %dma_wait3A_498 = tpu.memref_slice %arg7[%dma_wait3A_495, %dma_wait3A_496, %dma_wait3A_497] : memref<3x32x768xf32, #tpu.memory_space<vmem>> -> memref<1x32x768xf32, #tpu.memory_space<vmem>>
    %dma_wait3A_499 = tpu.memref_squeeze %dma_wait3A_498 : memref<1x32x768xf32, #tpu.memory_space<vmem>> -> memref<32x768xf32, #tpu.memory_space<vmem>>
    %dma_wait3A_500 = arith.constant 0 : i32
    %dma_wait3A_501 = tpu.memref_slice %arg6[%dma_wait3A_494, %dma_wait3A_500] : memref<8x32xi32, #tpu.memory_space<vmem>> -> memref<1x32xi32, #tpu.memory_space<vmem>>
    %dma_wait3A_502 = tpu.memref_squeeze %dma_wait3A_501 : memref<1x32xi32, #tpu.memory_space<vmem>> -> memref<32xi32, #tpu.memory_space<vmem>>
    %dma_wait3A_503 = arith.constant 0 : i32
    %dma_wait3A_504 = arith.constant 0 : i32
    %dma_wait3A_505 = tpu.memref_slice %arg3[%dma_wait3A_503, %dma_wait3A_504] : memref<100000x768xf32, #tpu.memory_space<hbm>> -> memref<100000x768xf32, #tpu.memory_space<hbm>>
    tpu.wait_indirect_dma semaphore(%arg10 : memref<!tpu.dma_semaphore, #tpu.memory_space<semaphore_mem>>) src(%dma_wait3A_505 : memref<100000x768xf32, #tpu.memory_space<hbm>>) dst(%dma_wait3A_499 : memref<32x768xf32, #tpu.memory_space<vmem>>)
    "tpu.trace_stop"() : () -> ()
    "tpu.trace_start"() <{level = 10 : i32, message = "add"}> : () -> ()
    %scan3A_506 = arith.constant 0 : i32
    %scan3A_507 = arith.constant 0 : i32
    %scan3A_508 = arith.constant 48 : i32
    %scan3A_509 = arith.addi %scan3A_507, %scan3A_508 : i32
    %scan3A_510 = arith.constant 1 : i32
    scf.for %scan3A_1208 = %scan3A_507 to %scan3A_509 step %scan3A_510  : i32 {
      %mul3A_1209 = arith.constant 16 : i32
      %mul3A_1210 = arith.muli %scan3A_1208, %mul3A_1209 : i32
      %get3A = arith.constant 24 : i32
      %get3A_1211 = arith.index_cast %get3A : i32 to index
      %get3A_1212 = arith.index_cast %mul3A_1210 : i32 to index
      %get3A_1213 = tpu.vector_load %arg8[%get3A_1211, %get3A_1212] {strides = array<i32>} : memref<64x768xf32, #tpu.memory_space<vmem>>, vector<1x16xf32>,
      %get3A_1214 = vector.shape_cast %get3A_1213 : vector<1x16xf32> to vector<16xf32>
      %swap3A = arith.constant 0 : i32
      %swap3A_1215 = arith.constant 0 : i32
      %swap3A_1216 = arith.index_cast %swap3A : i32 to index
      %swap3A_1217 = arith.index_cast %swap3A_1215 : i32 to index
      %swap3A_1218 = arith.index_cast %mul3A_1210 : i32 to index
      %swap3A_1219 = tpu.vector_load %arg7[%swap3A_1216, %swap3A_1217, %swap3A_1218] {strides = array<i32>} : memref<3x32x768xf32, #tpu.memory_space<vmem>>, vector<1x1x16xf32>,
      %swap3A_1220 = vector.shape_cast %swap3A_1219 : vector<1x1x16xf32> to vector<16xf32>
      %swap3A_1221 = vector.shape_cast %get3A_1214 : vector<16xf32> to vector<1x1x16xf32>
      tpu.vector_store %arg7[%swap3A_1216, %swap3A_1217, %swap3A_1218], %swap3A_1221 {add = true, strides = array<i32>} : memref<3x32x768xf32, #tpu.memory_space<vmem>>, vector<1x1x16xf32>,
      %swap3A_1222 = arith.constant 0 : i32
      %swap3A_1223 = arith.constant 8 : i32
      %swap3A_1224 = arith.index_cast %swap3A_1222 : i32 to index
      %swap3A_1225 = arith.index_cast %swap3A_1223 : i32 to index
      %swap3A_1226 = arith.index_cast %mul3A_1210 : i32 to index
      %swap3A_1227 = tpu.vector_load %arg7[%swap3A_1224, %swap3A_1225, %swap3A_1226] {strides = array<i32>} : memref<3x32x768xf32, #tpu.memory_space<vmem>>, vector<1x1x16xf32>,
      %swap3A_1228 = vector.shape_cast %swap3A_1227 : vector<1x1x16xf32> to vector<16xf32>
      %swap3A_1229 = vector.shape_cast %get3A_1214 : vector<16xf32> to vector<1x1x16xf32>
      tpu.vector_store %arg7[%swap3A_1224, %swap3A_1225, %swap3A_1226], %swap3A_1229 {add = true, strides = array<i32>} : memref<3x32x768xf32, #tpu.memory_space<vmem>>, vector<1x1x16xf32>,
      %swap3A_1230 = arith.constant 0 : i32
      %swap3A_1231 = arith.constant 16 : i32
      %swap3A_1232 = arith.index_cast %swap3A_1230 : i32 to index
      %swap3A_1233 = arith.index_cast %swap3A_1231 : i32 to index
      %swap3A_1234 = arith.index_cast %mul3A_1210 : i32 to index
      %swap3A_1235 = tpu.vector_load %arg7[%swap3A_1232, %swap3A_1233, %swap3A_1234] {strides = array<i32>} : memref<3x32x768xf32, #tpu.memory_space<vmem>>, vector<1x1x16xf32>,
      %swap3A_1236 = vector.shape_cast %swap3A_1235 : vector<1x1x16xf32> to vector<16xf32>
      %swap3A_1237 = vector.shape_cast %get3A_1214 : vector<16xf32> to vector<1x1x16xf32>
      tpu.vector_store %arg7[%swap3A_1232, %swap3A_1233, %swap3A_1234], %swap3A_1237 {add = true, strides = array<i32>} : memref<3x32x768xf32, #tpu.memory_space<vmem>>, vector<1x1x16xf32>,
      %swap3A_1238 = arith.constant 0 : i32
      %swap3A_1239 = arith.constant 24 : i32
      %swap3A_1240 = arith.index_cast %swap3A_1238 : i32 to index
      %swap3A_1241 = arith.index_cast %swap3A_1239 : i32 to index
      %swap3A_1242 = arith.index_cast %mul3A_1210 : i32 to index
      %swap3A_1243 = tpu.vector_load %arg7[%swap3A_1240, %swap3A_1241, %swap3A_1242] {strides = array<i32>} : memref<3x32x768xf32, #tpu.memory_space<vmem>>, vector<1x1x16xf32>,
      %swap3A_1244 = vector.shape_cast %swap3A_1243 : vector<1x1x16xf32> to vector<16xf32>
      %swap3A_1245 = vector.shape_cast %get3A_1214 : vector<16xf32> to vector<1x1x16xf32>
      tpu.vector_store %arg7[%swap3A_1240, %swap3A_1241, %swap3A_1242], %swap3A_1245 {add = true, strides = array<i32>} : memref<3x32x768xf32, #tpu.memory_space<vmem>>, vector<1x1x16xf32>,
      %get3A_1246 = arith.constant 25 : i32
      %get3A_1247 = arith.index_cast %get3A_1246 : i32 to index
      %get3A_1248 = arith.index_cast %mul3A_1210 : i32 to index
      %get3A_1249 = tpu.vector_load %arg8[%get3A_1247, %get3A_1248] {strides = array<i32>} : memref<64x768xf32, #tpu.memory_space<vmem>>, vector<1x16xf32>,
      %get3A_1250 = vector.shape_cast %get3A_1249 : vector<1x16xf32> to vector<16xf32>
      %swap3A_1251 = arith.constant 0 : i32
      %swap3A_1252 = arith.constant 1 : i32
      %swap3A_1253 = arith.index_cast %swap3A_1251 : i32 to index
      %swap3A_1254 = arith.index_cast %swap3A_1252 : i32 to index
      %swap3A_1255 = arith.index_cast %mul3A_1210 : i32 to index
      %swap3A_1256 = tpu.vector_load %arg7[%swap3A_1253, %swap3A_1254, %swap3A_1255] {strides = array<i32>} : memref<3x32x768xf32, #tpu.memory_space<vmem>>, vector<1x1x16xf32>,
      %swap3A_1257 = vector.shape_cast %swap3A_1256 : vector<1x1x16xf32> to vector<16xf32>
      %swap3A_1258 = vector.shape_cast %get3A_1250 : vector<16xf32> to vector<1x1x16xf32>
      tpu.vector_store %arg7[%swap3A_1253, %swap3A_1254, %swap3A_1255], %swap3A_1258 {add = true, strides = array<i32>} : memref<3x32x768xf32, #tpu.memory_space<vmem>>, vector<1x1x16xf32>,
      %swap3A_1259 = arith.constant 0 : i32
      %swap3A_1260 = arith.constant 9 : i32
      %swap3A_1261 = arith.index_cast %swap3A_1259 : i32 to index
      %swap3A_1262 = arith.index_cast %swap3A_1260 : i32 to index
      %swap3A_1263 = arith.index_cast %mul3A_1210 : i32 to index
      %swap3A_1264 = tpu.vector_load %arg7[%swap3A_1261, %swap3A_1262, %swap3A_1263] {strides = array<i32>} : memref<3x32x768xf32, #tpu.memory_space<vmem>>, vector<1x1x16xf32>,
      %swap3A_1265 = vector.shape_cast %swap3A_1264 : vector<1x1x16xf32> to vector<16xf32>
      %swap3A_1266 = vector.shape_cast %get3A_1250 : vector<16xf32> to vector<1x1x16xf32>
      tpu.vector_store %arg7[%swap3A_1261, %swap3A_1262, %swap3A_1263], %swap3A_1266 {add = true, strides = array<i32>} : memref<3x32x768xf32, #tpu.memory_space<vmem>>, vector<1x1x16xf32>,
      %swap3A_1267 = arith.constant 0 : i32
      %swap3A_1268 = arith.constant 17 : i32
      %swap3A_1269 = arith.index_cast %swap3A_1267 : i32 to index
      %swap3A_1270 = arith.index_cast %swap3A_1268 : i32 to index
      %swap3A_1271 = arith.index_cast %mul3A_1210 : i32 to index
      %swap3A_1272 = tpu.vector_load %arg7[%swap3A_1269, %swap3A_1270, %swap3A_1271] {strides = array<i32>} : memref<3x32x768xf32, #tpu.memory_space<vmem>>, vector<1x1x16xf32>,
      %swap3A_1273 = vector.shape_cast %swap3A_1272 : vector<1x1x16xf32> to vector<16xf32>
      %swap3A_1274 = vector.shape_cast %get3A_1250 : vector<16xf32> to vector<1x1x16xf32>
      tpu.vector_store %arg7[%swap3A_1269, %swap3A_1270, %swap3A_1271], %swap3A_1274 {add = true, strides = array<i32>} : memref<3x32x768xf32, #tpu.memory_space<vmem>>, vector<1x1x16xf32>,
      %swap3A_1275 = arith.constant 0 : i32
      %swap3A_1276 = arith.constant 25 : i32
      %swap3A_1277 = arith.index_cast %swap3A_1275 : i32 to index
      %swap3A_1278 = arith.index_cast %swap3A_1276 : i32 to index
      %swap3A_1279 = arith.index_cast %mul3A_1210 : i32 to index
      %swap3A_1280 = tpu.vector_load %arg7[%swap3A_1277, %swap3A_1278, %swap3A_1279] {strides = array<i32>} : memref<3x32x768xf32, #tpu.memory_space<vmem>>, vector<1x1x16xf32>,
      %swap3A_1281 = vector.shape_cast %swap3A_1280 : vector<1x1x16xf32> to vector<16xf32>
      %swap3A_1282 = vector.shape_cast %get3A_1250 : vector<16xf32> to vector<1x1x16xf32>
      tpu.vector_store %arg7[%swap3A_1277, %swap3A_1278, %swap3A_1279], %swap3A_1282 {add = true, strides = array<i32>} : memref<3x32x768xf32, #tpu.memory_space<vmem>>, vector<1x1x16xf32>,
      %get3A_1283 = arith.constant 26 : i32
      %get3A_1284 = arith.index_cast %get3A_1283 : i32 to index
      %get3A_1285 = arith.index_cast %mul3A_1210 : i32 to index
      %get3A_1286 = tpu.vector_load %arg8[%get3A_1284, %get3A_1285] {strides = array<i32>} : memref<64x768xf32, #tpu.memory_space<vmem>>, vector<1x16xf32>,
      %get3A_1287 = vector.shape_cast %get3A_1286 : vector<1x16xf32> to vector<16xf32>
      %swap3A_1288 = arith.constant 0 : i32
      %swap3A_1289 = arith.constant 2 : i32
      %swap3A_1290 = arith.index_cast %swap3A_1288 : i32 to index
      %swap3A_1291 = arith.index_cast %swap3A_1289 : i32 to index
      %swap3A_1292 = arith.index_cast %mul3A_1210 : i32 to index
      %swap3A_1293 = tpu.vector_load %arg7[%swap3A_1290, %swap3A_1291, %swap3A_1292] {strides = array<i32>} : memref<3x32x768xf32, #tpu.memory_space<vmem>>, vector<1x1x16xf32>,
      %swap3A_1294 = vector.shape_cast %swap3A_1293 : vector<1x1x16xf32> to vector<16xf32>
      %swap3A_1295 = vector.shape_cast %get3A_1287 : vector<16xf32> to vector<1x1x16xf32>
      tpu.vector_store %arg7[%swap3A_1290, %swap3A_1291, %swap3A_1292], %swap3A_1295 {add = true, strides = array<i32>} : memref<3x32x768xf32, #tpu.memory_space<vmem>>, vector<1x1x16xf32>,
      %swap3A_1296 = arith.constant 0 : i32
      %swap3A_1297 = arith.constant 10 : i32
      %swap3A_1298 = arith.index_cast %swap3A_1296 : i32 to index
      %swap3A_1299 = arith.index_cast %swap3A_1297 : i32 to index
      %swap3A_1300 = arith.index_cast %mul3A_1210 : i32 to index
      %swap3A_1301 = tpu.vector_load %arg7[%swap3A_1298, %swap3A_1299, %swap3A_1300] {strides = array<i32>} : memref<3x32x768xf32, #tpu.memory_space<vmem>>, vector<1x1x16xf32>,
      %swap3A_1302 = vector.shape_cast %swap3A_1301 : vector<1x1x16xf32> to vector<16xf32>
      %swap3A_1303 = vector.shape_cast %get3A_1287 : vector<16xf32> to vector<1x1x16xf32>
      tpu.vector_store %arg7[%swap3A_1298, %swap3A_1299, %swap3A_1300], %swap3A_1303 {add = true, strides = array<i32>} : memref<3x32x768xf32, #tpu.memory_space<vmem>>, vector<1x1x16xf32>,
      %swap3A_1304 = arith.constant 0 : i32
      %swap3A_1305 = arith.constant 18 : i32
      %swap3A_1306 = arith.index_cast %swap3A_1304 : i32 to index
      %swap3A_1307 = arith.index_cast %swap3A_1305 : i32 to index
      %swap3A_1308 = arith.index_cast %mul3A_1210 : i32 to index
      %swap3A_1309 = tpu.vector_load %arg7[%swap3A_1306, %swap3A_1307, %swap3A_1308] {strides = array<i32>} : memref<3x32x768xf32, #tpu.memory_space<vmem>>, vector<1x1x16xf32>,
      %swap3A_1310 = vector.shape_cast %swap3A_1309 : vector<1x1x16xf32> to vector<16xf32>
      %swap3A_1311 = vector.shape_cast %get3A_1287 : vector<16xf32> to vector<1x1x16xf32>
      tpu.vector_store %arg7[%swap3A_1306, %swap3A_1307, %swap3A_1308], %swap3A_1311 {add = true, strides = array<i32>} : memref<3x32x768xf32, #tpu.memory_space<vmem>>, vector<1x1x16xf32>,
      %swap3A_1312 = arith.constant 0 : i32
      %swap3A_1313 = arith.constant 26 : i32
      %swap3A_1314 = arith.index_cast %swap3A_1312 : i32 to index
      %swap3A_1315 = arith.index_cast %swap3A_1313 : i32 to index
      %swap3A_1316 = arith.index_cast %mul3A_1210 : i32 to index
      %swap3A_1317 = tpu.vector_load %arg7[%swap3A_1314, %swap3A_1315, %swap3A_1316] {strides = array<i32>} : memref<3x32x768xf32, #tpu.memory_space<vmem>>, vector<1x1x16xf32>,
      %swap3A_1318 = vector.shape_cast %swap3A_1317 : vector<1x1x16xf32> to vector<16xf32>
      %swap3A_1319 = vector.shape_cast %get3A_1287 : vector<16xf32> to vector<1x1x16xf32>
      tpu.vector_store %arg7[%swap3A_1314, %swap3A_1315, %swap3A_1316], %swap3A_1319 {add = true, strides = array<i32>} : memref<3x32x768xf32, #tpu.memory_space<vmem>>, vector<1x1x16xf32>,
      %get3A_1320 = arith.constant 27 : i32
      %get3A_1321 = arith.index_cast %get3A_1320 : i32 to index
      %get3A_1322 = arith.index_cast %mul3A_1210 : i32 to index
      %get3A_1323 = tpu.vector_load %arg8[%get3A_1321, %get3A_1322] {strides = array<i32>} : memref<64x768xf32, #tpu.memory_space<vmem>>, vector<1x16xf32>,
      %get3A_1324 = vector.shape_cast %get3A_1323 : vector<1x16xf32> to vector<16xf32>
      %swap3A_1325 = arith.constant 0 : i32
      %swap3A_1326 = arith.constant 3 : i32
      %swap3A_1327 = arith.index_cast %swap3A_1325 : i32 to index
      %swap3A_1328 = arith.index_cast %swap3A_1326 : i32 to index
      %swap3A_1329 = arith.index_cast %mul3A_1210 : i32 to index
      %swap3A_1330 = tpu.vector_load %arg7[%swap3A_1327, %swap3A_1328, %swap3A_1329] {strides = array<i32>} : memref<3x32x768xf32, #tpu.memory_space<vmem>>, vector<1x1x16xf32>,
      %swap3A_1331 = vector.shape_cast %swap3A_1330 : vector<1x1x16xf32> to vector<16xf32>
      %swap3A_1332 = vector.shape_cast %get3A_1324 : vector<16xf32> to vector<1x1x16xf32>
      tpu.vector_store %arg7[%swap3A_1327, %swap3A_1328, %swap3A_1329], %swap3A_1332 {add = true, strides = array<i32>} : memref<3x32x768xf32, #tpu.memory_space<vmem>>, vector<1x1x16xf32>,
      %swap3A_1333 = arith.constant 0 : i32
      %swap3A_1334 = arith.constant 11 : i32
      %swap3A_1335 = arith.index_cast %swap3A_1333 : i32 to index
      %swap3A_1336 = arith.index_cast %swap3A_1334 : i32 to index
      %swap3A_1337 = arith.index_cast %mul3A_1210 : i32 to index
      %swap3A_1338 = tpu.vector_load %arg7[%swap3A_1335, %swap3A_1336, %swap3A_1337] {strides = array<i32>} : memref<3x32x768xf32, #tpu.memory_space<vmem>>, vector<1x1x16xf32>,
      %swap3A_1339 = vector.shape_cast %swap3A_1338 : vector<1x1x16xf32> to vector<16xf32>
      %swap3A_1340 = vector.shape_cast %get3A_1324 : vector<16xf32> to vector<1x1x16xf32>
      tpu.vector_store %arg7[%swap3A_1335, %swap3A_1336, %swap3A_1337], %swap3A_1340 {add = true, strides = array<i32>} : memref<3x32x768xf32, #tpu.memory_space<vmem>>, vector<1x1x16xf32>,
      %swap3A_1341 = arith.constant 0 : i32
      %swap3A_1342 = arith.constant 19 : i32
      %swap3A_1343 = arith.index_cast %swap3A_1341 : i32 to index
      %swap3A_1344 = arith.index_cast %swap3A_1342 : i32 to index
      %swap3A_1345 = arith.index_cast %mul3A_1210 : i32 to index
      %swap3A_1346 = tpu.vector_load %arg7[%swap3A_1343, %swap3A_1344, %swap3A_1345] {strides = array<i32>} : memref<3x32x768xf32, #tpu.memory_space<vmem>>, vector<1x1x16xf32>,
      %swap3A_1347 = vector.shape_cast %swap3A_1346 : vector<1x1x16xf32> to vector<16xf32>
      %swap3A_1348 = vector.shape_cast %get3A_1324 : vector<16xf32> to vector<1x1x16xf32>
      tpu.vector_store %arg7[%swap3A_1343, %swap3A_1344, %swap3A_1345], %swap3A_1348 {add = true, strides = array<i32>} : memref<3x32x768xf32, #tpu.memory_space<vmem>>, vector<1x1x16xf32>,
      %swap3A_1349 = arith.constant 0 : i32
      %swap3A_1350 = arith.constant 27 : i32
      %swap3A_1351 = arith.index_cast %swap3A_1349 : i32 to index
      %swap3A_1352 = arith.index_cast %swap3A_1350 : i32 to index
      %swap3A_1353 = arith.index_cast %mul3A_1210 : i32 to index
      %swap3A_1354 = tpu.vector_load %arg7[%swap3A_1351, %swap3A_1352, %swap3A_1353] {strides = array<i32>} : memref<3x32x768xf32, #tpu.memory_space<vmem>>, vector<1x1x16xf32>,
      %swap3A_1355 = vector.shape_cast %swap3A_1354 : vector<1x1x16xf32> to vector<16xf32>
      %swap3A_1356 = vector.shape_cast %get3A_1324 : vector<16xf32> to vector<1x1x16xf32>
      tpu.vector_store %arg7[%swap3A_1351, %swap3A_1352, %swap3A_1353], %swap3A_1356 {add = true, strides = array<i32>} : memref<3x32x768xf32, #tpu.memory_space<vmem>>, vector<1x1x16xf32>,
      %get3A_1357 = arith.constant 28 : i32
      %get3A_1358 = arith.index_cast %get3A_1357 : i32 to index
      %get3A_1359 = arith.index_cast %mul3A_1210 : i32 to index
      %get3A_1360 = tpu.vector_load %arg8[%get3A_1358, %get3A_1359] {strides = array<i32>} : memref<64x768xf32, #tpu.memory_space<vmem>>, vector<1x16xf32>,
      %get3A_1361 = vector.shape_cast %get3A_1360 : vector<1x16xf32> to vector<16xf32>
      %swap3A_1362 = arith.constant 0 : i32
      %swap3A_1363 = arith.constant 4 : i32
      %swap3A_1364 = arith.index_cast %swap3A_1362 : i32 to index
      %swap3A_1365 = arith.index_cast %swap3A_1363 : i32 to index
      %swap3A_1366 = arith.index_cast %mul3A_1210 : i32 to index
      %swap3A_1367 = tpu.vector_load %arg7[%swap3A_1364, %swap3A_1365, %swap3A_1366] {strides = array<i32>} : memref<3x32x768xf32, #tpu.memory_space<vmem>>, vector<1x1x16xf32>,
      %swap3A_1368 = vector.shape_cast %swap3A_1367 : vector<1x1x16xf32> to vector<16xf32>
      %swap3A_1369 = vector.shape_cast %get3A_1361 : vector<16xf32> to vector<1x1x16xf32>
      tpu.vector_store %arg7[%swap3A_1364, %swap3A_1365, %swap3A_1366], %swap3A_1369 {add = true, strides = array<i32>} : memref<3x32x768xf32, #tpu.memory_space<vmem>>, vector<1x1x16xf32>,
      %swap3A_1370 = arith.constant 0 : i32
      %swap3A_1371 = arith.constant 12 : i32
      %swap3A_1372 = arith.index_cast %swap3A_1370 : i32 to index
      %swap3A_1373 = arith.index_cast %swap3A_1371 : i32 to index
      %swap3A_1374 = arith.index_cast %mul3A_1210 : i32 to index
      %swap3A_1375 = tpu.vector_load %arg7[%swap3A_1372, %swap3A_1373, %swap3A_1374] {strides = array<i32>} : memref<3x32x768xf32, #tpu.memory_space<vmem>>, vector<1x1x16xf32>,
      %swap3A_1376 = vector.shape_cast %swap3A_1375 : vector<1x1x16xf32> to vector<16xf32>
      %swap3A_1377 = vector.shape_cast %get3A_1361 : vector<16xf32> to vector<1x1x16xf32>
      tpu.vector_store %arg7[%swap3A_1372, %swap3A_1373, %swap3A_1374], %swap3A_1377 {add = true, strides = array<i32>} : memref<3x32x768xf32, #tpu.memory_space<vmem>>, vector<1x1x16xf32>,
      %swap3A_1378 = arith.constant 0 : i32
      %swap3A_1379 = arith.constant 20 : i32
      %swap3A_1380 = arith.index_cast %swap3A_1378 : i32 to index
      %swap3A_1381 = arith.index_cast %swap3A_1379 : i32 to index
      %swap3A_1382 = arith.index_cast %mul3A_1210 : i32 to index
      %swap3A_1383 = tpu.vector_load %arg7[%swap3A_1380, %swap3A_1381, %swap3A_1382] {strides = array<i32>} : memref<3x32x768xf32, #tpu.memory_space<vmem>>, vector<1x1x16xf32>,
      %swap3A_1384 = vector.shape_cast %swap3A_1383 : vector<1x1x16xf32> to vector<16xf32>
      %swap3A_1385 = vector.shape_cast %get3A_1361 : vector<16xf32> to vector<1x1x16xf32>
      tpu.vector_store %arg7[%swap3A_1380, %swap3A_1381, %swap3A_1382], %swap3A_1385 {add = true, strides = array<i32>} : memref<3x32x768xf32, #tpu.memory_space<vmem>>, vector<1x1x16xf32>,
      %swap3A_1386 = arith.constant 0 : i32
      %swap3A_1387 = arith.constant 28 : i32
      %swap3A_1388 = arith.index_cast %swap3A_1386 : i32 to index
      %swap3A_1389 = arith.index_cast %swap3A_1387 : i32 to index
      %swap3A_1390 = arith.index_cast %mul3A_1210 : i32 to index
      %swap3A_1391 = tpu.vector_load %arg7[%swap3A_1388, %swap3A_1389, %swap3A_1390] {strides = array<i32>} : memref<3x32x768xf32, #tpu.memory_space<vmem>>, vector<1x1x16xf32>,
      %swap3A_1392 = vector.shape_cast %swap3A_1391 : vector<1x1x16xf32> to vector<16xf32>
      %swap3A_1393 = vector.shape_cast %get3A_1361 : vector<16xf32> to vector<1x1x16xf32>
      tpu.vector_store %arg7[%swap3A_1388, %swap3A_1389, %swap3A_1390], %swap3A_1393 {add = true, strides = array<i32>} : memref<3x32x768xf32, #tpu.memory_space<vmem>>, vector<1x1x16xf32>,
      %get3A_1394 = arith.constant 29 : i32
      %get3A_1395 = arith.index_cast %get3A_1394 : i32 to index
      %get3A_1396 = arith.index_cast %mul3A_1210 : i32 to index
      %get3A_1397 = tpu.vector_load %arg8[%get3A_1395, %get3A_1396] {strides = array<i32>} : memref<64x768xf32, #tpu.memory_space<vmem>>, vector<1x16xf32>,
      %get3A_1398 = vector.shape_cast %get3A_1397 : vector<1x16xf32> to vector<16xf32>
      %swap3A_1399 = arith.constant 0 : i32
      %swap3A_1400 = arith.constant 5 : i32
      %swap3A_1401 = arith.index_cast %swap3A_1399 : i32 to index
      %swap3A_1402 = arith.index_cast %swap3A_1400 : i32 to index
      %swap3A_1403 = arith.index_cast %mul3A_1210 : i32 to index
      %swap3A_1404 = tpu.vector_load %arg7[%swap3A_1401, %swap3A_1402, %swap3A_1403] {strides = array<i32>} : memref<3x32x768xf32, #tpu.memory_space<vmem>>, vector<1x1x16xf32>,
      %swap3A_1405 = vector.shape_cast %swap3A_1404 : vector<1x1x16xf32> to vector<16xf32>
      %swap3A_1406 = vector.shape_cast %get3A_1398 : vector<16xf32> to vector<1x1x16xf32>
      tpu.vector_store %arg7[%swap3A_1401, %swap3A_1402, %swap3A_1403], %swap3A_1406 {add = true, strides = array<i32>} : memref<3x32x768xf32, #tpu.memory_space<vmem>>, vector<1x1x16xf32>,
      %swap3A_1407 = arith.constant 0 : i32
      %swap3A_1408 = arith.constant 13 : i32
      %swap3A_1409 = arith.index_cast %swap3A_1407 : i32 to index
      %swap3A_1410 = arith.index_cast %swap3A_1408 : i32 to index
      %swap3A_1411 = arith.index_cast %mul3A_1210 : i32 to index
      %swap3A_1412 = tpu.vector_load %arg7[%swap3A_1409, %swap3A_1410, %swap3A_1411] {strides = array<i32>} : memref<3x32x768xf32, #tpu.memory_space<vmem>>, vector<1x1x16xf32>,
      %swap3A_1413 = vector.shape_cast %swap3A_1412 : vector<1x1x16xf32> to vector<16xf32>
      %swap3A_1414 = vector.shape_cast %get3A_1398 : vector<16xf32> to vector<1x1x16xf32>
      tpu.vector_store %arg7[%swap3A_1409, %swap3A_1410, %swap3A_1411], %swap3A_1414 {add = true, strides = array<i32>} : memref<3x32x768xf32, #tpu.memory_space<vmem>>, vector<1x1x16xf32>,
      %swap3A_1415 = arith.constant 0 : i32
      %swap3A_1416 = arith.constant 21 : i32
      %swap3A_1417 = arith.index_cast %swap3A_1415 : i32 to index
      %swap3A_1418 = arith.index_cast %swap3A_1416 : i32 to index
      %swap3A_1419 = arith.index_cast %mul3A_1210 : i32 to index
      %swap3A_1420 = tpu.vector_load %arg7[%swap3A_1417, %swap3A_1418, %swap3A_1419] {strides = array<i32>} : memref<3x32x768xf32, #tpu.memory_space<vmem>>, vector<1x1x16xf32>,
      %swap3A_1421 = vector.shape_cast %swap3A_1420 : vector<1x1x16xf32> to vector<16xf32>
      %swap3A_1422 = vector.shape_cast %get3A_1398 : vector<16xf32> to vector<1x1x16xf32>
      tpu.vector_store %arg7[%swap3A_1417, %swap3A_1418, %swap3A_1419], %swap3A_1422 {add = true, strides = array<i32>} : memref<3x32x768xf32, #tpu.memory_space<vmem>>, vector<1x1x16xf32>,
      %swap3A_1423 = arith.constant 0 : i32
      %swap3A_1424 = arith.constant 29 : i32
      %swap3A_1425 = arith.index_cast %swap3A_1423 : i32 to index
      %swap3A_1426 = arith.index_cast %swap3A_1424 : i32 to index
      %swap3A_1427 = arith.index_cast %mul3A_1210 : i32 to index
      %swap3A_1428 = tpu.vector_load %arg7[%swap3A_1425, %swap3A_1426, %swap3A_1427] {strides = array<i32>} : memref<3x32x768xf32, #tpu.memory_space<vmem>>, vector<1x1x16xf32>,
      %swap3A_1429 = vector.shape_cast %swap3A_1428 : vector<1x1x16xf32> to vector<16xf32>
      %swap3A_1430 = vector.shape_cast %get3A_1398 : vector<16xf32> to vector<1x1x16xf32>
      tpu.vector_store %arg7[%swap3A_1425, %swap3A_1426, %swap3A_1427], %swap3A_1430 {add = true, strides = array<i32>} : memref<3x32x768xf32, #tpu.memory_space<vmem>>, vector<1x1x16xf32>,
      %get3A_1431 = arith.constant 30 : i32
      %get3A_1432 = arith.index_cast %get3A_1431 : i32 to index
      %get3A_1433 = arith.index_cast %mul3A_1210 : i32 to index
      %get3A_1434 = tpu.vector_load %arg8[%get3A_1432, %get3A_1433] {strides = array<i32>} : memref<64x768xf32, #tpu.memory_space<vmem>>, vector<1x16xf32>,
      %get3A_1435 = vector.shape_cast %get3A_1434 : vector<1x16xf32> to vector<16xf32>
      %swap3A_1436 = arith.constant 0 : i32
      %swap3A_1437 = arith.constant 6 : i32
      %swap3A_1438 = arith.index_cast %swap3A_1436 : i32 to index
      %swap3A_1439 = arith.index_cast %swap3A_1437 : i32 to index
      %swap3A_1440 = arith.index_cast %mul3A_1210 : i32 to index
      %swap3A_1441 = tpu.vector_load %arg7[%swap3A_1438, %swap3A_1439, %swap3A_1440] {strides = array<i32>} : memref<3x32x768xf32, #tpu.memory_space<vmem>>, vector<1x1x16xf32>,
      %swap3A_1442 = vector.shape_cast %swap3A_1441 : vector<1x1x16xf32> to vector<16xf32>
      %swap3A_1443 = vector.shape_cast %get3A_1435 : vector<16xf32> to vector<1x1x16xf32>
      tpu.vector_store %arg7[%swap3A_1438, %swap3A_1439, %swap3A_1440], %swap3A_1443 {add = true, strides = array<i32>} : memref<3x32x768xf32, #tpu.memory_space<vmem>>, vector<1x1x16xf32>,
      %swap3A_1444 = arith.constant 0 : i32
      %swap3A_1445 = arith.constant 14 : i32
      %swap3A_1446 = arith.index_cast %swap3A_1444 : i32 to index
      %swap3A_1447 = arith.index_cast %swap3A_1445 : i32 to index
      %swap3A_1448 = arith.index_cast %mul3A_1210 : i32 to index
      %swap3A_1449 = tpu.vector_load %arg7[%swap3A_1446, %swap3A_1447, %swap3A_1448] {strides = array<i32>} : memref<3x32x768xf32, #tpu.memory_space<vmem>>, vector<1x1x16xf32>,
      %swap3A_1450 = vector.shape_cast %swap3A_1449 : vector<1x1x16xf32> to vector<16xf32>
      %swap3A_1451 = vector.shape_cast %get3A_1435 : vector<16xf32> to vector<1x1x16xf32>
      tpu.vector_store %arg7[%swap3A_1446, %swap3A_1447, %swap3A_1448], %swap3A_1451 {add = true, strides = array<i32>} : memref<3x32x768xf32, #tpu.memory_space<vmem>>, vector<1x1x16xf32>,
      %swap3A_1452 = arith.constant 0 : i32
      %swap3A_1453 = arith.constant 22 : i32
      %swap3A_1454 = arith.index_cast %swap3A_1452 : i32 to index
      %swap3A_1455 = arith.index_cast %swap3A_1453 : i32 to index
      %swap3A_1456 = arith.index_cast %mul3A_1210 : i32 to index
      %swap3A_1457 = tpu.vector_load %arg7[%swap3A_1454, %swap3A_1455, %swap3A_1456] {strides = array<i32>} : memref<3x32x768xf32, #tpu.memory_space<vmem>>, vector<1x1x16xf32>,
      %swap3A_1458 = vector.shape_cast %swap3A_1457 : vector<1x1x16xf32> to vector<16xf32>
      %swap3A_1459 = vector.shape_cast %get3A_1435 : vector<16xf32> to vector<1x1x16xf32>
      tpu.vector_store %arg7[%swap3A_1454, %swap3A_1455, %swap3A_1456], %swap3A_1459 {add = true, strides = array<i32>} : memref<3x32x768xf32, #tpu.memory_space<vmem>>, vector<1x1x16xf32>,
      %swap3A_1460 = arith.constant 0 : i32
      %swap3A_1461 = arith.constant 30 : i32
      %swap3A_1462 = arith.index_cast %swap3A_1460 : i32 to index
      %swap3A_1463 = arith.index_cast %swap3A_1461 : i32 to index
      %swap3A_1464 = arith.index_cast %mul3A_1210 : i32 to index
      %swap3A_1465 = tpu.vector_load %arg7[%swap3A_1462, %swap3A_1463, %swap3A_1464] {strides = array<i32>} : memref<3x32x768xf32, #tpu.memory_space<vmem>>, vector<1x1x16xf32>,
      %swap3A_1466 = vector.shape_cast %swap3A_1465 : vector<1x1x16xf32> to vector<16xf32>
      %swap3A_1467 = vector.shape_cast %get3A_1435 : vector<16xf32> to vector<1x1x16xf32>
      tpu.vector_store %arg7[%swap3A_1462, %swap3A_1463, %swap3A_1464], %swap3A_1467 {add = true, strides = array<i32>} : memref<3x32x768xf32, #tpu.memory_space<vmem>>, vector<1x1x16xf32>,
      %get3A_1468 = arith.constant 31 : i32
      %get3A_1469 = arith.index_cast %get3A_1468 : i32 to index
      %get3A_1470 = arith.index_cast %mul3A_1210 : i32 to index
      %get3A_1471 = tpu.vector_load %arg8[%get3A_1469, %get3A_1470] {strides = array<i32>} : memref<64x768xf32, #tpu.memory_space<vmem>>, vector<1x16xf32>,
      %get3A_1472 = vector.shape_cast %get3A_1471 : vector<1x16xf32> to vector<16xf32>
      %swap3A_1473 = arith.constant 0 : i32
      %swap3A_1474 = arith.constant 7 : i32
      %swap3A_1475 = arith.index_cast %swap3A_1473 : i32 to index
      %swap3A_1476 = arith.index_cast %swap3A_1474 : i32 to index
      %swap3A_1477 = arith.index_cast %mul3A_1210 : i32 to index
      %swap3A_1478 = tpu.vector_load %arg7[%swap3A_1475, %swap3A_1476, %swap3A_1477] {strides = array<i32>} : memref<3x32x768xf32, #tpu.memory_space<vmem>>, vector<1x1x16xf32>,
      %swap3A_1479 = vector.shape_cast %swap3A_1478 : vector<1x1x16xf32> to vector<16xf32>
      %swap3A_1480 = vector.shape_cast %get3A_1472 : vector<16xf32> to vector<1x1x16xf32>
      tpu.vector_store %arg7[%swap3A_1475, %swap3A_1476, %swap3A_1477], %swap3A_1480 {add = true, strides = array<i32>} : memref<3x32x768xf32, #tpu.memory_space<vmem>>, vector<1x1x16xf32>,
      %swap3A_1481 = arith.constant 0 : i32
      %swap3A_1482 = arith.constant 15 : i32
      %swap3A_1483 = arith.index_cast %swap3A_1481 : i32 to index
      %swap3A_1484 = arith.index_cast %swap3A_1482 : i32 to index
      %swap3A_1485 = arith.index_cast %mul3A_1210 : i32 to index
      %swap3A_1486 = tpu.vector_load %arg7[%swap3A_1483, %swap3A_1484, %swap3A_1485] {strides = array<i32>} : memref<3x32x768xf32, #tpu.memory_space<vmem>>, vector<1x1x16xf32>,
      %swap3A_1487 = vector.shape_cast %swap3A_1486 : vector<1x1x16xf32> to vector<16xf32>
      %swap3A_1488 = vector.shape_cast %get3A_1472 : vector<16xf32> to vector<1x1x16xf32>
      tpu.vector_store %arg7[%swap3A_1483, %swap3A_1484, %swap3A_1485], %swap3A_1488 {add = true, strides = array<i32>} : memref<3x32x768xf32, #tpu.memory_space<vmem>>, vector<1x1x16xf32>,
      %swap3A_1489 = arith.constant 0 : i32
      %swap3A_1490 = arith.constant 23 : i32
      %swap3A_1491 = arith.index_cast %swap3A_1489 : i32 to index
      %swap3A_1492 = arith.index_cast %swap3A_1490 : i32 to index
      %swap3A_1493 = arith.index_cast %mul3A_1210 : i32 to index
      %swap3A_1494 = tpu.vector_load %arg7[%swap3A_1491, %swap3A_1492, %swap3A_1493] {strides = array<i32>} : memref<3x32x768xf32, #tpu.memory_space<vmem>>, vector<1x1x16xf32>,
      %swap3A_1495 = vector.shape_cast %swap3A_1494 : vector<1x1x16xf32> to vector<16xf32>
      %swap3A_1496 = vector.shape_cast %get3A_1472 : vector<16xf32> to vector<1x1x16xf32>
      tpu.vector_store %arg7[%swap3A_1491, %swap3A_1492, %swap3A_1493], %swap3A_1496 {add = true, strides = array<i32>} : memref<3x32x768xf32, #tpu.memory_space<vmem>>, vector<1x1x16xf32>,
      %swap3A_1497 = arith.constant 0 : i32
      %swap3A_1498 = arith.constant 31 : i32
      %swap3A_1499 = arith.index_cast %swap3A_1497 : i32 to index
      %swap3A_1500 = arith.index_cast %swap3A_1498 : i32 to index
      %swap3A_1501 = arith.index_cast %mul3A_1210 : i32 to index
      %swap3A_1502 = tpu.vector_load %arg7[%swap3A_1499, %swap3A_1500, %swap3A_1501] {strides = array<i32>} : memref<3x32x768xf32, #tpu.memory_space<vmem>>, vector<1x1x16xf32>,
      %swap3A_1503 = vector.shape_cast %swap3A_1502 : vector<1x1x16xf32> to vector<16xf32>
      %swap3A_1504 = vector.shape_cast %get3A_1472 : vector<16xf32> to vector<1x1x16xf32>
      tpu.vector_store %arg7[%swap3A_1499, %swap3A_1500, %swap3A_1501], %swap3A_1504 {add = true, strides = array<i32>} : memref<3x32x768xf32, #tpu.memory_space<vmem>>, vector<1x1x16xf32>,
    }
    %scan3A_511 = arith.constant 48 : i32
    "tpu.trace_stop"() : () -> ()
    %add3A_512 = arith.constant 0 : i32
    %add3A_513 = arith.addi %add3A_512, %mul3A_2 : i32
    %add3A_514 = arith.constant 24 : i32
    %add3A_515 = arith.addi %add3A_513, %add3A_514 : i32
    %dma_start3A_516 = arith.constant 0 : i32
    %dma_start3A_517 = arith.constant 0 : i32
    %dma_start3A_518 = arith.constant 0 : i32
    %dma_start3A_519 = tpu.memref_slice %arg7[%dma_start3A_516, %dma_start3A_517, %dma_start3A_518] : memref<3x32x768xf32, #tpu.memory_space<vmem>> -> memref<1x8x768xf32, #tpu.memory_space<vmem>>
    %dma_start3A_520 = tpu.memref_squeeze %dma_start3A_519 : memref<1x8x768xf32, #tpu.memory_space<vmem>> -> memref<8x768xf32, #tpu.memory_space<vmem>>
    %dma_start3A_521 = arith.constant 0 : i32
    %dma_start3A_522 = tpu.memref_slice %arg5[%add3A_515, %dma_start3A_521] : memref<8192x768xf32, #tpu.memory_space<hbm>> -> memref<8x768xf32, #tpu.memory_space<hbm>>
    %dma_start3A_523 = arith.constant 0 : i32
    %dma_start3A_524 = tpu.memref_slice %arg5[%add3A_515, %dma_start3A_523] : memref<8192x768xf32, #tpu.memory_space<hbm>> -> memref<8x768xf32, #tpu.memory_space<hbm>>
    %dma_start3A_525 = arith.constant 0 : i32
    %dma_start3A_526 = arith.constant 0 : i32
    %dma_start3A_527 = tpu.memref_slice %arg7[%dma_start3A_516, %dma_start3A_525, %dma_start3A_526] : memref<3x32x768xf32, #tpu.memory_space<vmem>> -> memref<1x8x768xf32, #tpu.memory_space<vmem>>
    %dma_start3A_528 = tpu.memref_squeeze %dma_start3A_527 : memref<1x8x768xf32, #tpu.memory_space<vmem>> -> memref<8x768xf32, #tpu.memory_space<vmem>>
    tpu.enqueue_dma source(%dma_start3A_528 : memref<8x768xf32, #tpu.memory_space<vmem>>) target(%dma_start3A_524 : memref<8x768xf32, #tpu.memory_space<hbm>>) target_semaphore(%arg13 : memref<!tpu.dma_semaphore, #tpu.memory_space<semaphore_mem>>)
    %add3A_529 = arith.constant 2048 : i32
    %add3A_530 = arith.addi %add3A_529, %mul3A_2 : i32
    %add3A_531 = arith.constant 24 : i32
    %add3A_532 = arith.addi %add3A_530, %add3A_531 : i32
    %dma_start3A_533 = arith.constant 0 : i32
    %dma_start3A_534 = arith.constant 8 : i32
    %dma_start3A_535 = arith.constant 0 : i32
    %dma_start3A_536 = tpu.memref_slice %arg7[%dma_start3A_533, %dma_start3A_534, %dma_start3A_535] : memref<3x32x768xf32, #tpu.memory_space<vmem>> -> memref<1x8x768xf32, #tpu.memory_space<vmem>>
    %dma_start3A_537 = tpu.memref_squeeze %dma_start3A_536 : memref<1x8x768xf32, #tpu.memory_space<vmem>> -> memref<8x768xf32, #tpu.memory_space<vmem>>
    %dma_start3A_538 = arith.constant 0 : i32
    %dma_start3A_539 = tpu.memref_slice %arg5[%add3A_532, %dma_start3A_538] : memref<8192x768xf32, #tpu.memory_space<hbm>> -> memref<8x768xf32, #tpu.memory_space<hbm>>
    %dma_start3A_540 = arith.constant 0 : i32
    %dma_start3A_541 = tpu.memref_slice %arg5[%add3A_532, %dma_start3A_540] : memref<8192x768xf32, #tpu.memory_space<hbm>> -> memref<8x768xf32, #tpu.memory_space<hbm>>
    %dma_start3A_542 = arith.constant 8 : i32
    %dma_start3A_543 = arith.constant 0 : i32
    %dma_start3A_544 = tpu.memref_slice %arg7[%dma_start3A_533, %dma_start3A_542, %dma_start3A_543] : memref<3x32x768xf32, #tpu.memory_space<vmem>> -> memref<1x8x768xf32, #tpu.memory_space<vmem>>
    %dma_start3A_545 = tpu.memref_squeeze %dma_start3A_544 : memref<1x8x768xf32, #tpu.memory_space<vmem>> -> memref<8x768xf32, #tpu.memory_space<vmem>>
    tpu.enqueue_dma source(%dma_start3A_545 : memref<8x768xf32, #tpu.memory_space<vmem>>) target(%dma_start3A_541 : memref<8x768xf32, #tpu.memory_space<hbm>>) target_semaphore(%arg13 : memref<!tpu.dma_semaphore, #tpu.memory_space<semaphore_mem>>)
    %add3A_546 = arith.constant 4096 : i32
    %add3A_547 = arith.addi %add3A_546, %mul3A_2 : i32
    %add3A_548 = arith.constant 24 : i32
    %add3A_549 = arith.addi %add3A_547, %add3A_548 : i32
    %dma_start3A_550 = arith.constant 0 : i32
    %dma_start3A_551 = arith.constant 16 : i32
    %dma_start3A_552 = arith.constant 0 : i32
    %dma_start3A_553 = tpu.memref_slice %arg7[%dma_start3A_550, %dma_start3A_551, %dma_start3A_552] : memref<3x32x768xf32, #tpu.memory_space<vmem>> -> memref<1x8x768xf32, #tpu.memory_space<vmem>>
    %dma_start3A_554 = tpu.memref_squeeze %dma_start3A_553 : memref<1x8x768xf32, #tpu.memory_space<vmem>> -> memref<8x768xf32, #tpu.memory_space<vmem>>
    %dma_start3A_555 = arith.constant 0 : i32
    %dma_start3A_556 = tpu.memref_slice %arg5[%add3A_549, %dma_start3A_555] : memref<8192x768xf32, #tpu.memory_space<hbm>> -> memref<8x768xf32, #tpu.memory_space<hbm>>
    %dma_start3A_557 = arith.constant 0 : i32
    %dma_start3A_558 = tpu.memref_slice %arg5[%add3A_549, %dma_start3A_557] : memref<8192x768xf32, #tpu.memory_space<hbm>> -> memref<8x768xf32, #tpu.memory_space<hbm>>
    %dma_start3A_559 = arith.constant 16 : i32
    %dma_start3A_560 = arith.constant 0 : i32
    %dma_start3A_561 = tpu.memref_slice %arg7[%dma_start3A_550, %dma_start3A_559, %dma_start3A_560] : memref<3x32x768xf32, #tpu.memory_space<vmem>> -> memref<1x8x768xf32, #tpu.memory_space<vmem>>
    %dma_start3A_562 = tpu.memref_squeeze %dma_start3A_561 : memref<1x8x768xf32, #tpu.memory_space<vmem>> -> memref<8x768xf32, #tpu.memory_space<vmem>>
    tpu.enqueue_dma source(%dma_start3A_562 : memref<8x768xf32, #tpu.memory_space<vmem>>) target(%dma_start3A_558 : memref<8x768xf32, #tpu.memory_space<hbm>>) target_semaphore(%arg13 : memref<!tpu.dma_semaphore, #tpu.memory_space<semaphore_mem>>)
    %add3A_563 = arith.constant 6144 : i32
    %add3A_564 = arith.addi %add3A_563, %mul3A_2 : i32
    %add3A_565 = arith.constant 24 : i32
    %add3A_566 = arith.addi %add3A_564, %add3A_565 : i32
    %dma_start3A_567 = arith.constant 0 : i32
    %dma_start3A_568 = arith.constant 24 : i32
    %dma_start3A_569 = arith.constant 0 : i32
    %dma_start3A_570 = tpu.memref_slice %arg7[%dma_start3A_567, %dma_start3A_568, %dma_start3A_569] : memref<3x32x768xf32, #tpu.memory_space<vmem>> -> memref<1x8x768xf32, #tpu.memory_space<vmem>>
    %dma_start3A_571 = tpu.memref_squeeze %dma_start3A_570 : memref<1x8x768xf32, #tpu.memory_space<vmem>> -> memref<8x768xf32, #tpu.memory_space<vmem>>
    %dma_start3A_572 = arith.constant 0 : i32
    %dma_start3A_573 = tpu.memref_slice %arg5[%add3A_566, %dma_start3A_572] : memref<8192x768xf32, #tpu.memory_space<hbm>> -> memref<8x768xf32, #tpu.memory_space<hbm>>
    %dma_start3A_574 = arith.constant 0 : i32
    %dma_start3A_575 = tpu.memref_slice %arg5[%add3A_566, %dma_start3A_574] : memref<8192x768xf32, #tpu.memory_space<hbm>> -> memref<8x768xf32, #tpu.memory_space<hbm>>
    %dma_start3A_576 = arith.constant 24 : i32
    %dma_start3A_577 = arith.constant 0 : i32
    %dma_start3A_578 = tpu.memref_slice %arg7[%dma_start3A_567, %dma_start3A_576, %dma_start3A_577] : memref<3x32x768xf32, #tpu.memory_space<vmem>> -> memref<1x8x768xf32, #tpu.memory_space<vmem>>
    %dma_start3A_579 = tpu.memref_squeeze %dma_start3A_578 : memref<1x8x768xf32, #tpu.memory_space<vmem>> -> memref<8x768xf32, #tpu.memory_space<vmem>>
    tpu.enqueue_dma source(%dma_start3A_579 : memref<8x768xf32, #tpu.memory_space<vmem>>) target(%dma_start3A_575 : memref<8x768xf32, #tpu.memory_space<hbm>>) target_semaphore(%arg13 : memref<!tpu.dma_semaphore, #tpu.memory_space<semaphore_mem>>)
    %dma_wait3A_580 = arith.constant 0 : i32
    %dma_wait3A_581 = arith.constant 0 : i32
    %dma_wait3A_582 = arith.constant 0 : i32
    %dma_wait3A_583 = tpu.memref_slice %arg7[%dma_wait3A_580, %dma_wait3A_581, %dma_wait3A_582] : memref<3x32x768xf32, #tpu.memory_space<vmem>> -> memref<1x8x768xf32, #tpu.memory_space<vmem>>
    %dma_wait3A_584 = tpu.memref_squeeze %dma_wait3A_583 : memref<1x8x768xf32, #tpu.memory_space<vmem>> -> memref<8x768xf32, #tpu.memory_space<vmem>>
    %dma_wait3A_585 = arith.constant 0 : i32
    %dma_wait3A_586 = tpu.memref_slice %arg5[%add3A_515, %dma_wait3A_585] : memref<8192x768xf32, #tpu.memory_space<hbm>> -> memref<8x768xf32, #tpu.memory_space<hbm>>
    %dma_wait3A_587 = arith.constant 0 : i32
    %dma_wait3A_588 = tpu.memref_slice %arg5[%add3A_515, %dma_wait3A_587] : memref<8192x768xf32, #tpu.memory_space<hbm>> -> memref<8x768xf32, #tpu.memory_space<hbm>>
    %dma_wait3A_589 = arith.constant 0 : i32
    %dma_wait3A_590 = arith.constant 0 : i32
    %dma_wait3A_591 = tpu.memref_slice %arg7[%dma_wait3A_580, %dma_wait3A_589, %dma_wait3A_590] : memref<3x32x768xf32, #tpu.memory_space<vmem>> -> memref<1x8x768xf32, #tpu.memory_space<vmem>>
    %dma_wait3A_592 = tpu.memref_squeeze %dma_wait3A_591 : memref<1x8x768xf32, #tpu.memory_space<vmem>> -> memref<8x768xf32, #tpu.memory_space<vmem>>
    tpu.wait_dma2 semaphore(%arg13 : memref<!tpu.dma_semaphore, #tpu.memory_space<semaphore_mem>>) src(%dma_wait3A_592 : memref<8x768xf32, #tpu.memory_space<vmem>>) dst(%dma_wait3A_588 : memref<8x768xf32, #tpu.memory_space<hbm>>)
    %dma_wait3A_593 = arith.constant 0 : i32
    %dma_wait3A_594 = arith.constant 8 : i32
    %dma_wait3A_595 = arith.constant 0 : i32
    %dma_wait3A_596 = tpu.memref_slice %arg7[%dma_wait3A_593, %dma_wait3A_594, %dma_wait3A_595] : memref<3x32x768xf32, #tpu.memory_space<vmem>> -> memref<1x8x768xf32, #tpu.memory_space<vmem>>
    %dma_wait3A_597 = tpu.memref_squeeze %dma_wait3A_596 : memref<1x8x768xf32, #tpu.memory_space<vmem>> -> memref<8x768xf32, #tpu.memory_space<vmem>>
    %dma_wait3A_598 = arith.constant 0 : i32
    %dma_wait3A_599 = tpu.memref_slice %arg5[%add3A_532, %dma_wait3A_598] : memref<8192x768xf32, #tpu.memory_space<hbm>> -> memref<8x768xf32, #tpu.memory_space<hbm>>
    %dma_wait3A_600 = arith.constant 0 : i32
    %dma_wait3A_601 = tpu.memref_slice %arg5[%add3A_532, %dma_wait3A_600] : memref<8192x768xf32, #tpu.memory_space<hbm>> -> memref<8x768xf32, #tpu.memory_space<hbm>>
    %dma_wait3A_602 = arith.constant 8 : i32
    %dma_wait3A_603 = arith.constant 0 : i32
    %dma_wait3A_604 = tpu.memref_slice %arg7[%dma_wait3A_593, %dma_wait3A_602, %dma_wait3A_603] : memref<3x32x768xf32, #tpu.memory_space<vmem>> -> memref<1x8x768xf32, #tpu.memory_space<vmem>>
    %dma_wait3A_605 = tpu.memref_squeeze %dma_wait3A_604 : memref<1x8x768xf32, #tpu.memory_space<vmem>> -> memref<8x768xf32, #tpu.memory_space<vmem>>
    tpu.wait_dma2 semaphore(%arg13 : memref<!tpu.dma_semaphore, #tpu.memory_space<semaphore_mem>>) src(%dma_wait3A_605 : memref<8x768xf32, #tpu.memory_space<vmem>>) dst(%dma_wait3A_601 : memref<8x768xf32, #tpu.memory_space<hbm>>)
    %dma_wait3A_606 = arith.constant 0 : i32
    %dma_wait3A_607 = arith.constant 16 : i32
    %dma_wait3A_608 = arith.constant 0 : i32
    %dma_wait3A_609 = tpu.memref_slice %arg7[%dma_wait3A_606, %dma_wait3A_607, %dma_wait3A_608] : memref<3x32x768xf32, #tpu.memory_space<vmem>> -> memref<1x8x768xf32, #tpu.memory_space<vmem>>
    %dma_wait3A_610 = tpu.memref_squeeze %dma_wait3A_609 : memref<1x8x768xf32, #tpu.memory_space<vmem>> -> memref<8x768xf32, #tpu.memory_space<vmem>>
    %dma_wait3A_611 = arith.constant 0 : i32
    %dma_wait3A_612 = tpu.memref_slice %arg5[%add3A_549, %dma_wait3A_611] : memref<8192x768xf32, #tpu.memory_space<hbm>> -> memref<8x768xf32, #tpu.memory_space<hbm>>
    %dma_wait3A_613 = arith.constant 0 : i32
    %dma_wait3A_614 = tpu.memref_slice %arg5[%add3A_549, %dma_wait3A_613] : memref<8192x768xf32, #tpu.memory_space<hbm>> -> memref<8x768xf32, #tpu.memory_space<hbm>>
    %dma_wait3A_615 = arith.constant 16 : i32
    %dma_wait3A_616 = arith.constant 0 : i32
    %dma_wait3A_617 = tpu.memref_slice %arg7[%dma_wait3A_606, %dma_wait3A_615, %dma_wait3A_616] : memref<3x32x768xf32, #tpu.memory_space<vmem>> -> memref<1x8x768xf32, #tpu.memory_space<vmem>>
    %dma_wait3A_618 = tpu.memref_squeeze %dma_wait3A_617 : memref<1x8x768xf32, #tpu.memory_space<vmem>> -> memref<8x768xf32, #tpu.memory_space<vmem>>
    tpu.wait_dma2 semaphore(%arg13 : memref<!tpu.dma_semaphore, #tpu.memory_space<semaphore_mem>>) src(%dma_wait3A_618 : memref<8x768xf32, #tpu.memory_space<vmem>>) dst(%dma_wait3A_614 : memref<8x768xf32, #tpu.memory_space<hbm>>)
    %dma_wait3A_619 = arith.constant 0 : i32
    %dma_wait3A_620 = arith.constant 24 : i32
    %dma_wait3A_621 = arith.constant 0 : i32
    %dma_wait3A_622 = tpu.memref_slice %arg7[%dma_wait3A_619, %dma_wait3A_620, %dma_wait3A_621] : memref<3x32x768xf32, #tpu.memory_space<vmem>> -> memref<1x8x768xf32, #tpu.memory_space<vmem>>
    %dma_wait3A_623 = tpu.memref_squeeze %dma_wait3A_622 : memref<1x8x768xf32, #tpu.memory_space<vmem>> -> memref<8x768xf32, #tpu.memory_space<vmem>>
    %dma_wait3A_624 = arith.constant 0 : i32
    %dma_wait3A_625 = tpu.memref_slice %arg5[%add3A_566, %dma_wait3A_624] : memref<8192x768xf32, #tpu.memory_space<hbm>> -> memref<8x768xf32, #tpu.memory_space<hbm>>
    %dma_wait3A_626 = arith.constant 0 : i32
    %dma_wait3A_627 = tpu.memref_slice %arg5[%add3A_566, %dma_wait3A_626] : memref<8192x768xf32, #tpu.memory_space<hbm>> -> memref<8x768xf32, #tpu.memory_space<hbm>>
    %dma_wait3A_628 = arith.constant 24 : i32
    %dma_wait3A_629 = arith.constant 0 : i32
    %dma_wait3A_630 = tpu.memref_slice %arg7[%dma_wait3A_619, %dma_wait3A_628, %dma_wait3A_629] : memref<3x32x768xf32, #tpu.memory_space<vmem>> -> memref<1x8x768xf32, #tpu.memory_space<vmem>>
    %dma_wait3A_631 = tpu.memref_squeeze %dma_wait3A_630 : memref<1x8x768xf32, #tpu.memory_space<vmem>> -> memref<8x768xf32, #tpu.memory_space<vmem>>
    tpu.wait_dma2 semaphore(%arg13 : memref<!tpu.dma_semaphore, #tpu.memory_space<semaphore_mem>>) src(%dma_wait3A_631 : memref<8x768xf32, #tpu.memory_space<vmem>>) dst(%dma_wait3A_627 : memref<8x768xf32, #tpu.memory_space<hbm>>)
    %dma_start3A_632 = arith.constant 6 : i32
    %dma_start3A_633 = arith.constant 0 : i32
    %dma_start3A_634 = arith.constant 0 : i32
    %dma_start3A_635 = arith.constant 0 : i32
    %dma_start3A_636 = tpu.memref_slice %arg7[%dma_start3A_633, %dma_start3A_634, %dma_start3A_635] : memref<3x32x768xf32, #tpu.memory_space<vmem>> -> memref<1x32x768xf32, #tpu.memory_space<vmem>>
    %dma_start3A_637 = tpu.memref_squeeze %dma_start3A_636 : memref<1x32x768xf32, #tpu.memory_space<vmem>> -> memref<32x768xf32, #tpu.memory_space<vmem>>
    %dma_start3A_638 = arith.constant 0 : i32
    %dma_start3A_639 = tpu.memref_slice %arg6[%dma_start3A_632, %dma_start3A_638] : memref<8x32xi32, #tpu.memory_space<vmem>> -> memref<1x32xi32, #tpu.memory_space<vmem>>
    %dma_start3A_640 = tpu.memref_squeeze %dma_start3A_639 : memref<1x32xi32, #tpu.memory_space<vmem>> -> memref<32xi32, #tpu.memory_space<vmem>>
    %dma_start3A_641 = arith.constant 0 : i32
    %dma_start3A_642 = arith.constant 0 : i32
    %dma_start3A_643 = tpu.memref_slice %arg3[%dma_start3A_641, %dma_start3A_642] : memref<100000x768xf32, #tpu.memory_space<hbm>> -> memref<100000x768xf32, #tpu.memory_space<hbm>>
    tpu.enqueue_indirect_dma source(%dma_start3A_643 : memref<100000x768xf32, #tpu.memory_space<hbm>>) target(%dma_start3A_637 : memref<32x768xf32, #tpu.memory_space<vmem>>) offsets(%dma_start3A_640 : memref<32xi32, #tpu.memory_space<vmem>>) semaphore(%arg10 : memref<!tpu.dma_semaphore, #tpu.memory_space<semaphore_mem>>)
    %dma_wait3A_644 = arith.constant 4 : i32
    %dma_wait3A_645 = arith.constant 1 : i32
    "tpu.trace_start"() <{level = 10 : i32, message = "wait_in"}> : () -> ()
    %dma_wait3A_646 = arith.constant 0 : i32
    %dma_wait3A_647 = arith.constant 0 : i32
    %dma_wait3A_648 = tpu.memref_slice %arg7[%dma_wait3A_645, %dma_wait3A_646, %dma_wait3A_647] : memref<3x32x768xf32, #tpu.memory_space<vmem>> -> memref<1x32x768xf32, #tpu.memory_space<vmem>>
    %dma_wait3A_649 = tpu.memref_squeeze %dma_wait3A_648 : memref<1x32x768xf32, #tpu.memory_space<vmem>> -> memref<32x768xf32, #tpu.memory_space<vmem>>
    %dma_wait3A_650 = arith.constant 0 : i32
    %dma_wait3A_651 = tpu.memref_slice %arg6[%dma_wait3A_644, %dma_wait3A_650] : memref<8x32xi32, #tpu.memory_space<vmem>> -> memref<1x32xi32, #tpu.memory_space<vmem>>
    %dma_wait3A_652 = tpu.memref_squeeze %dma_wait3A_651 : memref<1x32xi32, #tpu.memory_space<vmem>> -> memref<32xi32, #tpu.memory_space<vmem>>
    %dma_wait3A_653 = arith.constant 0 : i32
    %dma_wait3A_654 = arith.constant 0 : i32
    %dma_wait3A_655 = tpu.memref_slice %arg3[%dma_wait3A_653, %dma_wait3A_654] : memref<100000x768xf32, #tpu.memory_space<hbm>> -> memref<100000x768xf32, #tpu.memory_space<hbm>>
    tpu.wait_indirect_dma semaphore(%arg11 : memref<!tpu.dma_semaphore, #tpu.memory_space<semaphore_mem>>) src(%dma_wait3A_655 : memref<100000x768xf32, #tpu.memory_space<hbm>>) dst(%dma_wait3A_649 : memref<32x768xf32, #tpu.memory_space<vmem>>)
    "tpu.trace_stop"() : () -> ()
    "tpu.trace_start"() <{level = 10 : i32, message = "add"}> : () -> ()
    %scan3A_656 = arith.constant 0 : i32
    %scan3A_657 = arith.constant 0 : i32
    %scan3A_658 = arith.constant 48 : i32
    %scan3A_659 = arith.addi %scan3A_657, %scan3A_658 : i32
    %scan3A_660 = arith.constant 1 : i32
    scf.for %scan3A_1208 = %scan3A_657 to %scan3A_659 step %scan3A_660  : i32 {
      %mul3A_1209 = arith.constant 16 : i32
      %mul3A_1210 = arith.muli %scan3A_1208, %mul3A_1209 : i32
      %get3A = arith.constant 32 : i32
      %get3A_1211 = arith.index_cast %get3A : i32 to index
      %get3A_1212 = arith.index_cast %mul3A_1210 : i32 to index
      %get3A_1213 = tpu.vector_load %arg8[%get3A_1211, %get3A_1212] {strides = array<i32>} : memref<64x768xf32, #tpu.memory_space<vmem>>, vector<1x16xf32>,
      %get3A_1214 = vector.shape_cast %get3A_1213 : vector<1x16xf32> to vector<16xf32>
      %swap3A = arith.constant 1 : i32
      %swap3A_1215 = arith.constant 0 : i32
      %swap3A_1216 = arith.index_cast %swap3A : i32 to index
      %swap3A_1217 = arith.index_cast %swap3A_1215 : i32 to index
      %swap3A_1218 = arith.index_cast %mul3A_1210 : i32 to index
      %swap3A_1219 = tpu.vector_load %arg7[%swap3A_1216, %swap3A_1217, %swap3A_1218] {strides = array<i32>} : memref<3x32x768xf32, #tpu.memory_space<vmem>>, vector<1x1x16xf32>,
      %swap3A_1220 = vector.shape_cast %swap3A_1219 : vector<1x1x16xf32> to vector<16xf32>
      %swap3A_1221 = vector.shape_cast %get3A_1214 : vector<16xf32> to vector<1x1x16xf32>
      tpu.vector_store %arg7[%swap3A_1216, %swap3A_1217, %swap3A_1218], %swap3A_1221 {add = true, strides = array<i32>} : memref<3x32x768xf32, #tpu.memory_space<vmem>>, vector<1x1x16xf32>,
      %swap3A_1222 = arith.constant 1 : i32
      %swap3A_1223 = arith.constant 8 : i32
      %swap3A_1224 = arith.index_cast %swap3A_1222 : i32 to index
      %swap3A_1225 = arith.index_cast %swap3A_1223 : i32 to index
      %swap3A_1226 = arith.index_cast %mul3A_1210 : i32 to index
      %swap3A_1227 = tpu.vector_load %arg7[%swap3A_1224, %swap3A_1225, %swap3A_1226] {strides = array<i32>} : memref<3x32x768xf32, #tpu.memory_space<vmem>>, vector<1x1x16xf32>,
      %swap3A_1228 = vector.shape_cast %swap3A_1227 : vector<1x1x16xf32> to vector<16xf32>
      %swap3A_1229 = vector.shape_cast %get3A_1214 : vector<16xf32> to vector<1x1x16xf32>
      tpu.vector_store %arg7[%swap3A_1224, %swap3A_1225, %swap3A_1226], %swap3A_1229 {add = true, strides = array<i32>} : memref<3x32x768xf32, #tpu.memory_space<vmem>>, vector<1x1x16xf32>,
      %swap3A_1230 = arith.constant 1 : i32
      %swap3A_1231 = arith.constant 16 : i32
      %swap3A_1232 = arith.index_cast %swap3A_1230 : i32 to index
      %swap3A_1233 = arith.index_cast %swap3A_1231 : i32 to index
      %swap3A_1234 = arith.index_cast %mul3A_1210 : i32 to index
      %swap3A_1235 = tpu.vector_load %arg7[%swap3A_1232, %swap3A_1233, %swap3A_1234] {strides = array<i32>} : memref<3x32x768xf32, #tpu.memory_space<vmem>>, vector<1x1x16xf32>,
      %swap3A_1236 = vector.shape_cast %swap3A_1235 : vector<1x1x16xf32> to vector<16xf32>
      %swap3A_1237 = vector.shape_cast %get3A_1214 : vector<16xf32> to vector<1x1x16xf32>
      tpu.vector_store %arg7[%swap3A_1232, %swap3A_1233, %swap3A_1234], %swap3A_1237 {add = true, strides = array<i32>} : memref<3x32x768xf32, #tpu.memory_space<vmem>>, vector<1x1x16xf32>,
      %swap3A_1238 = arith.constant 1 : i32
      %swap3A_1239 = arith.constant 24 : i32
      %swap3A_1240 = arith.index_cast %swap3A_1238 : i32 to index
      %swap3A_1241 = arith.index_cast %swap3A_1239 : i32 to index
      %swap3A_1242 = arith.index_cast %mul3A_1210 : i32 to index
      %swap3A_1243 = tpu.vector_load %arg7[%swap3A_1240, %swap3A_1241, %swap3A_1242] {strides = array<i32>} : memref<3x32x768xf32, #tpu.memory_space<vmem>>, vector<1x1x16xf32>,
      %swap3A_1244 = vector.shape_cast %swap3A_1243 : vector<1x1x16xf32> to vector<16xf32>
      %swap3A_1245 = vector.shape_cast %get3A_1214 : vector<16xf32> to vector<1x1x16xf32>
      tpu.vector_store %arg7[%swap3A_1240, %swap3A_1241, %swap3A_1242], %swap3A_1245 {add = true, strides = array<i32>} : memref<3x32x768xf32, #tpu.memory_space<vmem>>, vector<1x1x16xf32>,
      %get3A_1246 = arith.constant 33 : i32
      %get3A_1247 = arith.index_cast %get3A_1246 : i32 to index
      %get3A_1248 = arith.index_cast %mul3A_1210 : i32 to index
      %get3A_1249 = tpu.vector_load %arg8[%get3A_1247, %get3A_1248] {strides = array<i32>} : memref<64x768xf32, #tpu.memory_space<vmem>>, vector<1x16xf32>,
      %get3A_1250 = vector.shape_cast %get3A_1249 : vector<1x16xf32> to vector<16xf32>
      %swap3A_1251 = arith.constant 1 : i32
      %swap3A_1252 = arith.constant 1 : i32
      %swap3A_1253 = arith.index_cast %swap3A_1251 : i32 to index
      %swap3A_1254 = arith.index_cast %swap3A_1252 : i32 to index
      %swap3A_1255 = arith.index_cast %mul3A_1210 : i32 to index
      %swap3A_1256 = tpu.vector_load %arg7[%swap3A_1253, %swap3A_1254, %swap3A_1255] {strides = array<i32>} : memref<3x32x768xf32, #tpu.memory_space<vmem>>, vector<1x1x16xf32>,
      %swap3A_1257 = vector.shape_cast %swap3A_1256 : vector<1x1x16xf32> to vector<16xf32>
      %swap3A_1258 = vector.shape_cast %get3A_1250 : vector<16xf32> to vector<1x1x16xf32>
      tpu.vector_store %arg7[%swap3A_1253, %swap3A_1254, %swap3A_1255], %swap3A_1258 {add = true, strides = array<i32>} : memref<3x32x768xf32, #tpu.memory_space<vmem>>, vector<1x1x16xf32>,
      %swap3A_1259 = arith.constant 1 : i32
      %swap3A_1260 = arith.constant 9 : i32
      %swap3A_1261 = arith.index_cast %swap3A_1259 : i32 to index
      %swap3A_1262 = arith.index_cast %swap3A_1260 : i32 to index
      %swap3A_1263 = arith.index_cast %mul3A_1210 : i32 to index
      %swap3A_1264 = tpu.vector_load %arg7[%swap3A_1261, %swap3A_1262, %swap3A_1263] {strides = array<i32>} : memref<3x32x768xf32, #tpu.memory_space<vmem>>, vector<1x1x16xf32>,
      %swap3A_1265 = vector.shape_cast %swap3A_1264 : vector<1x1x16xf32> to vector<16xf32>
      %swap3A_1266 = vector.shape_cast %get3A_1250 : vector<16xf32> to vector<1x1x16xf32>
      tpu.vector_store %arg7[%swap3A_1261, %swap3A_1262, %swap3A_1263], %swap3A_1266 {add = true, strides = array<i32>} : memref<3x32x768xf32, #tpu.memory_space<vmem>>, vector<1x1x16xf32>,
      %swap3A_1267 = arith.constant 1 : i32
      %swap3A_1268 = arith.constant 17 : i32
      %swap3A_1269 = arith.index_cast %swap3A_1267 : i32 to index
      %swap3A_1270 = arith.index_cast %swap3A_1268 : i32 to index
      %swap3A_1271 = arith.index_cast %mul3A_1210 : i32 to index
      %swap3A_1272 = tpu.vector_load %arg7[%swap3A_1269, %swap3A_1270, %swap3A_1271] {strides = array<i32>} : memref<3x32x768xf32, #tpu.memory_space<vmem>>, vector<1x1x16xf32>,
      %swap3A_1273 = vector.shape_cast %swap3A_1272 : vector<1x1x16xf32> to vector<16xf32>
      %swap3A_1274 = vector.shape_cast %get3A_1250 : vector<16xf32> to vector<1x1x16xf32>
      tpu.vector_store %arg7[%swap3A_1269, %swap3A_1270, %swap3A_1271], %swap3A_1274 {add = true, strides = array<i32>} : memref<3x32x768xf32, #tpu.memory_space<vmem>>, vector<1x1x16xf32>,
      %swap3A_1275 = arith.constant 1 : i32
      %swap3A_1276 = arith.constant 25 : i32
      %swap3A_1277 = arith.index_cast %swap3A_1275 : i32 to index
      %swap3A_1278 = arith.index_cast %swap3A_1276 : i32 to index
      %swap3A_1279 = arith.index_cast %mul3A_1210 : i32 to index
      %swap3A_1280 = tpu.vector_load %arg7[%swap3A_1277, %swap3A_1278, %swap3A_1279] {strides = array<i32>} : memref<3x32x768xf32, #tpu.memory_space<vmem>>, vector<1x1x16xf32>,
      %swap3A_1281 = vector.shape_cast %swap3A_1280 : vector<1x1x16xf32> to vector<16xf32>
      %swap3A_1282 = vector.shape_cast %get3A_1250 : vector<16xf32> to vector<1x1x16xf32>
      tpu.vector_store %arg7[%swap3A_1277, %swap3A_1278, %swap3A_1279], %swap3A_1282 {add = true, strides = array<i32>} : memref<3x32x768xf32, #tpu.memory_space<vmem>>, vector<1x1x16xf32>,
      %get3A_1283 = arith.constant 34 : i32
      %get3A_1284 = arith.index_cast %get3A_1283 : i32 to index
      %get3A_1285 = arith.index_cast %mul3A_1210 : i32 to index
      %get3A_1286 = tpu.vector_load %arg8[%get3A_1284, %get3A_1285] {strides = array<i32>} : memref<64x768xf32, #tpu.memory_space<vmem>>, vector<1x16xf32>,
      %get3A_1287 = vector.shape_cast %get3A_1286 : vector<1x16xf32> to vector<16xf32>
      %swap3A_1288 = arith.constant 1 : i32
      %swap3A_1289 = arith.constant 2 : i32
      %swap3A_1290 = arith.index_cast %swap3A_1288 : i32 to index
      %swap3A_1291 = arith.index_cast %swap3A_1289 : i32 to index
      %swap3A_1292 = arith.index_cast %mul3A_1210 : i32 to index
      %swap3A_1293 = tpu.vector_load %arg7[%swap3A_1290, %swap3A_1291, %swap3A_1292] {strides = array<i32>} : memref<3x32x768xf32, #tpu.memory_space<vmem>>, vector<1x1x16xf32>,
      %swap3A_1294 = vector.shape_cast %swap3A_1293 : vector<1x1x16xf32> to vector<16xf32>
      %swap3A_1295 = vector.shape_cast %get3A_1287 : vector<16xf32> to vector<1x1x16xf32>
      tpu.vector_store %arg7[%swap3A_1290, %swap3A_1291, %swap3A_1292], %swap3A_1295 {add = true, strides = array<i32>} : memref<3x32x768xf32, #tpu.memory_space<vmem>>, vector<1x1x16xf32>,
      %swap3A_1296 = arith.constant 1 : i32
      %swap3A_1297 = arith.constant 10 : i32
      %swap3A_1298 = arith.index_cast %swap3A_1296 : i32 to index
      %swap3A_1299 = arith.index_cast %swap3A_1297 : i32 to index
      %swap3A_1300 = arith.index_cast %mul3A_1210 : i32 to index
      %swap3A_1301 = tpu.vector_load %arg7[%swap3A_1298, %swap3A_1299, %swap3A_1300] {strides = array<i32>} : memref<3x32x768xf32, #tpu.memory_space<vmem>>, vector<1x1x16xf32>,
      %swap3A_1302 = vector.shape_cast %swap3A_1301 : vector<1x1x16xf32> to vector<16xf32>
      %swap3A_1303 = vector.shape_cast %get3A_1287 : vector<16xf32> to vector<1x1x16xf32>
      tpu.vector_store %arg7[%swap3A_1298, %swap3A_1299, %swap3A_1300], %swap3A_1303 {add = true, strides = array<i32>} : memref<3x32x768xf32, #tpu.memory_space<vmem>>, vector<1x1x16xf32>,
      %swap3A_1304 = arith.constant 1 : i32
      %swap3A_1305 = arith.constant 18 : i32
      %swap3A_1306 = arith.index_cast %swap3A_1304 : i32 to index
      %swap3A_1307 = arith.index_cast %swap3A_1305 : i32 to index
      %swap3A_1308 = arith.index_cast %mul3A_1210 : i32 to index
      %swap3A_1309 = tpu.vector_load %arg7[%swap3A_1306, %swap3A_1307, %swap3A_1308] {strides = array<i32>} : memref<3x32x768xf32, #tpu.memory_space<vmem>>, vector<1x1x16xf32>,
      %swap3A_1310 = vector.shape_cast %swap3A_1309 : vector<1x1x16xf32> to vector<16xf32>
      %swap3A_1311 = vector.shape_cast %get3A_1287 : vector<16xf32> to vector<1x1x16xf32>
      tpu.vector_store %arg7[%swap3A_1306, %swap3A_1307, %swap3A_1308], %swap3A_1311 {add = true, strides = array<i32>} : memref<3x32x768xf32, #tpu.memory_space<vmem>>, vector<1x1x16xf32>,
      %swap3A_1312 = arith.constant 1 : i32
      %swap3A_1313 = arith.constant 26 : i32
      %swap3A_1314 = arith.index_cast %swap3A_1312 : i32 to index
      %swap3A_1315 = arith.index_cast %swap3A_1313 : i32 to index
      %swap3A_1316 = arith.index_cast %mul3A_1210 : i32 to index
      %swap3A_1317 = tpu.vector_load %arg7[%swap3A_1314, %swap3A_1315, %swap3A_1316] {strides = array<i32>} : memref<3x32x768xf32, #tpu.memory_space<vmem>>, vector<1x1x16xf32>,
      %swap3A_1318 = vector.shape_cast %swap3A_1317 : vector<1x1x16xf32> to vector<16xf32>
      %swap3A_1319 = vector.shape_cast %get3A_1287 : vector<16xf32> to vector<1x1x16xf32>
      tpu.vector_store %arg7[%swap3A_1314, %swap3A_1315, %swap3A_1316], %swap3A_1319 {add = true, strides = array<i32>} : memref<3x32x768xf32, #tpu.memory_space<vmem>>, vector<1x1x16xf32>,
      %get3A_1320 = arith.constant 35 : i32
      %get3A_1321 = arith.index_cast %get3A_1320 : i32 to index
      %get3A_1322 = arith.index_cast %mul3A_1210 : i32 to index
      %get3A_1323 = tpu.vector_load %arg8[%get3A_1321, %get3A_1322] {strides = array<i32>} : memref<64x768xf32, #tpu.memory_space<vmem>>, vector<1x16xf32>,
      %get3A_1324 = vector.shape_cast %get3A_1323 : vector<1x16xf32> to vector<16xf32>
      %swap3A_1325 = arith.constant 1 : i32
      %swap3A_1326 = arith.constant 3 : i32
      %swap3A_1327 = arith.index_cast %swap3A_1325 : i32 to index
      %swap3A_1328 = arith.index_cast %swap3A_1326 : i32 to index
      %swap3A_1329 = arith.index_cast %mul3A_1210 : i32 to index
      %swap3A_1330 = tpu.vector_load %arg7[%swap3A_1327, %swap3A_1328, %swap3A_1329] {strides = array<i32>} : memref<3x32x768xf32, #tpu.memory_space<vmem>>, vector<1x1x16xf32>,
      %swap3A_1331 = vector.shape_cast %swap3A_1330 : vector<1x1x16xf32> to vector<16xf32>
      %swap3A_1332 = vector.shape_cast %get3A_1324 : vector<16xf32> to vector<1x1x16xf32>
      tpu.vector_store %arg7[%swap3A_1327, %swap3A_1328, %swap3A_1329], %swap3A_1332 {add = true, strides = array<i32>} : memref<3x32x768xf32, #tpu.memory_space<vmem>>, vector<1x1x16xf32>,
      %swap3A_1333 = arith.constant 1 : i32
      %swap3A_1334 = arith.constant 11 : i32
      %swap3A_1335 = arith.index_cast %swap3A_1333 : i32 to index
      %swap3A_1336 = arith.index_cast %swap3A_1334 : i32 to index
      %swap3A_1337 = arith.index_cast %mul3A_1210 : i32 to index
      %swap3A_1338 = tpu.vector_load %arg7[%swap3A_1335, %swap3A_1336, %swap3A_1337] {strides = array<i32>} : memref<3x32x768xf32, #tpu.memory_space<vmem>>, vector<1x1x16xf32>,
      %swap3A_1339 = vector.shape_cast %swap3A_1338 : vector<1x1x16xf32> to vector<16xf32>
      %swap3A_1340 = vector.shape_cast %get3A_1324 : vector<16xf32> to vector<1x1x16xf32>
      tpu.vector_store %arg7[%swap3A_1335, %swap3A_1336, %swap3A_1337], %swap3A_1340 {add = true, strides = array<i32>} : memref<3x32x768xf32, #tpu.memory_space<vmem>>, vector<1x1x16xf32>,
      %swap3A_1341 = arith.constant 1 : i32
      %swap3A_1342 = arith.constant 19 : i32
      %swap3A_1343 = arith.index_cast %swap3A_1341 : i32 to index
      %swap3A_1344 = arith.index_cast %swap3A_1342 : i32 to index
      %swap3A_1345 = arith.index_cast %mul3A_1210 : i32 to index
      %swap3A_1346 = tpu.vector_load %arg7[%swap3A_1343, %swap3A_1344, %swap3A_1345] {strides = array<i32>} : memref<3x32x768xf32, #tpu.memory_space<vmem>>, vector<1x1x16xf32>,
      %swap3A_1347 = vector.shape_cast %swap3A_1346 : vector<1x1x16xf32> to vector<16xf32>
      %swap3A_1348 = vector.shape_cast %get3A_1324 : vector<16xf32> to vector<1x1x16xf32>
      tpu.vector_store %arg7[%swap3A_1343, %swap3A_1344, %swap3A_1345], %swap3A_1348 {add = true, strides = array<i32>} : memref<3x32x768xf32, #tpu.memory_space<vmem>>, vector<1x1x16xf32>,
      %swap3A_1349 = arith.constant 1 : i32
      %swap3A_1350 = arith.constant 27 : i32
      %swap3A_1351 = arith.index_cast %swap3A_1349 : i32 to index
      %swap3A_1352 = arith.index_cast %swap3A_1350 : i32 to index
      %swap3A_1353 = arith.index_cast %mul3A_1210 : i32 to index
      %swap3A_1354 = tpu.vector_load %arg7[%swap3A_1351, %swap3A_1352, %swap3A_1353] {strides = array<i32>} : memref<3x32x768xf32, #tpu.memory_space<vmem>>, vector<1x1x16xf32>,
      %swap3A_1355 = vector.shape_cast %swap3A_1354 : vector<1x1x16xf32> to vector<16xf32>
      %swap3A_1356 = vector.shape_cast %get3A_1324 : vector<16xf32> to vector<1x1x16xf32>
      tpu.vector_store %arg7[%swap3A_1351, %swap3A_1352, %swap3A_1353], %swap3A_1356 {add = true, strides = array<i32>} : memref<3x32x768xf32, #tpu.memory_space<vmem>>, vector<1x1x16xf32>,
      %get3A_1357 = arith.constant 36 : i32
      %get3A_1358 = arith.index_cast %get3A_1357 : i32 to index
      %get3A_1359 = arith.index_cast %mul3A_1210 : i32 to index
      %get3A_1360 = tpu.vector_load %arg8[%get3A_1358, %get3A_1359] {strides = array<i32>} : memref<64x768xf32, #tpu.memory_space<vmem>>, vector<1x16xf32>,
      %get3A_1361 = vector.shape_cast %get3A_1360 : vector<1x16xf32> to vector<16xf32>
      %swap3A_1362 = arith.constant 1 : i32
      %swap3A_1363 = arith.constant 4 : i32
      %swap3A_1364 = arith.index_cast %swap3A_1362 : i32 to index
      %swap3A_1365 = arith.index_cast %swap3A_1363 : i32 to index
      %swap3A_1366 = arith.index_cast %mul3A_1210 : i32 to index
      %swap3A_1367 = tpu.vector_load %arg7[%swap3A_1364, %swap3A_1365, %swap3A_1366] {strides = array<i32>} : memref<3x32x768xf32, #tpu.memory_space<vmem>>, vector<1x1x16xf32>,
      %swap3A_1368 = vector.shape_cast %swap3A_1367 : vector<1x1x16xf32> to vector<16xf32>
      %swap3A_1369 = vector.shape_cast %get3A_1361 : vector<16xf32> to vector<1x1x16xf32>
      tpu.vector_store %arg7[%swap3A_1364, %swap3A_1365, %swap3A_1366], %swap3A_1369 {add = true, strides = array<i32>} : memref<3x32x768xf32, #tpu.memory_space<vmem>>, vector<1x1x16xf32>,
      %swap3A_1370 = arith.constant 1 : i32
      %swap3A_1371 = arith.constant 12 : i32
      %swap3A_1372 = arith.index_cast %swap3A_1370 : i32 to index
      %swap3A_1373 = arith.index_cast %swap3A_1371 : i32 to index
      %swap3A_1374 = arith.index_cast %mul3A_1210 : i32 to index
      %swap3A_1375 = tpu.vector_load %arg7[%swap3A_1372, %swap3A_1373, %swap3A_1374] {strides = array<i32>} : memref<3x32x768xf32, #tpu.memory_space<vmem>>, vector<1x1x16xf32>,
      %swap3A_1376 = vector.shape_cast %swap3A_1375 : vector<1x1x16xf32> to vector<16xf32>
      %swap3A_1377 = vector.shape_cast %get3A_1361 : vector<16xf32> to vector<1x1x16xf32>
      tpu.vector_store %arg7[%swap3A_1372, %swap3A_1373, %swap3A_1374], %swap3A_1377 {add = true, strides = array<i32>} : memref<3x32x768xf32, #tpu.memory_space<vmem>>, vector<1x1x16xf32>,
      %swap3A_1378 = arith.constant 1 : i32
      %swap3A_1379 = arith.constant 20 : i32
      %swap3A_1380 = arith.index_cast %swap3A_1378 : i32 to index
      %swap3A_1381 = arith.index_cast %swap3A_1379 : i32 to index
      %swap3A_1382 = arith.index_cast %mul3A_1210 : i32 to index
      %swap3A_1383 = tpu.vector_load %arg7[%swap3A_1380, %swap3A_1381, %swap3A_1382] {strides = array<i32>} : memref<3x32x768xf32, #tpu.memory_space<vmem>>, vector<1x1x16xf32>,
      %swap3A_1384 = vector.shape_cast %swap3A_1383 : vector<1x1x16xf32> to vector<16xf32>
      %swap3A_1385 = vector.shape_cast %get3A_1361 : vector<16xf32> to vector<1x1x16xf32>
      tpu.vector_store %arg7[%swap3A_1380, %swap3A_1381, %swap3A_1382], %swap3A_1385 {add = true, strides = array<i32>} : memref<3x32x768xf32, #tpu.memory_space<vmem>>, vector<1x1x16xf32>,
      %swap3A_1386 = arith.constant 1 : i32
      %swap3A_1387 = arith.constant 28 : i32
      %swap3A_1388 = arith.index_cast %swap3A_1386 : i32 to index
      %swap3A_1389 = arith.index_cast %swap3A_1387 : i32 to index
      %swap3A_1390 = arith.index_cast %mul3A_1210 : i32 to index
      %swap3A_1391 = tpu.vector_load %arg7[%swap3A_1388, %swap3A_1389, %swap3A_1390] {strides = array<i32>} : memref<3x32x768xf32, #tpu.memory_space<vmem>>, vector<1x1x16xf32>,
      %swap3A_1392 = vector.shape_cast %swap3A_1391 : vector<1x1x16xf32> to vector<16xf32>
      %swap3A_1393 = vector.shape_cast %get3A_1361 : vector<16xf32> to vector<1x1x16xf32>
      tpu.vector_store %arg7[%swap3A_1388, %swap3A_1389, %swap3A_1390], %swap3A_1393 {add = true, strides = array<i32>} : memref<3x32x768xf32, #tpu.memory_space<vmem>>, vector<1x1x16xf32>,
      %get3A_1394 = arith.constant 37 : i32
      %get3A_1395 = arith.index_cast %get3A_1394 : i32 to index
      %get3A_1396 = arith.index_cast %mul3A_1210 : i32 to index
      %get3A_1397 = tpu.vector_load %arg8[%get3A_1395, %get3A_1396] {strides = array<i32>} : memref<64x768xf32, #tpu.memory_space<vmem>>, vector<1x16xf32>,
      %get3A_1398 = vector.shape_cast %get3A_1397 : vector<1x16xf32> to vector<16xf32>
      %swap3A_1399 = arith.constant 1 : i32
      %swap3A_1400 = arith.constant 5 : i32
      %swap3A_1401 = arith.index_cast %swap3A_1399 : i32 to index
      %swap3A_1402 = arith.index_cast %swap3A_1400 : i32 to index
      %swap3A_1403 = arith.index_cast %mul3A_1210 : i32 to index
      %swap3A_1404 = tpu.vector_load %arg7[%swap3A_1401, %swap3A_1402, %swap3A_1403] {strides = array<i32>} : memref<3x32x768xf32, #tpu.memory_space<vmem>>, vector<1x1x16xf32>,
      %swap3A_1405 = vector.shape_cast %swap3A_1404 : vector<1x1x16xf32> to vector<16xf32>
      %swap3A_1406 = vector.shape_cast %get3A_1398 : vector<16xf32> to vector<1x1x16xf32>
      tpu.vector_store %arg7[%swap3A_1401, %swap3A_1402, %swap3A_1403], %swap3A_1406 {add = true, strides = array<i32>} : memref<3x32x768xf32, #tpu.memory_space<vmem>>, vector<1x1x16xf32>,
      %swap3A_1407 = arith.constant 1 : i32
      %swap3A_1408 = arith.constant 13 : i32
      %swap3A_1409 = arith.index_cast %swap3A_1407 : i32 to index
      %swap3A_1410 = arith.index_cast %swap3A_1408 : i32 to index
      %swap3A_1411 = arith.index_cast %mul3A_1210 : i32 to index
      %swap3A_1412 = tpu.vector_load %arg7[%swap3A_1409, %swap3A_1410, %swap3A_1411] {strides = array<i32>} : memref<3x32x768xf32, #tpu.memory_space<vmem>>, vector<1x1x16xf32>,
      %swap3A_1413 = vector.shape_cast %swap3A_1412 : vector<1x1x16xf32> to vector<16xf32>
      %swap3A_1414 = vector.shape_cast %get3A_1398 : vector<16xf32> to vector<1x1x16xf32>
      tpu.vector_store %arg7[%swap3A_1409, %swap3A_1410, %swap3A_1411], %swap3A_1414 {add = true, strides = array<i32>} : memref<3x32x768xf32, #tpu.memory_space<vmem>>, vector<1x1x16xf32>,
      %swap3A_1415 = arith.constant 1 : i32
      %swap3A_1416 = arith.constant 21 : i32
      %swap3A_1417 = arith.index_cast %swap3A_1415 : i32 to index
      %swap3A_1418 = arith.index_cast %swap3A_1416 : i32 to index
      %swap3A_1419 = arith.index_cast %mul3A_1210 : i32 to index
      %swap3A_1420 = tpu.vector_load %arg7[%swap3A_1417, %swap3A_1418, %swap3A_1419] {strides = array<i32>} : memref<3x32x768xf32, #tpu.memory_space<vmem>>, vector<1x1x16xf32>,
      %swap3A_1421 = vector.shape_cast %swap3A_1420 : vector<1x1x16xf32> to vector<16xf32>
      %swap3A_1422 = vector.shape_cast %get3A_1398 : vector<16xf32> to vector<1x1x16xf32>
      tpu.vector_store %arg7[%swap3A_1417, %swap3A_1418, %swap3A_1419], %swap3A_1422 {add = true, strides = array<i32>} : memref<3x32x768xf32, #tpu.memory_space<vmem>>, vector<1x1x16xf32>,
      %swap3A_1423 = arith.constant 1 : i32
      %swap3A_1424 = arith.constant 29 : i32
      %swap3A_1425 = arith.index_cast %swap3A_1423 : i32 to index
      %swap3A_1426 = arith.index_cast %swap3A_1424 : i32 to index
      %swap3A_1427 = arith.index_cast %mul3A_1210 : i32 to index
      %swap3A_1428 = tpu.vector_load %arg7[%swap3A_1425, %swap3A_1426, %swap3A_1427] {strides = array<i32>} : memref<3x32x768xf32, #tpu.memory_space<vmem>>, vector<1x1x16xf32>,
      %swap3A_1429 = vector.shape_cast %swap3A_1428 : vector<1x1x16xf32> to vector<16xf32>
      %swap3A_1430 = vector.shape_cast %get3A_1398 : vector<16xf32> to vector<1x1x16xf32>
      tpu.vector_store %arg7[%swap3A_1425, %swap3A_1426, %swap3A_1427], %swap3A_1430 {add = true, strides = array<i32>} : memref<3x32x768xf32, #tpu.memory_space<vmem>>, vector<1x1x16xf32>,
      %get3A_1431 = arith.constant 38 : i32
      %get3A_1432 = arith.index_cast %get3A_1431 : i32 to index
      %get3A_1433 = arith.index_cast %mul3A_1210 : i32 to index
      %get3A_1434 = tpu.vector_load %arg8[%get3A_1432, %get3A_1433] {strides = array<i32>} : memref<64x768xf32, #tpu.memory_space<vmem>>, vector<1x16xf32>,
      %get3A_1435 = vector.shape_cast %get3A_1434 : vector<1x16xf32> to vector<16xf32>
      %swap3A_1436 = arith.constant 1 : i32
      %swap3A_1437 = arith.constant 6 : i32
      %swap3A_1438 = arith.index_cast %swap3A_1436 : i32 to index
      %swap3A_1439 = arith.index_cast %swap3A_1437 : i32 to index
      %swap3A_1440 = arith.index_cast %mul3A_1210 : i32 to index
      %swap3A_1441 = tpu.vector_load %arg7[%swap3A_1438, %swap3A_1439, %swap3A_1440] {strides = array<i32>} : memref<3x32x768xf32, #tpu.memory_space<vmem>>, vector<1x1x16xf32>,
      %swap3A_1442 = vector.shape_cast %swap3A_1441 : vector<1x1x16xf32> to vector<16xf32>
      %swap3A_1443 = vector.shape_cast %get3A_1435 : vector<16xf32> to vector<1x1x16xf32>
      tpu.vector_store %arg7[%swap3A_1438, %swap3A_1439, %swap3A_1440], %swap3A_1443 {add = true, strides = array<i32>} : memref<3x32x768xf32, #tpu.memory_space<vmem>>, vector<1x1x16xf32>,
      %swap3A_1444 = arith.constant 1 : i32
      %swap3A_1445 = arith.constant 14 : i32
      %swap3A_1446 = arith.index_cast %swap3A_1444 : i32 to index
      %swap3A_1447 = arith.index_cast %swap3A_1445 : i32 to index
      %swap3A_1448 = arith.index_cast %mul3A_1210 : i32 to index
      %swap3A_1449 = tpu.vector_load %arg7[%swap3A_1446, %swap3A_1447, %swap3A_1448] {strides = array<i32>} : memref<3x32x768xf32, #tpu.memory_space<vmem>>, vector<1x1x16xf32>,
      %swap3A_1450 = vector.shape_cast %swap3A_1449 : vector<1x1x16xf32> to vector<16xf32>
      %swap3A_1451 = vector.shape_cast %get3A_1435 : vector<16xf32> to vector<1x1x16xf32>
      tpu.vector_store %arg7[%swap3A_1446, %swap3A_1447, %swap3A_1448], %swap3A_1451 {add = true, strides = array<i32>} : memref<3x32x768xf32, #tpu.memory_space<vmem>>, vector<1x1x16xf32>,
      %swap3A_1452 = arith.constant 1 : i32
      %swap3A_1453 = arith.constant 22 : i32
      %swap3A_1454 = arith.index_cast %swap3A_1452 : i32 to index
      %swap3A_1455 = arith.index_cast %swap3A_1453 : i32 to index
      %swap3A_1456 = arith.index_cast %mul3A_1210 : i32 to index
      %swap3A_1457 = tpu.vector_load %arg7[%swap3A_1454, %swap3A_1455, %swap3A_1456] {strides = array<i32>} : memref<3x32x768xf32, #tpu.memory_space<vmem>>, vector<1x1x16xf32>,
      %swap3A_1458 = vector.shape_cast %swap3A_1457 : vector<1x1x16xf32> to vector<16xf32>
      %swap3A_1459 = vector.shape_cast %get3A_1435 : vector<16xf32> to vector<1x1x16xf32>
      tpu.vector_store %arg7[%swap3A_1454, %swap3A_1455, %swap3A_1456], %swap3A_1459 {add = true, strides = array<i32>} : memref<3x32x768xf32, #tpu.memory_space<vmem>>, vector<1x1x16xf32>,
      %swap3A_1460 = arith.constant 1 : i32
      %swap3A_1461 = arith.constant 30 : i32
      %swap3A_1462 = arith.index_cast %swap3A_1460 : i32 to index
      %swap3A_1463 = arith.index_cast %swap3A_1461 : i32 to index
      %swap3A_1464 = arith.index_cast %mul3A_1210 : i32 to index
      %swap3A_1465 = tpu.vector_load %arg7[%swap3A_1462, %swap3A_1463, %swap3A_1464] {strides = array<i32>} : memref<3x32x768xf32, #tpu.memory_space<vmem>>, vector<1x1x16xf32>,
      %swap3A_1466 = vector.shape_cast %swap3A_1465 : vector<1x1x16xf32> to vector<16xf32>
      %swap3A_1467 = vector.shape_cast %get3A_1435 : vector<16xf32> to vector<1x1x16xf32>
      tpu.vector_store %arg7[%swap3A_1462, %swap3A_1463, %swap3A_1464], %swap3A_1467 {add = true, strides = array<i32>} : memref<3x32x768xf32, #tpu.memory_space<vmem>>, vector<1x1x16xf32>,
      %get3A_1468 = arith.constant 39 : i32
      %get3A_1469 = arith.index_cast %get3A_1468 : i32 to index
      %get3A_1470 = arith.index_cast %mul3A_1210 : i32 to index
      %get3A_1471 = tpu.vector_load %arg8[%get3A_1469, %get3A_1470] {strides = array<i32>} : memref<64x768xf32, #tpu.memory_space<vmem>>, vector<1x16xf32>,
      %get3A_1472 = vector.shape_cast %get3A_1471 : vector<1x16xf32> to vector<16xf32>
      %swap3A_1473 = arith.constant 1 : i32
      %swap3A_1474 = arith.constant 7 : i32
      %swap3A_1475 = arith.index_cast %swap3A_1473 : i32 to index
      %swap3A_1476 = arith.index_cast %swap3A_1474 : i32 to index
      %swap3A_1477 = arith.index_cast %mul3A_1210 : i32 to index
      %swap3A_1478 = tpu.vector_load %arg7[%swap3A_1475, %swap3A_1476, %swap3A_1477] {strides = array<i32>} : memref<3x32x768xf32, #tpu.memory_space<vmem>>, vector<1x1x16xf32>,
      %swap3A_1479 = vector.shape_cast %swap3A_1478 : vector<1x1x16xf32> to vector<16xf32>
      %swap3A_1480 = vector.shape_cast %get3A_1472 : vector<16xf32> to vector<1x1x16xf32>
      tpu.vector_store %arg7[%swap3A_1475, %swap3A_1476, %swap3A_1477], %swap3A_1480 {add = true, strides = array<i32>} : memref<3x32x768xf32, #tpu.memory_space<vmem>>, vector<1x1x16xf32>,
      %swap3A_1481 = arith.constant 1 : i32
      %swap3A_1482 = arith.constant 15 : i32
      %swap3A_1483 = arith.index_cast %swap3A_1481 : i32 to index
      %swap3A_1484 = arith.index_cast %swap3A_1482 : i32 to index
      %swap3A_1485 = arith.index_cast %mul3A_1210 : i32 to index
      %swap3A_1486 = tpu.vector_load %arg7[%swap3A_1483, %swap3A_1484, %swap3A_1485] {strides = array<i32>} : memref<3x32x768xf32, #tpu.memory_space<vmem>>, vector<1x1x16xf32>,
      %swap3A_1487 = vector.shape_cast %swap3A_1486 : vector<1x1x16xf32> to vector<16xf32>
      %swap3A_1488 = vector.shape_cast %get3A_1472 : vector<16xf32> to vector<1x1x16xf32>
      tpu.vector_store %arg7[%swap3A_1483, %swap3A_1484, %swap3A_1485], %swap3A_1488 {add = true, strides = array<i32>} : memref<3x32x768xf32, #tpu.memory_space<vmem>>, vector<1x1x16xf32>,
      %swap3A_1489 = arith.constant 1 : i32
      %swap3A_1490 = arith.constant 23 : i32
      %swap3A_1491 = arith.index_cast %swap3A_1489 : i32 to index
      %swap3A_1492 = arith.index_cast %swap3A_1490 : i32 to index
      %swap3A_1493 = arith.index_cast %mul3A_1210 : i32 to index
      %swap3A_1494 = tpu.vector_load %arg7[%swap3A_1491, %swap3A_1492, %swap3A_1493] {strides = array<i32>} : memref<3x32x768xf32, #tpu.memory_space<vmem>>, vector<1x1x16xf32>,
      %swap3A_1495 = vector.shape_cast %swap3A_1494 : vector<1x1x16xf32> to vector<16xf32>
      %swap3A_1496 = vector.shape_cast %get3A_1472 : vector<16xf32> to vector<1x1x16xf32>
      tpu.vector_store %arg7[%swap3A_1491, %swap3A_1492, %swap3A_1493], %swap3A_1496 {add = true, strides = array<i32>} : memref<3x32x768xf32, #tpu.memory_space<vmem>>, vector<1x1x16xf32>,
      %swap3A_1497 = arith.constant 1 : i32
      %swap3A_1498 = arith.constant 31 : i32
      %swap3A_1499 = arith.index_cast %swap3A_1497 : i32 to index
      %swap3A_1500 = arith.index_cast %swap3A_1498 : i32 to index
      %swap3A_1501 = arith.index_cast %mul3A_1210 : i32 to index
      %swap3A_1502 = tpu.vector_load %arg7[%swap3A_1499, %swap3A_1500, %swap3A_1501] {strides = array<i32>} : memref<3x32x768xf32, #tpu.memory_space<vmem>>, vector<1x1x16xf32>,
      %swap3A_1503 = vector.shape_cast %swap3A_1502 : vector<1x1x16xf32> to vector<16xf32>
      %swap3A_1504 = vector.shape_cast %get3A_1472 : vector<16xf32> to vector<1x1x16xf32>
      tpu.vector_store %arg7[%swap3A_1499, %swap3A_1500, %swap3A_1501], %swap3A_1504 {add = true, strides = array<i32>} : memref<3x32x768xf32, #tpu.memory_space<vmem>>, vector<1x1x16xf32>,
    }
    %scan3A_661 = arith.constant 48 : i32
    "tpu.trace_stop"() : () -> ()
    %add3A_662 = arith.constant 0 : i32
    %add3A_663 = arith.addi %add3A_662, %mul3A_2 : i32
    %add3A_664 = arith.constant 32 : i32
    %add3A_665 = arith.addi %add3A_663, %add3A_664 : i32
    %dma_start3A_666 = arith.constant 1 : i32
    %dma_start3A_667 = arith.constant 0 : i32
    %dma_start3A_668 = arith.constant 0 : i32
    %dma_start3A_669 = tpu.memref_slice %arg7[%dma_start3A_666, %dma_start3A_667, %dma_start3A_668] : memref<3x32x768xf32, #tpu.memory_space<vmem>> -> memref<1x8x768xf32, #tpu.memory_space<vmem>>
    %dma_start3A_670 = tpu.memref_squeeze %dma_start3A_669 : memref<1x8x768xf32, #tpu.memory_space<vmem>> -> memref<8x768xf32, #tpu.memory_space<vmem>>
    %dma_start3A_671 = arith.constant 0 : i32
    %dma_start3A_672 = tpu.memref_slice %arg5[%add3A_665, %dma_start3A_671] : memref<8192x768xf32, #tpu.memory_space<hbm>> -> memref<8x768xf32, #tpu.memory_space<hbm>>
    %dma_start3A_673 = arith.constant 0 : i32
    %dma_start3A_674 = tpu.memref_slice %arg5[%add3A_665, %dma_start3A_673] : memref<8192x768xf32, #tpu.memory_space<hbm>> -> memref<8x768xf32, #tpu.memory_space<hbm>>
    %dma_start3A_675 = arith.constant 0 : i32
    %dma_start3A_676 = arith.constant 0 : i32
    %dma_start3A_677 = tpu.memref_slice %arg7[%dma_start3A_666, %dma_start3A_675, %dma_start3A_676] : memref<3x32x768xf32, #tpu.memory_space<vmem>> -> memref<1x8x768xf32, #tpu.memory_space<vmem>>
    %dma_start3A_678 = tpu.memref_squeeze %dma_start3A_677 : memref<1x8x768xf32, #tpu.memory_space<vmem>> -> memref<8x768xf32, #tpu.memory_space<vmem>>
    tpu.enqueue_dma source(%dma_start3A_678 : memref<8x768xf32, #tpu.memory_space<vmem>>) target(%dma_start3A_674 : memref<8x768xf32, #tpu.memory_space<hbm>>) target_semaphore(%arg14 : memref<!tpu.dma_semaphore, #tpu.memory_space<semaphore_mem>>)
    %add3A_679 = arith.constant 2048 : i32
    %add3A_680 = arith.addi %add3A_679, %mul3A_2 : i32
    %add3A_681 = arith.constant 32 : i32
    %add3A_682 = arith.addi %add3A_680, %add3A_681 : i32
    %dma_start3A_683 = arith.constant 1 : i32
    %dma_start3A_684 = arith.constant 8 : i32
    %dma_start3A_685 = arith.constant 0 : i32
    %dma_start3A_686 = tpu.memref_slice %arg7[%dma_start3A_683, %dma_start3A_684, %dma_start3A_685] : memref<3x32x768xf32, #tpu.memory_space<vmem>> -> memref<1x8x768xf32, #tpu.memory_space<vmem>>
    %dma_start3A_687 = tpu.memref_squeeze %dma_start3A_686 : memref<1x8x768xf32, #tpu.memory_space<vmem>> -> memref<8x768xf32, #tpu.memory_space<vmem>>
    %dma_start3A_688 = arith.constant 0 : i32
    %dma_start3A_689 = tpu.memref_slice %arg5[%add3A_682, %dma_start3A_688] : memref<8192x768xf32, #tpu.memory_space<hbm>> -> memref<8x768xf32, #tpu.memory_space<hbm>>
    %dma_start3A_690 = arith.constant 0 : i32
    %dma_start3A_691 = tpu.memref_slice %arg5[%add3A_682, %dma_start3A_690] : memref<8192x768xf32, #tpu.memory_space<hbm>> -> memref<8x768xf32, #tpu.memory_space<hbm>>
    %dma_start3A_692 = arith.constant 8 : i32
    %dma_start3A_693 = arith.constant 0 : i32
    %dma_start3A_694 = tpu.memref_slice %arg7[%dma_start3A_683, %dma_start3A_692, %dma_start3A_693] : memref<3x32x768xf32, #tpu.memory_space<vmem>> -> memref<1x8x768xf32, #tpu.memory_space<vmem>>
    %dma_start3A_695 = tpu.memref_squeeze %dma_start3A_694 : memref<1x8x768xf32, #tpu.memory_space<vmem>> -> memref<8x768xf32, #tpu.memory_space<vmem>>
    tpu.enqueue_dma source(%dma_start3A_695 : memref<8x768xf32, #tpu.memory_space<vmem>>) target(%dma_start3A_691 : memref<8x768xf32, #tpu.memory_space<hbm>>) target_semaphore(%arg14 : memref<!tpu.dma_semaphore, #tpu.memory_space<semaphore_mem>>)
    %add3A_696 = arith.constant 4096 : i32
    %add3A_697 = arith.addi %add3A_696, %mul3A_2 : i32
    %add3A_698 = arith.constant 32 : i32
    %add3A_699 = arith.addi %add3A_697, %add3A_698 : i32
    %dma_start3A_700 = arith.constant 1 : i32
    %dma_start3A_701 = arith.constant 16 : i32
    %dma_start3A_702 = arith.constant 0 : i32
    %dma_start3A_703 = tpu.memref_slice %arg7[%dma_start3A_700, %dma_start3A_701, %dma_start3A_702] : memref<3x32x768xf32, #tpu.memory_space<vmem>> -> memref<1x8x768xf32, #tpu.memory_space<vmem>>
    %dma_start3A_704 = tpu.memref_squeeze %dma_start3A_703 : memref<1x8x768xf32, #tpu.memory_space<vmem>> -> memref<8x768xf32, #tpu.memory_space<vmem>>
    %dma_start3A_705 = arith.constant 0 : i32
    %dma_start3A_706 = tpu.memref_slice %arg5[%add3A_699, %dma_start3A_705] : memref<8192x768xf32, #tpu.memory_space<hbm>> -> memref<8x768xf32, #tpu.memory_space<hbm>>
    %dma_start3A_707 = arith.constant 0 : i32
    %dma_start3A_708 = tpu.memref_slice %arg5[%add3A_699, %dma_start3A_707] : memref<8192x768xf32, #tpu.memory_space<hbm>> -> memref<8x768xf32, #tpu.memory_space<hbm>>
    %dma_start3A_709 = arith.constant 16 : i32
    %dma_start3A_710 = arith.constant 0 : i32
    %dma_start3A_711 = tpu.memref_slice %arg7[%dma_start3A_700, %dma_start3A_709, %dma_start3A_710] : memref<3x32x768xf32, #tpu.memory_space<vmem>> -> memref<1x8x768xf32, #tpu.memory_space<vmem>>
    %dma_start3A_712 = tpu.memref_squeeze %dma_start3A_711 : memref<1x8x768xf32, #tpu.memory_space<vmem>> -> memref<8x768xf32, #tpu.memory_space<vmem>>
    tpu.enqueue_dma source(%dma_start3A_712 : memref<8x768xf32, #tpu.memory_space<vmem>>) target(%dma_start3A_708 : memref<8x768xf32, #tpu.memory_space<hbm>>) target_semaphore(%arg14 : memref<!tpu.dma_semaphore, #tpu.memory_space<semaphore_mem>>)
    %add3A_713 = arith.constant 6144 : i32
    %add3A_714 = arith.addi %add3A_713, %mul3A_2 : i32
    %add3A_715 = arith.constant 32 : i32
    %add3A_716 = arith.addi %add3A_714, %add3A_715 : i32
    %dma_start3A_717 = arith.constant 1 : i32
    %dma_start3A_718 = arith.constant 24 : i32
    %dma_start3A_719 = arith.constant 0 : i32
    %dma_start3A_720 = tpu.memref_slice %arg7[%dma_start3A_717, %dma_start3A_718, %dma_start3A_719] : memref<3x32x768xf32, #tpu.memory_space<vmem>> -> memref<1x8x768xf32, #tpu.memory_space<vmem>>
    %dma_start3A_721 = tpu.memref_squeeze %dma_start3A_720 : memref<1x8x768xf32, #tpu.memory_space<vmem>> -> memref<8x768xf32, #tpu.memory_space<vmem>>
    %dma_start3A_722 = arith.constant 0 : i32
    %dma_start3A_723 = tpu.memref_slice %arg5[%add3A_716, %dma_start3A_722] : memref<8192x768xf32, #tpu.memory_space<hbm>> -> memref<8x768xf32, #tpu.memory_space<hbm>>
    %dma_start3A_724 = arith.constant 0 : i32
    %dma_start3A_725 = tpu.memref_slice %arg5[%add3A_716, %dma_start3A_724] : memref<8192x768xf32, #tpu.memory_space<hbm>> -> memref<8x768xf32, #tpu.memory_space<hbm>>
    %dma_start3A_726 = arith.constant 24 : i32
    %dma_start3A_727 = arith.constant 0 : i32
    %dma_start3A_728 = tpu.memref_slice %arg7[%dma_start3A_717, %dma_start3A_726, %dma_start3A_727] : memref<3x32x768xf32, #tpu.memory_space<vmem>> -> memref<1x8x768xf32, #tpu.memory_space<vmem>>
    %dma_start3A_729 = tpu.memref_squeeze %dma_start3A_728 : memref<1x8x768xf32, #tpu.memory_space<vmem>> -> memref<8x768xf32, #tpu.memory_space<vmem>>
    tpu.enqueue_dma source(%dma_start3A_729 : memref<8x768xf32, #tpu.memory_space<vmem>>) target(%dma_start3A_725 : memref<8x768xf32, #tpu.memory_space<hbm>>) target_semaphore(%arg14 : memref<!tpu.dma_semaphore, #tpu.memory_space<semaphore_mem>>)
    %dma_wait3A_730 = arith.constant 1 : i32
    %dma_wait3A_731 = arith.constant 0 : i32
    %dma_wait3A_732 = arith.constant 0 : i32
    %dma_wait3A_733 = tpu.memref_slice %arg7[%dma_wait3A_730, %dma_wait3A_731, %dma_wait3A_732] : memref<3x32x768xf32, #tpu.memory_space<vmem>> -> memref<1x8x768xf32, #tpu.memory_space<vmem>>
    %dma_wait3A_734 = tpu.memref_squeeze %dma_wait3A_733 : memref<1x8x768xf32, #tpu.memory_space<vmem>> -> memref<8x768xf32, #tpu.memory_space<vmem>>
    %dma_wait3A_735 = arith.constant 0 : i32
    %dma_wait3A_736 = tpu.memref_slice %arg5[%add3A_665, %dma_wait3A_735] : memref<8192x768xf32, #tpu.memory_space<hbm>> -> memref<8x768xf32, #tpu.memory_space<hbm>>
    %dma_wait3A_737 = arith.constant 0 : i32
    %dma_wait3A_738 = tpu.memref_slice %arg5[%add3A_665, %dma_wait3A_737] : memref<8192x768xf32, #tpu.memory_space<hbm>> -> memref<8x768xf32, #tpu.memory_space<hbm>>
    %dma_wait3A_739 = arith.constant 0 : i32
    %dma_wait3A_740 = arith.constant 0 : i32
    %dma_wait3A_741 = tpu.memref_slice %arg7[%dma_wait3A_730, %dma_wait3A_739, %dma_wait3A_740] : memref<3x32x768xf32, #tpu.memory_space<vmem>> -> memref<1x8x768xf32, #tpu.memory_space<vmem>>
    %dma_wait3A_742 = tpu.memref_squeeze %dma_wait3A_741 : memref<1x8x768xf32, #tpu.memory_space<vmem>> -> memref<8x768xf32, #tpu.memory_space<vmem>>
    tpu.wait_dma2 semaphore(%arg14 : memref<!tpu.dma_semaphore, #tpu.memory_space<semaphore_mem>>) src(%dma_wait3A_742 : memref<8x768xf32, #tpu.memory_space<vmem>>) dst(%dma_wait3A_738 : memref<8x768xf32, #tpu.memory_space<hbm>>)
    %dma_wait3A_743 = arith.constant 1 : i32
    %dma_wait3A_744 = arith.constant 8 : i32
    %dma_wait3A_745 = arith.constant 0 : i32
    %dma_wait3A_746 = tpu.memref_slice %arg7[%dma_wait3A_743, %dma_wait3A_744, %dma_wait3A_745] : memref<3x32x768xf32, #tpu.memory_space<vmem>> -> memref<1x8x768xf32, #tpu.memory_space<vmem>>
    %dma_wait3A_747 = tpu.memref_squeeze %dma_wait3A_746 : memref<1x8x768xf32, #tpu.memory_space<vmem>> -> memref<8x768xf32, #tpu.memory_space<vmem>>
    %dma_wait3A_748 = arith.constant 0 : i32
    %dma_wait3A_749 = tpu.memref_slice %arg5[%add3A_682, %dma_wait3A_748] : memref<8192x768xf32, #tpu.memory_space<hbm>> -> memref<8x768xf32, #tpu.memory_space<hbm>>
    %dma_wait3A_750 = arith.constant 0 : i32
    %dma_wait3A_751 = tpu.memref_slice %arg5[%add3A_682, %dma_wait3A_750] : memref<8192x768xf32, #tpu.memory_space<hbm>> -> memref<8x768xf32, #tpu.memory_space<hbm>>
    %dma_wait3A_752 = arith.constant 8 : i32
    %dma_wait3A_753 = arith.constant 0 : i32
    %dma_wait3A_754 = tpu.memref_slice %arg7[%dma_wait3A_743, %dma_wait3A_752, %dma_wait3A_753] : memref<3x32x768xf32, #tpu.memory_space<vmem>> -> memref<1x8x768xf32, #tpu.memory_space<vmem>>
    %dma_wait3A_755 = tpu.memref_squeeze %dma_wait3A_754 : memref<1x8x768xf32, #tpu.memory_space<vmem>> -> memref<8x768xf32, #tpu.memory_space<vmem>>
    tpu.wait_dma2 semaphore(%arg14 : memref<!tpu.dma_semaphore, #tpu.memory_space<semaphore_mem>>) src(%dma_wait3A_755 : memref<8x768xf32, #tpu.memory_space<vmem>>) dst(%dma_wait3A_751 : memref<8x768xf32, #tpu.memory_space<hbm>>)
    %dma_wait3A_756 = arith.constant 1 : i32
    %dma_wait3A_757 = arith.constant 16 : i32
    %dma_wait3A_758 = arith.constant 0 : i32
    %dma_wait3A_759 = tpu.memref_slice %arg7[%dma_wait3A_756, %dma_wait3A_757, %dma_wait3A_758] : memref<3x32x768xf32, #tpu.memory_space<vmem>> -> memref<1x8x768xf32, #tpu.memory_space<vmem>>
    %dma_wait3A_760 = tpu.memref_squeeze %dma_wait3A_759 : memref<1x8x768xf32, #tpu.memory_space<vmem>> -> memref<8x768xf32, #tpu.memory_space<vmem>>
    %dma_wait3A_761 = arith.constant 0 : i32
    %dma_wait3A_762 = tpu.memref_slice %arg5[%add3A_699, %dma_wait3A_761] : memref<8192x768xf32, #tpu.memory_space<hbm>> -> memref<8x768xf32, #tpu.memory_space<hbm>>
    %dma_wait3A_763 = arith.constant 0 : i32
    %dma_wait3A_764 = tpu.memref_slice %arg5[%add3A_699, %dma_wait3A_763] : memref<8192x768xf32, #tpu.memory_space<hbm>> -> memref<8x768xf32, #tpu.memory_space<hbm>>
    %dma_wait3A_765 = arith.constant 16 : i32
    %dma_wait3A_766 = arith.constant 0 : i32
    %dma_wait3A_767 = tpu.memref_slice %arg7[%dma_wait3A_756, %dma_wait3A_765, %dma_wait3A_766] : memref<3x32x768xf32, #tpu.memory_space<vmem>> -> memref<1x8x768xf32, #tpu.memory_space<vmem>>
    %dma_wait3A_768 = tpu.memref_squeeze %dma_wait3A_767 : memref<1x8x768xf32, #tpu.memory_space<vmem>> -> memref<8x768xf32, #tpu.memory_space<vmem>>
    tpu.wait_dma2 semaphore(%arg14 : memref<!tpu.dma_semaphore, #tpu.memory_space<semaphore_mem>>) src(%dma_wait3A_768 : memref<8x768xf32, #tpu.memory_space<vmem>>) dst(%dma_wait3A_764 : memref<8x768xf32, #tpu.memory_space<hbm>>)
    %dma_wait3A_769 = arith.constant 1 : i32
    %dma_wait3A_770 = arith.constant 24 : i32
    %dma_wait3A_771 = arith.constant 0 : i32
    %dma_wait3A_772 = tpu.memref_slice %arg7[%dma_wait3A_769, %dma_wait3A_770, %dma_wait3A_771] : memref<3x32x768xf32, #tpu.memory_space<vmem>> -> memref<1x8x768xf32, #tpu.memory_space<vmem>>
    %dma_wait3A_773 = tpu.memref_squeeze %dma_wait3A_772 : memref<1x8x768xf32, #tpu.memory_space<vmem>> -> memref<8x768xf32, #tpu.memory_space<vmem>>
    %dma_wait3A_774 = arith.constant 0 : i32
    %dma_wait3A_775 = tpu.memref_slice %arg5[%add3A_716, %dma_wait3A_774] : memref<8192x768xf32, #tpu.memory_space<hbm>> -> memref<8x768xf32, #tpu.memory_space<hbm>>
    %dma_wait3A_776 = arith.constant 0 : i32
    %dma_wait3A_777 = tpu.memref_slice %arg5[%add3A_716, %dma_wait3A_776] : memref<8192x768xf32, #tpu.memory_space<hbm>> -> memref<8x768xf32, #tpu.memory_space<hbm>>
    %dma_wait3A_778 = arith.constant 24 : i32
    %dma_wait3A_779 = arith.constant 0 : i32
    %dma_wait3A_780 = tpu.memref_slice %arg7[%dma_wait3A_769, %dma_wait3A_778, %dma_wait3A_779] : memref<3x32x768xf32, #tpu.memory_space<vmem>> -> memref<1x8x768xf32, #tpu.memory_space<vmem>>
    %dma_wait3A_781 = tpu.memref_squeeze %dma_wait3A_780 : memref<1x8x768xf32, #tpu.memory_space<vmem>> -> memref<8x768xf32, #tpu.memory_space<vmem>>
    tpu.wait_dma2 semaphore(%arg14 : memref<!tpu.dma_semaphore, #tpu.memory_space<semaphore_mem>>) src(%dma_wait3A_781 : memref<8x768xf32, #tpu.memory_space<vmem>>) dst(%dma_wait3A_777 : memref<8x768xf32, #tpu.memory_space<hbm>>)
    %dma_start3A_782 = arith.constant 7 : i32
    %dma_start3A_783 = arith.constant 1 : i32
    %dma_start3A_784 = arith.constant 0 : i32
    %dma_start3A_785 = arith.constant 0 : i32
    %dma_start3A_786 = tpu.memref_slice %arg7[%dma_start3A_783, %dma_start3A_784, %dma_start3A_785] : memref<3x32x768xf32, #tpu.memory_space<vmem>> -> memref<1x32x768xf32, #tpu.memory_space<vmem>>
    %dma_start3A_787 = tpu.memref_squeeze %dma_start3A_786 : memref<1x32x768xf32, #tpu.memory_space<vmem>> -> memref<32x768xf32, #tpu.memory_space<vmem>>
    %dma_start3A_788 = arith.constant 0 : i32
    %dma_start3A_789 = tpu.memref_slice %arg6[%dma_start3A_782, %dma_start3A_788] : memref<8x32xi32, #tpu.memory_space<vmem>> -> memref<1x32xi32, #tpu.memory_space<vmem>>
    %dma_start3A_790 = tpu.memref_squeeze %dma_start3A_789 : memref<1x32xi32, #tpu.memory_space<vmem>> -> memref<32xi32, #tpu.memory_space<vmem>>
    %dma_start3A_791 = arith.constant 0 : i32
    %dma_start3A_792 = arith.constant 0 : i32
    %dma_start3A_793 = tpu.memref_slice %arg3[%dma_start3A_791, %dma_start3A_792] : memref<100000x768xf32, #tpu.memory_space<hbm>> -> memref<100000x768xf32, #tpu.memory_space<hbm>>
    tpu.enqueue_indirect_dma source(%dma_start3A_793 : memref<100000x768xf32, #tpu.memory_space<hbm>>) target(%dma_start3A_787 : memref<32x768xf32, #tpu.memory_space<vmem>>) offsets(%dma_start3A_790 : memref<32xi32, #tpu.memory_space<vmem>>) semaphore(%arg11 : memref<!tpu.dma_semaphore, #tpu.memory_space<semaphore_mem>>)
    %dma_wait3A_794 = arith.constant 5 : i32
    %dma_wait3A_795 = arith.constant 2 : i32
    "tpu.trace_start"() <{level = 10 : i32, message = "wait_in"}> : () -> ()
    %dma_wait3A_796 = arith.constant 0 : i32
    %dma_wait3A_797 = arith.constant 0 : i32
    %dma_wait3A_798 = tpu.memref_slice %arg7[%dma_wait3A_795, %dma_wait3A_796, %dma_wait3A_797] : memref<3x32x768xf32, #tpu.memory_space<vmem>> -> memref<1x32x768xf32, #tpu.memory_space<vmem>>
    %dma_wait3A_799 = tpu.memref_squeeze %dma_wait3A_798 : memref<1x32x768xf32, #tpu.memory_space<vmem>> -> memref<32x768xf32, #tpu.memory_space<vmem>>
    %dma_wait3A_800 = arith.constant 0 : i32
    %dma_wait3A_801 = tpu.memref_slice %arg6[%dma_wait3A_794, %dma_wait3A_800] : memref<8x32xi32, #tpu.memory_space<vmem>> -> memref<1x32xi32, #tpu.memory_space<vmem>>
    %dma_wait3A_802 = tpu.memref_squeeze %dma_wait3A_801 : memref<1x32xi32, #tpu.memory_space<vmem>> -> memref<32xi32, #tpu.memory_space<vmem>>
    %dma_wait3A_803 = arith.constant 0 : i32
    %dma_wait3A_804 = arith.constant 0 : i32
    %dma_wait3A_805 = tpu.memref_slice %arg3[%dma_wait3A_803, %dma_wait3A_804] : memref<100000x768xf32, #tpu.memory_space<hbm>> -> memref<100000x768xf32, #tpu.memory_space<hbm>>
    tpu.wait_indirect_dma semaphore(%arg12 : memref<!tpu.dma_semaphore, #tpu.memory_space<semaphore_mem>>) src(%dma_wait3A_805 : memref<100000x768xf32, #tpu.memory_space<hbm>>) dst(%dma_wait3A_799 : memref<32x768xf32, #tpu.memory_space<vmem>>)
    "tpu.trace_stop"() : () -> ()
    "tpu.trace_start"() <{level = 10 : i32, message = "add"}> : () -> ()
    %scan3A_806 = arith.constant 0 : i32
    %scan3A_807 = arith.constant 0 : i32
    %scan3A_808 = arith.constant 48 : i32
    %scan3A_809 = arith.addi %scan3A_807, %scan3A_808 : i32
    %scan3A_810 = arith.constant 1 : i32
    scf.for %scan3A_1208 = %scan3A_807 to %scan3A_809 step %scan3A_810  : i32 {
      %mul3A_1209 = arith.constant 16 : i32
      %mul3A_1210 = arith.muli %scan3A_1208, %mul3A_1209 : i32
      %get3A = arith.constant 40 : i32
      %get3A_1211 = arith.index_cast %get3A : i32 to index
      %get3A_1212 = arith.index_cast %mul3A_1210 : i32 to index
      %get3A_1213 = tpu.vector_load %arg8[%get3A_1211, %get3A_1212] {strides = array<i32>} : memref<64x768xf32, #tpu.memory_space<vmem>>, vector<1x16xf32>,
      %get3A_1214 = vector.shape_cast %get3A_1213 : vector<1x16xf32> to vector<16xf32>
      %swap3A = arith.constant 2 : i32
      %swap3A_1215 = arith.constant 0 : i32
      %swap3A_1216 = arith.index_cast %swap3A : i32 to index
      %swap3A_1217 = arith.index_cast %swap3A_1215 : i32 to index
      %swap3A_1218 = arith.index_cast %mul3A_1210 : i32 to index
      %swap3A_1219 = tpu.vector_load %arg7[%swap3A_1216, %swap3A_1217, %swap3A_1218] {strides = array<i32>} : memref<3x32x768xf32, #tpu.memory_space<vmem>>, vector<1x1x16xf32>,
      %swap3A_1220 = vector.shape_cast %swap3A_1219 : vector<1x1x16xf32> to vector<16xf32>
      %swap3A_1221 = vector.shape_cast %get3A_1214 : vector<16xf32> to vector<1x1x16xf32>
      tpu.vector_store %arg7[%swap3A_1216, %swap3A_1217, %swap3A_1218], %swap3A_1221 {add = true, strides = array<i32>} : memref<3x32x768xf32, #tpu.memory_space<vmem>>, vector<1x1x16xf32>,
      %swap3A_1222 = arith.constant 2 : i32
      %swap3A_1223 = arith.constant 8 : i32
      %swap3A_1224 = arith.index_cast %swap3A_1222 : i32 to index
      %swap3A_1225 = arith.index_cast %swap3A_1223 : i32 to index
      %swap3A_1226 = arith.index_cast %mul3A_1210 : i32 to index
      %swap3A_1227 = tpu.vector_load %arg7[%swap3A_1224, %swap3A_1225, %swap3A_1226] {strides = array<i32>} : memref<3x32x768xf32, #tpu.memory_space<vmem>>, vector<1x1x16xf32>,
      %swap3A_1228 = vector.shape_cast %swap3A_1227 : vector<1x1x16xf32> to vector<16xf32>
      %swap3A_1229 = vector.shape_cast %get3A_1214 : vector<16xf32> to vector<1x1x16xf32>
      tpu.vector_store %arg7[%swap3A_1224, %swap3A_1225, %swap3A_1226], %swap3A_1229 {add = true, strides = array<i32>} : memref<3x32x768xf32, #tpu.memory_space<vmem>>, vector<1x1x16xf32>,
      %swap3A_1230 = arith.constant 2 : i32
      %swap3A_1231 = arith.constant 16 : i32
      %swap3A_1232 = arith.index_cast %swap3A_1230 : i32 to index
      %swap3A_1233 = arith.index_cast %swap3A_1231 : i32 to index
      %swap3A_1234 = arith.index_cast %mul3A_1210 : i32 to index
      %swap3A_1235 = tpu.vector_load %arg7[%swap3A_1232, %swap3A_1233, %swap3A_1234] {strides = array<i32>} : memref<3x32x768xf32, #tpu.memory_space<vmem>>, vector<1x1x16xf32>,
      %swap3A_1236 = vector.shape_cast %swap3A_1235 : vector<1x1x16xf32> to vector<16xf32>
      %swap3A_1237 = vector.shape_cast %get3A_1214 : vector<16xf32> to vector<1x1x16xf32>
      tpu.vector_store %arg7[%swap3A_1232, %swap3A_1233, %swap3A_1234], %swap3A_1237 {add = true, strides = array<i32>} : memref<3x32x768xf32, #tpu.memory_space<vmem>>, vector<1x1x16xf32>,
      %swap3A_1238 = arith.constant 2 : i32
      %swap3A_1239 = arith.constant 24 : i32
      %swap3A_1240 = arith.index_cast %swap3A_1238 : i32 to index
      %swap3A_1241 = arith.index_cast %swap3A_1239 : i32 to index
      %swap3A_1242 = arith.index_cast %mul3A_1210 : i32 to index
      %swap3A_1243 = tpu.vector_load %arg7[%swap3A_1240, %swap3A_1241, %swap3A_1242] {strides = array<i32>} : memref<3x32x768xf32, #tpu.memory_space<vmem>>, vector<1x1x16xf32>,
      %swap3A_1244 = vector.shape_cast %swap3A_1243 : vector<1x1x16xf32> to vector<16xf32>
      %swap3A_1245 = vector.shape_cast %get3A_1214 : vector<16xf32> to vector<1x1x16xf32>
      tpu.vector_store %arg7[%swap3A_1240, %swap3A_1241, %swap3A_1242], %swap3A_1245 {add = true, strides = array<i32>} : memref<3x32x768xf32, #tpu.memory_space<vmem>>, vector<1x1x16xf32>,
      %get3A_1246 = arith.constant 41 : i32
      %get3A_1247 = arith.index_cast %get3A_1246 : i32 to index
      %get3A_1248 = arith.index_cast %mul3A_1210 : i32 to index
      %get3A_1249 = tpu.vector_load %arg8[%get3A_1247, %get3A_1248] {strides = array<i32>} : memref<64x768xf32, #tpu.memory_space<vmem>>, vector<1x16xf32>,
      %get3A_1250 = vector.shape_cast %get3A_1249 : vector<1x16xf32> to vector<16xf32>
      %swap3A_1251 = arith.constant 2 : i32
      %swap3A_1252 = arith.constant 1 : i32
      %swap3A_1253 = arith.index_cast %swap3A_1251 : i32 to index
      %swap3A_1254 = arith.index_cast %swap3A_1252 : i32 to index
      %swap3A_1255 = arith.index_cast %mul3A_1210 : i32 to index
      %swap3A_1256 = tpu.vector_load %arg7[%swap3A_1253, %swap3A_1254, %swap3A_1255] {strides = array<i32>} : memref<3x32x768xf32, #tpu.memory_space<vmem>>, vector<1x1x16xf32>,
      %swap3A_1257 = vector.shape_cast %swap3A_1256 : vector<1x1x16xf32> to vector<16xf32>
      %swap3A_1258 = vector.shape_cast %get3A_1250 : vector<16xf32> to vector<1x1x16xf32>
      tpu.vector_store %arg7[%swap3A_1253, %swap3A_1254, %swap3A_1255], %swap3A_1258 {add = true, strides = array<i32>} : memref<3x32x768xf32, #tpu.memory_space<vmem>>, vector<1x1x16xf32>,
      %swap3A_1259 = arith.constant 2 : i32
      %swap3A_1260 = arith.constant 9 : i32
      %swap3A_1261 = arith.index_cast %swap3A_1259 : i32 to index
      %swap3A_1262 = arith.index_cast %swap3A_1260 : i32 to index
      %swap3A_1263 = arith.index_cast %mul3A_1210 : i32 to index
      %swap3A_1264 = tpu.vector_load %arg7[%swap3A_1261, %swap3A_1262, %swap3A_1263] {strides = array<i32>} : memref<3x32x768xf32, #tpu.memory_space<vmem>>, vector<1x1x16xf32>,
      %swap3A_1265 = vector.shape_cast %swap3A_1264 : vector<1x1x16xf32> to vector<16xf32>
      %swap3A_1266 = vector.shape_cast %get3A_1250 : vector<16xf32> to vector<1x1x16xf32>
      tpu.vector_store %arg7[%swap3A_1261, %swap3A_1262, %swap3A_1263], %swap3A_1266 {add = true, strides = array<i32>} : memref<3x32x768xf32, #tpu.memory_space<vmem>>, vector<1x1x16xf32>,
      %swap3A_1267 = arith.constant 2 : i32
      %swap3A_1268 = arith.constant 17 : i32
      %swap3A_1269 = arith.index_cast %swap3A_1267 : i32 to index
      %swap3A_1270 = arith.index_cast %swap3A_1268 : i32 to index
      %swap3A_1271 = arith.index_cast %mul3A_1210 : i32 to index
      %swap3A_1272 = tpu.vector_load %arg7[%swap3A_1269, %swap3A_1270, %swap3A_1271] {strides = array<i32>} : memref<3x32x768xf32, #tpu.memory_space<vmem>>, vector<1x1x16xf32>,
      %swap3A_1273 = vector.shape_cast %swap3A_1272 : vector<1x1x16xf32> to vector<16xf32>
      %swap3A_1274 = vector.shape_cast %get3A_1250 : vector<16xf32> to vector<1x1x16xf32>
      tpu.vector_store %arg7[%swap3A_1269, %swap3A_1270, %swap3A_1271], %swap3A_1274 {add = true, strides = array<i32>} : memref<3x32x768xf32, #tpu.memory_space<vmem>>, vector<1x1x16xf32>,
      %swap3A_1275 = arith.constant 2 : i32
      %swap3A_1276 = arith.constant 25 : i32
      %swap3A_1277 = arith.index_cast %swap3A_1275 : i32 to index
      %swap3A_1278 = arith.index_cast %swap3A_1276 : i32 to index
      %swap3A_1279 = arith.index_cast %mul3A_1210 : i32 to index
      %swap3A_1280 = tpu.vector_load %arg7[%swap3A_1277, %swap3A_1278, %swap3A_1279] {strides = array<i32>} : memref<3x32x768xf32, #tpu.memory_space<vmem>>, vector<1x1x16xf32>,
      %swap3A_1281 = vector.shape_cast %swap3A_1280 : vector<1x1x16xf32> to vector<16xf32>
      %swap3A_1282 = vector.shape_cast %get3A_1250 : vector<16xf32> to vector<1x1x16xf32>
      tpu.vector_store %arg7[%swap3A_1277, %swap3A_1278, %swap3A_1279], %swap3A_1282 {add = true, strides = array<i32>} : memref<3x32x768xf32, #tpu.memory_space<vmem>>, vector<1x1x16xf32>,
      %get3A_1283 = arith.constant 42 : i32
      %get3A_1284 = arith.index_cast %get3A_1283 : i32 to index
      %get3A_1285 = arith.index_cast %mul3A_1210 : i32 to index
      %get3A_1286 = tpu.vector_load %arg8[%get3A_1284, %get3A_1285] {strides = array<i32>} : memref<64x768xf32, #tpu.memory_space<vmem>>, vector<1x16xf32>,
      %get3A_1287 = vector.shape_cast %get3A_1286 : vector<1x16xf32> to vector<16xf32>
      %swap3A_1288 = arith.constant 2 : i32
      %swap3A_1289 = arith.constant 2 : i32
      %swap3A_1290 = arith.index_cast %swap3A_1288 : i32 to index
      %swap3A_1291 = arith.index_cast %swap3A_1289 : i32 to index
      %swap3A_1292 = arith.index_cast %mul3A_1210 : i32 to index
      %swap3A_1293 = tpu.vector_load %arg7[%swap3A_1290, %swap3A_1291, %swap3A_1292] {strides = array<i32>} : memref<3x32x768xf32, #tpu.memory_space<vmem>>, vector<1x1x16xf32>,
      %swap3A_1294 = vector.shape_cast %swap3A_1293 : vector<1x1x16xf32> to vector<16xf32>
      %swap3A_1295 = vector.shape_cast %get3A_1287 : vector<16xf32> to vector<1x1x16xf32>
      tpu.vector_store %arg7[%swap3A_1290, %swap3A_1291, %swap3A_1292], %swap3A_1295 {add = true, strides = array<i32>} : memref<3x32x768xf32, #tpu.memory_space<vmem>>, vector<1x1x16xf32>,
      %swap3A_1296 = arith.constant 2 : i32
      %swap3A_1297 = arith.constant 10 : i32
      %swap3A_1298 = arith.index_cast %swap3A_1296 : i32 to index
      %swap3A_1299 = arith.index_cast %swap3A_1297 : i32 to index
      %swap3A_1300 = arith.index_cast %mul3A_1210 : i32 to index
      %swap3A_1301 = tpu.vector_load %arg7[%swap3A_1298, %swap3A_1299, %swap3A_1300] {strides = array<i32>} : memref<3x32x768xf32, #tpu.memory_space<vmem>>, vector<1x1x16xf32>,
      %swap3A_1302 = vector.shape_cast %swap3A_1301 : vector<1x1x16xf32> to vector<16xf32>
      %swap3A_1303 = vector.shape_cast %get3A_1287 : vector<16xf32> to vector<1x1x16xf32>
      tpu.vector_store %arg7[%swap3A_1298, %swap3A_1299, %swap3A_1300], %swap3A_1303 {add = true, strides = array<i32>} : memref<3x32x768xf32, #tpu.memory_space<vmem>>, vector<1x1x16xf32>,
      %swap3A_1304 = arith.constant 2 : i32
      %swap3A_1305 = arith.constant 18 : i32
      %swap3A_1306 = arith.index_cast %swap3A_1304 : i32 to index
      %swap3A_1307 = arith.index_cast %swap3A_1305 : i32 to index
      %swap3A_1308 = arith.index_cast %mul3A_1210 : i32 to index
      %swap3A_1309 = tpu.vector_load %arg7[%swap3A_1306, %swap3A_1307, %swap3A_1308] {strides = array<i32>} : memref<3x32x768xf32, #tpu.memory_space<vmem>>, vector<1x1x16xf32>,
      %swap3A_1310 = vector.shape_cast %swap3A_1309 : vector<1x1x16xf32> to vector<16xf32>
      %swap3A_1311 = vector.shape_cast %get3A_1287 : vector<16xf32> to vector<1x1x16xf32>
      tpu.vector_store %arg7[%swap3A_1306, %swap3A_1307, %swap3A_1308], %swap3A_1311 {add = true, strides = array<i32>} : memref<3x32x768xf32, #tpu.memory_space<vmem>>, vector<1x1x16xf32>,
      %swap3A_1312 = arith.constant 2 : i32
      %swap3A_1313 = arith.constant 26 : i32
      %swap3A_1314 = arith.index_cast %swap3A_1312 : i32 to index
      %swap3A_1315 = arith.index_cast %swap3A_1313 : i32 to index
      %swap3A_1316 = arith.index_cast %mul3A_1210 : i32 to index
      %swap3A_1317 = tpu.vector_load %arg7[%swap3A_1314, %swap3A_1315, %swap3A_1316] {strides = array<i32>} : memref<3x32x768xf32, #tpu.memory_space<vmem>>, vector<1x1x16xf32>,
      %swap3A_1318 = vector.shape_cast %swap3A_1317 : vector<1x1x16xf32> to vector<16xf32>
      %swap3A_1319 = vector.shape_cast %get3A_1287 : vector<16xf32> to vector<1x1x16xf32>
      tpu.vector_store %arg7[%swap3A_1314, %swap3A_1315, %swap3A_1316], %swap3A_1319 {add = true, strides = array<i32>} : memref<3x32x768xf32, #tpu.memory_space<vmem>>, vector<1x1x16xf32>,
      %get3A_1320 = arith.constant 43 : i32
      %get3A_1321 = arith.index_cast %get3A_1320 : i32 to index
      %get3A_1322 = arith.index_cast %mul3A_1210 : i32 to index
      %get3A_1323 = tpu.vector_load %arg8[%get3A_1321, %get3A_1322] {strides = array<i32>} : memref<64x768xf32, #tpu.memory_space<vmem>>, vector<1x16xf32>,
      %get3A_1324 = vector.shape_cast %get3A_1323 : vector<1x16xf32> to vector<16xf32>
      %swap3A_1325 = arith.constant 2 : i32
      %swap3A_1326 = arith.constant 3 : i32
      %swap3A_1327 = arith.index_cast %swap3A_1325 : i32 to index
      %swap3A_1328 = arith.index_cast %swap3A_1326 : i32 to index
      %swap3A_1329 = arith.index_cast %mul3A_1210 : i32 to index
      %swap3A_1330 = tpu.vector_load %arg7[%swap3A_1327, %swap3A_1328, %swap3A_1329] {strides = array<i32>} : memref<3x32x768xf32, #tpu.memory_space<vmem>>, vector<1x1x16xf32>,
      %swap3A_1331 = vector.shape_cast %swap3A_1330 : vector<1x1x16xf32> to vector<16xf32>
      %swap3A_1332 = vector.shape_cast %get3A_1324 : vector<16xf32> to vector<1x1x16xf32>
      tpu.vector_store %arg7[%swap3A_1327, %swap3A_1328, %swap3A_1329], %swap3A_1332 {add = true, strides = array<i32>} : memref<3x32x768xf32, #tpu.memory_space<vmem>>, vector<1x1x16xf32>,
      %swap3A_1333 = arith.constant 2 : i32
      %swap3A_1334 = arith.constant 11 : i32
      %swap3A_1335 = arith.index_cast %swap3A_1333 : i32 to index
      %swap3A_1336 = arith.index_cast %swap3A_1334 : i32 to index
      %swap3A_1337 = arith.index_cast %mul3A_1210 : i32 to index
      %swap3A_1338 = tpu.vector_load %arg7[%swap3A_1335, %swap3A_1336, %swap3A_1337] {strides = array<i32>} : memref<3x32x768xf32, #tpu.memory_space<vmem>>, vector<1x1x16xf32>,
      %swap3A_1339 = vector.shape_cast %swap3A_1338 : vector<1x1x16xf32> to vector<16xf32>
      %swap3A_1340 = vector.shape_cast %get3A_1324 : vector<16xf32> to vector<1x1x16xf32>
      tpu.vector_store %arg7[%swap3A_1335, %swap3A_1336, %swap3A_1337], %swap3A_1340 {add = true, strides = array<i32>} : memref<3x32x768xf32, #tpu.memory_space<vmem>>, vector<1x1x16xf32>,
      %swap3A_1341 = arith.constant 2 : i32
      %swap3A_1342 = arith.constant 19 : i32
      %swap3A_1343 = arith.index_cast %swap3A_1341 : i32 to index
      %swap3A_1344 = arith.index_cast %swap3A_1342 : i32 to index
      %swap3A_1345 = arith.index_cast %mul3A_1210 : i32 to index
      %swap3A_1346 = tpu.vector_load %arg7[%swap3A_1343, %swap3A_1344, %swap3A_1345] {strides = array<i32>} : memref<3x32x768xf32, #tpu.memory_space<vmem>>, vector<1x1x16xf32>,
      %swap3A_1347 = vector.shape_cast %swap3A_1346 : vector<1x1x16xf32> to vector<16xf32>
      %swap3A_1348 = vector.shape_cast %get3A_1324 : vector<16xf32> to vector<1x1x16xf32>
      tpu.vector_store %arg7[%swap3A_1343, %swap3A_1344, %swap3A_1345], %swap3A_1348 {add = true, strides = array<i32>} : memref<3x32x768xf32, #tpu.memory_space<vmem>>, vector<1x1x16xf32>,
      %swap3A_1349 = arith.constant 2 : i32
      %swap3A_1350 = arith.constant 27 : i32
      %swap3A_1351 = arith.index_cast %swap3A_1349 : i32 to index
      %swap3A_1352 = arith.index_cast %swap3A_1350 : i32 to index
      %swap3A_1353 = arith.index_cast %mul3A_1210 : i32 to index
      %swap3A_1354 = tpu.vector_load %arg7[%swap3A_1351, %swap3A_1352, %swap3A_1353] {strides = array<i32>} : memref<3x32x768xf32, #tpu.memory_space<vmem>>, vector<1x1x16xf32>,
      %swap3A_1355 = vector.shape_cast %swap3A_1354 : vector<1x1x16xf32> to vector<16xf32>
      %swap3A_1356 = vector.shape_cast %get3A_1324 : vector<16xf32> to vector<1x1x16xf32>
      tpu.vector_store %arg7[%swap3A_1351, %swap3A_1352, %swap3A_1353], %swap3A_1356 {add = true, strides = array<i32>} : memref<3x32x768xf32, #tpu.memory_space<vmem>>, vector<1x1x16xf32>,
      %get3A_1357 = arith.constant 44 : i32
      %get3A_1358 = arith.index_cast %get3A_1357 : i32 to index
      %get3A_1359 = arith.index_cast %mul3A_1210 : i32 to index
      %get3A_1360 = tpu.vector_load %arg8[%get3A_1358, %get3A_1359] {strides = array<i32>} : memref<64x768xf32, #tpu.memory_space<vmem>>, vector<1x16xf32>,
      %get3A_1361 = vector.shape_cast %get3A_1360 : vector<1x16xf32> to vector<16xf32>
      %swap3A_1362 = arith.constant 2 : i32
      %swap3A_1363 = arith.constant 4 : i32
      %swap3A_1364 = arith.index_cast %swap3A_1362 : i32 to index
      %swap3A_1365 = arith.index_cast %swap3A_1363 : i32 to index
      %swap3A_1366 = arith.index_cast %mul3A_1210 : i32 to index
      %swap3A_1367 = tpu.vector_load %arg7[%swap3A_1364, %swap3A_1365, %swap3A_1366] {strides = array<i32>} : memref<3x32x768xf32, #tpu.memory_space<vmem>>, vector<1x1x16xf32>,
      %swap3A_1368 = vector.shape_cast %swap3A_1367 : vector<1x1x16xf32> to vector<16xf32>
      %swap3A_1369 = vector.shape_cast %get3A_1361 : vector<16xf32> to vector<1x1x16xf32>
      tpu.vector_store %arg7[%swap3A_1364, %swap3A_1365, %swap3A_1366], %swap3A_1369 {add = true, strides = array<i32>} : memref<3x32x768xf32, #tpu.memory_space<vmem>>, vector<1x1x16xf32>,
      %swap3A_1370 = arith.constant 2 : i32
      %swap3A_1371 = arith.constant 12 : i32
      %swap3A_1372 = arith.index_cast %swap3A_1370 : i32 to index
      %swap3A_1373 = arith.index_cast %swap3A_1371 : i32 to index
      %swap3A_1374 = arith.index_cast %mul3A_1210 : i32 to index
      %swap3A_1375 = tpu.vector_load %arg7[%swap3A_1372, %swap3A_1373, %swap3A_1374] {strides = array<i32>} : memref<3x32x768xf32, #tpu.memory_space<vmem>>, vector<1x1x16xf32>,
      %swap3A_1376 = vector.shape_cast %swap3A_1375 : vector<1x1x16xf32> to vector<16xf32>
      %swap3A_1377 = vector.shape_cast %get3A_1361 : vector<16xf32> to vector<1x1x16xf32>
      tpu.vector_store %arg7[%swap3A_1372, %swap3A_1373, %swap3A_1374], %swap3A_1377 {add = true, strides = array<i32>} : memref<3x32x768xf32, #tpu.memory_space<vmem>>, vector<1x1x16xf32>,
      %swap3A_1378 = arith.constant 2 : i32
      %swap3A_1379 = arith.constant 20 : i32
      %swap3A_1380 = arith.index_cast %swap3A_1378 : i32 to index
      %swap3A_1381 = arith.index_cast %swap3A_1379 : i32 to index
      %swap3A_1382 = arith.index_cast %mul3A_1210 : i32 to index
      %swap3A_1383 = tpu.vector_load %arg7[%swap3A_1380, %swap3A_1381, %swap3A_1382] {strides = array<i32>} : memref<3x32x768xf32, #tpu.memory_space<vmem>>, vector<1x1x16xf32>,
      %swap3A_1384 = vector.shape_cast %swap3A_1383 : vector<1x1x16xf32> to vector<16xf32>
      %swap3A_1385 = vector.shape_cast %get3A_1361 : vector<16xf32> to vector<1x1x16xf32>
      tpu.vector_store %arg7[%swap3A_1380, %swap3A_1381, %swap3A_1382], %swap3A_1385 {add = true, strides = array<i32>} : memref<3x32x768xf32, #tpu.memory_space<vmem>>, vector<1x1x16xf32>,
      %swap3A_1386 = arith.constant 2 : i32
      %swap3A_1387 = arith.constant 28 : i32
      %swap3A_1388 = arith.index_cast %swap3A_1386 : i32 to index
      %swap3A_1389 = arith.index_cast %swap3A_1387 : i32 to index
      %swap3A_1390 = arith.index_cast %mul3A_1210 : i32 to index
      %swap3A_1391 = tpu.vector_load %arg7[%swap3A_1388, %swap3A_1389, %swap3A_1390] {strides = array<i32>} : memref<3x32x768xf32, #tpu.memory_space<vmem>>, vector<1x1x16xf32>,
      %swap3A_1392 = vector.shape_cast %swap3A_1391 : vector<1x1x16xf32> to vector<16xf32>
      %swap3A_1393 = vector.shape_cast %get3A_1361 : vector<16xf32> to vector<1x1x16xf32>
      tpu.vector_store %arg7[%swap3A_1388, %swap3A_1389, %swap3A_1390], %swap3A_1393 {add = true, strides = array<i32>} : memref<3x32x768xf32, #tpu.memory_space<vmem>>, vector<1x1x16xf32>,
      %get3A_1394 = arith.constant 45 : i32
      %get3A_1395 = arith.index_cast %get3A_1394 : i32 to index
      %get3A_1396 = arith.index_cast %mul3A_1210 : i32 to index
      %get3A_1397 = tpu.vector_load %arg8[%get3A_1395, %get3A_1396] {strides = array<i32>} : memref<64x768xf32, #tpu.memory_space<vmem>>, vector<1x16xf32>,
      %get3A_1398 = vector.shape_cast %get3A_1397 : vector<1x16xf32> to vector<16xf32>
      %swap3A_1399 = arith.constant 2 : i32
      %swap3A_1400 = arith.constant 5 : i32
      %swap3A_1401 = arith.index_cast %swap3A_1399 : i32 to index
      %swap3A_1402 = arith.index_cast %swap3A_1400 : i32 to index
      %swap3A_1403 = arith.index_cast %mul3A_1210 : i32 to index
      %swap3A_1404 = tpu.vector_load %arg7[%swap3A_1401, %swap3A_1402, %swap3A_1403] {strides = array<i32>} : memref<3x32x768xf32, #tpu.memory_space<vmem>>, vector<1x1x16xf32>,
      %swap3A_1405 = vector.shape_cast %swap3A_1404 : vector<1x1x16xf32> to vector<16xf32>
      %swap3A_1406 = vector.shape_cast %get3A_1398 : vector<16xf32> to vector<1x1x16xf32>
      tpu.vector_store %arg7[%swap3A_1401, %swap3A_1402, %swap3A_1403], %swap3A_1406 {add = true, strides = array<i32>} : memref<3x32x768xf32, #tpu.memory_space<vmem>>, vector<1x1x16xf32>,
      %swap3A_1407 = arith.constant 2 : i32
      %swap3A_1408 = arith.constant 13 : i32
      %swap3A_1409 = arith.index_cast %swap3A_1407 : i32 to index
      %swap3A_1410 = arith.index_cast %swap3A_1408 : i32 to index
      %swap3A_1411 = arith.index_cast %mul3A_1210 : i32 to index
      %swap3A_1412 = tpu.vector_load %arg7[%swap3A_1409, %swap3A_1410, %swap3A_1411] {strides = array<i32>} : memref<3x32x768xf32, #tpu.memory_space<vmem>>, vector<1x1x16xf32>,
      %swap3A_1413 = vector.shape_cast %swap3A_1412 : vector<1x1x16xf32> to vector<16xf32>
      %swap3A_1414 = vector.shape_cast %get3A_1398 : vector<16xf32> to vector<1x1x16xf32>
      tpu.vector_store %arg7[%swap3A_1409, %swap3A_1410, %swap3A_1411], %swap3A_1414 {add = true, strides = array<i32>} : memref<3x32x768xf32, #tpu.memory_space<vmem>>, vector<1x1x16xf32>,
      %swap3A_1415 = arith.constant 2 : i32
      %swap3A_1416 = arith.constant 21 : i32
      %swap3A_1417 = arith.index_cast %swap3A_1415 : i32 to index
      %swap3A_1418 = arith.index_cast %swap3A_1416 : i32 to index
      %swap3A_1419 = arith.index_cast %mul3A_1210 : i32 to index
      %swap3A_1420 = tpu.vector_load %arg7[%swap3A_1417, %swap3A_1418, %swap3A_1419] {strides = array<i32>} : memref<3x32x768xf32, #tpu.memory_space<vmem>>, vector<1x1x16xf32>,
      %swap3A_1421 = vector.shape_cast %swap3A_1420 : vector<1x1x16xf32> to vector<16xf32>
      %swap3A_1422 = vector.shape_cast %get3A_1398 : vector<16xf32> to vector<1x1x16xf32>
      tpu.vector_store %arg7[%swap3A_1417, %swap3A_1418, %swap3A_1419], %swap3A_1422 {add = true, strides = array<i32>} : memref<3x32x768xf32, #tpu.memory_space<vmem>>, vector<1x1x16xf32>,
      %swap3A_1423 = arith.constant 2 : i32
      %swap3A_1424 = arith.constant 29 : i32
      %swap3A_1425 = arith.index_cast %swap3A_1423 : i32 to index
      %swap3A_1426 = arith.index_cast %swap3A_1424 : i32 to index
      %swap3A_1427 = arith.index_cast %mul3A_1210 : i32 to index
      %swap3A_1428 = tpu.vector_load %arg7[%swap3A_1425, %swap3A_1426, %swap3A_1427] {strides = array<i32>} : memref<3x32x768xf32, #tpu.memory_space<vmem>>, vector<1x1x16xf32>,
      %swap3A_1429 = vector.shape_cast %swap3A_1428 : vector<1x1x16xf32> to vector<16xf32>
      %swap3A_1430 = vector.shape_cast %get3A_1398 : vector<16xf32> to vector<1x1x16xf32>
      tpu.vector_store %arg7[%swap3A_1425, %swap3A_1426, %swap3A_1427], %swap3A_1430 {add = true, strides = array<i32>} : memref<3x32x768xf32, #tpu.memory_space<vmem>>, vector<1x1x16xf32>,
      %get3A_1431 = arith.constant 46 : i32
      %get3A_1432 = arith.index_cast %get3A_1431 : i32 to index
      %get3A_1433 = arith.index_cast %mul3A_1210 : i32 to index
      %get3A_1434 = tpu.vector_load %arg8[%get3A_1432, %get3A_1433] {strides = array<i32>} : memref<64x768xf32, #tpu.memory_space<vmem>>, vector<1x16xf32>,
      %get3A_1435 = vector.shape_cast %get3A_1434 : vector<1x16xf32> to vector<16xf32>
      %swap3A_1436 = arith.constant 2 : i32
      %swap3A_1437 = arith.constant 6 : i32
      %swap3A_1438 = arith.index_cast %swap3A_1436 : i32 to index
      %swap3A_1439 = arith.index_cast %swap3A_1437 : i32 to index
      %swap3A_1440 = arith.index_cast %mul3A_1210 : i32 to index
      %swap3A_1441 = tpu.vector_load %arg7[%swap3A_1438, %swap3A_1439, %swap3A_1440] {strides = array<i32>} : memref<3x32x768xf32, #tpu.memory_space<vmem>>, vector<1x1x16xf32>,
      %swap3A_1442 = vector.shape_cast %swap3A_1441 : vector<1x1x16xf32> to vector<16xf32>
      %swap3A_1443 = vector.shape_cast %get3A_1435 : vector<16xf32> to vector<1x1x16xf32>
      tpu.vector_store %arg7[%swap3A_1438, %swap3A_1439, %swap3A_1440], %swap3A_1443 {add = true, strides = array<i32>} : memref<3x32x768xf32, #tpu.memory_space<vmem>>, vector<1x1x16xf32>,
      %swap3A_1444 = arith.constant 2 : i32
      %swap3A_1445 = arith.constant 14 : i32
      %swap3A_1446 = arith.index_cast %swap3A_1444 : i32 to index
      %swap3A_1447 = arith.index_cast %swap3A_1445 : i32 to index
      %swap3A_1448 = arith.index_cast %mul3A_1210 : i32 to index
      %swap3A_1449 = tpu.vector_load %arg7[%swap3A_1446, %swap3A_1447, %swap3A_1448] {strides = array<i32>} : memref<3x32x768xf32, #tpu.memory_space<vmem>>, vector<1x1x16xf32>,
      %swap3A_1450 = vector.shape_cast %swap3A_1449 : vector<1x1x16xf32> to vector<16xf32>
      %swap3A_1451 = vector.shape_cast %get3A_1435 : vector<16xf32> to vector<1x1x16xf32>
      tpu.vector_store %arg7[%swap3A_1446, %swap3A_1447, %swap3A_1448], %swap3A_1451 {add = true, strides = array<i32>} : memref<3x32x768xf32, #tpu.memory_space<vmem>>, vector<1x1x16xf32>,
      %swap3A_1452 = arith.constant 2 : i32
      %swap3A_1453 = arith.constant 22 : i32
      %swap3A_1454 = arith.index_cast %swap3A_1452 : i32 to index
      %swap3A_1455 = arith.index_cast %swap3A_1453 : i32 to index
      %swap3A_1456 = arith.index_cast %mul3A_1210 : i32 to index
      %swap3A_1457 = tpu.vector_load %arg7[%swap3A_1454, %swap3A_1455, %swap3A_1456] {strides = array<i32>} : memref<3x32x768xf32, #tpu.memory_space<vmem>>, vector<1x1x16xf32>,
      %swap3A_1458 = vector.shape_cast %swap3A_1457 : vector<1x1x16xf32> to vector<16xf32>
      %swap3A_1459 = vector.shape_cast %get3A_1435 : vector<16xf32> to vector<1x1x16xf32>
      tpu.vector_store %arg7[%swap3A_1454, %swap3A_1455, %swap3A_1456], %swap3A_1459 {add = true, strides = array<i32>} : memref<3x32x768xf32, #tpu.memory_space<vmem>>, vector<1x1x16xf32>,
      %swap3A_1460 = arith.constant 2 : i32
      %swap3A_1461 = arith.constant 30 : i32
      %swap3A_1462 = arith.index_cast %swap3A_1460 : i32 to index
      %swap3A_1463 = arith.index_cast %swap3A_1461 : i32 to index
      %swap3A_1464 = arith.index_cast %mul3A_1210 : i32 to index
      %swap3A_1465 = tpu.vector_load %arg7[%swap3A_1462, %swap3A_1463, %swap3A_1464] {strides = array<i32>} : memref<3x32x768xf32, #tpu.memory_space<vmem>>, vector<1x1x16xf32>,
      %swap3A_1466 = vector.shape_cast %swap3A_1465 : vector<1x1x16xf32> to vector<16xf32>
      %swap3A_1467 = vector.shape_cast %get3A_1435 : vector<16xf32> to vector<1x1x16xf32>
      tpu.vector_store %arg7[%swap3A_1462, %swap3A_1463, %swap3A_1464], %swap3A_1467 {add = true, strides = array<i32>} : memref<3x32x768xf32, #tpu.memory_space<vmem>>, vector<1x1x16xf32>,
      %get3A_1468 = arith.constant 47 : i32
      %get3A_1469 = arith.index_cast %get3A_1468 : i32 to index
      %get3A_1470 = arith.index_cast %mul3A_1210 : i32 to index
      %get3A_1471 = tpu.vector_load %arg8[%get3A_1469, %get3A_1470] {strides = array<i32>} : memref<64x768xf32, #tpu.memory_space<vmem>>, vector<1x16xf32>,
      %get3A_1472 = vector.shape_cast %get3A_1471 : vector<1x16xf32> to vector<16xf32>
      %swap3A_1473 = arith.constant 2 : i32
      %swap3A_1474 = arith.constant 7 : i32
      %swap3A_1475 = arith.index_cast %swap3A_1473 : i32 to index
      %swap3A_1476 = arith.index_cast %swap3A_1474 : i32 to index
      %swap3A_1477 = arith.index_cast %mul3A_1210 : i32 to index
      %swap3A_1478 = tpu.vector_load %arg7[%swap3A_1475, %swap3A_1476, %swap3A_1477] {strides = array<i32>} : memref<3x32x768xf32, #tpu.memory_space<vmem>>, vector<1x1x16xf32>,
      %swap3A_1479 = vector.shape_cast %swap3A_1478 : vector<1x1x16xf32> to vector<16xf32>
      %swap3A_1480 = vector.shape_cast %get3A_1472 : vector<16xf32> to vector<1x1x16xf32>
      tpu.vector_store %arg7[%swap3A_1475, %swap3A_1476, %swap3A_1477], %swap3A_1480 {add = true, strides = array<i32>} : memref<3x32x768xf32, #tpu.memory_space<vmem>>, vector<1x1x16xf32>,
      %swap3A_1481 = arith.constant 2 : i32
      %swap3A_1482 = arith.constant 15 : i32
      %swap3A_1483 = arith.index_cast %swap3A_1481 : i32 to index
      %swap3A_1484 = arith.index_cast %swap3A_1482 : i32 to index
      %swap3A_1485 = arith.index_cast %mul3A_1210 : i32 to index
      %swap3A_1486 = tpu.vector_load %arg7[%swap3A_1483, %swap3A_1484, %swap3A_1485] {strides = array<i32>} : memref<3x32x768xf32, #tpu.memory_space<vmem>>, vector<1x1x16xf32>,
      %swap3A_1487 = vector.shape_cast %swap3A_1486 : vector<1x1x16xf32> to vector<16xf32>
      %swap3A_1488 = vector.shape_cast %get3A_1472 : vector<16xf32> to vector<1x1x16xf32>
      tpu.vector_store %arg7[%swap3A_1483, %swap3A_1484, %swap3A_1485], %swap3A_1488 {add = true, strides = array<i32>} : memref<3x32x768xf32, #tpu.memory_space<vmem>>, vector<1x1x16xf32>,
      %swap3A_1489 = arith.constant 2 : i32
      %swap3A_1490 = arith.constant 23 : i32
      %swap3A_1491 = arith.index_cast %swap3A_1489 : i32 to index
      %swap3A_1492 = arith.index_cast %swap3A_1490 : i32 to index
      %swap3A_1493 = arith.index_cast %mul3A_1210 : i32 to index
      %swap3A_1494 = tpu.vector_load %arg7[%swap3A_1491, %swap3A_1492, %swap3A_1493] {strides = array<i32>} : memref<3x32x768xf32, #tpu.memory_space<vmem>>, vector<1x1x16xf32>,
      %swap3A_1495 = vector.shape_cast %swap3A_1494 : vector<1x1x16xf32> to vector<16xf32>
      %swap3A_1496 = vector.shape_cast %get3A_1472 : vector<16xf32> to vector<1x1x16xf32>
      tpu.vector_store %arg7[%swap3A_1491, %swap3A_1492, %swap3A_1493], %swap3A_1496 {add = true, strides = array<i32>} : memref<3x32x768xf32, #tpu.memory_space<vmem>>, vector<1x1x16xf32>,
      %swap3A_1497 = arith.constant 2 : i32
      %swap3A_1498 = arith.constant 31 : i32
      %swap3A_1499 = arith.index_cast %swap3A_1497 : i32 to index
      %swap3A_1500 = arith.index_cast %swap3A_1498 : i32 to index
      %swap3A_1501 = arith.index_cast %mul3A_1210 : i32 to index
      %swap3A_1502 = tpu.vector_load %arg7[%swap3A_1499, %swap3A_1500, %swap3A_1501] {strides = array<i32>} : memref<3x32x768xf32, #tpu.memory_space<vmem>>, vector<1x1x16xf32>,
      %swap3A_1503 = vector.shape_cast %swap3A_1502 : vector<1x1x16xf32> to vector<16xf32>
      %swap3A_1504 = vector.shape_cast %get3A_1472 : vector<16xf32> to vector<1x1x16xf32>
      tpu.vector_store %arg7[%swap3A_1499, %swap3A_1500, %swap3A_1501], %swap3A_1504 {add = true, strides = array<i32>} : memref<3x32x768xf32, #tpu.memory_space<vmem>>, vector<1x1x16xf32>,
    }
    %scan3A_811 = arith.constant 48 : i32
    "tpu.trace_stop"() : () -> ()
    %add3A_812 = arith.constant 0 : i32
    %add3A_813 = arith.addi %add3A_812, %mul3A_2 : i32
    %add3A_814 = arith.constant 40 : i32
    %add3A_815 = arith.addi %add3A_813, %add3A_814 : i32
    %dma_start3A_816 = arith.constant 2 : i32
    %dma_start3A_817 = arith.constant 0 : i32
    %dma_start3A_818 = arith.constant 0 : i32
    %dma_start3A_819 = tpu.memref_slice %arg7[%dma_start3A_816, %dma_start3A_817, %dma_start3A_818] : memref<3x32x768xf32, #tpu.memory_space<vmem>> -> memref<1x8x768xf32, #tpu.memory_space<vmem>>
    %dma_start3A_820 = tpu.memref_squeeze %dma_start3A_819 : memref<1x8x768xf32, #tpu.memory_space<vmem>> -> memref<8x768xf32, #tpu.memory_space<vmem>>
    %dma_start3A_821 = arith.constant 0 : i32
    %dma_start3A_822 = tpu.memref_slice %arg5[%add3A_815, %dma_start3A_821] : memref<8192x768xf32, #tpu.memory_space<hbm>> -> memref<8x768xf32, #tpu.memory_space<hbm>>
    %dma_start3A_823 = arith.constant 0 : i32
    %dma_start3A_824 = tpu.memref_slice %arg5[%add3A_815, %dma_start3A_823] : memref<8192x768xf32, #tpu.memory_space<hbm>> -> memref<8x768xf32, #tpu.memory_space<hbm>>
    %dma_start3A_825 = arith.constant 0 : i32
    %dma_start3A_826 = arith.constant 0 : i32
    %dma_start3A_827 = tpu.memref_slice %arg7[%dma_start3A_816, %dma_start3A_825, %dma_start3A_826] : memref<3x32x768xf32, #tpu.memory_space<vmem>> -> memref<1x8x768xf32, #tpu.memory_space<vmem>>
    %dma_start3A_828 = tpu.memref_squeeze %dma_start3A_827 : memref<1x8x768xf32, #tpu.memory_space<vmem>> -> memref<8x768xf32, #tpu.memory_space<vmem>>
    tpu.enqueue_dma source(%dma_start3A_828 : memref<8x768xf32, #tpu.memory_space<vmem>>) target(%dma_start3A_824 : memref<8x768xf32, #tpu.memory_space<hbm>>) target_semaphore(%arg15 : memref<!tpu.dma_semaphore, #tpu.memory_space<semaphore_mem>>)
    %add3A_829 = arith.constant 2048 : i32
    %add3A_830 = arith.addi %add3A_829, %mul3A_2 : i32
    %add3A_831 = arith.constant 40 : i32
    %add3A_832 = arith.addi %add3A_830, %add3A_831 : i32
    %dma_start3A_833 = arith.constant 2 : i32
    %dma_start3A_834 = arith.constant 8 : i32
    %dma_start3A_835 = arith.constant 0 : i32
    %dma_start3A_836 = tpu.memref_slice %arg7[%dma_start3A_833, %dma_start3A_834, %dma_start3A_835] : memref<3x32x768xf32, #tpu.memory_space<vmem>> -> memref<1x8x768xf32, #tpu.memory_space<vmem>>
    %dma_start3A_837 = tpu.memref_squeeze %dma_start3A_836 : memref<1x8x768xf32, #tpu.memory_space<vmem>> -> memref<8x768xf32, #tpu.memory_space<vmem>>
    %dma_start3A_838 = arith.constant 0 : i32
    %dma_start3A_839 = tpu.memref_slice %arg5[%add3A_832, %dma_start3A_838] : memref<8192x768xf32, #tpu.memory_space<hbm>> -> memref<8x768xf32, #tpu.memory_space<hbm>>
    %dma_start3A_840 = arith.constant 0 : i32
    %dma_start3A_841 = tpu.memref_slice %arg5[%add3A_832, %dma_start3A_840] : memref<8192x768xf32, #tpu.memory_space<hbm>> -> memref<8x768xf32, #tpu.memory_space<hbm>>
    %dma_start3A_842 = arith.constant 8 : i32
    %dma_start3A_843 = arith.constant 0 : i32
    %dma_start3A_844 = tpu.memref_slice %arg7[%dma_start3A_833, %dma_start3A_842, %dma_start3A_843] : memref<3x32x768xf32, #tpu.memory_space<vmem>> -> memref<1x8x768xf32, #tpu.memory_space<vmem>>
    %dma_start3A_845 = tpu.memref_squeeze %dma_start3A_844 : memref<1x8x768xf32, #tpu.memory_space<vmem>> -> memref<8x768xf32, #tpu.memory_space<vmem>>
    tpu.enqueue_dma source(%dma_start3A_845 : memref<8x768xf32, #tpu.memory_space<vmem>>) target(%dma_start3A_841 : memref<8x768xf32, #tpu.memory_space<hbm>>) target_semaphore(%arg15 : memref<!tpu.dma_semaphore, #tpu.memory_space<semaphore_mem>>)
    %add3A_846 = arith.constant 4096 : i32
    %add3A_847 = arith.addi %add3A_846, %mul3A_2 : i32
    %add3A_848 = arith.constant 40 : i32
    %add3A_849 = arith.addi %add3A_847, %add3A_848 : i32
    %dma_start3A_850 = arith.constant 2 : i32
    %dma_start3A_851 = arith.constant 16 : i32
    %dma_start3A_852 = arith.constant 0 : i32
    %dma_start3A_853 = tpu.memref_slice %arg7[%dma_start3A_850, %dma_start3A_851, %dma_start3A_852] : memref<3x32x768xf32, #tpu.memory_space<vmem>> -> memref<1x8x768xf32, #tpu.memory_space<vmem>>
    %dma_start3A_854 = tpu.memref_squeeze %dma_start3A_853 : memref<1x8x768xf32, #tpu.memory_space<vmem>> -> memref<8x768xf32, #tpu.memory_space<vmem>>
    %dma_start3A_855 = arith.constant 0 : i32
    %dma_start3A_856 = tpu.memref_slice %arg5[%add3A_849, %dma_start3A_855] : memref<8192x768xf32, #tpu.memory_space<hbm>> -> memref<8x768xf32, #tpu.memory_space<hbm>>
    %dma_start3A_857 = arith.constant 0 : i32
    %dma_start3A_858 = tpu.memref_slice %arg5[%add3A_849, %dma_start3A_857] : memref<8192x768xf32, #tpu.memory_space<hbm>> -> memref<8x768xf32, #tpu.memory_space<hbm>>
    %dma_start3A_859 = arith.constant 16 : i32
    %dma_start3A_860 = arith.constant 0 : i32
    %dma_start3A_861 = tpu.memref_slice %arg7[%dma_start3A_850, %dma_start3A_859, %dma_start3A_860] : memref<3x32x768xf32, #tpu.memory_space<vmem>> -> memref<1x8x768xf32, #tpu.memory_space<vmem>>
    %dma_start3A_862 = tpu.memref_squeeze %dma_start3A_861 : memref<1x8x768xf32, #tpu.memory_space<vmem>> -> memref<8x768xf32, #tpu.memory_space<vmem>>
    tpu.enqueue_dma source(%dma_start3A_862 : memref<8x768xf32, #tpu.memory_space<vmem>>) target(%dma_start3A_858 : memref<8x768xf32, #tpu.memory_space<hbm>>) target_semaphore(%arg15 : memref<!tpu.dma_semaphore, #tpu.memory_space<semaphore_mem>>)
    %add3A_863 = arith.constant 6144 : i32
    %add3A_864 = arith.addi %add3A_863, %mul3A_2 : i32
    %add3A_865 = arith.constant 40 : i32
    %add3A_866 = arith.addi %add3A_864, %add3A_865 : i32
    %dma_start3A_867 = arith.constant 2 : i32
    %dma_start3A_868 = arith.constant 24 : i32
    %dma_start3A_869 = arith.constant 0 : i32
    %dma_start3A_870 = tpu.memref_slice %arg7[%dma_start3A_867, %dma_start3A_868, %dma_start3A_869] : memref<3x32x768xf32, #tpu.memory_space<vmem>> -> memref<1x8x768xf32, #tpu.memory_space<vmem>>
    %dma_start3A_871 = tpu.memref_squeeze %dma_start3A_870 : memref<1x8x768xf32, #tpu.memory_space<vmem>> -> memref<8x768xf32, #tpu.memory_space<vmem>>
    %dma_start3A_872 = arith.constant 0 : i32
    %dma_start3A_873 = tpu.memref_slice %arg5[%add3A_866, %dma_start3A_872] : memref<8192x768xf32, #tpu.memory_space<hbm>> -> memref<8x768xf32, #tpu.memory_space<hbm>>
    %dma_start3A_874 = arith.constant 0 : i32
    %dma_start3A_875 = tpu.memref_slice %arg5[%add3A_866, %dma_start3A_874] : memref<8192x768xf32, #tpu.memory_space<hbm>> -> memref<8x768xf32, #tpu.memory_space<hbm>>
    %dma_start3A_876 = arith.constant 24 : i32
    %dma_start3A_877 = arith.constant 0 : i32
    %dma_start3A_878 = tpu.memref_slice %arg7[%dma_start3A_867, %dma_start3A_876, %dma_start3A_877] : memref<3x32x768xf32, #tpu.memory_space<vmem>> -> memref<1x8x768xf32, #tpu.memory_space<vmem>>
    %dma_start3A_879 = tpu.memref_squeeze %dma_start3A_878 : memref<1x8x768xf32, #tpu.memory_space<vmem>> -> memref<8x768xf32, #tpu.memory_space<vmem>>
    tpu.enqueue_dma source(%dma_start3A_879 : memref<8x768xf32, #tpu.memory_space<vmem>>) target(%dma_start3A_875 : memref<8x768xf32, #tpu.memory_space<hbm>>) target_semaphore(%arg15 : memref<!tpu.dma_semaphore, #tpu.memory_space<semaphore_mem>>)
    %dma_wait3A_880 = arith.constant 6 : i32
    %dma_wait3A_881 = arith.constant 0 : i32
    "tpu.trace_start"() <{level = 10 : i32, message = "wait_in"}> : () -> ()
    %dma_wait3A_882 = arith.constant 0 : i32
    %dma_wait3A_883 = arith.constant 0 : i32
    %dma_wait3A_884 = tpu.memref_slice %arg7[%dma_wait3A_881, %dma_wait3A_882, %dma_wait3A_883] : memref<3x32x768xf32, #tpu.memory_space<vmem>> -> memref<1x32x768xf32, #tpu.memory_space<vmem>>
    %dma_wait3A_885 = tpu.memref_squeeze %dma_wait3A_884 : memref<1x32x768xf32, #tpu.memory_space<vmem>> -> memref<32x768xf32, #tpu.memory_space<vmem>>
    %dma_wait3A_886 = arith.constant 0 : i32
    %dma_wait3A_887 = tpu.memref_slice %arg6[%dma_wait3A_880, %dma_wait3A_886] : memref<8x32xi32, #tpu.memory_space<vmem>> -> memref<1x32xi32, #tpu.memory_space<vmem>>
    %dma_wait3A_888 = tpu.memref_squeeze %dma_wait3A_887 : memref<1x32xi32, #tpu.memory_space<vmem>> -> memref<32xi32, #tpu.memory_space<vmem>>
    %dma_wait3A_889 = arith.constant 0 : i32
    %dma_wait3A_890 = arith.constant 0 : i32
    %dma_wait3A_891 = tpu.memref_slice %arg3[%dma_wait3A_889, %dma_wait3A_890] : memref<100000x768xf32, #tpu.memory_space<hbm>> -> memref<100000x768xf32, #tpu.memory_space<hbm>>
    tpu.wait_indirect_dma semaphore(%arg10 : memref<!tpu.dma_semaphore, #tpu.memory_space<semaphore_mem>>) src(%dma_wait3A_891 : memref<100000x768xf32, #tpu.memory_space<hbm>>) dst(%dma_wait3A_885 : memref<32x768xf32, #tpu.memory_space<vmem>>)
    "tpu.trace_stop"() : () -> ()
    "tpu.trace_start"() <{level = 10 : i32, message = "add"}> : () -> ()
    %scan3A_892 = arith.constant 0 : i32
    %scan3A_893 = arith.constant 0 : i32
    %scan3A_894 = arith.constant 48 : i32
    %scan3A_895 = arith.addi %scan3A_893, %scan3A_894 : i32
    %scan3A_896 = arith.constant 1 : i32
    scf.for %scan3A_1208 = %scan3A_893 to %scan3A_895 step %scan3A_896  : i32 {
      %mul3A_1209 = arith.constant 16 : i32
      %mul3A_1210 = arith.muli %scan3A_1208, %mul3A_1209 : i32
      %get3A = arith.constant 48 : i32
      %get3A_1211 = arith.index_cast %get3A : i32 to index
      %get3A_1212 = arith.index_cast %mul3A_1210 : i32 to index
      %get3A_1213 = tpu.vector_load %arg8[%get3A_1211, %get3A_1212] {strides = array<i32>} : memref<64x768xf32, #tpu.memory_space<vmem>>, vector<1x16xf32>,
      %get3A_1214 = vector.shape_cast %get3A_1213 : vector<1x16xf32> to vector<16xf32>
      %swap3A = arith.constant 0 : i32
      %swap3A_1215 = arith.constant 0 : i32
      %swap3A_1216 = arith.index_cast %swap3A : i32 to index
      %swap3A_1217 = arith.index_cast %swap3A_1215 : i32 to index
      %swap3A_1218 = arith.index_cast %mul3A_1210 : i32 to index
      %swap3A_1219 = tpu.vector_load %arg7[%swap3A_1216, %swap3A_1217, %swap3A_1218] {strides = array<i32>} : memref<3x32x768xf32, #tpu.memory_space<vmem>>, vector<1x1x16xf32>,
      %swap3A_1220 = vector.shape_cast %swap3A_1219 : vector<1x1x16xf32> to vector<16xf32>
      %swap3A_1221 = vector.shape_cast %get3A_1214 : vector<16xf32> to vector<1x1x16xf32>
      tpu.vector_store %arg7[%swap3A_1216, %swap3A_1217, %swap3A_1218], %swap3A_1221 {add = true, strides = array<i32>} : memref<3x32x768xf32, #tpu.memory_space<vmem>>, vector<1x1x16xf32>,
      %swap3A_1222 = arith.constant 0 : i32
      %swap3A_1223 = arith.constant 8 : i32
      %swap3A_1224 = arith.index_cast %swap3A_1222 : i32 to index
      %swap3A_1225 = arith.index_cast %swap3A_1223 : i32 to index
      %swap3A_1226 = arith.index_cast %mul3A_1210 : i32 to index
      %swap3A_1227 = tpu.vector_load %arg7[%swap3A_1224, %swap3A_1225, %swap3A_1226] {strides = array<i32>} : memref<3x32x768xf32, #tpu.memory_space<vmem>>, vector<1x1x16xf32>,
      %swap3A_1228 = vector.shape_cast %swap3A_1227 : vector<1x1x16xf32> to vector<16xf32>
      %swap3A_1229 = vector.shape_cast %get3A_1214 : vector<16xf32> to vector<1x1x16xf32>
      tpu.vector_store %arg7[%swap3A_1224, %swap3A_1225, %swap3A_1226], %swap3A_1229 {add = true, strides = array<i32>} : memref<3x32x768xf32, #tpu.memory_space<vmem>>, vector<1x1x16xf32>,
      %swap3A_1230 = arith.constant 0 : i32
      %swap3A_1231 = arith.constant 16 : i32
      %swap3A_1232 = arith.index_cast %swap3A_1230 : i32 to index
      %swap3A_1233 = arith.index_cast %swap3A_1231 : i32 to index
      %swap3A_1234 = arith.index_cast %mul3A_1210 : i32 to index
      %swap3A_1235 = tpu.vector_load %arg7[%swap3A_1232, %swap3A_1233, %swap3A_1234] {strides = array<i32>} : memref<3x32x768xf32, #tpu.memory_space<vmem>>, vector<1x1x16xf32>,
      %swap3A_1236 = vector.shape_cast %swap3A_1235 : vector<1x1x16xf32> to vector<16xf32>
      %swap3A_1237 = vector.shape_cast %get3A_1214 : vector<16xf32> to vector<1x1x16xf32>
      tpu.vector_store %arg7[%swap3A_1232, %swap3A_1233, %swap3A_1234], %swap3A_1237 {add = true, strides = array<i32>} : memref<3x32x768xf32, #tpu.memory_space<vmem>>, vector<1x1x16xf32>,
      %swap3A_1238 = arith.constant 0 : i32
      %swap3A_1239 = arith.constant 24 : i32
      %swap3A_1240 = arith.index_cast %swap3A_1238 : i32 to index
      %swap3A_1241 = arith.index_cast %swap3A_1239 : i32 to index
      %swap3A_1242 = arith.index_cast %mul3A_1210 : i32 to index
      %swap3A_1243 = tpu.vector_load %arg7[%swap3A_1240, %swap3A_1241, %swap3A_1242] {strides = array<i32>} : memref<3x32x768xf32, #tpu.memory_space<vmem>>, vector<1x1x16xf32>,
      %swap3A_1244 = vector.shape_cast %swap3A_1243 : vector<1x1x16xf32> to vector<16xf32>
      %swap3A_1245 = vector.shape_cast %get3A_1214 : vector<16xf32> to vector<1x1x16xf32>
      tpu.vector_store %arg7[%swap3A_1240, %swap3A_1241, %swap3A_1242], %swap3A_1245 {add = true, strides = array<i32>} : memref<3x32x768xf32, #tpu.memory_space<vmem>>, vector<1x1x16xf32>,
      %get3A_1246 = arith.constant 49 : i32
      %get3A_1247 = arith.index_cast %get3A_1246 : i32 to index
      %get3A_1248 = arith.index_cast %mul3A_1210 : i32 to index
      %get3A_1249 = tpu.vector_load %arg8[%get3A_1247, %get3A_1248] {strides = array<i32>} : memref<64x768xf32, #tpu.memory_space<vmem>>, vector<1x16xf32>,
      %get3A_1250 = vector.shape_cast %get3A_1249 : vector<1x16xf32> to vector<16xf32>
      %swap3A_1251 = arith.constant 0 : i32
      %swap3A_1252 = arith.constant 1 : i32
      %swap3A_1253 = arith.index_cast %swap3A_1251 : i32 to index
      %swap3A_1254 = arith.index_cast %swap3A_1252 : i32 to index
      %swap3A_1255 = arith.index_cast %mul3A_1210 : i32 to index
      %swap3A_1256 = tpu.vector_load %arg7[%swap3A_1253, %swap3A_1254, %swap3A_1255] {strides = array<i32>} : memref<3x32x768xf32, #tpu.memory_space<vmem>>, vector<1x1x16xf32>,
      %swap3A_1257 = vector.shape_cast %swap3A_1256 : vector<1x1x16xf32> to vector<16xf32>
      %swap3A_1258 = vector.shape_cast %get3A_1250 : vector<16xf32> to vector<1x1x16xf32>
      tpu.vector_store %arg7[%swap3A_1253, %swap3A_1254, %swap3A_1255], %swap3A_1258 {add = true, strides = array<i32>} : memref<3x32x768xf32, #tpu.memory_space<vmem>>, vector<1x1x16xf32>,
      %swap3A_1259 = arith.constant 0 : i32
      %swap3A_1260 = arith.constant 9 : i32
      %swap3A_1261 = arith.index_cast %swap3A_1259 : i32 to index
      %swap3A_1262 = arith.index_cast %swap3A_1260 : i32 to index
      %swap3A_1263 = arith.index_cast %mul3A_1210 : i32 to index
      %swap3A_1264 = tpu.vector_load %arg7[%swap3A_1261, %swap3A_1262, %swap3A_1263] {strides = array<i32>} : memref<3x32x768xf32, #tpu.memory_space<vmem>>, vector<1x1x16xf32>,
      %swap3A_1265 = vector.shape_cast %swap3A_1264 : vector<1x1x16xf32> to vector<16xf32>
      %swap3A_1266 = vector.shape_cast %get3A_1250 : vector<16xf32> to vector<1x1x16xf32>
      tpu.vector_store %arg7[%swap3A_1261, %swap3A_1262, %swap3A_1263], %swap3A_1266 {add = true, strides = array<i32>} : memref<3x32x768xf32, #tpu.memory_space<vmem>>, vector<1x1x16xf32>,
      %swap3A_1267 = arith.constant 0 : i32
      %swap3A_1268 = arith.constant 17 : i32
      %swap3A_1269 = arith.index_cast %swap3A_1267 : i32 to index
      %swap3A_1270 = arith.index_cast %swap3A_1268 : i32 to index
      %swap3A_1271 = arith.index_cast %mul3A_1210 : i32 to index
      %swap3A_1272 = tpu.vector_load %arg7[%swap3A_1269, %swap3A_1270, %swap3A_1271] {strides = array<i32>} : memref<3x32x768xf32, #tpu.memory_space<vmem>>, vector<1x1x16xf32>,
      %swap3A_1273 = vector.shape_cast %swap3A_1272 : vector<1x1x16xf32> to vector<16xf32>
      %swap3A_1274 = vector.shape_cast %get3A_1250 : vector<16xf32> to vector<1x1x16xf32>
      tpu.vector_store %arg7[%swap3A_1269, %swap3A_1270, %swap3A_1271], %swap3A_1274 {add = true, strides = array<i32>} : memref<3x32x768xf32, #tpu.memory_space<vmem>>, vector<1x1x16xf32>,
      %swap3A_1275 = arith.constant 0 : i32
      %swap3A_1276 = arith.constant 25 : i32
      %swap3A_1277 = arith.index_cast %swap3A_1275 : i32 to index
      %swap3A_1278 = arith.index_cast %swap3A_1276 : i32 to index
      %swap3A_1279 = arith.index_cast %mul3A_1210 : i32 to index
      %swap3A_1280 = tpu.vector_load %arg7[%swap3A_1277, %swap3A_1278, %swap3A_1279] {strides = array<i32>} : memref<3x32x768xf32, #tpu.memory_space<vmem>>, vector<1x1x16xf32>,
      %swap3A_1281 = vector.shape_cast %swap3A_1280 : vector<1x1x16xf32> to vector<16xf32>
      %swap3A_1282 = vector.shape_cast %get3A_1250 : vector<16xf32> to vector<1x1x16xf32>
      tpu.vector_store %arg7[%swap3A_1277, %swap3A_1278, %swap3A_1279], %swap3A_1282 {add = true, strides = array<i32>} : memref<3x32x768xf32, #tpu.memory_space<vmem>>, vector<1x1x16xf32>,
      %get3A_1283 = arith.constant 50 : i32
      %get3A_1284 = arith.index_cast %get3A_1283 : i32 to index
      %get3A_1285 = arith.index_cast %mul3A_1210 : i32 to index
      %get3A_1286 = tpu.vector_load %arg8[%get3A_1284, %get3A_1285] {strides = array<i32>} : memref<64x768xf32, #tpu.memory_space<vmem>>, vector<1x16xf32>,
      %get3A_1287 = vector.shape_cast %get3A_1286 : vector<1x16xf32> to vector<16xf32>
      %swap3A_1288 = arith.constant 0 : i32
      %swap3A_1289 = arith.constant 2 : i32
      %swap3A_1290 = arith.index_cast %swap3A_1288 : i32 to index
      %swap3A_1291 = arith.index_cast %swap3A_1289 : i32 to index
      %swap3A_1292 = arith.index_cast %mul3A_1210 : i32 to index
      %swap3A_1293 = tpu.vector_load %arg7[%swap3A_1290, %swap3A_1291, %swap3A_1292] {strides = array<i32>} : memref<3x32x768xf32, #tpu.memory_space<vmem>>, vector<1x1x16xf32>,
      %swap3A_1294 = vector.shape_cast %swap3A_1293 : vector<1x1x16xf32> to vector<16xf32>
      %swap3A_1295 = vector.shape_cast %get3A_1287 : vector<16xf32> to vector<1x1x16xf32>
      tpu.vector_store %arg7[%swap3A_1290, %swap3A_1291, %swap3A_1292], %swap3A_1295 {add = true, strides = array<i32>} : memref<3x32x768xf32, #tpu.memory_space<vmem>>, vector<1x1x16xf32>,
      %swap3A_1296 = arith.constant 0 : i32
      %swap3A_1297 = arith.constant 10 : i32
      %swap3A_1298 = arith.index_cast %swap3A_1296 : i32 to index
      %swap3A_1299 = arith.index_cast %swap3A_1297 : i32 to index
      %swap3A_1300 = arith.index_cast %mul3A_1210 : i32 to index
      %swap3A_1301 = tpu.vector_load %arg7[%swap3A_1298, %swap3A_1299, %swap3A_1300] {strides = array<i32>} : memref<3x32x768xf32, #tpu.memory_space<vmem>>, vector<1x1x16xf32>,
      %swap3A_1302 = vector.shape_cast %swap3A_1301 : vector<1x1x16xf32> to vector<16xf32>
      %swap3A_1303 = vector.shape_cast %get3A_1287 : vector<16xf32> to vector<1x1x16xf32>
      tpu.vector_store %arg7[%swap3A_1298, %swap3A_1299, %swap3A_1300], %swap3A_1303 {add = true, strides = array<i32>} : memref<3x32x768xf32, #tpu.memory_space<vmem>>, vector<1x1x16xf32>,
      %swap3A_1304 = arith.constant 0 : i32
      %swap3A_1305 = arith.constant 18 : i32
      %swap3A_1306 = arith.index_cast %swap3A_1304 : i32 to index
      %swap3A_1307 = arith.index_cast %swap3A_1305 : i32 to index
      %swap3A_1308 = arith.index_cast %mul3A_1210 : i32 to index
      %swap3A_1309 = tpu.vector_load %arg7[%swap3A_1306, %swap3A_1307, %swap3A_1308] {strides = array<i32>} : memref<3x32x768xf32, #tpu.memory_space<vmem>>, vector<1x1x16xf32>,
      %swap3A_1310 = vector.shape_cast %swap3A_1309 : vector<1x1x16xf32> to vector<16xf32>
      %swap3A_1311 = vector.shape_cast %get3A_1287 : vector<16xf32> to vector<1x1x16xf32>
      tpu.vector_store %arg7[%swap3A_1306, %swap3A_1307, %swap3A_1308], %swap3A_1311 {add = true, strides = array<i32>} : memref<3x32x768xf32, #tpu.memory_space<vmem>>, vector<1x1x16xf32>,
      %swap3A_1312 = arith.constant 0 : i32
      %swap3A_1313 = arith.constant 26 : i32
      %swap3A_1314 = arith.index_cast %swap3A_1312 : i32 to index
      %swap3A_1315 = arith.index_cast %swap3A_1313 : i32 to index
      %swap3A_1316 = arith.index_cast %mul3A_1210 : i32 to index
      %swap3A_1317 = tpu.vector_load %arg7[%swap3A_1314, %swap3A_1315, %swap3A_1316] {strides = array<i32>} : memref<3x32x768xf32, #tpu.memory_space<vmem>>, vector<1x1x16xf32>,
      %swap3A_1318 = vector.shape_cast %swap3A_1317 : vector<1x1x16xf32> to vector<16xf32>
      %swap3A_1319 = vector.shape_cast %get3A_1287 : vector<16xf32> to vector<1x1x16xf32>
      tpu.vector_store %arg7[%swap3A_1314, %swap3A_1315, %swap3A_1316], %swap3A_1319 {add = true, strides = array<i32>} : memref<3x32x768xf32, #tpu.memory_space<vmem>>, vector<1x1x16xf32>,
      %get3A_1320 = arith.constant 51 : i32
      %get3A_1321 = arith.index_cast %get3A_1320 : i32 to index
      %get3A_1322 = arith.index_cast %mul3A_1210 : i32 to index
      %get3A_1323 = tpu.vector_load %arg8[%get3A_1321, %get3A_1322] {strides = array<i32>} : memref<64x768xf32, #tpu.memory_space<vmem>>, vector<1x16xf32>,
      %get3A_1324 = vector.shape_cast %get3A_1323 : vector<1x16xf32> to vector<16xf32>
      %swap3A_1325 = arith.constant 0 : i32
      %swap3A_1326 = arith.constant 3 : i32
      %swap3A_1327 = arith.index_cast %swap3A_1325 : i32 to index
      %swap3A_1328 = arith.index_cast %swap3A_1326 : i32 to index
      %swap3A_1329 = arith.index_cast %mul3A_1210 : i32 to index
      %swap3A_1330 = tpu.vector_load %arg7[%swap3A_1327, %swap3A_1328, %swap3A_1329] {strides = array<i32>} : memref<3x32x768xf32, #tpu.memory_space<vmem>>, vector<1x1x16xf32>,
      %swap3A_1331 = vector.shape_cast %swap3A_1330 : vector<1x1x16xf32> to vector<16xf32>
      %swap3A_1332 = vector.shape_cast %get3A_1324 : vector<16xf32> to vector<1x1x16xf32>
      tpu.vector_store %arg7[%swap3A_1327, %swap3A_1328, %swap3A_1329], %swap3A_1332 {add = true, strides = array<i32>} : memref<3x32x768xf32, #tpu.memory_space<vmem>>, vector<1x1x16xf32>,
      %swap3A_1333 = arith.constant 0 : i32
      %swap3A_1334 = arith.constant 11 : i32
      %swap3A_1335 = arith.index_cast %swap3A_1333 : i32 to index
      %swap3A_1336 = arith.index_cast %swap3A_1334 : i32 to index
      %swap3A_1337 = arith.index_cast %mul3A_1210 : i32 to index
      %swap3A_1338 = tpu.vector_load %arg7[%swap3A_1335, %swap3A_1336, %swap3A_1337] {strides = array<i32>} : memref<3x32x768xf32, #tpu.memory_space<vmem>>, vector<1x1x16xf32>,
      %swap3A_1339 = vector.shape_cast %swap3A_1338 : vector<1x1x16xf32> to vector<16xf32>
      %swap3A_1340 = vector.shape_cast %get3A_1324 : vector<16xf32> to vector<1x1x16xf32>
      tpu.vector_store %arg7[%swap3A_1335, %swap3A_1336, %swap3A_1337], %swap3A_1340 {add = true, strides = array<i32>} : memref<3x32x768xf32, #tpu.memory_space<vmem>>, vector<1x1x16xf32>,
      %swap3A_1341 = arith.constant 0 : i32
      %swap3A_1342 = arith.constant 19 : i32
      %swap3A_1343 = arith.index_cast %swap3A_1341 : i32 to index
      %swap3A_1344 = arith.index_cast %swap3A_1342 : i32 to index
      %swap3A_1345 = arith.index_cast %mul3A_1210 : i32 to index
      %swap3A_1346 = tpu.vector_load %arg7[%swap3A_1343, %swap3A_1344, %swap3A_1345] {strides = array<i32>} : memref<3x32x768xf32, #tpu.memory_space<vmem>>, vector<1x1x16xf32>,
      %swap3A_1347 = vector.shape_cast %swap3A_1346 : vector<1x1x16xf32> to vector<16xf32>
      %swap3A_1348 = vector.shape_cast %get3A_1324 : vector<16xf32> to vector<1x1x16xf32>
      tpu.vector_store %arg7[%swap3A_1343, %swap3A_1344, %swap3A_1345], %swap3A_1348 {add = true, strides = array<i32>} : memref<3x32x768xf32, #tpu.memory_space<vmem>>, vector<1x1x16xf32>,
      %swap3A_1349 = arith.constant 0 : i32
      %swap3A_1350 = arith.constant 27 : i32
      %swap3A_1351 = arith.index_cast %swap3A_1349 : i32 to index
      %swap3A_1352 = arith.index_cast %swap3A_1350 : i32 to index
      %swap3A_1353 = arith.index_cast %mul3A_1210 : i32 to index
      %swap3A_1354 = tpu.vector_load %arg7[%swap3A_1351, %swap3A_1352, %swap3A_1353] {strides = array<i32>} : memref<3x32x768xf32, #tpu.memory_space<vmem>>, vector<1x1x16xf32>,
      %swap3A_1355 = vector.shape_cast %swap3A_1354 : vector<1x1x16xf32> to vector<16xf32>
      %swap3A_1356 = vector.shape_cast %get3A_1324 : vector<16xf32> to vector<1x1x16xf32>
      tpu.vector_store %arg7[%swap3A_1351, %swap3A_1352, %swap3A_1353], %swap3A_1356 {add = true, strides = array<i32>} : memref<3x32x768xf32, #tpu.memory_space<vmem>>, vector<1x1x16xf32>,
      %get3A_1357 = arith.constant 52 : i32
      %get3A_1358 = arith.index_cast %get3A_1357 : i32 to index
      %get3A_1359 = arith.index_cast %mul3A_1210 : i32 to index
      %get3A_1360 = tpu.vector_load %arg8[%get3A_1358, %get3A_1359] {strides = array<i32>} : memref<64x768xf32, #tpu.memory_space<vmem>>, vector<1x16xf32>,
      %get3A_1361 = vector.shape_cast %get3A_1360 : vector<1x16xf32> to vector<16xf32>
      %swap3A_1362 = arith.constant 0 : i32
      %swap3A_1363 = arith.constant 4 : i32
      %swap3A_1364 = arith.index_cast %swap3A_1362 : i32 to index
      %swap3A_1365 = arith.index_cast %swap3A_1363 : i32 to index
      %swap3A_1366 = arith.index_cast %mul3A_1210 : i32 to index
      %swap3A_1367 = tpu.vector_load %arg7[%swap3A_1364, %swap3A_1365, %swap3A_1366] {strides = array<i32>} : memref<3x32x768xf32, #tpu.memory_space<vmem>>, vector<1x1x16xf32>,
      %swap3A_1368 = vector.shape_cast %swap3A_1367 : vector<1x1x16xf32> to vector<16xf32>
      %swap3A_1369 = vector.shape_cast %get3A_1361 : vector<16xf32> to vector<1x1x16xf32>
      tpu.vector_store %arg7[%swap3A_1364, %swap3A_1365, %swap3A_1366], %swap3A_1369 {add = true, strides = array<i32>} : memref<3x32x768xf32, #tpu.memory_space<vmem>>, vector<1x1x16xf32>,
      %swap3A_1370 = arith.constant 0 : i32
      %swap3A_1371 = arith.constant 12 : i32
      %swap3A_1372 = arith.index_cast %swap3A_1370 : i32 to index
      %swap3A_1373 = arith.index_cast %swap3A_1371 : i32 to index
      %swap3A_1374 = arith.index_cast %mul3A_1210 : i32 to index
      %swap3A_1375 = tpu.vector_load %arg7[%swap3A_1372, %swap3A_1373, %swap3A_1374] {strides = array<i32>} : memref<3x32x768xf32, #tpu.memory_space<vmem>>, vector<1x1x16xf32>,
      %swap3A_1376 = vector.shape_cast %swap3A_1375 : vector<1x1x16xf32> to vector<16xf32>
      %swap3A_1377 = vector.shape_cast %get3A_1361 : vector<16xf32> to vector<1x1x16xf32>
      tpu.vector_store %arg7[%swap3A_1372, %swap3A_1373, %swap3A_1374], %swap3A_1377 {add = true, strides = array<i32>} : memref<3x32x768xf32, #tpu.memory_space<vmem>>, vector<1x1x16xf32>,
      %swap3A_1378 = arith.constant 0 : i32
      %swap3A_1379 = arith.constant 20 : i32
      %swap3A_1380 = arith.index_cast %swap3A_1378 : i32 to index
      %swap3A_1381 = arith.index_cast %swap3A_1379 : i32 to index
      %swap3A_1382 = arith.index_cast %mul3A_1210 : i32 to index
      %swap3A_1383 = tpu.vector_load %arg7[%swap3A_1380, %swap3A_1381, %swap3A_1382] {strides = array<i32>} : memref<3x32x768xf32, #tpu.memory_space<vmem>>, vector<1x1x16xf32>,
      %swap3A_1384 = vector.shape_cast %swap3A_1383 : vector<1x1x16xf32> to vector<16xf32>
      %swap3A_1385 = vector.shape_cast %get3A_1361 : vector<16xf32> to vector<1x1x16xf32>
      tpu.vector_store %arg7[%swap3A_1380, %swap3A_1381, %swap3A_1382], %swap3A_1385 {add = true, strides = array<i32>} : memref<3x32x768xf32, #tpu.memory_space<vmem>>, vector<1x1x16xf32>,
      %swap3A_1386 = arith.constant 0 : i32
      %swap3A_1387 = arith.constant 28 : i32
      %swap3A_1388 = arith.index_cast %swap3A_1386 : i32 to index
      %swap3A_1389 = arith.index_cast %swap3A_1387 : i32 to index
      %swap3A_1390 = arith.index_cast %mul3A_1210 : i32 to index
      %swap3A_1391 = tpu.vector_load %arg7[%swap3A_1388, %swap3A_1389, %swap3A_1390] {strides = array<i32>} : memref<3x32x768xf32, #tpu.memory_space<vmem>>, vector<1x1x16xf32>,
      %swap3A_1392 = vector.shape_cast %swap3A_1391 : vector<1x1x16xf32> to vector<16xf32>
      %swap3A_1393 = vector.shape_cast %get3A_1361 : vector<16xf32> to vector<1x1x16xf32>
      tpu.vector_store %arg7[%swap3A_1388, %swap3A_1389, %swap3A_1390], %swap3A_1393 {add = true, strides = array<i32>} : memref<3x32x768xf32, #tpu.memory_space<vmem>>, vector<1x1x16xf32>,
      %get3A_1394 = arith.constant 53 : i32
      %get3A_1395 = arith.index_cast %get3A_1394 : i32 to index
      %get3A_1396 = arith.index_cast %mul3A_1210 : i32 to index
      %get3A_1397 = tpu.vector_load %arg8[%get3A_1395, %get3A_1396] {strides = array<i32>} : memref<64x768xf32, #tpu.memory_space<vmem>>, vector<1x16xf32>,
      %get3A_1398 = vector.shape_cast %get3A_1397 : vector<1x16xf32> to vector<16xf32>
      %swap3A_1399 = arith.constant 0 : i32
      %swap3A_1400 = arith.constant 5 : i32
      %swap3A_1401 = arith.index_cast %swap3A_1399 : i32 to index
      %swap3A_1402 = arith.index_cast %swap3A_1400 : i32 to index
      %swap3A_1403 = arith.index_cast %mul3A_1210 : i32 to index
      %swap3A_1404 = tpu.vector_load %arg7[%swap3A_1401, %swap3A_1402, %swap3A_1403] {strides = array<i32>} : memref<3x32x768xf32, #tpu.memory_space<vmem>>, vector<1x1x16xf32>,
      %swap3A_1405 = vector.shape_cast %swap3A_1404 : vector<1x1x16xf32> to vector<16xf32>
      %swap3A_1406 = vector.shape_cast %get3A_1398 : vector<16xf32> to vector<1x1x16xf32>
      tpu.vector_store %arg7[%swap3A_1401, %swap3A_1402, %swap3A_1403], %swap3A_1406 {add = true, strides = array<i32>} : memref<3x32x768xf32, #tpu.memory_space<vmem>>, vector<1x1x16xf32>,
      %swap3A_1407 = arith.constant 0 : i32
      %swap3A_1408 = arith.constant 13 : i32
      %swap3A_1409 = arith.index_cast %swap3A_1407 : i32 to index
      %swap3A_1410 = arith.index_cast %swap3A_1408 : i32 to index
      %swap3A_1411 = arith.index_cast %mul3A_1210 : i32 to index
      %swap3A_1412 = tpu.vector_load %arg7[%swap3A_1409, %swap3A_1410, %swap3A_1411] {strides = array<i32>} : memref<3x32x768xf32, #tpu.memory_space<vmem>>, vector<1x1x16xf32>,
      %swap3A_1413 = vector.shape_cast %swap3A_1412 : vector<1x1x16xf32> to vector<16xf32>
      %swap3A_1414 = vector.shape_cast %get3A_1398 : vector<16xf32> to vector<1x1x16xf32>
      tpu.vector_store %arg7[%swap3A_1409, %swap3A_1410, %swap3A_1411], %swap3A_1414 {add = true, strides = array<i32>} : memref<3x32x768xf32, #tpu.memory_space<vmem>>, vector<1x1x16xf32>,
      %swap3A_1415 = arith.constant 0 : i32
      %swap3A_1416 = arith.constant 21 : i32
      %swap3A_1417 = arith.index_cast %swap3A_1415 : i32 to index
      %swap3A_1418 = arith.index_cast %swap3A_1416 : i32 to index
      %swap3A_1419 = arith.index_cast %mul3A_1210 : i32 to index
      %swap3A_1420 = tpu.vector_load %arg7[%swap3A_1417, %swap3A_1418, %swap3A_1419] {strides = array<i32>} : memref<3x32x768xf32, #tpu.memory_space<vmem>>, vector<1x1x16xf32>,
      %swap3A_1421 = vector.shape_cast %swap3A_1420 : vector<1x1x16xf32> to vector<16xf32>
      %swap3A_1422 = vector.shape_cast %get3A_1398 : vector<16xf32> to vector<1x1x16xf32>
      tpu.vector_store %arg7[%swap3A_1417, %swap3A_1418, %swap3A_1419], %swap3A_1422 {add = true, strides = array<i32>} : memref<3x32x768xf32, #tpu.memory_space<vmem>>, vector<1x1x16xf32>,
      %swap3A_1423 = arith.constant 0 : i32
      %swap3A_1424 = arith.constant 29 : i32
      %swap3A_1425 = arith.index_cast %swap3A_1423 : i32 to index
      %swap3A_1426 = arith.index_cast %swap3A_1424 : i32 to index
      %swap3A_1427 = arith.index_cast %mul3A_1210 : i32 to index
      %swap3A_1428 = tpu.vector_load %arg7[%swap3A_1425, %swap3A_1426, %swap3A_1427] {strides = array<i32>} : memref<3x32x768xf32, #tpu.memory_space<vmem>>, vector<1x1x16xf32>,
      %swap3A_1429 = vector.shape_cast %swap3A_1428 : vector<1x1x16xf32> to vector<16xf32>
      %swap3A_1430 = vector.shape_cast %get3A_1398 : vector<16xf32> to vector<1x1x16xf32>
      tpu.vector_store %arg7[%swap3A_1425, %swap3A_1426, %swap3A_1427], %swap3A_1430 {add = true, strides = array<i32>} : memref<3x32x768xf32, #tpu.memory_space<vmem>>, vector<1x1x16xf32>,
      %get3A_1431 = arith.constant 54 : i32
      %get3A_1432 = arith.index_cast %get3A_1431 : i32 to index
      %get3A_1433 = arith.index_cast %mul3A_1210 : i32 to index
      %get3A_1434 = tpu.vector_load %arg8[%get3A_1432, %get3A_1433] {strides = array<i32>} : memref<64x768xf32, #tpu.memory_space<vmem>>, vector<1x16xf32>,
      %get3A_1435 = vector.shape_cast %get3A_1434 : vector<1x16xf32> to vector<16xf32>
      %swap3A_1436 = arith.constant 0 : i32
      %swap3A_1437 = arith.constant 6 : i32
      %swap3A_1438 = arith.index_cast %swap3A_1436 : i32 to index
      %swap3A_1439 = arith.index_cast %swap3A_1437 : i32 to index
      %swap3A_1440 = arith.index_cast %mul3A_1210 : i32 to index
      %swap3A_1441 = tpu.vector_load %arg7[%swap3A_1438, %swap3A_1439, %swap3A_1440] {strides = array<i32>} : memref<3x32x768xf32, #tpu.memory_space<vmem>>, vector<1x1x16xf32>,
      %swap3A_1442 = vector.shape_cast %swap3A_1441 : vector<1x1x16xf32> to vector<16xf32>
      %swap3A_1443 = vector.shape_cast %get3A_1435 : vector<16xf32> to vector<1x1x16xf32>
      tpu.vector_store %arg7[%swap3A_1438, %swap3A_1439, %swap3A_1440], %swap3A_1443 {add = true, strides = array<i32>} : memref<3x32x768xf32, #tpu.memory_space<vmem>>, vector<1x1x16xf32>,
      %swap3A_1444 = arith.constant 0 : i32
      %swap3A_1445 = arith.constant 14 : i32
      %swap3A_1446 = arith.index_cast %swap3A_1444 : i32 to index
      %swap3A_1447 = arith.index_cast %swap3A_1445 : i32 to index
      %swap3A_1448 = arith.index_cast %mul3A_1210 : i32 to index
      %swap3A_1449 = tpu.vector_load %arg7[%swap3A_1446, %swap3A_1447, %swap3A_1448] {strides = array<i32>} : memref<3x32x768xf32, #tpu.memory_space<vmem>>, vector<1x1x16xf32>,
      %swap3A_1450 = vector.shape_cast %swap3A_1449 : vector<1x1x16xf32> to vector<16xf32>
      %swap3A_1451 = vector.shape_cast %get3A_1435 : vector<16xf32> to vector<1x1x16xf32>
      tpu.vector_store %arg7[%swap3A_1446, %swap3A_1447, %swap3A_1448], %swap3A_1451 {add = true, strides = array<i32>} : memref<3x32x768xf32, #tpu.memory_space<vmem>>, vector<1x1x16xf32>,
      %swap3A_1452 = arith.constant 0 : i32
      %swap3A_1453 = arith.constant 22 : i32
      %swap3A_1454 = arith.index_cast %swap3A_1452 : i32 to index
      %swap3A_1455 = arith.index_cast %swap3A_1453 : i32 to index
      %swap3A_1456 = arith.index_cast %mul3A_1210 : i32 to index
      %swap3A_1457 = tpu.vector_load %arg7[%swap3A_1454, %swap3A_1455, %swap3A_1456] {strides = array<i32>} : memref<3x32x768xf32, #tpu.memory_space<vmem>>, vector<1x1x16xf32>,
      %swap3A_1458 = vector.shape_cast %swap3A_1457 : vector<1x1x16xf32> to vector<16xf32>
      %swap3A_1459 = vector.shape_cast %get3A_1435 : vector<16xf32> to vector<1x1x16xf32>
      tpu.vector_store %arg7[%swap3A_1454, %swap3A_1455, %swap3A_1456], %swap3A_1459 {add = true, strides = array<i32>} : memref<3x32x768xf32, #tpu.memory_space<vmem>>, vector<1x1x16xf32>,
      %swap3A_1460 = arith.constant 0 : i32
      %swap3A_1461 = arith.constant 30 : i32
      %swap3A_1462 = arith.index_cast %swap3A_1460 : i32 to index
      %swap3A_1463 = arith.index_cast %swap3A_1461 : i32 to index
      %swap3A_1464 = arith.index_cast %mul3A_1210 : i32 to index
      %swap3A_1465 = tpu.vector_load %arg7[%swap3A_1462, %swap3A_1463, %swap3A_1464] {strides = array<i32>} : memref<3x32x768xf32, #tpu.memory_space<vmem>>, vector<1x1x16xf32>,
      %swap3A_1466 = vector.shape_cast %swap3A_1465 : vector<1x1x16xf32> to vector<16xf32>
      %swap3A_1467 = vector.shape_cast %get3A_1435 : vector<16xf32> to vector<1x1x16xf32>
      tpu.vector_store %arg7[%swap3A_1462, %swap3A_1463, %swap3A_1464], %swap3A_1467 {add = true, strides = array<i32>} : memref<3x32x768xf32, #tpu.memory_space<vmem>>, vector<1x1x16xf32>,
      %get3A_1468 = arith.constant 55 : i32
      %get3A_1469 = arith.index_cast %get3A_1468 : i32 to index
      %get3A_1470 = arith.index_cast %mul3A_1210 : i32 to index
      %get3A_1471 = tpu.vector_load %arg8[%get3A_1469, %get3A_1470] {strides = array<i32>} : memref<64x768xf32, #tpu.memory_space<vmem>>, vector<1x16xf32>,
      %get3A_1472 = vector.shape_cast %get3A_1471 : vector<1x16xf32> to vector<16xf32>
      %swap3A_1473 = arith.constant 0 : i32
      %swap3A_1474 = arith.constant 7 : i32
      %swap3A_1475 = arith.index_cast %swap3A_1473 : i32 to index
      %swap3A_1476 = arith.index_cast %swap3A_1474 : i32 to index
      %swap3A_1477 = arith.index_cast %mul3A_1210 : i32 to index
      %swap3A_1478 = tpu.vector_load %arg7[%swap3A_1475, %swap3A_1476, %swap3A_1477] {strides = array<i32>} : memref<3x32x768xf32, #tpu.memory_space<vmem>>, vector<1x1x16xf32>,
      %swap3A_1479 = vector.shape_cast %swap3A_1478 : vector<1x1x16xf32> to vector<16xf32>
      %swap3A_1480 = vector.shape_cast %get3A_1472 : vector<16xf32> to vector<1x1x16xf32>
      tpu.vector_store %arg7[%swap3A_1475, %swap3A_1476, %swap3A_1477], %swap3A_1480 {add = true, strides = array<i32>} : memref<3x32x768xf32, #tpu.memory_space<vmem>>, vector<1x1x16xf32>,
      %swap3A_1481 = arith.constant 0 : i32
      %swap3A_1482 = arith.constant 15 : i32
      %swap3A_1483 = arith.index_cast %swap3A_1481 : i32 to index
      %swap3A_1484 = arith.index_cast %swap3A_1482 : i32 to index
      %swap3A_1485 = arith.index_cast %mul3A_1210 : i32 to index
      %swap3A_1486 = tpu.vector_load %arg7[%swap3A_1483, %swap3A_1484, %swap3A_1485] {strides = array<i32>} : memref<3x32x768xf32, #tpu.memory_space<vmem>>, vector<1x1x16xf32>,
      %swap3A_1487 = vector.shape_cast %swap3A_1486 : vector<1x1x16xf32> to vector<16xf32>
      %swap3A_1488 = vector.shape_cast %get3A_1472 : vector<16xf32> to vector<1x1x16xf32>
      tpu.vector_store %arg7[%swap3A_1483, %swap3A_1484, %swap3A_1485], %swap3A_1488 {add = true, strides = array<i32>} : memref<3x32x768xf32, #tpu.memory_space<vmem>>, vector<1x1x16xf32>,
      %swap3A_1489 = arith.constant 0 : i32
      %swap3A_1490 = arith.constant 23 : i32
      %swap3A_1491 = arith.index_cast %swap3A_1489 : i32 to index
      %swap3A_1492 = arith.index_cast %swap3A_1490 : i32 to index
      %swap3A_1493 = arith.index_cast %mul3A_1210 : i32 to index
      %swap3A_1494 = tpu.vector_load %arg7[%swap3A_1491, %swap3A_1492, %swap3A_1493] {strides = array<i32>} : memref<3x32x768xf32, #tpu.memory_space<vmem>>, vector<1x1x16xf32>,
      %swap3A_1495 = vector.shape_cast %swap3A_1494 : vector<1x1x16xf32> to vector<16xf32>
      %swap3A_1496 = vector.shape_cast %get3A_1472 : vector<16xf32> to vector<1x1x16xf32>
      tpu.vector_store %arg7[%swap3A_1491, %swap3A_1492, %swap3A_1493], %swap3A_1496 {add = true, strides = array<i32>} : memref<3x32x768xf32, #tpu.memory_space<vmem>>, vector<1x1x16xf32>,
      %swap3A_1497 = arith.constant 0 : i32
      %swap3A_1498 = arith.constant 31 : i32
      %swap3A_1499 = arith.index_cast %swap3A_1497 : i32 to index
      %swap3A_1500 = arith.index_cast %swap3A_1498 : i32 to index
      %swap3A_1501 = arith.index_cast %mul3A_1210 : i32 to index
      %swap3A_1502 = tpu.vector_load %arg7[%swap3A_1499, %swap3A_1500, %swap3A_1501] {strides = array<i32>} : memref<3x32x768xf32, #tpu.memory_space<vmem>>, vector<1x1x16xf32>,
      %swap3A_1503 = vector.shape_cast %swap3A_1502 : vector<1x1x16xf32> to vector<16xf32>
      %swap3A_1504 = vector.shape_cast %get3A_1472 : vector<16xf32> to vector<1x1x16xf32>
      tpu.vector_store %arg7[%swap3A_1499, %swap3A_1500, %swap3A_1501], %swap3A_1504 {add = true, strides = array<i32>} : memref<3x32x768xf32, #tpu.memory_space<vmem>>, vector<1x1x16xf32>,
    }
    %scan3A_897 = arith.constant 48 : i32
    "tpu.trace_stop"() : () -> ()
    %add3A_898 = arith.constant 0 : i32
    %add3A_899 = arith.addi %add3A_898, %mul3A_2 : i32
    %add3A_900 = arith.constant 48 : i32
    %add3A_901 = arith.addi %add3A_899, %add3A_900 : i32
    %dma_start3A_902 = arith.constant 0 : i32
    %dma_start3A_903 = arith.constant 0 : i32
    %dma_start3A_904 = arith.constant 0 : i32
    %dma_start3A_905 = tpu.memref_slice %arg7[%dma_start3A_902, %dma_start3A_903, %dma_start3A_904] : memref<3x32x768xf32, #tpu.memory_space<vmem>> -> memref<1x8x768xf32, #tpu.memory_space<vmem>>
    %dma_start3A_906 = tpu.memref_squeeze %dma_start3A_905 : memref<1x8x768xf32, #tpu.memory_space<vmem>> -> memref<8x768xf32, #tpu.memory_space<vmem>>
    %dma_start3A_907 = arith.constant 0 : i32
    %dma_start3A_908 = tpu.memref_slice %arg5[%add3A_901, %dma_start3A_907] : memref<8192x768xf32, #tpu.memory_space<hbm>> -> memref<8x768xf32, #tpu.memory_space<hbm>>
    %dma_start3A_909 = arith.constant 0 : i32
    %dma_start3A_910 = tpu.memref_slice %arg5[%add3A_901, %dma_start3A_909] : memref<8192x768xf32, #tpu.memory_space<hbm>> -> memref<8x768xf32, #tpu.memory_space<hbm>>
    %dma_start3A_911 = arith.constant 0 : i32
    %dma_start3A_912 = arith.constant 0 : i32
    %dma_start3A_913 = tpu.memref_slice %arg7[%dma_start3A_902, %dma_start3A_911, %dma_start3A_912] : memref<3x32x768xf32, #tpu.memory_space<vmem>> -> memref<1x8x768xf32, #tpu.memory_space<vmem>>
    %dma_start3A_914 = tpu.memref_squeeze %dma_start3A_913 : memref<1x8x768xf32, #tpu.memory_space<vmem>> -> memref<8x768xf32, #tpu.memory_space<vmem>>
    tpu.enqueue_dma source(%dma_start3A_914 : memref<8x768xf32, #tpu.memory_space<vmem>>) target(%dma_start3A_910 : memref<8x768xf32, #tpu.memory_space<hbm>>) target_semaphore(%arg13 : memref<!tpu.dma_semaphore, #tpu.memory_space<semaphore_mem>>)
    %add3A_915 = arith.constant 2048 : i32
    %add3A_916 = arith.addi %add3A_915, %mul3A_2 : i32
    %add3A_917 = arith.constant 48 : i32
    %add3A_918 = arith.addi %add3A_916, %add3A_917 : i32
    %dma_start3A_919 = arith.constant 0 : i32
    %dma_start3A_920 = arith.constant 8 : i32
    %dma_start3A_921 = arith.constant 0 : i32
    %dma_start3A_922 = tpu.memref_slice %arg7[%dma_start3A_919, %dma_start3A_920, %dma_start3A_921] : memref<3x32x768xf32, #tpu.memory_space<vmem>> -> memref<1x8x768xf32, #tpu.memory_space<vmem>>
    %dma_start3A_923 = tpu.memref_squeeze %dma_start3A_922 : memref<1x8x768xf32, #tpu.memory_space<vmem>> -> memref<8x768xf32, #tpu.memory_space<vmem>>
    %dma_start3A_924 = arith.constant 0 : i32
    %dma_start3A_925 = tpu.memref_slice %arg5[%add3A_918, %dma_start3A_924] : memref<8192x768xf32, #tpu.memory_space<hbm>> -> memref<8x768xf32, #tpu.memory_space<hbm>>
    %dma_start3A_926 = arith.constant 0 : i32
    %dma_start3A_927 = tpu.memref_slice %arg5[%add3A_918, %dma_start3A_926] : memref<8192x768xf32, #tpu.memory_space<hbm>> -> memref<8x768xf32, #tpu.memory_space<hbm>>
    %dma_start3A_928 = arith.constant 8 : i32
    %dma_start3A_929 = arith.constant 0 : i32
    %dma_start3A_930 = tpu.memref_slice %arg7[%dma_start3A_919, %dma_start3A_928, %dma_start3A_929] : memref<3x32x768xf32, #tpu.memory_space<vmem>> -> memref<1x8x768xf32, #tpu.memory_space<vmem>>
    %dma_start3A_931 = tpu.memref_squeeze %dma_start3A_930 : memref<1x8x768xf32, #tpu.memory_space<vmem>> -> memref<8x768xf32, #tpu.memory_space<vmem>>
    tpu.enqueue_dma source(%dma_start3A_931 : memref<8x768xf32, #tpu.memory_space<vmem>>) target(%dma_start3A_927 : memref<8x768xf32, #tpu.memory_space<hbm>>) target_semaphore(%arg13 : memref<!tpu.dma_semaphore, #tpu.memory_space<semaphore_mem>>)
    %add3A_932 = arith.constant 4096 : i32
    %add3A_933 = arith.addi %add3A_932, %mul3A_2 : i32
    %add3A_934 = arith.constant 48 : i32
    %add3A_935 = arith.addi %add3A_933, %add3A_934 : i32
    %dma_start3A_936 = arith.constant 0 : i32
    %dma_start3A_937 = arith.constant 16 : i32
    %dma_start3A_938 = arith.constant 0 : i32
    %dma_start3A_939 = tpu.memref_slice %arg7[%dma_start3A_936, %dma_start3A_937, %dma_start3A_938] : memref<3x32x768xf32, #tpu.memory_space<vmem>> -> memref<1x8x768xf32, #tpu.memory_space<vmem>>
    %dma_start3A_940 = tpu.memref_squeeze %dma_start3A_939 : memref<1x8x768xf32, #tpu.memory_space<vmem>> -> memref<8x768xf32, #tpu.memory_space<vmem>>
    %dma_start3A_941 = arith.constant 0 : i32
    %dma_start3A_942 = tpu.memref_slice %arg5[%add3A_935, %dma_start3A_941] : memref<8192x768xf32, #tpu.memory_space<hbm>> -> memref<8x768xf32, #tpu.memory_space<hbm>>
    %dma_start3A_943 = arith.constant 0 : i32
    %dma_start3A_944 = tpu.memref_slice %arg5[%add3A_935, %dma_start3A_943] : memref<8192x768xf32, #tpu.memory_space<hbm>> -> memref<8x768xf32, #tpu.memory_space<hbm>>
    %dma_start3A_945 = arith.constant 16 : i32
    %dma_start3A_946 = arith.constant 0 : i32
    %dma_start3A_947 = tpu.memref_slice %arg7[%dma_start3A_936, %dma_start3A_945, %dma_start3A_946] : memref<3x32x768xf32, #tpu.memory_space<vmem>> -> memref<1x8x768xf32, #tpu.memory_space<vmem>>
    %dma_start3A_948 = tpu.memref_squeeze %dma_start3A_947 : memref<1x8x768xf32, #tpu.memory_space<vmem>> -> memref<8x768xf32, #tpu.memory_space<vmem>>
    tpu.enqueue_dma source(%dma_start3A_948 : memref<8x768xf32, #tpu.memory_space<vmem>>) target(%dma_start3A_944 : memref<8x768xf32, #tpu.memory_space<hbm>>) target_semaphore(%arg13 : memref<!tpu.dma_semaphore, #tpu.memory_space<semaphore_mem>>)
    %add3A_949 = arith.constant 6144 : i32
    %add3A_950 = arith.addi %add3A_949, %mul3A_2 : i32
    %add3A_951 = arith.constant 48 : i32
    %add3A_952 = arith.addi %add3A_950, %add3A_951 : i32
    %dma_start3A_953 = arith.constant 0 : i32
    %dma_start3A_954 = arith.constant 24 : i32
    %dma_start3A_955 = arith.constant 0 : i32
    %dma_start3A_956 = tpu.memref_slice %arg7[%dma_start3A_953, %dma_start3A_954, %dma_start3A_955] : memref<3x32x768xf32, #tpu.memory_space<vmem>> -> memref<1x8x768xf32, #tpu.memory_space<vmem>>
    %dma_start3A_957 = tpu.memref_squeeze %dma_start3A_956 : memref<1x8x768xf32, #tpu.memory_space<vmem>> -> memref<8x768xf32, #tpu.memory_space<vmem>>
    %dma_start3A_958 = arith.constant 0 : i32
    %dma_start3A_959 = tpu.memref_slice %arg5[%add3A_952, %dma_start3A_958] : memref<8192x768xf32, #tpu.memory_space<hbm>> -> memref<8x768xf32, #tpu.memory_space<hbm>>
    %dma_start3A_960 = arith.constant 0 : i32
    %dma_start3A_961 = tpu.memref_slice %arg5[%add3A_952, %dma_start3A_960] : memref<8192x768xf32, #tpu.memory_space<hbm>> -> memref<8x768xf32, #tpu.memory_space<hbm>>
    %dma_start3A_962 = arith.constant 24 : i32
    %dma_start3A_963 = arith.constant 0 : i32
    %dma_start3A_964 = tpu.memref_slice %arg7[%dma_start3A_953, %dma_start3A_962, %dma_start3A_963] : memref<3x32x768xf32, #tpu.memory_space<vmem>> -> memref<1x8x768xf32, #tpu.memory_space<vmem>>
    %dma_start3A_965 = tpu.memref_squeeze %dma_start3A_964 : memref<1x8x768xf32, #tpu.memory_space<vmem>> -> memref<8x768xf32, #tpu.memory_space<vmem>>
    tpu.enqueue_dma source(%dma_start3A_965 : memref<8x768xf32, #tpu.memory_space<vmem>>) target(%dma_start3A_961 : memref<8x768xf32, #tpu.memory_space<hbm>>) target_semaphore(%arg13 : memref<!tpu.dma_semaphore, #tpu.memory_space<semaphore_mem>>)
    %dma_wait3A_966 = arith.constant 7 : i32
    %dma_wait3A_967 = arith.constant 1 : i32
    "tpu.trace_start"() <{level = 10 : i32, message = "wait_in"}> : () -> ()
    %dma_wait3A_968 = arith.constant 0 : i32
    %dma_wait3A_969 = arith.constant 0 : i32
    %dma_wait3A_970 = tpu.memref_slice %arg7[%dma_wait3A_967, %dma_wait3A_968, %dma_wait3A_969] : memref<3x32x768xf32, #tpu.memory_space<vmem>> -> memref<1x32x768xf32, #tpu.memory_space<vmem>>
    %dma_wait3A_971 = tpu.memref_squeeze %dma_wait3A_970 : memref<1x32x768xf32, #tpu.memory_space<vmem>> -> memref<32x768xf32, #tpu.memory_space<vmem>>
    %dma_wait3A_972 = arith.constant 0 : i32
    %dma_wait3A_973 = tpu.memref_slice %arg6[%dma_wait3A_966, %dma_wait3A_972] : memref<8x32xi32, #tpu.memory_space<vmem>> -> memref<1x32xi32, #tpu.memory_space<vmem>>
    %dma_wait3A_974 = tpu.memref_squeeze %dma_wait3A_973 : memref<1x32xi32, #tpu.memory_space<vmem>> -> memref<32xi32, #tpu.memory_space<vmem>>
    %dma_wait3A_975 = arith.constant 0 : i32
    %dma_wait3A_976 = arith.constant 0 : i32
    %dma_wait3A_977 = tpu.memref_slice %arg3[%dma_wait3A_975, %dma_wait3A_976] : memref<100000x768xf32, #tpu.memory_space<hbm>> -> memref<100000x768xf32, #tpu.memory_space<hbm>>
    tpu.wait_indirect_dma semaphore(%arg11 : memref<!tpu.dma_semaphore, #tpu.memory_space<semaphore_mem>>) src(%dma_wait3A_977 : memref<100000x768xf32, #tpu.memory_space<hbm>>) dst(%dma_wait3A_971 : memref<32x768xf32, #tpu.memory_space<vmem>>)
    "tpu.trace_stop"() : () -> ()
    "tpu.trace_start"() <{level = 10 : i32, message = "add"}> : () -> ()
    %scan3A_978 = arith.constant 0 : i32
    %scan3A_979 = arith.constant 0 : i32
    %scan3A_980 = arith.constant 48 : i32
    %scan3A_981 = arith.addi %scan3A_979, %scan3A_980 : i32
    %scan3A_982 = arith.constant 1 : i32
    scf.for %scan3A_1208 = %scan3A_979 to %scan3A_981 step %scan3A_982  : i32 {
      %mul3A_1209 = arith.constant 16 : i32
      %mul3A_1210 = arith.muli %scan3A_1208, %mul3A_1209 : i32
      %get3A = arith.constant 56 : i32
      %get3A_1211 = arith.index_cast %get3A : i32 to index
      %get3A_1212 = arith.index_cast %mul3A_1210 : i32 to index
      %get3A_1213 = tpu.vector_load %arg8[%get3A_1211, %get3A_1212] {strides = array<i32>} : memref<64x768xf32, #tpu.memory_space<vmem>>, vector<1x16xf32>,
      %get3A_1214 = vector.shape_cast %get3A_1213 : vector<1x16xf32> to vector<16xf32>
      %swap3A = arith.constant 1 : i32
      %swap3A_1215 = arith.constant 0 : i32
      %swap3A_1216 = arith.index_cast %swap3A : i32 to index
      %swap3A_1217 = arith.index_cast %swap3A_1215 : i32 to index
      %swap3A_1218 = arith.index_cast %mul3A_1210 : i32 to index
      %swap3A_1219 = tpu.vector_load %arg7[%swap3A_1216, %swap3A_1217, %swap3A_1218] {strides = array<i32>} : memref<3x32x768xf32, #tpu.memory_space<vmem>>, vector<1x1x16xf32>,
      %swap3A_1220 = vector.shape_cast %swap3A_1219 : vector<1x1x16xf32> to vector<16xf32>
      %swap3A_1221 = vector.shape_cast %get3A_1214 : vector<16xf32> to vector<1x1x16xf32>
      tpu.vector_store %arg7[%swap3A_1216, %swap3A_1217, %swap3A_1218], %swap3A_1221 {add = true, strides = array<i32>} : memref<3x32x768xf32, #tpu.memory_space<vmem>>, vector<1x1x16xf32>,
      %swap3A_1222 = arith.constant 1 : i32
      %swap3A_1223 = arith.constant 8 : i32
      %swap3A_1224 = arith.index_cast %swap3A_1222 : i32 to index
      %swap3A_1225 = arith.index_cast %swap3A_1223 : i32 to index
      %swap3A_1226 = arith.index_cast %mul3A_1210 : i32 to index
      %swap3A_1227 = tpu.vector_load %arg7[%swap3A_1224, %swap3A_1225, %swap3A_1226] {strides = array<i32>} : memref<3x32x768xf32, #tpu.memory_space<vmem>>, vector<1x1x16xf32>,
      %swap3A_1228 = vector.shape_cast %swap3A_1227 : vector<1x1x16xf32> to vector<16xf32>
      %swap3A_1229 = vector.shape_cast %get3A_1214 : vector<16xf32> to vector<1x1x16xf32>
      tpu.vector_store %arg7[%swap3A_1224, %swap3A_1225, %swap3A_1226], %swap3A_1229 {add = true, strides = array<i32>} : memref<3x32x768xf32, #tpu.memory_space<vmem>>, vector<1x1x16xf32>,
      %swap3A_1230 = arith.constant 1 : i32
      %swap3A_1231 = arith.constant 16 : i32
      %swap3A_1232 = arith.index_cast %swap3A_1230 : i32 to index
      %swap3A_1233 = arith.index_cast %swap3A_1231 : i32 to index
      %swap3A_1234 = arith.index_cast %mul3A_1210 : i32 to index
      %swap3A_1235 = tpu.vector_load %arg7[%swap3A_1232, %swap3A_1233, %swap3A_1234] {strides = array<i32>} : memref<3x32x768xf32, #tpu.memory_space<vmem>>, vector<1x1x16xf32>,
      %swap3A_1236 = vector.shape_cast %swap3A_1235 : vector<1x1x16xf32> to vector<16xf32>
      %swap3A_1237 = vector.shape_cast %get3A_1214 : vector<16xf32> to vector<1x1x16xf32>
      tpu.vector_store %arg7[%swap3A_1232, %swap3A_1233, %swap3A_1234], %swap3A_1237 {add = true, strides = array<i32>} : memref<3x32x768xf32, #tpu.memory_space<vmem>>, vector<1x1x16xf32>,
      %swap3A_1238 = arith.constant 1 : i32
      %swap3A_1239 = arith.constant 24 : i32
      %swap3A_1240 = arith.index_cast %swap3A_1238 : i32 to index
      %swap3A_1241 = arith.index_cast %swap3A_1239 : i32 to index
      %swap3A_1242 = arith.index_cast %mul3A_1210 : i32 to index
      %swap3A_1243 = tpu.vector_load %arg7[%swap3A_1240, %swap3A_1241, %swap3A_1242] {strides = array<i32>} : memref<3x32x768xf32, #tpu.memory_space<vmem>>, vector<1x1x16xf32>,
      %swap3A_1244 = vector.shape_cast %swap3A_1243 : vector<1x1x16xf32> to vector<16xf32>
      %swap3A_1245 = vector.shape_cast %get3A_1214 : vector<16xf32> to vector<1x1x16xf32>
      tpu.vector_store %arg7[%swap3A_1240, %swap3A_1241, %swap3A_1242], %swap3A_1245 {add = true, strides = array<i32>} : memref<3x32x768xf32, #tpu.memory_space<vmem>>, vector<1x1x16xf32>,
      %get3A_1246 = arith.constant 57 : i32
      %get3A_1247 = arith.index_cast %get3A_1246 : i32 to index
      %get3A_1248 = arith.index_cast %mul3A_1210 : i32 to index
      %get3A_1249 = tpu.vector_load %arg8[%get3A_1247, %get3A_1248] {strides = array<i32>} : memref<64x768xf32, #tpu.memory_space<vmem>>, vector<1x16xf32>,
      %get3A_1250 = vector.shape_cast %get3A_1249 : vector<1x16xf32> to vector<16xf32>
      %swap3A_1251 = arith.constant 1 : i32
      %swap3A_1252 = arith.constant 1 : i32
      %swap3A_1253 = arith.index_cast %swap3A_1251 : i32 to index
      %swap3A_1254 = arith.index_cast %swap3A_1252 : i32 to index
      %swap3A_1255 = arith.index_cast %mul3A_1210 : i32 to index
      %swap3A_1256 = tpu.vector_load %arg7[%swap3A_1253, %swap3A_1254, %swap3A_1255] {strides = array<i32>} : memref<3x32x768xf32, #tpu.memory_space<vmem>>, vector<1x1x16xf32>,
      %swap3A_1257 = vector.shape_cast %swap3A_1256 : vector<1x1x16xf32> to vector<16xf32>
      %swap3A_1258 = vector.shape_cast %get3A_1250 : vector<16xf32> to vector<1x1x16xf32>
      tpu.vector_store %arg7[%swap3A_1253, %swap3A_1254, %swap3A_1255], %swap3A_1258 {add = true, strides = array<i32>} : memref<3x32x768xf32, #tpu.memory_space<vmem>>, vector<1x1x16xf32>,
      %swap3A_1259 = arith.constant 1 : i32
      %swap3A_1260 = arith.constant 9 : i32
      %swap3A_1261 = arith.index_cast %swap3A_1259 : i32 to index
      %swap3A_1262 = arith.index_cast %swap3A_1260 : i32 to index
      %swap3A_1263 = arith.index_cast %mul3A_1210 : i32 to index
      %swap3A_1264 = tpu.vector_load %arg7[%swap3A_1261, %swap3A_1262, %swap3A_1263] {strides = array<i32>} : memref<3x32x768xf32, #tpu.memory_space<vmem>>, vector<1x1x16xf32>,
      %swap3A_1265 = vector.shape_cast %swap3A_1264 : vector<1x1x16xf32> to vector<16xf32>
      %swap3A_1266 = vector.shape_cast %get3A_1250 : vector<16xf32> to vector<1x1x16xf32>
      tpu.vector_store %arg7[%swap3A_1261, %swap3A_1262, %swap3A_1263], %swap3A_1266 {add = true, strides = array<i32>} : memref<3x32x768xf32, #tpu.memory_space<vmem>>, vector<1x1x16xf32>,
      %swap3A_1267 = arith.constant 1 : i32
      %swap3A_1268 = arith.constant 17 : i32
      %swap3A_1269 = arith.index_cast %swap3A_1267 : i32 to index
      %swap3A_1270 = arith.index_cast %swap3A_1268 : i32 to index
      %swap3A_1271 = arith.index_cast %mul3A_1210 : i32 to index
      %swap3A_1272 = tpu.vector_load %arg7[%swap3A_1269, %swap3A_1270, %swap3A_1271] {strides = array<i32>} : memref<3x32x768xf32, #tpu.memory_space<vmem>>, vector<1x1x16xf32>,
      %swap3A_1273 = vector.shape_cast %swap3A_1272 : vector<1x1x16xf32> to vector<16xf32>
      %swap3A_1274 = vector.shape_cast %get3A_1250 : vector<16xf32> to vector<1x1x16xf32>
      tpu.vector_store %arg7[%swap3A_1269, %swap3A_1270, %swap3A_1271], %swap3A_1274 {add = true, strides = array<i32>} : memref<3x32x768xf32, #tpu.memory_space<vmem>>, vector<1x1x16xf32>,
      %swap3A_1275 = arith.constant 1 : i32
      %swap3A_1276 = arith.constant 25 : i32
      %swap3A_1277 = arith.index_cast %swap3A_1275 : i32 to index
      %swap3A_1278 = arith.index_cast %swap3A_1276 : i32 to index
      %swap3A_1279 = arith.index_cast %mul3A_1210 : i32 to index
      %swap3A_1280 = tpu.vector_load %arg7[%swap3A_1277, %swap3A_1278, %swap3A_1279] {strides = array<i32>} : memref<3x32x768xf32, #tpu.memory_space<vmem>>, vector<1x1x16xf32>,
      %swap3A_1281 = vector.shape_cast %swap3A_1280 : vector<1x1x16xf32> to vector<16xf32>
      %swap3A_1282 = vector.shape_cast %get3A_1250 : vector<16xf32> to vector<1x1x16xf32>
      tpu.vector_store %arg7[%swap3A_1277, %swap3A_1278, %swap3A_1279], %swap3A_1282 {add = true, strides = array<i32>} : memref<3x32x768xf32, #tpu.memory_space<vmem>>, vector<1x1x16xf32>,
      %get3A_1283 = arith.constant 58 : i32
      %get3A_1284 = arith.index_cast %get3A_1283 : i32 to index
      %get3A_1285 = arith.index_cast %mul3A_1210 : i32 to index
      %get3A_1286 = tpu.vector_load %arg8[%get3A_1284, %get3A_1285] {strides = array<i32>} : memref<64x768xf32, #tpu.memory_space<vmem>>, vector<1x16xf32>,
      %get3A_1287 = vector.shape_cast %get3A_1286 : vector<1x16xf32> to vector<16xf32>
      %swap3A_1288 = arith.constant 1 : i32
      %swap3A_1289 = arith.constant 2 : i32
      %swap3A_1290 = arith.index_cast %swap3A_1288 : i32 to index
      %swap3A_1291 = arith.index_cast %swap3A_1289 : i32 to index
      %swap3A_1292 = arith.index_cast %mul3A_1210 : i32 to index
      %swap3A_1293 = tpu.vector_load %arg7[%swap3A_1290, %swap3A_1291, %swap3A_1292] {strides = array<i32>} : memref<3x32x768xf32, #tpu.memory_space<vmem>>, vector<1x1x16xf32>,
      %swap3A_1294 = vector.shape_cast %swap3A_1293 : vector<1x1x16xf32> to vector<16xf32>
      %swap3A_1295 = vector.shape_cast %get3A_1287 : vector<16xf32> to vector<1x1x16xf32>
      tpu.vector_store %arg7[%swap3A_1290, %swap3A_1291, %swap3A_1292], %swap3A_1295 {add = true, strides = array<i32>} : memref<3x32x768xf32, #tpu.memory_space<vmem>>, vector<1x1x16xf32>,
      %swap3A_1296 = arith.constant 1 : i32
      %swap3A_1297 = arith.constant 10 : i32
      %swap3A_1298 = arith.index_cast %swap3A_1296 : i32 to index
      %swap3A_1299 = arith.index_cast %swap3A_1297 : i32 to index
      %swap3A_1300 = arith.index_cast %mul3A_1210 : i32 to index
      %swap3A_1301 = tpu.vector_load %arg7[%swap3A_1298, %swap3A_1299, %swap3A_1300] {strides = array<i32>} : memref<3x32x768xf32, #tpu.memory_space<vmem>>, vector<1x1x16xf32>,
      %swap3A_1302 = vector.shape_cast %swap3A_1301 : vector<1x1x16xf32> to vector<16xf32>
      %swap3A_1303 = vector.shape_cast %get3A_1287 : vector<16xf32> to vector<1x1x16xf32>
      tpu.vector_store %arg7[%swap3A_1298, %swap3A_1299, %swap3A_1300], %swap3A_1303 {add = true, strides = array<i32>} : memref<3x32x768xf32, #tpu.memory_space<vmem>>, vector<1x1x16xf32>,
      %swap3A_1304 = arith.constant 1 : i32
      %swap3A_1305 = arith.constant 18 : i32
      %swap3A_1306 = arith.index_cast %swap3A_1304 : i32 to index
      %swap3A_1307 = arith.index_cast %swap3A_1305 : i32 to index
      %swap3A_1308 = arith.index_cast %mul3A_1210 : i32 to index
      %swap3A_1309 = tpu.vector_load %arg7[%swap3A_1306, %swap3A_1307, %swap3A_1308] {strides = array<i32>} : memref<3x32x768xf32, #tpu.memory_space<vmem>>, vector<1x1x16xf32>,
      %swap3A_1310 = vector.shape_cast %swap3A_1309 : vector<1x1x16xf32> to vector<16xf32>
      %swap3A_1311 = vector.shape_cast %get3A_1287 : vector<16xf32> to vector<1x1x16xf32>
      tpu.vector_store %arg7[%swap3A_1306, %swap3A_1307, %swap3A_1308], %swap3A_1311 {add = true, strides = array<i32>} : memref<3x32x768xf32, #tpu.memory_space<vmem>>, vector<1x1x16xf32>,
      %swap3A_1312 = arith.constant 1 : i32
      %swap3A_1313 = arith.constant 26 : i32
      %swap3A_1314 = arith.index_cast %swap3A_1312 : i32 to index
      %swap3A_1315 = arith.index_cast %swap3A_1313 : i32 to index
      %swap3A_1316 = arith.index_cast %mul3A_1210 : i32 to index
      %swap3A_1317 = tpu.vector_load %arg7[%swap3A_1314, %swap3A_1315, %swap3A_1316] {strides = array<i32>} : memref<3x32x768xf32, #tpu.memory_space<vmem>>, vector<1x1x16xf32>,
      %swap3A_1318 = vector.shape_cast %swap3A_1317 : vector<1x1x16xf32> to vector<16xf32>
      %swap3A_1319 = vector.shape_cast %get3A_1287 : vector<16xf32> to vector<1x1x16xf32>
      tpu.vector_store %arg7[%swap3A_1314, %swap3A_1315, %swap3A_1316], %swap3A_1319 {add = true, strides = array<i32>} : memref<3x32x768xf32, #tpu.memory_space<vmem>>, vector<1x1x16xf32>,
      %get3A_1320 = arith.constant 59 : i32
      %get3A_1321 = arith.index_cast %get3A_1320 : i32 to index
      %get3A_1322 = arith.index_cast %mul3A_1210 : i32 to index
      %get3A_1323 = tpu.vector_load %arg8[%get3A_1321, %get3A_1322] {strides = array<i32>} : memref<64x768xf32, #tpu.memory_space<vmem>>, vector<1x16xf32>,
      %get3A_1324 = vector.shape_cast %get3A_1323 : vector<1x16xf32> to vector<16xf32>
      %swap3A_1325 = arith.constant 1 : i32
      %swap3A_1326 = arith.constant 3 : i32
      %swap3A_1327 = arith.index_cast %swap3A_1325 : i32 to index
      %swap3A_1328 = arith.index_cast %swap3A_1326 : i32 to index
      %swap3A_1329 = arith.index_cast %mul3A_1210 : i32 to index
      %swap3A_1330 = tpu.vector_load %arg7[%swap3A_1327, %swap3A_1328, %swap3A_1329] {strides = array<i32>} : memref<3x32x768xf32, #tpu.memory_space<vmem>>, vector<1x1x16xf32>,
      %swap3A_1331 = vector.shape_cast %swap3A_1330 : vector<1x1x16xf32> to vector<16xf32>
      %swap3A_1332 = vector.shape_cast %get3A_1324 : vector<16xf32> to vector<1x1x16xf32>
      tpu.vector_store %arg7[%swap3A_1327, %swap3A_1328, %swap3A_1329], %swap3A_1332 {add = true, strides = array<i32>} : memref<3x32x768xf32, #tpu.memory_space<vmem>>, vector<1x1x16xf32>,
      %swap3A_1333 = arith.constant 1 : i32
      %swap3A_1334 = arith.constant 11 : i32
      %swap3A_1335 = arith.index_cast %swap3A_1333 : i32 to index
      %swap3A_1336 = arith.index_cast %swap3A_1334 : i32 to index
      %swap3A_1337 = arith.index_cast %mul3A_1210 : i32 to index
      %swap3A_1338 = tpu.vector_load %arg7[%swap3A_1335, %swap3A_1336, %swap3A_1337] {strides = array<i32>} : memref<3x32x768xf32, #tpu.memory_space<vmem>>, vector<1x1x16xf32>,
      %swap3A_1339 = vector.shape_cast %swap3A_1338 : vector<1x1x16xf32> to vector<16xf32>
      %swap3A_1340 = vector.shape_cast %get3A_1324 : vector<16xf32> to vector<1x1x16xf32>
      tpu.vector_store %arg7[%swap3A_1335, %swap3A_1336, %swap3A_1337], %swap3A_1340 {add = true, strides = array<i32>} : memref<3x32x768xf32, #tpu.memory_space<vmem>>, vector<1x1x16xf32>,
      %swap3A_1341 = arith.constant 1 : i32
      %swap3A_1342 = arith.constant 19 : i32
      %swap3A_1343 = arith.index_cast %swap3A_1341 : i32 to index
      %swap3A_1344 = arith.index_cast %swap3A_1342 : i32 to index
      %swap3A_1345 = arith.index_cast %mul3A_1210 : i32 to index
      %swap3A_1346 = tpu.vector_load %arg7[%swap3A_1343, %swap3A_1344, %swap3A_1345] {strides = array<i32>} : memref<3x32x768xf32, #tpu.memory_space<vmem>>, vector<1x1x16xf32>,
      %swap3A_1347 = vector.shape_cast %swap3A_1346 : vector<1x1x16xf32> to vector<16xf32>
      %swap3A_1348 = vector.shape_cast %get3A_1324 : vector<16xf32> to vector<1x1x16xf32>
      tpu.vector_store %arg7[%swap3A_1343, %swap3A_1344, %swap3A_1345], %swap3A_1348 {add = true, strides = array<i32>} : memref<3x32x768xf32, #tpu.memory_space<vmem>>, vector<1x1x16xf32>,
      %swap3A_1349 = arith.constant 1 : i32
      %swap3A_1350 = arith.constant 27 : i32
      %swap3A_1351 = arith.index_cast %swap3A_1349 : i32 to index
      %swap3A_1352 = arith.index_cast %swap3A_1350 : i32 to index
      %swap3A_1353 = arith.index_cast %mul3A_1210 : i32 to index
      %swap3A_1354 = tpu.vector_load %arg7[%swap3A_1351, %swap3A_1352, %swap3A_1353] {strides = array<i32>} : memref<3x32x768xf32, #tpu.memory_space<vmem>>, vector<1x1x16xf32>,
      %swap3A_1355 = vector.shape_cast %swap3A_1354 : vector<1x1x16xf32> to vector<16xf32>
      %swap3A_1356 = vector.shape_cast %get3A_1324 : vector<16xf32> to vector<1x1x16xf32>
      tpu.vector_store %arg7[%swap3A_1351, %swap3A_1352, %swap3A_1353], %swap3A_1356 {add = true, strides = array<i32>} : memref<3x32x768xf32, #tpu.memory_space<vmem>>, vector<1x1x16xf32>,
      %get3A_1357 = arith.constant 60 : i32
      %get3A_1358 = arith.index_cast %get3A_1357 : i32 to index
      %get3A_1359 = arith.index_cast %mul3A_1210 : i32 to index
      %get3A_1360 = tpu.vector_load %arg8[%get3A_1358, %get3A_1359] {strides = array<i32>} : memref<64x768xf32, #tpu.memory_space<vmem>>, vector<1x16xf32>,
      %get3A_1361 = vector.shape_cast %get3A_1360 : vector<1x16xf32> to vector<16xf32>
      %swap3A_1362 = arith.constant 1 : i32
      %swap3A_1363 = arith.constant 4 : i32
      %swap3A_1364 = arith.index_cast %swap3A_1362 : i32 to index
      %swap3A_1365 = arith.index_cast %swap3A_1363 : i32 to index
      %swap3A_1366 = arith.index_cast %mul3A_1210 : i32 to index
      %swap3A_1367 = tpu.vector_load %arg7[%swap3A_1364, %swap3A_1365, %swap3A_1366] {strides = array<i32>} : memref<3x32x768xf32, #tpu.memory_space<vmem>>, vector<1x1x16xf32>,
      %swap3A_1368 = vector.shape_cast %swap3A_1367 : vector<1x1x16xf32> to vector<16xf32>
      %swap3A_1369 = vector.shape_cast %get3A_1361 : vector<16xf32> to vector<1x1x16xf32>
      tpu.vector_store %arg7[%swap3A_1364, %swap3A_1365, %swap3A_1366], %swap3A_1369 {add = true, strides = array<i32>} : memref<3x32x768xf32, #tpu.memory_space<vmem>>, vector<1x1x16xf32>,
      %swap3A_1370 = arith.constant 1 : i32
      %swap3A_1371 = arith.constant 12 : i32
      %swap3A_1372 = arith.index_cast %swap3A_1370 : i32 to index
      %swap3A_1373 = arith.index_cast %swap3A_1371 : i32 to index
      %swap3A_1374 = arith.index_cast %mul3A_1210 : i32 to index
      %swap3A_1375 = tpu.vector_load %arg7[%swap3A_1372, %swap3A_1373, %swap3A_1374] {strides = array<i32>} : memref<3x32x768xf32, #tpu.memory_space<vmem>>, vector<1x1x16xf32>,
      %swap3A_1376 = vector.shape_cast %swap3A_1375 : vector<1x1x16xf32> to vector<16xf32>
      %swap3A_1377 = vector.shape_cast %get3A_1361 : vector<16xf32> to vector<1x1x16xf32>
      tpu.vector_store %arg7[%swap3A_1372, %swap3A_1373, %swap3A_1374], %swap3A_1377 {add = true, strides = array<i32>} : memref<3x32x768xf32, #tpu.memory_space<vmem>>, vector<1x1x16xf32>,
      %swap3A_1378 = arith.constant 1 : i32
      %swap3A_1379 = arith.constant 20 : i32
      %swap3A_1380 = arith.index_cast %swap3A_1378 : i32 to index
      %swap3A_1381 = arith.index_cast %swap3A_1379 : i32 to index
      %swap3A_1382 = arith.index_cast %mul3A_1210 : i32 to index
      %swap3A_1383 = tpu.vector_load %arg7[%swap3A_1380, %swap3A_1381, %swap3A_1382] {strides = array<i32>} : memref<3x32x768xf32, #tpu.memory_space<vmem>>, vector<1x1x16xf32>,
      %swap3A_1384 = vector.shape_cast %swap3A_1383 : vector<1x1x16xf32> to vector<16xf32>
      %swap3A_1385 = vector.shape_cast %get3A_1361 : vector<16xf32> to vector<1x1x16xf32>
      tpu.vector_store %arg7[%swap3A_1380, %swap3A_1381, %swap3A_1382], %swap3A_1385 {add = true, strides = array<i32>} : memref<3x32x768xf32, #tpu.memory_space<vmem>>, vector<1x1x16xf32>,
      %swap3A_1386 = arith.constant 1 : i32
      %swap3A_1387 = arith.constant 28 : i32
      %swap3A_1388 = arith.index_cast %swap3A_1386 : i32 to index
      %swap3A_1389 = arith.index_cast %swap3A_1387 : i32 to index
      %swap3A_1390 = arith.index_cast %mul3A_1210 : i32 to index
      %swap3A_1391 = tpu.vector_load %arg7[%swap3A_1388, %swap3A_1389, %swap3A_1390] {strides = array<i32>} : memref<3x32x768xf32, #tpu.memory_space<vmem>>, vector<1x1x16xf32>,
      %swap3A_1392 = vector.shape_cast %swap3A_1391 : vector<1x1x16xf32> to vector<16xf32>
      %swap3A_1393 = vector.shape_cast %get3A_1361 : vector<16xf32> to vector<1x1x16xf32>
      tpu.vector_store %arg7[%swap3A_1388, %swap3A_1389, %swap3A_1390], %swap3A_1393 {add = true, strides = array<i32>} : memref<3x32x768xf32, #tpu.memory_space<vmem>>, vector<1x1x16xf32>,
      %get3A_1394 = arith.constant 61 : i32
      %get3A_1395 = arith.index_cast %get3A_1394 : i32 to index
      %get3A_1396 = arith.index_cast %mul3A_1210 : i32 to index
      %get3A_1397 = tpu.vector_load %arg8[%get3A_1395, %get3A_1396] {strides = array<i32>} : memref<64x768xf32, #tpu.memory_space<vmem>>, vector<1x16xf32>,
      %get3A_1398 = vector.shape_cast %get3A_1397 : vector<1x16xf32> to vector<16xf32>
      %swap3A_1399 = arith.constant 1 : i32
      %swap3A_1400 = arith.constant 5 : i32
      %swap3A_1401 = arith.index_cast %swap3A_1399 : i32 to index
      %swap3A_1402 = arith.index_cast %swap3A_1400 : i32 to index
      %swap3A_1403 = arith.index_cast %mul3A_1210 : i32 to index
      %swap3A_1404 = tpu.vector_load %arg7[%swap3A_1401, %swap3A_1402, %swap3A_1403] {strides = array<i32>} : memref<3x32x768xf32, #tpu.memory_space<vmem>>, vector<1x1x16xf32>,
      %swap3A_1405 = vector.shape_cast %swap3A_1404 : vector<1x1x16xf32> to vector<16xf32>
      %swap3A_1406 = vector.shape_cast %get3A_1398 : vector<16xf32> to vector<1x1x16xf32>
      tpu.vector_store %arg7[%swap3A_1401, %swap3A_1402, %swap3A_1403], %swap3A_1406 {add = true, strides = array<i32>} : memref<3x32x768xf32, #tpu.memory_space<vmem>>, vector<1x1x16xf32>,
      %swap3A_1407 = arith.constant 1 : i32
      %swap3A_1408 = arith.constant 13 : i32
      %swap3A_1409 = arith.index_cast %swap3A_1407 : i32 to index
      %swap3A_1410 = arith.index_cast %swap3A_1408 : i32 to index
      %swap3A_1411 = arith.index_cast %mul3A_1210 : i32 to index
      %swap3A_1412 = tpu.vector_load %arg7[%swap3A_1409, %swap3A_1410, %swap3A_1411] {strides = array<i32>} : memref<3x32x768xf32, #tpu.memory_space<vmem>>, vector<1x1x16xf32>,
      %swap3A_1413 = vector.shape_cast %swap3A_1412 : vector<1x1x16xf32> to vector<16xf32>
      %swap3A_1414 = vector.shape_cast %get3A_1398 : vector<16xf32> to vector<1x1x16xf32>
      tpu.vector_store %arg7[%swap3A_1409, %swap3A_1410, %swap3A_1411], %swap3A_1414 {add = true, strides = array<i32>} : memref<3x32x768xf32, #tpu.memory_space<vmem>>, vector<1x1x16xf32>,
      %swap3A_1415 = arith.constant 1 : i32
      %swap3A_1416 = arith.constant 21 : i32
      %swap3A_1417 = arith.index_cast %swap3A_1415 : i32 to index
      %swap3A_1418 = arith.index_cast %swap3A_1416 : i32 to index
      %swap3A_1419 = arith.index_cast %mul3A_1210 : i32 to index
      %swap3A_1420 = tpu.vector_load %arg7[%swap3A_1417, %swap3A_1418, %swap3A_1419] {strides = array<i32>} : memref<3x32x768xf32, #tpu.memory_space<vmem>>, vector<1x1x16xf32>,
      %swap3A_1421 = vector.shape_cast %swap3A_1420 : vector<1x1x16xf32> to vector<16xf32>
      %swap3A_1422 = vector.shape_cast %get3A_1398 : vector<16xf32> to vector<1x1x16xf32>
      tpu.vector_store %arg7[%swap3A_1417, %swap3A_1418, %swap3A_1419], %swap3A_1422 {add = true, strides = array<i32>} : memref<3x32x768xf32, #tpu.memory_space<vmem>>, vector<1x1x16xf32>,
      %swap3A_1423 = arith.constant 1 : i32
      %swap3A_1424 = arith.constant 29 : i32
      %swap3A_1425 = arith.index_cast %swap3A_1423 : i32 to index
      %swap3A_1426 = arith.index_cast %swap3A_1424 : i32 to index
      %swap3A_1427 = arith.index_cast %mul3A_1210 : i32 to index
      %swap3A_1428 = tpu.vector_load %arg7[%swap3A_1425, %swap3A_1426, %swap3A_1427] {strides = array<i32>} : memref<3x32x768xf32, #tpu.memory_space<vmem>>, vector<1x1x16xf32>,
      %swap3A_1429 = vector.shape_cast %swap3A_1428 : vector<1x1x16xf32> to vector<16xf32>
      %swap3A_1430 = vector.shape_cast %get3A_1398 : vector<16xf32> to vector<1x1x16xf32>
      tpu.vector_store %arg7[%swap3A_1425, %swap3A_1426, %swap3A_1427], %swap3A_1430 {add = true, strides = array<i32>} : memref<3x32x768xf32, #tpu.memory_space<vmem>>, vector<1x1x16xf32>,
      %get3A_1431 = arith.constant 62 : i32
      %get3A_1432 = arith.index_cast %get3A_1431 : i32 to index
      %get3A_1433 = arith.index_cast %mul3A_1210 : i32 to index
      %get3A_1434 = tpu.vector_load %arg8[%get3A_1432, %get3A_1433] {strides = array<i32>} : memref<64x768xf32, #tpu.memory_space<vmem>>, vector<1x16xf32>,
      %get3A_1435 = vector.shape_cast %get3A_1434 : vector<1x16xf32> to vector<16xf32>
      %swap3A_1436 = arith.constant 1 : i32
      %swap3A_1437 = arith.constant 6 : i32
      %swap3A_1438 = arith.index_cast %swap3A_1436 : i32 to index
      %swap3A_1439 = arith.index_cast %swap3A_1437 : i32 to index
      %swap3A_1440 = arith.index_cast %mul3A_1210 : i32 to index
      %swap3A_1441 = tpu.vector_load %arg7[%swap3A_1438, %swap3A_1439, %swap3A_1440] {strides = array<i32>} : memref<3x32x768xf32, #tpu.memory_space<vmem>>, vector<1x1x16xf32>,
      %swap3A_1442 = vector.shape_cast %swap3A_1441 : vector<1x1x16xf32> to vector<16xf32>
      %swap3A_1443 = vector.shape_cast %get3A_1435 : vector<16xf32> to vector<1x1x16xf32>
      tpu.vector_store %arg7[%swap3A_1438, %swap3A_1439, %swap3A_1440], %swap3A_1443 {add = true, strides = array<i32>} : memref<3x32x768xf32, #tpu.memory_space<vmem>>, vector<1x1x16xf32>,
      %swap3A_1444 = arith.constant 1 : i32
      %swap3A_1445 = arith.constant 14 : i32
      %swap3A_1446 = arith.index_cast %swap3A_1444 : i32 to index
      %swap3A_1447 = arith.index_cast %swap3A_1445 : i32 to index
      %swap3A_1448 = arith.index_cast %mul3A_1210 : i32 to index
      %swap3A_1449 = tpu.vector_load %arg7[%swap3A_1446, %swap3A_1447, %swap3A_1448] {strides = array<i32>} : memref<3x32x768xf32, #tpu.memory_space<vmem>>, vector<1x1x16xf32>,
      %swap3A_1450 = vector.shape_cast %swap3A_1449 : vector<1x1x16xf32> to vector<16xf32>
      %swap3A_1451 = vector.shape_cast %get3A_1435 : vector<16xf32> to vector<1x1x16xf32>
      tpu.vector_store %arg7[%swap3A_1446, %swap3A_1447, %swap3A_1448], %swap3A_1451 {add = true, strides = array<i32>} : memref<3x32x768xf32, #tpu.memory_space<vmem>>, vector<1x1x16xf32>,
      %swap3A_1452 = arith.constant 1 : i32
      %swap3A_1453 = arith.constant 22 : i32
      %swap3A_1454 = arith.index_cast %swap3A_1452 : i32 to index
      %swap3A_1455 = arith.index_cast %swap3A_1453 : i32 to index
      %swap3A_1456 = arith.index_cast %mul3A_1210 : i32 to index
      %swap3A_1457 = tpu.vector_load %arg7[%swap3A_1454, %swap3A_1455, %swap3A_1456] {strides = array<i32>} : memref<3x32x768xf32, #tpu.memory_space<vmem>>, vector<1x1x16xf32>,
      %swap3A_1458 = vector.shape_cast %swap3A_1457 : vector<1x1x16xf32> to vector<16xf32>
      %swap3A_1459 = vector.shape_cast %get3A_1435 : vector<16xf32> to vector<1x1x16xf32>
      tpu.vector_store %arg7[%swap3A_1454, %swap3A_1455, %swap3A_1456], %swap3A_1459 {add = true, strides = array<i32>} : memref<3x32x768xf32, #tpu.memory_space<vmem>>, vector<1x1x16xf32>,
      %swap3A_1460 = arith.constant 1 : i32
      %swap3A_1461 = arith.constant 30 : i32
      %swap3A_1462 = arith.index_cast %swap3A_1460 : i32 to index
      %swap3A_1463 = arith.index_cast %swap3A_1461 : i32 to index
      %swap3A_1464 = arith.index_cast %mul3A_1210 : i32 to index
      %swap3A_1465 = tpu.vector_load %arg7[%swap3A_1462, %swap3A_1463, %swap3A_1464] {strides = array<i32>} : memref<3x32x768xf32, #tpu.memory_space<vmem>>, vector<1x1x16xf32>,
      %swap3A_1466 = vector.shape_cast %swap3A_1465 : vector<1x1x16xf32> to vector<16xf32>
      %swap3A_1467 = vector.shape_cast %get3A_1435 : vector<16xf32> to vector<1x1x16xf32>
      tpu.vector_store %arg7[%swap3A_1462, %swap3A_1463, %swap3A_1464], %swap3A_1467 {add = true, strides = array<i32>} : memref<3x32x768xf32, #tpu.memory_space<vmem>>, vector<1x1x16xf32>,
      %get3A_1468 = arith.constant 63 : i32
      %get3A_1469 = arith.index_cast %get3A_1468 : i32 to index
      %get3A_1470 = arith.index_cast %mul3A_1210 : i32 to index
      %get3A_1471 = tpu.vector_load %arg8[%get3A_1469, %get3A_1470] {strides = array<i32>} : memref<64x768xf32, #tpu.memory_space<vmem>>, vector<1x16xf32>,
      %get3A_1472 = vector.shape_cast %get3A_1471 : vector<1x16xf32> to vector<16xf32>
      %swap3A_1473 = arith.constant 1 : i32
      %swap3A_1474 = arith.constant 7 : i32
      %swap3A_1475 = arith.index_cast %swap3A_1473 : i32 to index
      %swap3A_1476 = arith.index_cast %swap3A_1474 : i32 to index
      %swap3A_1477 = arith.index_cast %mul3A_1210 : i32 to index
      %swap3A_1478 = tpu.vector_load %arg7[%swap3A_1475, %swap3A_1476, %swap3A_1477] {strides = array<i32>} : memref<3x32x768xf32, #tpu.memory_space<vmem>>, vector<1x1x16xf32>,
      %swap3A_1479 = vector.shape_cast %swap3A_1478 : vector<1x1x16xf32> to vector<16xf32>
      %swap3A_1480 = vector.shape_cast %get3A_1472 : vector<16xf32> to vector<1x1x16xf32>
      tpu.vector_store %arg7[%swap3A_1475, %swap3A_1476, %swap3A_1477], %swap3A_1480 {add = true, strides = array<i32>} : memref<3x32x768xf32, #tpu.memory_space<vmem>>, vector<1x1x16xf32>,
      %swap3A_1481 = arith.constant 1 : i32
      %swap3A_1482 = arith.constant 15 : i32
      %swap3A_1483 = arith.index_cast %swap3A_1481 : i32 to index
      %swap3A_1484 = arith.index_cast %swap3A_1482 : i32 to index
      %swap3A_1485 = arith.index_cast %mul3A_1210 : i32 to index
      %swap3A_1486 = tpu.vector_load %arg7[%swap3A_1483, %swap3A_1484, %swap3A_1485] {strides = array<i32>} : memref<3x32x768xf32, #tpu.memory_space<vmem>>, vector<1x1x16xf32>,
      %swap3A_1487 = vector.shape_cast %swap3A_1486 : vector<1x1x16xf32> to vector<16xf32>
      %swap3A_1488 = vector.shape_cast %get3A_1472 : vector<16xf32> to vector<1x1x16xf32>
      tpu.vector_store %arg7[%swap3A_1483, %swap3A_1484, %swap3A_1485], %swap3A_1488 {add = true, strides = array<i32>} : memref<3x32x768xf32, #tpu.memory_space<vmem>>, vector<1x1x16xf32>,
      %swap3A_1489 = arith.constant 1 : i32
      %swap3A_1490 = arith.constant 23 : i32
      %swap3A_1491 = arith.index_cast %swap3A_1489 : i32 to index
      %swap3A_1492 = arith.index_cast %swap3A_1490 : i32 to index
      %swap3A_1493 = arith.index_cast %mul3A_1210 : i32 to index
      %swap3A_1494 = tpu.vector_load %arg7[%swap3A_1491, %swap3A_1492, %swap3A_1493] {strides = array<i32>} : memref<3x32x768xf32, #tpu.memory_space<vmem>>, vector<1x1x16xf32>,
      %swap3A_1495 = vector.shape_cast %swap3A_1494 : vector<1x1x16xf32> to vector<16xf32>
      %swap3A_1496 = vector.shape_cast %get3A_1472 : vector<16xf32> to vector<1x1x16xf32>
      tpu.vector_store %arg7[%swap3A_1491, %swap3A_1492, %swap3A_1493], %swap3A_1496 {add = true, strides = array<i32>} : memref<3x32x768xf32, #tpu.memory_space<vmem>>, vector<1x1x16xf32>,
      %swap3A_1497 = arith.constant 1 : i32
      %swap3A_1498 = arith.constant 31 : i32
      %swap3A_1499 = arith.index_cast %swap3A_1497 : i32 to index
      %swap3A_1500 = arith.index_cast %swap3A_1498 : i32 to index
      %swap3A_1501 = arith.index_cast %mul3A_1210 : i32 to index
      %swap3A_1502 = tpu.vector_load %arg7[%swap3A_1499, %swap3A_1500, %swap3A_1501] {strides = array<i32>} : memref<3x32x768xf32, #tpu.memory_space<vmem>>, vector<1x1x16xf32>,
      %swap3A_1503 = vector.shape_cast %swap3A_1502 : vector<1x1x16xf32> to vector<16xf32>
      %swap3A_1504 = vector.shape_cast %get3A_1472 : vector<16xf32> to vector<1x1x16xf32>
      tpu.vector_store %arg7[%swap3A_1499, %swap3A_1500, %swap3A_1501], %swap3A_1504 {add = true, strides = array<i32>} : memref<3x32x768xf32, #tpu.memory_space<vmem>>, vector<1x1x16xf32>,
    }
    %scan3A_983 = arith.constant 48 : i32
    "tpu.trace_stop"() : () -> ()
    %add3A_984 = arith.constant 0 : i32
    %add3A_985 = arith.addi %add3A_984, %mul3A_2 : i32
    %add3A_986 = arith.constant 56 : i32
    %add3A_987 = arith.addi %add3A_985, %add3A_986 : i32
    %dma_start3A_988 = arith.constant 1 : i32
    %dma_start3A_989 = arith.constant 0 : i32
    %dma_start3A_990 = arith.constant 0 : i32
    %dma_start3A_991 = tpu.memref_slice %arg7[%dma_start3A_988, %dma_start3A_989, %dma_start3A_990] : memref<3x32x768xf32, #tpu.memory_space<vmem>> -> memref<1x8x768xf32, #tpu.memory_space<vmem>>
    %dma_start3A_992 = tpu.memref_squeeze %dma_start3A_991 : memref<1x8x768xf32, #tpu.memory_space<vmem>> -> memref<8x768xf32, #tpu.memory_space<vmem>>
    %dma_start3A_993 = arith.constant 0 : i32
    %dma_start3A_994 = tpu.memref_slice %arg5[%add3A_987, %dma_start3A_993] : memref<8192x768xf32, #tpu.memory_space<hbm>> -> memref<8x768xf32, #tpu.memory_space<hbm>>
    %dma_start3A_995 = arith.constant 0 : i32
    %dma_start3A_996 = tpu.memref_slice %arg5[%add3A_987, %dma_start3A_995] : memref<8192x768xf32, #tpu.memory_space<hbm>> -> memref<8x768xf32, #tpu.memory_space<hbm>>
    %dma_start3A_997 = arith.constant 0 : i32
    %dma_start3A_998 = arith.constant 0 : i32
    %dma_start3A_999 = tpu.memref_slice %arg7[%dma_start3A_988, %dma_start3A_997, %dma_start3A_998] : memref<3x32x768xf32, #tpu.memory_space<vmem>> -> memref<1x8x768xf32, #tpu.memory_space<vmem>>
    %dma_start3A_1000 = tpu.memref_squeeze %dma_start3A_999 : memref<1x8x768xf32, #tpu.memory_space<vmem>> -> memref<8x768xf32, #tpu.memory_space<vmem>>
    tpu.enqueue_dma source(%dma_start3A_1000 : memref<8x768xf32, #tpu.memory_space<vmem>>) target(%dma_start3A_996 : memref<8x768xf32, #tpu.memory_space<hbm>>) target_semaphore(%arg14 : memref<!tpu.dma_semaphore, #tpu.memory_space<semaphore_mem>>)
    %add3A_1001 = arith.constant 2048 : i32
    %add3A_1002 = arith.addi %add3A_1001, %mul3A_2 : i32
    %add3A_1003 = arith.constant 56 : i32
    %add3A_1004 = arith.addi %add3A_1002, %add3A_1003 : i32
    %dma_start3A_1005 = arith.constant 1 : i32
    %dma_start3A_1006 = arith.constant 8 : i32
    %dma_start3A_1007 = arith.constant 0 : i32
    %dma_start3A_1008 = tpu.memref_slice %arg7[%dma_start3A_1005, %dma_start3A_1006, %dma_start3A_1007] : memref<3x32x768xf32, #tpu.memory_space<vmem>> -> memref<1x8x768xf32, #tpu.memory_space<vmem>>
    %dma_start3A_1009 = tpu.memref_squeeze %dma_start3A_1008 : memref<1x8x768xf32, #tpu.memory_space<vmem>> -> memref<8x768xf32, #tpu.memory_space<vmem>>
    %dma_start3A_1010 = arith.constant 0 : i32
    %dma_start3A_1011 = tpu.memref_slice %arg5[%add3A_1004, %dma_start3A_1010] : memref<8192x768xf32, #tpu.memory_space<hbm>> -> memref<8x768xf32, #tpu.memory_space<hbm>>
    %dma_start3A_1012 = arith.constant 0 : i32
    %dma_start3A_1013 = tpu.memref_slice %arg5[%add3A_1004, %dma_start3A_1012] : memref<8192x768xf32, #tpu.memory_space<hbm>> -> memref<8x768xf32, #tpu.memory_space<hbm>>
    %dma_start3A_1014 = arith.constant 8 : i32
    %dma_start3A_1015 = arith.constant 0 : i32
    %dma_start3A_1016 = tpu.memref_slice %arg7[%dma_start3A_1005, %dma_start3A_1014, %dma_start3A_1015] : memref<3x32x768xf32, #tpu.memory_space<vmem>> -> memref<1x8x768xf32, #tpu.memory_space<vmem>>
    %dma_start3A_1017 = tpu.memref_squeeze %dma_start3A_1016 : memref<1x8x768xf32, #tpu.memory_space<vmem>> -> memref<8x768xf32, #tpu.memory_space<vmem>>
    tpu.enqueue_dma source(%dma_start3A_1017 : memref<8x768xf32, #tpu.memory_space<vmem>>) target(%dma_start3A_1013 : memref<8x768xf32, #tpu.memory_space<hbm>>) target_semaphore(%arg14 : memref<!tpu.dma_semaphore, #tpu.memory_space<semaphore_mem>>)
    %add3A_1018 = arith.constant 4096 : i32
    %add3A_1019 = arith.addi %add3A_1018, %mul3A_2 : i32
    %add3A_1020 = arith.constant 56 : i32
    %add3A_1021 = arith.addi %add3A_1019, %add3A_1020 : i32
    %dma_start3A_1022 = arith.constant 1 : i32
    %dma_start3A_1023 = arith.constant 16 : i32
    %dma_start3A_1024 = arith.constant 0 : i32
    %dma_start3A_1025 = tpu.memref_slice %arg7[%dma_start3A_1022, %dma_start3A_1023, %dma_start3A_1024] : memref<3x32x768xf32, #tpu.memory_space<vmem>> -> memref<1x8x768xf32, #tpu.memory_space<vmem>>
    %dma_start3A_1026 = tpu.memref_squeeze %dma_start3A_1025 : memref<1x8x768xf32, #tpu.memory_space<vmem>> -> memref<8x768xf32, #tpu.memory_space<vmem>>
    %dma_start3A_1027 = arith.constant 0 : i32
    %dma_start3A_1028 = tpu.memref_slice %arg5[%add3A_1021, %dma_start3A_1027] : memref<8192x768xf32, #tpu.memory_space<hbm>> -> memref<8x768xf32, #tpu.memory_space<hbm>>
    %dma_start3A_1029 = arith.constant 0 : i32
    %dma_start3A_1030 = tpu.memref_slice %arg5[%add3A_1021, %dma_start3A_1029] : memref<8192x768xf32, #tpu.memory_space<hbm>> -> memref<8x768xf32, #tpu.memory_space<hbm>>
    %dma_start3A_1031 = arith.constant 16 : i32
    %dma_start3A_1032 = arith.constant 0 : i32
    %dma_start3A_1033 = tpu.memref_slice %arg7[%dma_start3A_1022, %dma_start3A_1031, %dma_start3A_1032] : memref<3x32x768xf32, #tpu.memory_space<vmem>> -> memref<1x8x768xf32, #tpu.memory_space<vmem>>
    %dma_start3A_1034 = tpu.memref_squeeze %dma_start3A_1033 : memref<1x8x768xf32, #tpu.memory_space<vmem>> -> memref<8x768xf32, #tpu.memory_space<vmem>>
    tpu.enqueue_dma source(%dma_start3A_1034 : memref<8x768xf32, #tpu.memory_space<vmem>>) target(%dma_start3A_1030 : memref<8x768xf32, #tpu.memory_space<hbm>>) target_semaphore(%arg14 : memref<!tpu.dma_semaphore, #tpu.memory_space<semaphore_mem>>)
    %add3A_1035 = arith.constant 6144 : i32
    %add3A_1036 = arith.addi %add3A_1035, %mul3A_2 : i32
    %add3A_1037 = arith.constant 56 : i32
    %add3A_1038 = arith.addi %add3A_1036, %add3A_1037 : i32
    %dma_start3A_1039 = arith.constant 1 : i32
    %dma_start3A_1040 = arith.constant 24 : i32
    %dma_start3A_1041 = arith.constant 0 : i32
    %dma_start3A_1042 = tpu.memref_slice %arg7[%dma_start3A_1039, %dma_start3A_1040, %dma_start3A_1041] : memref<3x32x768xf32, #tpu.memory_space<vmem>> -> memref<1x8x768xf32, #tpu.memory_space<vmem>>
    %dma_start3A_1043 = tpu.memref_squeeze %dma_start3A_1042 : memref<1x8x768xf32, #tpu.memory_space<vmem>> -> memref<8x768xf32, #tpu.memory_space<vmem>>
    %dma_start3A_1044 = arith.constant 0 : i32
    %dma_start3A_1045 = tpu.memref_slice %arg5[%add3A_1038, %dma_start3A_1044] : memref<8192x768xf32, #tpu.memory_space<hbm>> -> memref<8x768xf32, #tpu.memory_space<hbm>>
    %dma_start3A_1046 = arith.constant 0 : i32
    %dma_start3A_1047 = tpu.memref_slice %arg5[%add3A_1038, %dma_start3A_1046] : memref<8192x768xf32, #tpu.memory_space<hbm>> -> memref<8x768xf32, #tpu.memory_space<hbm>>
    %dma_start3A_1048 = arith.constant 24 : i32
    %dma_start3A_1049 = arith.constant 0 : i32
    %dma_start3A_1050 = tpu.memref_slice %arg7[%dma_start3A_1039, %dma_start3A_1048, %dma_start3A_1049] : memref<3x32x768xf32, #tpu.memory_space<vmem>> -> memref<1x8x768xf32, #tpu.memory_space<vmem>>
    %dma_start3A_1051 = tpu.memref_squeeze %dma_start3A_1050 : memref<1x8x768xf32, #tpu.memory_space<vmem>> -> memref<8x768xf32, #tpu.memory_space<vmem>>
    tpu.enqueue_dma source(%dma_start3A_1051 : memref<8x768xf32, #tpu.memory_space<vmem>>) target(%dma_start3A_1047 : memref<8x768xf32, #tpu.memory_space<hbm>>) target_semaphore(%arg14 : memref<!tpu.dma_semaphore, #tpu.memory_space<semaphore_mem>>)
    %dma_wait3A_1052 = arith.constant 2 : i32
    "tpu.trace_start"() <{level = 10 : i32, message = "drain"}> : () -> ()
    %dma_wait3A_1053 = arith.constant 0 : i32
    %dma_wait3A_1054 = arith.constant 0 : i32
    %dma_wait3A_1055 = tpu.memref_slice %arg7[%dma_wait3A_1052, %dma_wait3A_1053, %dma_wait3A_1054] : memref<3x32x768xf32, #tpu.memory_space<vmem>> -> memref<1x8x768xf32, #tpu.memory_space<vmem>>
    %dma_wait3A_1056 = tpu.memref_squeeze %dma_wait3A_1055 : memref<1x8x768xf32, #tpu.memory_space<vmem>> -> memref<8x768xf32, #tpu.memory_space<vmem>>
    %dma_wait3A_1057 = arith.constant 0 : i32
    %dma_wait3A_1058 = tpu.memref_slice %arg5[%add3A_815, %dma_wait3A_1057] : memref<8192x768xf32, #tpu.memory_space<hbm>> -> memref<8x768xf32, #tpu.memory_space<hbm>>
    %dma_wait3A_1059 = arith.constant 0 : i32
    %dma_wait3A_1060 = tpu.memref_slice %arg5[%add3A_815, %dma_wait3A_1059] : memref<8192x768xf32, #tpu.memory_space<hbm>> -> memref<8x768xf32, #tpu.memory_space<hbm>>
    %dma_wait3A_1061 = arith.constant 0 : i32
    %dma_wait3A_1062 = arith.constant 0 : i32
    %dma_wait3A_1063 = tpu.memref_slice %arg7[%dma_wait3A_1052, %dma_wait3A_1061, %dma_wait3A_1062] : memref<3x32x768xf32, #tpu.memory_space<vmem>> -> memref<1x8x768xf32, #tpu.memory_space<vmem>>
    %dma_wait3A_1064 = tpu.memref_squeeze %dma_wait3A_1063 : memref<1x8x768xf32, #tpu.memory_space<vmem>> -> memref<8x768xf32, #tpu.memory_space<vmem>>
    tpu.wait_dma2 semaphore(%arg15 : memref<!tpu.dma_semaphore, #tpu.memory_space<semaphore_mem>>) src(%dma_wait3A_1064 : memref<8x768xf32, #tpu.memory_space<vmem>>) dst(%dma_wait3A_1060 : memref<8x768xf32, #tpu.memory_space<hbm>>)
    %dma_wait3A_1065 = arith.constant 2 : i32
    %dma_wait3A_1066 = arith.constant 8 : i32
    %dma_wait3A_1067 = arith.constant 0 : i32
    %dma_wait3A_1068 = tpu.memref_slice %arg7[%dma_wait3A_1065, %dma_wait3A_1066, %dma_wait3A_1067] : memref<3x32x768xf32, #tpu.memory_space<vmem>> -> memref<1x8x768xf32, #tpu.memory_space<vmem>>
    %dma_wait3A_1069 = tpu.memref_squeeze %dma_wait3A_1068 : memref<1x8x768xf32, #tpu.memory_space<vmem>> -> memref<8x768xf32, #tpu.memory_space<vmem>>
    %dma_wait3A_1070 = arith.constant 0 : i32
    %dma_wait3A_1071 = tpu.memref_slice %arg5[%add3A_832, %dma_wait3A_1070] : memref<8192x768xf32, #tpu.memory_space<hbm>> -> memref<8x768xf32, #tpu.memory_space<hbm>>
    %dma_wait3A_1072 = arith.constant 0 : i32
    %dma_wait3A_1073 = tpu.memref_slice %arg5[%add3A_832, %dma_wait3A_1072] : memref<8192x768xf32, #tpu.memory_space<hbm>> -> memref<8x768xf32, #tpu.memory_space<hbm>>
    %dma_wait3A_1074 = arith.constant 8 : i32
    %dma_wait3A_1075 = arith.constant 0 : i32
    %dma_wait3A_1076 = tpu.memref_slice %arg7[%dma_wait3A_1065, %dma_wait3A_1074, %dma_wait3A_1075] : memref<3x32x768xf32, #tpu.memory_space<vmem>> -> memref<1x8x768xf32, #tpu.memory_space<vmem>>
    %dma_wait3A_1077 = tpu.memref_squeeze %dma_wait3A_1076 : memref<1x8x768xf32, #tpu.memory_space<vmem>> -> memref<8x768xf32, #tpu.memory_space<vmem>>
    tpu.wait_dma2 semaphore(%arg15 : memref<!tpu.dma_semaphore, #tpu.memory_space<semaphore_mem>>) src(%dma_wait3A_1077 : memref<8x768xf32, #tpu.memory_space<vmem>>) dst(%dma_wait3A_1073 : memref<8x768xf32, #tpu.memory_space<hbm>>)
    %dma_wait3A_1078 = arith.constant 2 : i32
    %dma_wait3A_1079 = arith.constant 16 : i32
    %dma_wait3A_1080 = arith.constant 0 : i32
    %dma_wait3A_1081 = tpu.memref_slice %arg7[%dma_wait3A_1078, %dma_wait3A_1079, %dma_wait3A_1080] : memref<3x32x768xf32, #tpu.memory_space<vmem>> -> memref<1x8x768xf32, #tpu.memory_space<vmem>>
    %dma_wait3A_1082 = tpu.memref_squeeze %dma_wait3A_1081 : memref<1x8x768xf32, #tpu.memory_space<vmem>> -> memref<8x768xf32, #tpu.memory_space<vmem>>
    %dma_wait3A_1083 = arith.constant 0 : i32
    %dma_wait3A_1084 = tpu.memref_slice %arg5[%add3A_849, %dma_wait3A_1083] : memref<8192x768xf32, #tpu.memory_space<hbm>> -> memref<8x768xf32, #tpu.memory_space<hbm>>
    %dma_wait3A_1085 = arith.constant 0 : i32
    %dma_wait3A_1086 = tpu.memref_slice %arg5[%add3A_849, %dma_wait3A_1085] : memref<8192x768xf32, #tpu.memory_space<hbm>> -> memref<8x768xf32, #tpu.memory_space<hbm>>
    %dma_wait3A_1087 = arith.constant 16 : i32
    %dma_wait3A_1088 = arith.constant 0 : i32
    %dma_wait3A_1089 = tpu.memref_slice %arg7[%dma_wait3A_1078, %dma_wait3A_1087, %dma_wait3A_1088] : memref<3x32x768xf32, #tpu.memory_space<vmem>> -> memref<1x8x768xf32, #tpu.memory_space<vmem>>
    %dma_wait3A_1090 = tpu.memref_squeeze %dma_wait3A_1089 : memref<1x8x768xf32, #tpu.memory_space<vmem>> -> memref<8x768xf32, #tpu.memory_space<vmem>>
    tpu.wait_dma2 semaphore(%arg15 : memref<!tpu.dma_semaphore, #tpu.memory_space<semaphore_mem>>) src(%dma_wait3A_1090 : memref<8x768xf32, #tpu.memory_space<vmem>>) dst(%dma_wait3A_1086 : memref<8x768xf32, #tpu.memory_space<hbm>>)
    %dma_wait3A_1091 = arith.constant 2 : i32
    %dma_wait3A_1092 = arith.constant 24 : i32
    %dma_wait3A_1093 = arith.constant 0 : i32
    %dma_wait3A_1094 = tpu.memref_slice %arg7[%dma_wait3A_1091, %dma_wait3A_1092, %dma_wait3A_1093] : memref<3x32x768xf32, #tpu.memory_space<vmem>> -> memref<1x8x768xf32, #tpu.memory_space<vmem>>
    %dma_wait3A_1095 = tpu.memref_squeeze %dma_wait3A_1094 : memref<1x8x768xf32, #tpu.memory_space<vmem>> -> memref<8x768xf32, #tpu.memory_space<vmem>>
    %dma_wait3A_1096 = arith.constant 0 : i32
    %dma_wait3A_1097 = tpu.memref_slice %arg5[%add3A_866, %dma_wait3A_1096] : memref<8192x768xf32, #tpu.memory_space<hbm>> -> memref<8x768xf32, #tpu.memory_space<hbm>>
    %dma_wait3A_1098 = arith.constant 0 : i32
    %dma_wait3A_1099 = tpu.memref_slice %arg5[%add3A_866, %dma_wait3A_1098] : memref<8192x768xf32, #tpu.memory_space<hbm>> -> memref<8x768xf32, #tpu.memory_space<hbm>>
    %dma_wait3A_1100 = arith.constant 24 : i32
    %dma_wait3A_1101 = arith.constant 0 : i32
    %dma_wait3A_1102 = tpu.memref_slice %arg7[%dma_wait3A_1091, %dma_wait3A_1100, %dma_wait3A_1101] : memref<3x32x768xf32, #tpu.memory_space<vmem>> -> memref<1x8x768xf32, #tpu.memory_space<vmem>>
    %dma_wait3A_1103 = tpu.memref_squeeze %dma_wait3A_1102 : memref<1x8x768xf32, #tpu.memory_space<vmem>> -> memref<8x768xf32, #tpu.memory_space<vmem>>
    tpu.wait_dma2 semaphore(%arg15 : memref<!tpu.dma_semaphore, #tpu.memory_space<semaphore_mem>>) src(%dma_wait3A_1103 : memref<8x768xf32, #tpu.memory_space<vmem>>) dst(%dma_wait3A_1099 : memref<8x768xf32, #tpu.memory_space<hbm>>)
    %dma_wait3A_1104 = arith.constant 0 : i32
    %dma_wait3A_1105 = arith.constant 0 : i32
    %dma_wait3A_1106 = arith.constant 0 : i32
    %dma_wait3A_1107 = tpu.memref_slice %arg7[%dma_wait3A_1104, %dma_wait3A_1105, %dma_wait3A_1106] : memref<3x32x768xf32, #tpu.memory_space<vmem>> -> memref<1x8x768xf32, #tpu.memory_space<vmem>>
    %dma_wait3A_1108 = tpu.memref_squeeze %dma_wait3A_1107 : memref<1x8x768xf32, #tpu.memory_space<vmem>> -> memref<8x768xf32, #tpu.memory_space<vmem>>
    %dma_wait3A_1109 = arith.constant 0 : i32
    %dma_wait3A_1110 = tpu.memref_slice %arg5[%add3A_901, %dma_wait3A_1109] : memref<8192x768xf32, #tpu.memory_space<hbm>> -> memref<8x768xf32, #tpu.memory_space<hbm>>
    %dma_wait3A_1111 = arith.constant 0 : i32
    %dma_wait3A_1112 = tpu.memref_slice %arg5[%add3A_901, %dma_wait3A_1111] : memref<8192x768xf32, #tpu.memory_space<hbm>> -> memref<8x768xf32, #tpu.memory_space<hbm>>
    %dma_wait3A_1113 = arith.constant 0 : i32
    %dma_wait3A_1114 = arith.constant 0 : i32
    %dma_wait3A_1115 = tpu.memref_slice %arg7[%dma_wait3A_1104, %dma_wait3A_1113, %dma_wait3A_1114] : memref<3x32x768xf32, #tpu.memory_space<vmem>> -> memref<1x8x768xf32, #tpu.memory_space<vmem>>
    %dma_wait3A_1116 = tpu.memref_squeeze %dma_wait3A_1115 : memref<1x8x768xf32, #tpu.memory_space<vmem>> -> memref<8x768xf32, #tpu.memory_space<vmem>>
    tpu.wait_dma2 semaphore(%arg13 : memref<!tpu.dma_semaphore, #tpu.memory_space<semaphore_mem>>) src(%dma_wait3A_1116 : memref<8x768xf32, #tpu.memory_space<vmem>>) dst(%dma_wait3A_1112 : memref<8x768xf32, #tpu.memory_space<hbm>>)
    %dma_wait3A_1117 = arith.constant 0 : i32
    %dma_wait3A_1118 = arith.constant 8 : i32
    %dma_wait3A_1119 = arith.constant 0 : i32
    %dma_wait3A_1120 = tpu.memref_slice %arg7[%dma_wait3A_1117, %dma_wait3A_1118, %dma_wait3A_1119] : memref<3x32x768xf32, #tpu.memory_space<vmem>> -> memref<1x8x768xf32, #tpu.memory_space<vmem>>
    %dma_wait3A_1121 = tpu.memref_squeeze %dma_wait3A_1120 : memref<1x8x768xf32, #tpu.memory_space<vmem>> -> memref<8x768xf32, #tpu.memory_space<vmem>>
    %dma_wait3A_1122 = arith.constant 0 : i32
    %dma_wait3A_1123 = tpu.memref_slice %arg5[%add3A_918, %dma_wait3A_1122] : memref<8192x768xf32, #tpu.memory_space<hbm>> -> memref<8x768xf32, #tpu.memory_space<hbm>>
    %dma_wait3A_1124 = arith.constant 0 : i32
    %dma_wait3A_1125 = tpu.memref_slice %arg5[%add3A_918, %dma_wait3A_1124] : memref<8192x768xf32, #tpu.memory_space<hbm>> -> memref<8x768xf32, #tpu.memory_space<hbm>>
    %dma_wait3A_1126 = arith.constant 8 : i32
    %dma_wait3A_1127 = arith.constant 0 : i32
    %dma_wait3A_1128 = tpu.memref_slice %arg7[%dma_wait3A_1117, %dma_wait3A_1126, %dma_wait3A_1127] : memref<3x32x768xf32, #tpu.memory_space<vmem>> -> memref<1x8x768xf32, #tpu.memory_space<vmem>>
    %dma_wait3A_1129 = tpu.memref_squeeze %dma_wait3A_1128 : memref<1x8x768xf32, #tpu.memory_space<vmem>> -> memref<8x768xf32, #tpu.memory_space<vmem>>
    tpu.wait_dma2 semaphore(%arg13 : memref<!tpu.dma_semaphore, #tpu.memory_space<semaphore_mem>>) src(%dma_wait3A_1129 : memref<8x768xf32, #tpu.memory_space<vmem>>) dst(%dma_wait3A_1125 : memref<8x768xf32, #tpu.memory_space<hbm>>)
    %dma_wait3A_1130 = arith.constant 0 : i32
    %dma_wait3A_1131 = arith.constant 16 : i32
    %dma_wait3A_1132 = arith.constant 0 : i32
    %dma_wait3A_1133 = tpu.memref_slice %arg7[%dma_wait3A_1130, %dma_wait3A_1131, %dma_wait3A_1132] : memref<3x32x768xf32, #tpu.memory_space<vmem>> -> memref<1x8x768xf32, #tpu.memory_space<vmem>>
    %dma_wait3A_1134 = tpu.memref_squeeze %dma_wait3A_1133 : memref<1x8x768xf32, #tpu.memory_space<vmem>> -> memref<8x768xf32, #tpu.memory_space<vmem>>
    %dma_wait3A_1135 = arith.constant 0 : i32
    %dma_wait3A_1136 = tpu.memref_slice %arg5[%add3A_935, %dma_wait3A_1135] : memref<8192x768xf32, #tpu.memory_space<hbm>> -> memref<8x768xf32, #tpu.memory_space<hbm>>
    %dma_wait3A_1137 = arith.constant 0 : i32
    %dma_wait3A_1138 = tpu.memref_slice %arg5[%add3A_935, %dma_wait3A_1137] : memref<8192x768xf32, #tpu.memory_space<hbm>> -> memref<8x768xf32, #tpu.memory_space<hbm>>
    %dma_wait3A_1139 = arith.constant 16 : i32
    %dma_wait3A_1140 = arith.constant 0 : i32
    %dma_wait3A_1141 = tpu.memref_slice %arg7[%dma_wait3A_1130, %dma_wait3A_1139, %dma_wait3A_1140] : memref<3x32x768xf32, #tpu.memory_space<vmem>> -> memref<1x8x768xf32, #tpu.memory_space<vmem>>
    %dma_wait3A_1142 = tpu.memref_squeeze %dma_wait3A_1141 : memref<1x8x768xf32, #tpu.memory_space<vmem>> -> memref<8x768xf32, #tpu.memory_space<vmem>>
    tpu.wait_dma2 semaphore(%arg13 : memref<!tpu.dma_semaphore, #tpu.memory_space<semaphore_mem>>) src(%dma_wait3A_1142 : memref<8x768xf32, #tpu.memory_space<vmem>>) dst(%dma_wait3A_1138 : memref<8x768xf32, #tpu.memory_space<hbm>>)
    %dma_wait3A_1143 = arith.constant 0 : i32
    %dma_wait3A_1144 = arith.constant 24 : i32
    %dma_wait3A_1145 = arith.constant 0 : i32
    %dma_wait3A_1146 = tpu.memref_slice %arg7[%dma_wait3A_1143, %dma_wait3A_1144, %dma_wait3A_1145] : memref<3x32x768xf32, #tpu.memory_space<vmem>> -> memref<1x8x768xf32, #tpu.memory_space<vmem>>
    %dma_wait3A_1147 = tpu.memref_squeeze %dma_wait3A_1146 : memref<1x8x768xf32, #tpu.memory_space<vmem>> -> memref<8x768xf32, #tpu.memory_space<vmem>>
    %dma_wait3A_1148 = arith.constant 0 : i32
    %dma_wait3A_1149 = tpu.memref_slice %arg5[%add3A_952, %dma_wait3A_1148] : memref<8192x768xf32, #tpu.memory_space<hbm>> -> memref<8x768xf32, #tpu.memory_space<hbm>>
    %dma_wait3A_1150 = arith.constant 0 : i32
    %dma_wait3A_1151 = tpu.memref_slice %arg5[%add3A_952, %dma_wait3A_1150] : memref<8192x768xf32, #tpu.memory_space<hbm>> -> memref<8x768xf32, #tpu.memory_space<hbm>>
    %dma_wait3A_1152 = arith.constant 24 : i32
    %dma_wait3A_1153 = arith.constant 0 : i32
    %dma_wait3A_1154 = tpu.memref_slice %arg7[%dma_wait3A_1143, %dma_wait3A_1152, %dma_wait3A_1153] : memref<3x32x768xf32, #tpu.memory_space<vmem>> -> memref<1x8x768xf32, #tpu.memory_space<vmem>>
    %dma_wait3A_1155 = tpu.memref_squeeze %dma_wait3A_1154 : memref<1x8x768xf32, #tpu.memory_space<vmem>> -> memref<8x768xf32, #tpu.memory_space<vmem>>
    tpu.wait_dma2 semaphore(%arg13 : memref<!tpu.dma_semaphore, #tpu.memory_space<semaphore_mem>>) src(%dma_wait3A_1155 : memref<8x768xf32, #tpu.memory_space<vmem>>) dst(%dma_wait3A_1151 : memref<8x768xf32, #tpu.memory_space<hbm>>)
    %dma_wait3A_1156 = arith.constant 1 : i32
    %dma_wait3A_1157 = arith.constant 0 : i32
    %dma_wait3A_1158 = arith.constant 0 : i32
    %dma_wait3A_1159 = tpu.memref_slice %arg7[%dma_wait3A_1156, %dma_wait3A_1157, %dma_wait3A_1158] : memref<3x32x768xf32, #tpu.memory_space<vmem>> -> memref<1x8x768xf32, #tpu.memory_space<vmem>>
    %dma_wait3A_1160 = tpu.memref_squeeze %dma_wait3A_1159 : memref<1x8x768xf32, #tpu.memory_space<vmem>> -> memref<8x768xf32, #tpu.memory_space<vmem>>
    %dma_wait3A_1161 = arith.constant 0 : i32
    %dma_wait3A_1162 = tpu.memref_slice %arg5[%add3A_987, %dma_wait3A_1161] : memref<8192x768xf32, #tpu.memory_space<hbm>> -> memref<8x768xf32, #tpu.memory_space<hbm>>
    %dma_wait3A_1163 = arith.constant 0 : i32
    %dma_wait3A_1164 = tpu.memref_slice %arg5[%add3A_987, %dma_wait3A_1163] : memref<8192x768xf32, #tpu.memory_space<hbm>> -> memref<8x768xf32, #tpu.memory_space<hbm>>
    %dma_wait3A_1165 = arith.constant 0 : i32
    %dma_wait3A_1166 = arith.constant 0 : i32
    %dma_wait3A_1167 = tpu.memref_slice %arg7[%dma_wait3A_1156, %dma_wait3A_1165, %dma_wait3A_1166] : memref<3x32x768xf32, #tpu.memory_space<vmem>> -> memref<1x8x768xf32, #tpu.memory_space<vmem>>
    %dma_wait3A_1168 = tpu.memref_squeeze %dma_wait3A_1167 : memref<1x8x768xf32, #tpu.memory_space<vmem>> -> memref<8x768xf32, #tpu.memory_space<vmem>>
    tpu.wait_dma2 semaphore(%arg14 : memref<!tpu.dma_semaphore, #tpu.memory_space<semaphore_mem>>) src(%dma_wait3A_1168 : memref<8x768xf32, #tpu.memory_space<vmem>>) dst(%dma_wait3A_1164 : memref<8x768xf32, #tpu.memory_space<hbm>>)
    %dma_wait3A_1169 = arith.constant 1 : i32
    %dma_wait3A_1170 = arith.constant 8 : i32
    %dma_wait3A_1171 = arith.constant 0 : i32
    %dma_wait3A_1172 = tpu.memref_slice %arg7[%dma_wait3A_1169, %dma_wait3A_1170, %dma_wait3A_1171] : memref<3x32x768xf32, #tpu.memory_space<vmem>> -> memref<1x8x768xf32, #tpu.memory_space<vmem>>
    %dma_wait3A_1173 = tpu.memref_squeeze %dma_wait3A_1172 : memref<1x8x768xf32, #tpu.memory_space<vmem>> -> memref<8x768xf32, #tpu.memory_space<vmem>>
    %dma_wait3A_1174 = arith.constant 0 : i32
    %dma_wait3A_1175 = tpu.memref_slice %arg5[%add3A_1004, %dma_wait3A_1174] : memref<8192x768xf32, #tpu.memory_space<hbm>> -> memref<8x768xf32, #tpu.memory_space<hbm>>
    %dma_wait3A_1176 = arith.constant 0 : i32
    %dma_wait3A_1177 = tpu.memref_slice %arg5[%add3A_1004, %dma_wait3A_1176] : memref<8192x768xf32, #tpu.memory_space<hbm>> -> memref<8x768xf32, #tpu.memory_space<hbm>>
    %dma_wait3A_1178 = arith.constant 8 : i32
    %dma_wait3A_1179 = arith.constant 0 : i32
    %dma_wait3A_1180 = tpu.memref_slice %arg7[%dma_wait3A_1169, %dma_wait3A_1178, %dma_wait3A_1179] : memref<3x32x768xf32, #tpu.memory_space<vmem>> -> memref<1x8x768xf32, #tpu.memory_space<vmem>>
    %dma_wait3A_1181 = tpu.memref_squeeze %dma_wait3A_1180 : memref<1x8x768xf32, #tpu.memory_space<vmem>> -> memref<8x768xf32, #tpu.memory_space<vmem>>
    tpu.wait_dma2 semaphore(%arg14 : memref<!tpu.dma_semaphore, #tpu.memory_space<semaphore_mem>>) src(%dma_wait3A_1181 : memref<8x768xf32, #tpu.memory_space<vmem>>) dst(%dma_wait3A_1177 : memref<8x768xf32, #tpu.memory_space<hbm>>)
    %dma_wait3A_1182 = arith.constant 1 : i32
    %dma_wait3A_1183 = arith.constant 16 : i32
    %dma_wait3A_1184 = arith.constant 0 : i32
    %dma_wait3A_1185 = tpu.memref_slice %arg7[%dma_wait3A_1182, %dma_wait3A_1183, %dma_wait3A_1184] : memref<3x32x768xf32, #tpu.memory_space<vmem>> -> memref<1x8x768xf32, #tpu.memory_space<vmem>>
    %dma_wait3A_1186 = tpu.memref_squeeze %dma_wait3A_1185 : memref<1x8x768xf32, #tpu.memory_space<vmem>> -> memref<8x768xf32, #tpu.memory_space<vmem>>
    %dma_wait3A_1187 = arith.constant 0 : i32
    %dma_wait3A_1188 = tpu.memref_slice %arg5[%add3A_1021, %dma_wait3A_1187] : memref<8192x768xf32, #tpu.memory_space<hbm>> -> memref<8x768xf32, #tpu.memory_space<hbm>>
    %dma_wait3A_1189 = arith.constant 0 : i32
    %dma_wait3A_1190 = tpu.memref_slice %arg5[%add3A_1021, %dma_wait3A_1189] : memref<8192x768xf32, #tpu.memory_space<hbm>> -> memref<8x768xf32, #tpu.memory_space<hbm>>
    %dma_wait3A_1191 = arith.constant 16 : i32
    %dma_wait3A_1192 = arith.constant 0 : i32
    %dma_wait3A_1193 = tpu.memref_slice %arg7[%dma_wait3A_1182, %dma_wait3A_1191, %dma_wait3A_1192] : memref<3x32x768xf32, #tpu.memory_space<vmem>> -> memref<1x8x768xf32, #tpu.memory_space<vmem>>
    %dma_wait3A_1194 = tpu.memref_squeeze %dma_wait3A_1193 : memref<1x8x768xf32, #tpu.memory_space<vmem>> -> memref<8x768xf32, #tpu.memory_space<vmem>>
    tpu.wait_dma2 semaphore(%arg14 : memref<!tpu.dma_semaphore, #tpu.memory_space<semaphore_mem>>) src(%dma_wait3A_1194 : memref<8x768xf32, #tpu.memory_space<vmem>>) dst(%dma_wait3A_1190 : memref<8x768xf32, #tpu.memory_space<hbm>>)
    %dma_wait3A_1195 = arith.constant 1 : i32
    %dma_wait3A_1196 = arith.constant 24 : i32
    %dma_wait3A_1197 = arith.constant 0 : i32
    %dma_wait3A_1198 = tpu.memref_slice %arg7[%dma_wait3A_1195, %dma_wait3A_1196, %dma_wait3A_1197] : memref<3x32x768xf32, #tpu.memory_space<vmem>> -> memref<1x8x768xf32, #tpu.memory_space<vmem>>
    %dma_wait3A_1199 = tpu.memref_squeeze %dma_wait3A_1198 : memref<1x8x768xf32, #tpu.memory_space<vmem>> -> memref<8x768xf32, #tpu.memory_space<vmem>>
    %dma_wait3A_1200 = arith.constant 0 : i32
    %dma_wait3A_1201 = tpu.memref_slice %arg5[%add3A_1038, %dma_wait3A_1200] : memref<8192x768xf32, #tpu.memory_space<hbm>> -> memref<8x768xf32, #tpu.memory_space<hbm>>
    %dma_wait3A_1202 = arith.constant 0 : i32
    %dma_wait3A_1203 = tpu.memref_slice %arg5[%add3A_1038, %dma_wait3A_1202] : memref<8192x768xf32, #tpu.memory_space<hbm>> -> memref<8x768xf32, #tpu.memory_space<hbm>>
    %dma_wait3A_1204 = arith.constant 24 : i32
    %dma_wait3A_1205 = arith.constant 0 : i32
    %dma_wait3A_1206 = tpu.memref_slice %arg7[%dma_wait3A_1195, %dma_wait3A_1204, %dma_wait3A_1205] : memref<3x32x768xf32, #tpu.memory_space<vmem>> -> memref<1x8x768xf32, #tpu.memory_space<vmem>>
    %dma_wait3A_1207 = tpu.memref_squeeze %dma_wait3A_1206 : memref<1x8x768xf32, #tpu.memory_space<vmem>> -> memref<8x768xf32, #tpu.memory_space<vmem>>
    tpu.wait_dma2 semaphore(%arg14 : memref<!tpu.dma_semaphore, #tpu.memory_space<semaphore_mem>>) src(%dma_wait3A_1207 : memref<8x768xf32, #tpu.memory_space<vmem>>) dst(%dma_wait3A_1203 : memref<8x768xf32, #tpu.memory_space<hbm>>)
    "tpu.trace_stop"() : () -> ()
    return
  }
}

</mosaic_0001>

<sc_bundles>
// kernel: kernel.3.cloned.1.call-start
scs
__scs_entry_jumppad:
0x0: {  	(pc) =	sbr.rel $0x88, $3  }
0x1: {  	(tag) =	ssettag $0x0;
	lr =	simm.s32 $0x1  }
0x2: {  	[smem:$0x3F9E] =	sst lr;
	_ =	strace $0xD0000000  }
0x3: {  	_ = 	snop  }
0x4: {  	_ = 	snop  }
0x5: {  	_ = 	snop  }
0x6: {  	_ = 	snop  }
0x7: {  	_ = 	snop  }
__scs_overlays_trampoline_lowered:
0x8: {  	[smem:$0x3FAD] =	sst s0  }
0x9: {  	[smem:$0x3FAE] =	sst s1  }
0xa: {  	[smem:$0x3FAF] =	sst s2  }
0xb: {  	[smem:$0x3FB0] =	sst s3  }
0xc: {  	[smem:$0x3FB1] =	sst s4  }
0xd: {  	[smem:$0x3FB2] =	sst s5  }
0xe: {  	[smem:$0x3FB3] =	sst s6  }
0xf: {  	[smem:$0x3FB4] =	sst s7  }
0x10: {  	[smem:$0x3FB5] =	sst s8  }
0x11: {  	[smem:$0x3FB6] =	sst s9;
	s0 =	simm.s32 @!p0 $0x0  }
0x12: {  	s1 =	sld [smem:$0x3F9C];
	s0 =	simm.s32 @p0 $0x1  }
0x13: {  	[smem:$0x3FB7] =	sst s0;
	s0 =	simm.s32 @!p1 $0x0  }
0x14: {  	s2 =	sld [smem:$0x3F9B];
	s0 =	simm.s32 @p1 $0x1  }
0x15: {  	[smem:$0x3FB8] =	sst s0;
	s0 =	simm.s32 @!p2 $0x0  }
0x16: {  	s3 =	sld [smem:$0x3FDB];
	s0 =	simm.s32 @p2 $0x1  }
0x17: {  	s4 =	simm.s32 $0x1BF5;
	[smem:$0x3FBA] =	sst s0  }
0x18: {  	s0 =	sld [smem:$0x3F9D];
	_ =	swait.ge [sflag:s4], $0x0  }
0x19: {  	s7 =	sld [smem:$0x3F9E]  }
0x1a: {  	s8 =	sadd.s32 $0xFFFFE003, lr  }
0x1b: {  	s9 =	sadd.s32 $0xFFFFFEF7, lr;
	s5 =	simm.s32 $0xFFFFFFFF;
	p2 =	slt.u32 s8, $0xFFFFF086  }
0x1c: {  	p1 =	slt.u32 s9, $0xF7A;
	s5 =	simm.s32 @!p2 $0x0  }
0x1d: {  	s5 =	simm.s32 @p1 $0x1;
	p0 =	seq.s32 s7, s2  }
0x1e: {  	s7 =	smul.u32 @!p0 $0xF7A, s2;
	p2 =	seq.s32 @!p0 s5, $0x0  }
0x1f: {  	s9 =	smul.u32 $0xF7A, s1;
	s8 =	simm.s32 @!p0 $0x1BF5;
	p2 =	por !p2, p0  }
0x20: {  	[sflag:s8] =	ssyncset.s32 @!p0 $0xFFFFF086;
	s6 =	sadd.s32 @!p0 s3, s7;
	s7 =	simm.s32 @!p0 $0x108  }
0x21: {  	s3 =	sadd.s32 s3, s9;
	s6 =	sadd.s32 @!p0 $0x88, s6;
	s7 =	simm.s32 @p2 $0x1082  }
0x22: {  	[simem:s7], [sflag:s8] =	dma.local @!p0 [hbm:s6], $0xF7A  }
0x23: {  	s9 =	sor.u32 $0xD0000000, s2;
	s6 =	simm.s32 $0x108;
	_ =	swait.ge @!p0 [sflag:s8], $0x0  }
0x24: {  	s3 =	sadd.s32 $0x88, s3;
	s6 =	simm.s32 @!p1 $0x1082;
	[sflag:s4] =	ssyncset.s32 $0xFFFFF086  }
0x25: {  	[simem:s6], [sflag:s4] =	dma.local [hbm:s3], $0xF7A  }
0x26: {  	[smem:$0x3F9E] =	sst s1;
	(tag) =	ssettag s2;
	_ =	strace s9  }
0x27: {  	s1 =	sld [smem:$0x3FAE]  }
0x28: {  	s2 =	sld [smem:$0x3FAF]  }
0x29: {  	s4 =	sld [smem:$0x3FB1]  }
0x2a: {  	p0 =	seq.s32 s5, $0x0;
	s5 =	sld [smem:$0x3FB2]  }
0x2b: {  	s6 =	sld [smem:$0x3FB3]  }
0x2c: {  	s7 =	sld [smem:$0x3FB4]  }
0x2d: {  	s3 =	simm.s32 $0x108;
	s8 =	sld [smem:$0x3FB5]  }
0x2e: {  	s3 =	simm.s32 @!p0 $0x1082;
	s9 =	sld [smem:$0x3FB6]  }
0x2f: {  	lr =	sadd.s32 s0, s3;
	s0 =	sld [smem:$0x3FAD]  }
0x30: {  	s3 =	sld [smem:$0x3FB0]  }
0x31: {  	[smem:$0x3FB9] =	sst s10  }
0x32: {  	s10 =	sld [smem:$0x3FB7];
	_ =	sdelay $0x3  }
0x33: {  	p0 =	seq.s32 s10, $0x1;
	s10 =	sld [smem:$0x3FB9];
	_ =	sdelay $0x3  }
0x34: {  	[smem:$0x3FB9] =	sst s10  }
0x35: {  	s10 =	sld [smem:$0x3FB8];
	_ =	sdelay $0x3  }
0x36: {  	p1 =	seq.s32 s10, $0x1;
	s10 =	sld [smem:$0x3FB9];
	_ =	sdelay $0x3  }
0x37: {  	[smem:$0x3FB9] =	sst s10  }
0x38: {  	s10 =	sld [smem:$0x3FBA]  }
0x39: {  	_ = 	snop;
	(pc) =	sbr.ind lr, $3  }
0x3a: {  	_ = 	snop  }
0x3b: {  	_ = 	snop  }
0x3c: {  	p2 =	seq.s32 s10, $0x1;
	s10 =	sld [smem:$0x3FB9]  }
0x3d: {  	_ =	shalt  }
0x3e: {  	_ =	shalt  }
0x3f: {  	_ =	shalt  }
0x40: {  	_ =	shalt  }
0x41: {  	_ =	shalt  }
0x42: {  	_ =	shalt  }
0x43: {  	_ =	shalt  }
0x44: {  	_ =	shalt  }
0x45: {  	_ =	shalt  }
0x46: {  	_ =	shalt  }
0x47: {  	_ =	shalt  }
0x48: {  	_ =	shalt  }
0x49: {  	_ =	shalt  }
0x4a: {  	_ =	shalt  }
0x4b: {  	_ =	shalt  }
0x4c: {  	_ =	shalt  }
0x4d: {  	_ =	shalt  }
0x4e: {  	_ =	shalt  }
0x4f: {  	_ =	shalt  }
0x50: {  	_ =	shalt  }
0x51: {  	_ =	shalt  }
0x52: {  	_ =	shalt  }
0x53: {  	_ =	shalt  }
0x54: {  	_ =	shalt  }
0x55: {  	_ =	shalt  }
0x56: {  	_ =	shalt  }
0x57: {  	_ =	shalt  }
0x58: {  	_ =	shalt  }
0x59: {  	_ =	shalt  }
0x5a: {  	_ =	shalt  }
0x5b: {  	_ =	shalt  }
0x5c: {  	_ =	shalt  }
0x5d: {  	_ =	shalt  }
0x5e: {  	_ =	shalt  }
0x5f: {  	_ =	shalt  }
0x60: {  	_ =	shalt  }
0x61: {  	_ =	shalt  }
0x62: {  	_ =	shalt  }
0x63: {  	_ =	shalt  }
0x64: {  	_ =	shalt  }
0x65: {  	_ =	shalt  }
0x66: {  	_ =	shalt  }
0x67: {  	_ =	shalt  }
0x68: {  	_ =	shalt  }
0x69: {  	_ =	shalt  }
0x6a: {  	_ =	shalt  }
0x6b: {  	_ =	shalt  }
0x6c: {  	_ =	shalt  }
0x6d: {  	_ =	shalt  }
0x6e: {  	_ =	shalt  }
0x6f: {  	_ =	shalt  }
0x70: {  	_ =	shalt  }
0x71: {  	_ =	shalt  }
0x72: {  	_ =	shalt  }
0x73: {  	_ =	shalt  }
0x74: {  	_ =	shalt  }
0x75: {  	_ =	shalt  }
0x76: {  	_ =	shalt  }
0x77: {  	_ =	shalt  }
0x78: {  	_ =	shalt  }
0x79: {  	_ =	shalt  }
0x7a: {  	_ =	shalt  }
0x7b: {  	_ =	shalt  }
0x7c: {  	_ =	shalt  }
0x7d: {  	_ =	shalt  }
0x7e: {  	_ =	shalt  }
0x7f: {  	_ =	shalt  }
0x80: {  	_ =	shalt  }
0x81: {  	_ =	shalt  }
0x82: {  	_ =	shalt  }
0x83: {  	_ =	shalt  }
0x84: {  	_ =	shalt  }
0x85: {  	_ =	shalt  }
0x86: {  	_ =	shalt  }
0x87: {  	_ =	shalt  }
.Lfunc_end0:
.L_simem_size_0:
called_computation_lowered:
.L_overlay_start_0:
0x88: {  	s2 =	sld [smem:$0x3FD9]  }
0x89: {  	s3 =	sld [smem:$0x3FFE];
	_ =	sdelay $0x1  }
0x8a: {  	s1 =	srdreg.scid  }
0x8b: {  	s0 =	sand.u32 $0x1, s1  }
0x8c: {  	s17 =	sshll.u32 s0, $0xA;
	s2 =	sadd.s32 s3, s2  }
0x8d: {  	s2 =	sadd.s32 s2, s17  }
0x8e: {  	[smem:$0x3FC5] =	sst s2  }
0x8f: {  	_ = 	snop  }
0x90: {  	s2 =	sld [smem:$0x3FC8]  }
0x91: {  	s18 =	sld [smem:$0x3FC7]  }
0x92: {  	s4 =	sld [smem:$0x3FD0];
	(tm) =	ssettm $0x1  }
0x93: {  	s5 =	sld [smem:$0x3FFB];
	_ =	sdelay $0x3  }
0x94: {  	_ =	strace s5  }
0x95: {  	s5 =	sld [smem:$0x3FFC];
	_ =	sdelay $0x3  }
0x96: {  	_ =	strace s5  }
0x97: {  	s5 =	sld [smem:$0x3FFD];
	_ =	sdelay $0x3  }
0x98: {  	_ =	strace s5  }
0x99: {  	_ =	strace $0x8FFFFFFF  }
0x9a: {  	s19 =	sld [smem:$0x3FDB];
	_ =	sdelay $0x1  }
0x9b: {  	s6 =	simm.s32 $_scs_section_size  }
0x9c: {  	s7 =	simm.s32 $_size__tile_overlayer_lowered;
	s8 =	simm.s32 $_tile_overlayer_lowered  }
0x9d: {  	s22 =	simm.s32 $0x1BFF;
	s21 =	sshll.u32 s8, $0x1;
	s5 =	sadd.s32 s6, s19  }
0x9e: {  	s9 =	simm.s32 $0x0;
	s20 =	sshll.u32 s7, $0x1;
	s7 =	sadd.s32 s21, s5  }
0x9f: {  	[timem:s9], [sflag:s22] =	dma.local [hbm:s7], s20  }
0xa0: {  	_ =	swait.ge [sflag:s22], s20  }
0xa1: {  	s6 =	ssub.s32 $0x0, s20;
	[sflag:s22] =	ssyncset.done $0x0  }
0xa2: {  	[sflag:s22] =	ssyncadd.s32 s6;
	_ =	sdelay $0x1  }
0xa3: {  	s23 =	simm.s32 $0x1B8B  }
0xa4: {  	_ =	swait.ge [sflag:s23], $0x1  }
0xa5: {  	[sflag:s23] =	ssyncset.done $0x0  }
0xa6: {  	s25 =	simm.s32 $0x1B8E;
	s24 =	sld [smem:$0x3FFE];
	[sflag:s23] =	ssyncadd.s32 $0xFFFFFFFF  }
0xa7: {  	s26 =	simm.s32 $execute0_lowered;
	[smem:$0x3FD2] =	sst s25  }
0xa8: {  	s7 =	sshll.u32 s26, $0x1;
	_ =	strace $0x80000046;
	[dreg:$0x1] =	wrdreg $0xFFFFFFFF  }
0xa9: {  	s28 =	simm.s32 $_size_execute0_lowered;
	s5 =	sadd.s32 s5, s7;
	[dreg:$0x0] =	wrdreg $0x0  }
0xaa: {  	s7 =	sshll.u32 s28, $0x1;
	[dreg:$0x2] =	wrdreg s5  }
0xab: {  	[dreg:$0x3] =	wrdreg s7  }
0xac: {  	[dreg:$0x4] =	wrdreg $0xC0  }
0xad: {  	_ =	task [dreg:s9], $0x5FFFF  }
0xae: {  	[dreg:$0x1] =	wrdreg $0xFFFFFFFF  }
0xaf: {  	[dreg:$0x0] =	wrdreg $0x60  }
0xb0: {  	[dreg:$0x2] =	wrdreg s24  }
0xb1: {  	[dreg:$0x3] =	wrdreg s2  }
0xb2: {  	[dreg:$0x4] =	wrdreg s18  }
0xb3: {  	[dreg:$0x5] =	wrdreg s4  }
0xb4: {  	[dreg:$0x6] =	wrdreg $0x9  }
0xb5: {  	_ =	task.clear_ibuf [dreg:s9], $0x7FFFF;
	_ =	strace $0x90000046  }
0xb6: {  	s29 =	simm.s32 $0x9;
	_ =	strace $0x80000058  }
0xb7: {  	_ =	swait.ge [sflag:s29], $0x1  }
0xb8: {  	[sflag:s29] =	ssyncadd.s32 $0xFFFFFFFF  }
0xb9: {  	_ =	strace $0x90000058  }
0xba: {  	_ =	sfence  }
0xbb: {  	s30 =	sld [smem:$0x0];
	_ =	sdelay $0x2  }
0xbc: {  	s31 =	sshll.u32 s1, $0xD;
	s1 =	sshrl.u32 s1, $0x2  }
0xbd: {  	s3 =	sand.u32 $0x4000, s31;
	s1 =	sadd.s32 s1, s30  }
0xbe: {  	s0 =	sor.u32 s3, s0;
	s1 =	sshll.u32 s1, $0x11  }
0xbf: {  	s0 =	sor.u32 s1, s0  }
0xc0: {  	s0 =	sadd.s32 $0x8F2B, s0  }
0xc1: {  	[sflag:s0] =	ssyncadd.remote.s32 $0x1  }
0xc2: {  	_ =	sfence.sel $0xFFFF  }
0xc3: {  	[dreg:$0x0] =	wrdreg $0xFFFFFFFF;
	(pc) =	sbr.abs _section_cstart, $3  }
0xc4: {  	[dreg:$0x1] =	wrdreg $0xFFFFFFFF  }
0xc5: {  	_ =	task.clear_ibuf [dreg:s9], $0x2FFFF;
	_ =	strace $0x9FFFFFFF  }
0xc6: {  	(tm) =	ssettm $0x7FFFFFFF  }
0xc7: {  	_ =	shalt  }
tec
execute0_lowered:
.L_overlay_start_1:
0x0: {  	(tag) =	ssettag $0x1  }
0x1: {  	s0 =	rddreg [dreg:$0x0]  }
0x2: {  	s1 =	rddreg [dreg:$0x1]  }
0x3: {  	s5 =	srdreg.scid;
	s6 =	stileid.u32  }
0x4: {  	s2 =	rddreg [dreg:$0x2];
	s5 =	sand.u32 $0x1, s5;
	s6 =	sshll.u32 s6, $0x1  }
0x5: {  	s4 =	rddreg [dreg:$0x3];
	s3 =	simm.s32 $0x0;
	s9 =	sor.u32 s5, s6  }
0x6: {  	[smem:$0x7FF] =	sst s3;
	s8 =	smul.u32 $0x1800, s9  }
0x7: {  	s5 =	ssub.s32 $0x2, s5;
	_ =	strace $0x80000047;
	s6 =	sshll.u32 s9, $0x7  }
0x8: {  	s13 =	sshrl.u32 s5, $0x1;
	s0 =	sadd.s32 s6, s0;
	s2 =	sadd.s32 s2, s8  }
0x9: {  	s5 =	ssub.s32 s5, s13;
	s0 =	sadd.s32 $0x400, s0;
	[dreg:$0x5] =	wrdreg s2  }
0xa: {  	s8 =	sadd.s32 s4, s8;
	s11 =	smax.u32 s5, $0x1;
	[dreg:$0x6] =	wrdreg s0  }
0xb: {  	s14 =	sadd.s32 $0x30000, s8;
	[dreg:$0x17] =	wrdreg s11  }
0xc: {  	s15 =	sadd.s32 $0x60000, s8;
	[dreg:$0x7] =	wrdreg s14  }
0xd: {  	s17 =	sadd.s32 $0x90000, s8;
	[dreg:$0x8] =	wrdreg s15  }
0xe: {  	s18 =	sadd.s32 $0x300, s8;
	[dreg:$0x9] =	wrdreg s17  }
0xf: {  	s19 =	sadd.s32 $0x30300, s8;
	[dreg:$0xa] =	wrdreg s18  }
0x10: {  	s20 =	sadd.s32 $0x60300, s8;
	[dreg:$0xb] =	wrdreg s19  }
0x11: {  	s21 =	sadd.s32 $0x90300, s8;
	[dreg:$0xc] =	wrdreg s20  }
0x12: {  	s22 =	sadd.s32 $0x600, s8;
	[dreg:$0xd] =	wrdreg s21  }
0x13: {  	s23 =	sadd.s32 $0x30600, s8;
	[dreg:$0xe] =	wrdreg s22  }
0x14: {  	s29 =	simm.s32 $0x6400;
	s24 =	sadd.s32 $0x60600, s8;
	[dreg:$0xf] =	wrdreg s23  }
0x15: {  	s28 =	simm.s32 $0x4;
	s25 =	sadd.s32 $0x90600, s8;
	[dreg:$0x10] =	wrdreg s24  }
0x16: {  	s16 =	smul.u32 $0xC000, s9;
	s12 =	sadd.s32 $0x30900, s8;
	[dreg:$0x11] =	wrdreg s25  }
0x17: {  	s30 =	simm.s32 $0x7;
	s13 =	sadd.s32 $0x60900, s8;
	[dreg:$0x18] =	wrdreg s12  }
0x18: {  	s0 =	sshrl.u32 s16, $0x3;
	s16 =	sadd.s32 $0x60C00, s8;
	[dreg:$0x19] =	wrdreg s13  }
0x19: {  	s31 =	simm.s32 $0x0;
	s14 =	sadd.s32 $0x90900, s8;
	[dreg:$0x1c] =	wrdreg s16  }
0x1a: {  	s7 =	sadd.s32 $0x200, s1;
	s15 =	sadd.s32 $0x30C00, s8;
	[dreg:$0x1a] =	wrdreg s14  }
0x1b: {  	s6 =	sadd.s32 $0x100, s1;
	s17 =	sadd.s32 $0x90C00, s8;
	[dreg:$0x1b] =	wrdreg s15  }
0x1c: {  	s5 =	simm.s32 $0x9400;
	s18 =	sadd.s32 $0x30F00, s8;
	[dreg:$0x1d] =	wrdreg s17  }
0x1d: {  	s11 =	simm.s32 $0xAC00;
	s19 =	sadd.s32 $0x60F00, s8;
	[dreg:$0x1e] =	wrdreg s18  }
0x1e: {  	s0 =	sadd.s32 s4, s0;
	s20 =	sadd.s32 $0x90F00, s8;
	[dreg:$0x1f] =	wrdreg s19  }
0x1f: {  	s21 =	sadd.s32 $0x31200, s8;
	s22 =	sadd.s32 $0x61200, s8;
	[smem:$0x7F7] =	sst s20  }
0x20: {  	s23 =	sadd.s32 $0x91200, s8;
	s24 =	sadd.s32 $0x31500, s8;
	[smem:$0x7F8] =	sst s21  }
0x21: {  	s25 =	sadd.s32 $0x61500, s8;
	s16 =	simm.s32 $0x400;
	[smem:$0x7F9] =	sst s22  }
0x22: {  	s26 =	sadd.s32 $0x900, s0;
	s4 =	sadd.s32 $0xC00, s0;
	[smem:$0x7FA] =	sst s23  }
0x23: {  	s9 =	sadd.s32 $0xF00, s0;
	s10 =	sadd.s32 $0x1200, s0;
	[smem:$0x7FB] =	sst s24  }
0x24: {  	s0 =	sadd.s32 $0x1500, s0;
	[smem:$0x7FC] =	sst s25;
	s19 =	simm.s32 $0x1C00  }
0x25: {  	s22 =	simm.s32 $0x3400;
	s25 =	simm.s32 $0x4C00;
	[dreg:$0x12] =	wrdreg s26  }
0x26: {  	s14 =	simm.s32 $0x2;
	s17 =	simm.s32 $0xC400;
	[dreg:$0x13] =	wrdreg s4  }
0x27: {  	s18 =	simm.s32 $0xDC00;
	s20 =	simm.s32 $0xF400;
	[dreg:$0x14] =	wrdreg s9  }
0x28: {  	v2 =	vlaneseq.u32;
	s21 =	simm.s32 $0x10C00;
	s23 =	simm.s32 $0x5;
	[dreg:$0x15] =	wrdreg s10  }
0x29: {  	vm0 =	vmmov $0xffff;
	v1 =	vshrl.u32 v2, $0x3;
	s24 =	simm.s32 $0x3;
	[dreg:$0x16] =	wrdreg s0;
	s26 =	sadd.s32 $0x91500, s8  }
0x2a: {  	v0 =	vand.u32 $0x7, v2;
	v2 =	vor.u32 $0x8, v2;
	v1 =	vmul.u32 $0x8, v1;
	s0 =	simm.s32 $0x7C00;
	[smem:$0x7FD] =	sst s26;
	s26 =	simm.s32 $0x6  }
.LBB2_1:
0x2b: {  	s2 =	rddreg [dreg:$0x5];
	s4 =	simm.s32 $0x12400  }
0x2c: {  	[tilespmem:s4], [sflag:$0x1] =	stream.linear.gather [hbm4b:s2+s3], $0xC000, $0x38;
	[tilespmem:$0x1E400] =	vst v63  }
0x2d: {  	s9 =	simm.s32 $0x8;
	s4 =	rddreg [dreg:$0x6]  }
0x2e: {  	[tilespmem:s3], [sflag:$0x8] =	stream.linear.gather [hbm4b:s4+s3], $0x400, $0x38;
	[tilespmem:$0x1E400] =	vst v63  }
0x2f: {  	_ =	swait.ge [sflag:s9], $0x400  }
0x30: {  	[sflag:s9] =	ssyncset.done $0x0  }
0x31: {  	[sflag:s9] =	ssyncadd.s32 $0xFFFFFC00  }
0x32: {  	v3 =	vld [tilespmem:$0x0];
	_ =	sdelay $0x4  }
0x33: {  	v4 =	vshrl.u32 v3, $0x3  }
0x34: {  	v4 =	vmul.u32 $0x30, v4  }
0x35: {  	v3 =	vand.u32 $0x7, v3  }
0x36: {  	v3 =	vor.u32 v3, v4  }
0x37: {  	v4 =	vperm.xlane v3, v0;
	_ =	sdelay $0x1  }
0x38: {  	v4 =	vadd.s32 v1, v4;
	_ =	sdelay $0x3  }
0x39: {  	v3 =	vperm.xlane v3, v2  }
0x3a: {  	[tilespmem:s16], [sflag:$0x2] =	stream.indirect_vreg.gather [hbm4b:s1+s3], $0x80, v4, vm0, $0xb8;
	[tilespmem:$0x1E400] =	vst v63  }
0x3b: {  	s10 =	simm.s32 $0xC00;
	v3 =	vadd.s32 v1, v3  }
0x3c: {  	[tilespmem:s10], [sflag:$0x2] =	stream.indirect_vreg.gather [hbm4b:s6+s3], $0x80, v4, vm0, $0xb8;
	[tilespmem:$0x1E400] =	vst v63  }
0x3d: {  	s12 =	simm.s32 $0x1400  }
0x3e: {  	[tilespmem:s12], [sflag:$0x2] =	stream.indirect_vreg.gather [hbm4b:s7+s3], $0x80, v4, vm0, $0xb8;
	[tilespmem:$0x1E400] =	vst v63  }
0x3f: {  	_ = 	snop  }
0x40: {  	[tilespmem:s19], [sflag:$0x2] =	stream.indirect_vreg.gather [hbm4b:s1+s3], $0x80, v3, vm0, $0xb8;
	[tilespmem:$0x1E400] =	vst v63  }
0x41: {  	s13 =	simm.s32 $0x2400  }
0x42: {  	[tilespmem:s13], [sflag:$0x2] =	stream.indirect_vreg.gather [hbm4b:s6+s3], $0x80, v3, vm0, $0xb8;
	[tilespmem:$0x1E400] =	vst v63  }
0x43: {  	s15 =	simm.s32 $0x2C00  }
0x44: {  	[tilespmem:s15], [sflag:$0x2] =	stream.indirect_vreg.gather [hbm4b:s7+s3], $0x80, v3, vm0, $0xb8;
	[tilespmem:$0x1E400] =	vst v63  }
0x45: {  	v3 =	vld [tilespmem:$0x10];
	_ =	sdelay $0x4  }
0x46: {  	v4 =	vshrl.u32 v3, $0x3  }
0x47: {  	v4 =	vmul.u32 $0x30, v4  }
0x48: {  	v3 =	vand.u32 $0x7, v3  }
0x49: {  	v3 =	vor.u32 v3, v4  }
0x4a: {  	v4 =	vperm.xlane v3, v0;
	_ =	sdelay $0x1  }
0x4b: {  	v4 =	vadd.s32 v1, v4;
	_ =	sdelay $0x3  }
0x4c: {  	v3 =	vperm.xlane v3, v2  }
0x4d: {  	[tilespmem:s22], [sflag:$0x2] =	stream.indirect_vreg.gather [hbm4b:s1+s3], $0x80, v4, vm0, $0xb8;
	[tilespmem:$0x1E400] =	vst v63  }
0x4e: {  	s4 =	simm.s32 $0x3C00;
	v3 =	vadd.s32 v1, v3  }
0x4f: {  	[tilespmem:s4], [sflag:$0x2] =	stream.indirect_vreg.gather [hbm4b:s6+s3], $0x80, v4, vm0, $0xb8;
	[tilespmem:$0x1E400] =	vst v63  }
0x50: {  	s9 =	simm.s32 $0x4400  }
0x51: {  	[tilespmem:s9], [sflag:$0x2] =	stream.indirect_vreg.gather [hbm4b:s7+s3], $0x80, v4, vm0, $0xb8;
	[tilespmem:$0x1E400] =	vst v63  }
0x52: {  	_ = 	snop  }
0x53: {  	[tilespmem:s25], [sflag:$0x2] =	stream.indirect_vreg.gather [hbm4b:s1+s3], $0x80, v3, vm0, $0xb8;
	[tilespmem:$0x1E400] =	vst v63  }
0x54: {  	s10 =	simm.s32 $0x5400  }
0x55: {  	[tilespmem:s10], [sflag:$0x2] =	stream.indirect_vreg.gather [hbm4b:s6+s3], $0x80, v3, vm0, $0xb8;
	[tilespmem:$0x1E400] =	vst v63  }
0x56: {  	s12 =	simm.s32 $0x5C00  }
0x57: {  	[tilespmem:s12], [sflag:$0x2] =	stream.indirect_vreg.gather [hbm4b:s7+s3], $0x80, v3, vm0, $0xb8;
	[tilespmem:$0x1E400] =	vst v63  }
0x58: {  	v3 =	vld [tilespmem:$0x80];
	_ =	sdelay $0x4  }
0x59: {  	v4 =	vshrl.u32 v3, $0x3  }
0x5a: {  	v4 =	vmul.u32 $0x30, v4  }
0x5b: {  	v3 =	vand.u32 $0x7, v3  }
0x5c: {  	v3 =	vor.u32 v3, v4  }
0x5d: {  	v4 =	vperm.xlane v3, v0;
	_ =	sdelay $0x1  }
0x5e: {  	v4 =	vadd.s32 v1, v4;
	_ =	sdelay $0x3  }
0x5f: {  	v3 =	vperm.xlane v3, v2  }
0x60: {  	[tilespmem:s29], [sflag:$0x3] =	stream.indirect_vreg.gather [hbm4b:s1+s3], $0x80, v4, vm0, $0xb8;
	[tilespmem:$0x1E400] =	vst v63  }
0x61: {  	s13 =	simm.s32 $0x6C00;
	v3 =	vadd.s32 v1, v3  }
0x62: {  	[tilespmem:s13], [sflag:$0x3] =	stream.indirect_vreg.gather [hbm4b:s6+s3], $0x80, v4, vm0, $0xb8;
	[tilespmem:$0x1E400] =	vst v63  }
0x63: {  	s15 =	simm.s32 $0x7400  }
0x64: {  	[tilespmem:s15], [sflag:$0x3] =	stream.indirect_vreg.gather [hbm4b:s7+s3], $0x80, v4, vm0, $0xb8;
	[tilespmem:$0x1E400] =	vst v63  }
0x65: {  	_ = 	snop  }
0x66: {  	[tilespmem:s0], [sflag:$0x3] =	stream.indirect_vreg.gather [hbm4b:s1+s3], $0x80, v3, vm0, $0xb8;
	[tilespmem:$0x1E400] =	vst v63  }
0x67: {  	s4 =	simm.s32 $0x8400  }
0x68: {  	[tilespmem:s4], [sflag:$0x3] =	stream.indirect_vreg.gather [hbm4b:s6+s3], $0x80, v3, vm0, $0xb8;
	[tilespmem:$0x1E400] =	vst v63  }
0x69: {  	s9 =	simm.s32 $0x8C00  }
0x6a: {  	[tilespmem:s9], [sflag:$0x3] =	stream.indirect_vreg.gather [hbm4b:s7+s3], $0x80, v3, vm0, $0xb8;
	[tilespmem:$0x1E400] =	vst v63  }
0x6b: {  	v3 =	vld [tilespmem:$0x90];
	_ =	sdelay $0x4  }
0x6c: {  	v4 =	vshrl.u32 v3, $0x3  }
0x6d: {  	v4 =	vmul.u32 $0x30, v4  }
0x6e: {  	v3 =	vand.u32 $0x7, v3  }
0x6f: {  	v3 =	vor.u32 v3, v4  }
0x70: {  	v4 =	vperm.xlane v3, v0;
	_ =	sdelay $0x1  }
0x71: {  	v4 =	vadd.s32 v1, v4;
	_ =	sdelay $0x3  }
0x72: {  	v3 =	vperm.xlane v3, v2  }
0x73: {  	[tilespmem:s5], [sflag:$0x3] =	stream.indirect_vreg.gather [hbm4b:s1+s3], $0x80, v4, vm0, $0xb8;
	[tilespmem:$0x1E400] =	vst v63  }
0x74: {  	s10 =	simm.s32 $0x9C00;
	v3 =	vadd.s32 v1, v3  }
0x75: {  	[tilespmem:s10], [sflag:$0x3] =	stream.indirect_vreg.gather [hbm4b:s6+s3], $0x80, v4, vm0, $0xb8;
	[tilespmem:$0x1E400] =	vst v63  }
0x76: {  	s12 =	simm.s32 $0xA400  }
0x77: {  	[tilespmem:s12], [sflag:$0x3] =	stream.indirect_vreg.gather [hbm4b:s7+s3], $0x80, v4, vm0, $0xb8;
	[tilespmem:$0x1E400] =	vst v63  }
0x78: {  	_ = 	snop  }
0x79: {  	[tilespmem:s11], [sflag:$0x3] =	stream.indirect_vreg.gather [hbm4b:s1+s3], $0x80, v3, vm0, $0xb8;
	[tilespmem:$0x1E400] =	vst v63  }
0x7a: {  	s13 =	simm.s32 $0xB400  }
0x7b: {  	[tilespmem:s13], [sflag:$0x3] =	stream.indirect_vreg.gather [hbm4b:s6+s3], $0x80, v3, vm0, $0xb8;
	[tilespmem:$0x1E400] =	vst v63  }
0x7c: {  	s15 =	simm.s32 $0xBC00  }
0x7d: {  	[tilespmem:s15], [sflag:$0x3] =	stream.indirect_vreg.gather [hbm4b:s7+s3], $0x80, v3, vm0, $0xb8;
	[tilespmem:$0x1E400] =	vst v63  }
0x7e: {  	_ =	swait.ge [sflag:s14], $0x6000  }
0x7f: {  	[sflag:s14] =	ssyncset.done $0x0  }
0x80: {  	s4 =	simm.s32 $0x1;
	[sflag:s14] =	ssyncadd.s32 $0xFFFFA000  }
0x81: {  	_ =	swait.ge [sflag:s4], $0xC000  }
0x82: {  	[sflag:s4] =	ssyncset.done $0x0  }
0x83: {  	[sflag:s4] =	ssyncadd.s32 $0xFFFF4000  }
0x84: {  	v3 =	vld [tilespmem:$0x100];
	_ =	sdelay $0x4  }
0x85: {  	v4 =	vshrl.u32 v3, $0x3  }
0x86: {  	v4 =	vmul.u32 $0x30, v4  }
0x87: {  	v3 =	vand.u32 $0x7, v3  }
0x88: {  	v3 =	vor.u32 v3, v4  }
0x89: {  	v4 =	vperm.xlane v3, v0;
	_ =	sdelay $0x1  }
0x8a: {  	v4 =	vadd.s32 v1, v4;
	_ =	sdelay $0x3  }
0x8b: {  	v3 =	vperm.xlane v3, v2  }
0x8c: {  	[tilespmem:s17], [sflag:$0x4] =	stream.indirect_vreg.gather [hbm4b:s1+s3], $0x80, v4, vm0, $0xb8;
	[tilespmem:$0x1E400] =	vst v63  }
0x8d: {  	s9 =	simm.s32 $0xCC00;
	v3 =	vadd.s32 v1, v3  }
0x8e: {  	[tilespmem:s9], [sflag:$0x4] =	stream.indirect_vreg.gather [hbm4b:s6+s3], $0x80, v4, vm0, $0xb8;
	[tilespmem:$0x1E400] =	vst v63  }
0x8f: {  	s10 =	simm.s32 $0xD400  }
0x90: {  	[tilespmem:s10], [sflag:$0x4] =	stream.indirect_vreg.gather [hbm4b:s7+s3], $0x80, v4, vm0, $0xb8;
	[tilespmem:$0x1E400] =	vst v63  }
0x91: {  	_ = 	snop  }
0x92: {  	[tilespmem:s18], [sflag:$0x4] =	stream.indirect_vreg.gather [hbm4b:s1+s3], $0x80, v3, vm0, $0xb8;
	[tilespmem:$0x1E400] =	vst v63  }
0x93: {  	s12 =	simm.s32 $0xE400  }
0x94: {  	[tilespmem:s12], [sflag:$0x4] =	stream.indirect_vreg.gather [hbm4b:s6+s3], $0x80, v3, vm0, $0xb8;
	[tilespmem:$0x1E400] =	vst v63  }
0x95: {  	s13 =	simm.s32 $0xEC00  }
0x96: {  	[tilespmem:s13], [sflag:$0x4] =	stream.indirect_vreg.gather [hbm4b:s7+s3], $0x80, v3, vm0, $0xb8;
	[tilespmem:$0x1E400] =	vst v63  }
0x97: {  	v3 =	vld [tilespmem:$0x110];
	_ =	sdelay $0x4  }
0x98: {  	v4 =	vshrl.u32 v3, $0x3  }
0x99: {  	v4 =	vmul.u32 $0x30, v4  }
0x9a: {  	v3 =	vand.u32 $0x7, v3  }
0x9b: {  	v3 =	vor.u32 v3, v4  }
0x9c: {  	v4 =	vperm.xlane v3, v0;
	_ =	sdelay $0x1  }
0x9d: {  	v4 =	vadd.s32 v1, v4;
	_ =	sdelay $0x3  }
0x9e: {  	v3 =	vperm.xlane v3, v2  }
0x9f: {  	[tilespmem:s20], [sflag:$0x4] =	stream.indirect_vreg.gather [hbm4b:s1+s3], $0x80, v4, vm0, $0xb8;
	[tilespmem:$0x1E400] =	vst v63  }
0xa0: {  	s15 =	simm.s32 $0xFC00;
	v3 =	vadd.s32 v1, v3  }
0xa1: {  	[tilespmem:s15], [sflag:$0x4] =	stream.indirect_vreg.gather [hbm4b:s6+s3], $0x80, v4, vm0, $0xb8;
	[tilespmem:$0x1E400] =	vst v63  }
0xa2: {  	s4 =	simm.s32 $0x10400  }
0xa3: {  	[tilespmem:s4], [sflag:$0x4] =	stream.indirect_vreg.gather [hbm4b:s7+s3], $0x80, v4, vm0, $0xb8;
	[tilespmem:$0x1E400] =	vst v63  }
0xa4: {  	_ = 	snop  }
0xa5: {  	[tilespmem:s21], [sflag:$0x4] =	stream.indirect_vreg.gather [hbm4b:s1+s3], $0x80, v3, vm0, $0xb8;
	[tilespmem:$0x1E400] =	vst v63  }
0xa6: {  	s9 =	simm.s32 $0x11400  }
0xa7: {  	[tilespmem:s9], [sflag:$0x4] =	stream.indirect_vreg.gather [hbm4b:s6+s3], $0x80, v3, vm0, $0xb8;
	[tilespmem:$0x1E400] =	vst v63  }
0xa8: {  	s10 =	simm.s32 $0x11C00;
	s12 =	sand.u32 $0x70, s3;
	s13 =	sand.u32 $0x1C00, s3  }
0xa9: {  	[tilespmem:s10], [sflag:$0x4] =	stream.indirect_vreg.gather [hbm4b:s7+s3], $0x80, v3, vm0, $0xb8;
	[tilespmem:$0x1E400] =	vst v63  }
0xaa: {  	s2 =	sor.u32 s12, s13;
	_ =	strace $0x80000048  }
0xab: {  	v3 =	vld [tilespmem:s2+$0x12500]  }
0xac: {  	v4 =	vld [tilespmem:s2+$0x12700]  }
0xad: {  	v5 =	vld [tilespmem:s2+$0x12480]  }
0xae: {  	v6 =	vld [tilespmem:s2+$0x12400]  }
0xaf: {  	v7 =	vld [tilespmem:s2+$0x12600]  }
0xb0: {  	v8 =	vld [tilespmem:s2+$0x12680]  }
0xb1: {  	v9 =	vld [tilespmem:s2+$0x12580]  }
0xb2: {  	[tilespmem:s2+$0x4C80] =	vst.add.f32.msk $0xffff, v5  }
0xb3: {  	[tilespmem:s2+$0x3480] =	vst.add.f32.msk $0xffff, v5  }
0xb4: {  	[tilespmem:s2+$0x1C80] =	vst.add.f32.msk $0xffff, v5  }
0xb5: {  	[tilespmem:s2+$0x4D00] =	vst.add.f32.msk $0xffff, v3  }
0xb6: {  	[tilespmem:s2+$0x1C00] =	vst.add.f32.msk $0xffff, v6  }
0xb7: {  	[tilespmem:s2+$0x3500] =	vst.add.f32.msk $0xffff, v3  }
0xb8: {  	[tilespmem:s2+$0x4F00] =	vst.add.f32.msk $0xffff, v4  }
0xb9: {  	[tilespmem:s2+$0x480] =	vst.add.f32.msk $0xffff, v5  }
0xba: {  	[tilespmem:s2+$0x1D00] =	vst.add.f32.msk $0xffff, v3  }
0xbb: {  	[tilespmem:s2+$0x3700] =	vst.add.f32.msk $0xffff, v4  }
0xbc: {  	[tilespmem:s2+$0x3400] =	vst.add.f32.msk $0xffff, v6  }
0xbd: {  	[tilespmem:s2+$0x4C00] =	vst.add.f32.msk $0xffff, v6  }
0xbe: {  	[tilespmem:s2+$0x400] =	vst.add.f32.msk $0xffff, v6  }
0xbf: {  	[tilespmem:s2+$0x1F00] =	vst.add.f32.msk $0xffff, v4  }
0xc0: {  	[tilespmem:s2+$0x500] =	vst.add.f32.msk $0xffff, v3  }
0xc1: {  	[tilespmem:s2+$0x4E80] =	vst.add.f32.msk $0xffff, v8  }
0xc2: {  	[tilespmem:s2+$0x700] =	vst.add.f32.msk $0xffff, v4  }
0xc3: {  	[tilespmem:s2+$0x4D80] =	vst.add.f32.msk $0xffff, v9  }
0xc4: {  	[tilespmem:s2+$0x3680] =	vst.add.f32.msk $0xffff, v8  }
0xc5: {  	[tilespmem:s2+$0x3580] =	vst.add.f32.msk $0xffff, v9  }
0xc6: {  	[tilespmem:s2+$0x1E80] =	vst.add.f32.msk $0xffff, v8  }
0xc7: {  	[tilespmem:s2+$0x680] =	vst.add.f32.msk $0xffff, v8  }
0xc8: {  	[tilespmem:s2+$0x580] =	vst.add.f32.msk $0xffff, v9  }
0xc9: {  	[tilespmem:s2+$0x4E00] =	vst.add.f32.msk $0xffff, v7  }
0xca: {  	[tilespmem:s2+$0x1D80] =	vst.add.f32.msk $0xffff, v9  }
0xcb: {  	[tilespmem:s2+$0x3600] =	vst.add.f32.msk $0xffff, v7  }
0xcc: {  	s15 =	sor.u32 s3, s3;
	[tilespmem:s2+$0x1E00] =	vst.add.f32.msk $0xffff, v7  }
0xcd: {  	s4 =	sor.u32 $0x380, s15;
	[tilespmem:s2+$0x600] =	vst.add.f32.msk $0xffff, v7  }
0xce: {  	v3 =	vld [tilespmem:s4+$0x12400];
	_ =	sdelay $0x4  }
0xcf: {  	[tilespmem:s4+$0x400] =	vst.add.f32.msk $0xffff, v3  }
0xd0: {  	s9 =	simm.s32 $0x10;
	s4 =	simm.s32 $0x80;
	[tilespmem:s2+$0x3780] =	vst.add.f32.msk $0xffff, v3  }
.LBB2_2:
0xd1: {  	s13 =	sand.u32 $0x70, s9  }
0xd2: {  	s15 =	sand.u32 $0x1C00, s4;
	[tilespmem:s2+$0x1F80] =	vst.add.f32.msk $0xffff, v3;
	s10 =	smov.u32 s9;
	s12 =	sadd.s32 $0x10, s9  }
0xd3: {  	p0 =	sne.s32 s9, $0x2F0;
	[tilespmem:s2+$0x4F80] =	vst.add.f32.msk $0xffff, v3;
	s2 =	sor.u32 s13, s15  }
0xd4: {  	v3 =	vld [tilespmem:s2+$0x12500]  }
0xd5: {  	v4 =	vld [tilespmem:s2+$0x12700]  }
0xd6: {  	v5 =	vld [tilespmem:s2+$0x12480]  }
0xd7: {  	v6 =	vld [tilespmem:s2+$0x12400]  }
0xd8: {  	v7 =	vld [tilespmem:s2+$0x12600]  }
0xd9: {  	v8 =	vld [tilespmem:s2+$0x12680]  }
0xda: {  	v9 =	vld [tilespmem:s2+$0x12580]  }
0xdb: {  	[tilespmem:s2+$0x4C80] =	vst.add.f32.msk $0xffff, v5  }
0xdc: {  	[tilespmem:s2+$0x3480] =	vst.add.f32.msk $0xffff, v5  }
0xdd: {  	[tilespmem:s2+$0x1C80] =	vst.add.f32.msk $0xffff, v5  }
0xde: {  	[tilespmem:s2+$0x4D00] =	vst.add.f32.msk $0xffff, v3  }
0xdf: {  	[tilespmem:s2+$0x1C00] =	vst.add.f32.msk $0xffff, v6  }
0xe0: {  	[tilespmem:s2+$0x3500] =	vst.add.f32.msk $0xffff, v3  }
0xe1: {  	[tilespmem:s2+$0x4F00] =	vst.add.f32.msk $0xffff, v4  }
0xe2: {  	[tilespmem:s2+$0x480] =	vst.add.f32.msk $0xffff, v5  }
0xe3: {  	[tilespmem:s2+$0x1D00] =	vst.add.f32.msk $0xffff, v3  }
0xe4: {  	[tilespmem:s2+$0x3700] =	vst.add.f32.msk $0xffff, v4  }
0xe5: {  	[tilespmem:s2+$0x3400] =	vst.add.f32.msk $0xffff, v6  }
0xe6: {  	[tilespmem:s2+$0x4C00] =	vst.add.f32.msk $0xffff, v6  }
0xe7: {  	[tilespmem:s2+$0x400] =	vst.add.f32.msk $0xffff, v6  }
0xe8: {  	[tilespmem:s2+$0x1F00] =	vst.add.f32.msk $0xffff, v4  }
0xe9: {  	[tilespmem:s2+$0x500] =	vst.add.f32.msk $0xffff, v3  }
0xea: {  	[tilespmem:s2+$0x4E80] =	vst.add.f32.msk $0xffff, v8  }
0xeb: {  	[tilespmem:s2+$0x700] =	vst.add.f32.msk $0xffff, v4  }
0xec: {  	[tilespmem:s2+$0x4D80] =	vst.add.f32.msk $0xffff, v9  }
0xed: {  	[tilespmem:s2+$0x3680] =	vst.add.f32.msk $0xffff, v8  }
0xee: {  	[tilespmem:s2+$0x3580] =	vst.add.f32.msk $0xffff, v9  }
0xef: {  	[tilespmem:s2+$0x1E80] =	vst.add.f32.msk $0xffff, v8  }
0xf0: {  	[tilespmem:s2+$0x680] =	vst.add.f32.msk $0xffff, v8  }
0xf1: {  	[tilespmem:s2+$0x580] =	vst.add.f32.msk $0xffff, v9  }
0xf2: {  	[tilespmem:s2+$0x4E00] =	vst.add.f32.msk $0xffff, v7  }
0xf3: {  	[tilespmem:s2+$0x1D80] =	vst.add.f32.msk $0xffff, v9  }
0xf4: {  	[tilespmem:s2+$0x3600] =	vst.add.f32.msk $0xffff, v7  }
0xf5: {  	s9 =	sor.u32 s4, s10;
	[tilespmem:s2+$0x1E00] =	vst.add.f32.msk $0xffff, v7  }
0xf6: {  	s9 =	sor.u32 $0x380, s9;
	[tilespmem:s2+$0x600] =	vst.add.f32.msk $0xffff, v7  }
0xf7: {  	v3 =	vld [tilespmem:s9+$0x12400];
	_ =	sdelay $0x1  }
.Ltmp0:
0xf8: {  	(pc) =	sbr.rel @p0 .LBB2_2-.Ltmp0, $3  }
0xf9: {  	_ =	sdelay $0x1  }
0xfa: {  	[tilespmem:s9+$0x400] =	vst.add.f32.msk $0xffff, v3  }
0xfb: {  	s4 =	sadd.s32 $0x80, s4;
	s9 =	smov.u32 s12;
	[tilespmem:s2+$0x3780] =	vst.add.f32.msk $0xffff, v3  }
0xfc: {  	[tilespmem:s2+$0x1F80] =	vst.add.f32.msk $0xffff, v3  }
0xfd: {  	[tilespmem:s2+$0x4F80] =	vst.add.f32.msk $0xffff, v3  }
0xfe: {  	s2 =	simm.s32 $0x0;
	_ =	strace $0x90000048  }
0xff: {  	[hbm4b:s8+s2] =	stream.linear.scatter [tilespmem:s16], [sflag:$0x5], $0x1800, $0x38;
	[tilespmem:$0x1E400] =	vst v63  }
0x100: {  	s4 =	rddreg [dreg:$0x7]  }
0x101: {  	[hbm4b:s4+s2] =	stream.linear.scatter [tilespmem:s19], [sflag:$0x5], $0x1800, $0x38;
	[tilespmem:$0x1E400] =	vst v63  }
0x102: {  	s15 =	rddreg [dreg:$0x8]  }
0x103: {  	[hbm4b:s15+s2] =	stream.linear.scatter [tilespmem:s22], [sflag:$0x5], $0x1800, $0x38;
	[tilespmem:$0x1E400] =	vst v63  }
0x104: {  	s9 =	rddreg [dreg:$0x9]  }
0x105: {  	[hbm4b:s9+s2] =	stream.linear.scatter [tilespmem:s25], [sflag:$0x5], $0x1800, $0x38;
	[tilespmem:$0x1E400] =	vst v63  }
0x106: {  	_ =	swait.ge [sflag:s23], $0x1800  }
0x107: {  	[sflag:s23] =	ssyncset.done $0x0  }
0x108: {  	[sflag:s23] =	ssyncadd.s32 $0xFFFFE800  }
0x109: {  	_ =	swait.ge [sflag:s23], $0x1800  }
0x10a: {  	[sflag:s23] =	ssyncset.done $0x0  }
0x10b: {  	[sflag:s23] =	ssyncadd.s32 $0xFFFFE800  }
0x10c: {  	_ =	swait.ge [sflag:s23], $0x1800  }
0x10d: {  	[sflag:s23] =	ssyncset.done $0x0  }
0x10e: {  	[sflag:s23] =	ssyncadd.s32 $0xFFFFE800  }
0x10f: {  	_ =	swait.ge [sflag:s23], $0x1800  }
0x110: {  	[sflag:s23] =	ssyncset.done $0x0  }
0x111: {  	[sflag:s23] =	ssyncadd.s32 $0xFFFFE800  }
0x112: {  	v3 =	vld [tilespmem:$0x180];
	_ =	sdelay $0x4  }
0x113: {  	v4 =	vshrl.u32 v3, $0x3  }
0x114: {  	v4 =	vmul.u32 $0x30, v4  }
0x115: {  	v3 =	vand.u32 $0x7, v3  }
0x116: {  	v3 =	vor.u32 v3, v4  }
0x117: {  	v4 =	vperm.xlane v3, v0;
	_ =	sdelay $0x1  }
0x118: {  	v4 =	vadd.s32 v1, v4;
	_ =	sdelay $0x3  }
0x119: {  	v3 =	vperm.xlane v3, v2  }
0x11a: {  	[tilespmem:s16], [sflag:$0x2] =	stream.indirect_vreg.gather [hbm4b:s1+s2], $0x80, v4, vm0, $0xb8;
	[tilespmem:$0x1E400] =	vst v63  }
0x11b: {  	s10 =	simm.s32 $0xC00;
	v3 =	vadd.s32 v1, v3  }
0x11c: {  	[tilespmem:s10], [sflag:$0x2] =	stream.indirect_vreg.gather [hbm4b:s6+s2], $0x80, v4, vm0, $0xb8;
	[tilespmem:$0x1E400] =	vst v63  }
0x11d: {  	s12 =	simm.s32 $0x1400  }
0x11e: {  	[tilespmem:s12], [sflag:$0x2] =	stream.indirect_vreg.gather [hbm4b:s7+s2], $0x80, v4, vm0, $0xb8;
	[tilespmem:$0x1E400] =	vst v63  }
0x11f: {  	_ = 	snop  }
0x120: {  	[tilespmem:s19], [sflag:$0x2] =	stream.indirect_vreg.gather [hbm4b:s1+s2], $0x80, v3, vm0, $0xb8;
	[tilespmem:$0x1E400] =	vst v63  }
0x121: {  	s13 =	simm.s32 $0x2400  }
0x122: {  	[tilespmem:s13], [sflag:$0x2] =	stream.indirect_vreg.gather [hbm4b:s6+s2], $0x80, v3, vm0, $0xb8;
	[tilespmem:$0x1E400] =	vst v63  }
0x123: {  	s15 =	simm.s32 $0x2C00  }
0x124: {  	[tilespmem:s15], [sflag:$0x2] =	stream.indirect_vreg.gather [hbm4b:s7+s2], $0x80, v3, vm0, $0xb8;
	[tilespmem:$0x1E400] =	vst v63  }
0x125: {  	v3 =	vld [tilespmem:$0x190];
	_ =	sdelay $0x4  }
0x126: {  	v4 =	vshrl.u32 v3, $0x3  }
0x127: {  	v4 =	vmul.u32 $0x30, v4  }
0x128: {  	v3 =	vand.u32 $0x7, v3  }
0x129: {  	v3 =	vor.u32 v3, v4  }
0x12a: {  	v4 =	vperm.xlane v3, v0;
	_ =	sdelay $0x1  }
0x12b: {  	v4 =	vadd.s32 v1, v4;
	_ =	sdelay $0x3  }
0x12c: {  	v3 =	vperm.xlane v3, v2  }
0x12d: {  	[tilespmem:s22], [sflag:$0x2] =	stream.indirect_vreg.gather [hbm4b:s1+s2], $0x80, v4, vm0, $0xb8;
	[tilespmem:$0x1E400] =	vst v63  }
0x12e: {  	s9 =	simm.s32 $0x3C00;
	v3 =	vadd.s32 v1, v3  }
0x12f: {  	[tilespmem:s9], [sflag:$0x2] =	stream.indirect_vreg.gather [hbm4b:s6+s2], $0x80, v4, vm0, $0xb8;
	[tilespmem:$0x1E400] =	vst v63  }
0x130: {  	s10 =	simm.s32 $0x4400  }
0x131: {  	[tilespmem:s10], [sflag:$0x2] =	stream.indirect_vreg.gather [hbm4b:s7+s2], $0x80, v4, vm0, $0xb8;
	[tilespmem:$0x1E400] =	vst v63  }
0x132: {  	_ = 	snop  }
0x133: {  	[tilespmem:s25], [sflag:$0x2] =	stream.indirect_vreg.gather [hbm4b:s1+s2], $0x80, v3, vm0, $0xb8;
	[tilespmem:$0x1E400] =	vst v63  }
0x134: {  	s12 =	simm.s32 $0x5400  }
0x135: {  	[tilespmem:s12], [sflag:$0x2] =	stream.indirect_vreg.gather [hbm4b:s6+s2], $0x80, v3, vm0, $0xb8;
	[tilespmem:$0x1E400] =	vst v63  }
0x136: {  	s13 =	simm.s32 $0x5C00  }
0x137: {  	[tilespmem:s13], [sflag:$0x2] =	stream.indirect_vreg.gather [hbm4b:s7+s2], $0x80, v3, vm0, $0xb8;
	[tilespmem:$0x1E400] =	vst v63  }
0x138: {  	_ =	strace $0x80000049  }
0x139: {  	_ =	swait.ge [sflag:s24], $0x6000  }
0x13a: {  	[sflag:s24] =	ssyncset.done $0x0  }
0x13b: {  	[sflag:s24] =	ssyncadd.s32 $0xFFFFA000  }
0x13c: {  	s15 =	sand.u32 $0x70, s2;
	s2 =	sand.u32 $0x1C00, s2;
	_ =	strace $0x90000049  }
0x13d: {  	s2 =	sor.u32 s15, s2;
	_ =	strace $0x8000004A  }
0x13e: {  	v3 =	vld [tilespmem:s2+$0x13F80]  }
0x13f: {  	v4 =	vld [tilespmem:s2+$0x13C00]  }
0x140: {  	v5 =	vld [tilespmem:s2+$0x13C80]  }
0x141: {  	v6 =	vld [tilespmem:s2+$0x13D00]  }
0x142: {  	v7 =	vld [tilespmem:s2+$0x13D80]  }
0x143: {  	v8 =	vld [tilespmem:s2+$0x13E00]  }
0x144: {  	v9 =	vld [tilespmem:s2+$0x13E80]  }
0x145: {  	v10 =	vld [tilespmem:s2+$0x13F00]  }
0x146: {  	[tilespmem:s2+$0xAF80] =	vst.add.f32.msk $0xffff, v3  }
0x147: {  	[tilespmem:s2+$0x6400] =	vst.add.f32.msk $0xffff, v4  }
0x148: {  	[tilespmem:s2+$0x7C00] =	vst.add.f32.msk $0xffff, v4  }
0x149: {  	[tilespmem:s2+$0x9400] =	vst.add.f32.msk $0xffff, v4  }
0x14a: {  	[tilespmem:s2+$0xAC00] =	vst.add.f32.msk $0xffff, v4  }
0x14b: {  	[tilespmem:s2+$0x6480] =	vst.add.f32.msk $0xffff, v5  }
0x14c: {  	[tilespmem:s2+$0x7C80] =	vst.add.f32.msk $0xffff, v5  }
0x14d: {  	[tilespmem:s2+$0x9480] =	vst.add.f32.msk $0xffff, v5  }
0x14e: {  	[tilespmem:s2+$0xAC80] =	vst.add.f32.msk $0xffff, v5  }
0x14f: {  	[tilespmem:s2+$0x6500] =	vst.add.f32.msk $0xffff, v6  }
0x150: {  	[tilespmem:s2+$0x7D00] =	vst.add.f32.msk $0xffff, v6  }
0x151: {  	[tilespmem:s2+$0x9500] =	vst.add.f32.msk $0xffff, v6  }
0x152: {  	[tilespmem:s2+$0xAD00] =	vst.add.f32.msk $0xffff, v6  }
0x153: {  	[tilespmem:s2+$0x6580] =	vst.add.f32.msk $0xffff, v7  }
0x154: {  	[tilespmem:s2+$0x7D80] =	vst.add.f32.msk $0xffff, v7  }
0x155: {  	[tilespmem:s2+$0x9580] =	vst.add.f32.msk $0xffff, v7  }
0x156: {  	[tilespmem:s2+$0xAD80] =	vst.add.f32.msk $0xffff, v7  }
0x157: {  	[tilespmem:s2+$0x6600] =	vst.add.f32.msk $0xffff, v8  }
0x158: {  	[tilespmem:s2+$0x7E00] =	vst.add.f32.msk $0xffff, v8  }
0x159: {  	[tilespmem:s2+$0x9600] =	vst.add.f32.msk $0xffff, v8  }
0x15a: {  	[tilespmem:s2+$0xAE00] =	vst.add.f32.msk $0xffff, v8  }
0x15b: {  	[tilespmem:s2+$0x6680] =	vst.add.f32.msk $0xffff, v9  }
0x15c: {  	[tilespmem:s2+$0x7E80] =	vst.add.f32.msk $0xffff, v9  }
0x15d: {  	[tilespmem:s2+$0x9680] =	vst.add.f32.msk $0xffff, v9  }
0x15e: {  	[tilespmem:s2+$0xAE80] =	vst.add.f32.msk $0xffff, v9  }
0x15f: {  	[tilespmem:s2+$0x6700] =	vst.add.f32.msk $0xffff, v10  }
0x160: {  	[tilespmem:s2+$0x7F00] =	vst.add.f32.msk $0xffff, v10  }
0x161: {  	[tilespmem:s2+$0x9700] =	vst.add.f32.msk $0xffff, v10  }
0x162: {  	[tilespmem:s2+$0xAF00] =	vst.add.f32.msk $0xffff, v10  }
0x163: {  	s4 =	simm.s32 $0x80;
	s9 =	simm.s32 $0x10;
	[tilespmem:s2+$0x6780] =	vst.add.f32.msk $0xffff, v3  }
0x164: {  	s10 =	sand.u32 $0x70, s9;
	s9 =	simm.s32 $0x20;
	s12 =	sand.u32 $0x1C00, s4;
	[tilespmem:s2+$0x7F80] =	vst.add.f32.msk $0xffff, v3  }
.LBB2_4:
0x165: {  	p0 =	sne.s32 s9, $0x2F0;
	[tilespmem:s2+$0x9780] =	vst.add.f32.msk $0xffff, v3;
	s2 =	sor.u32 s10, s12  }
0x166: {  	v3 =	vld [tilespmem:s2+$0x13F80]  }
0x167: {  	v4 =	vld [tilespmem:s2+$0x13C00]  }
0x168: {  	v5 =	vld [tilespmem:s2+$0x13C80]  }
0x169: {  	v6 =	vld [tilespmem:s2+$0x13D00]  }
0x16a: {  	v7 =	vld [tilespmem:s2+$0x13D80]  }
0x16b: {  	[tilespmem:s2+$0xAF80] =	vst.add.f32.msk $0xffff, v3  }
0x16c: {  	v8 =	vld [tilespmem:s2+$0x13E00]  }
0x16d: {  	v9 =	vld [tilespmem:s2+$0x13E80]  }
0x16e: {  	v10 =	vld [tilespmem:s2+$0x13F00]  }
0x16f: {  	[tilespmem:s2+$0x6400] =	vst.add.f32.msk $0xffff, v4  }
0x170: {  	[tilespmem:s2+$0x7C00] =	vst.add.f32.msk $0xffff, v4  }
0x171: {  	[tilespmem:s2+$0x9400] =	vst.add.f32.msk $0xffff, v4  }
0x172: {  	[tilespmem:s2+$0xAC00] =	vst.add.f32.msk $0xffff, v4  }
0x173: {  	[tilespmem:s2+$0x6480] =	vst.add.f32.msk $0xffff, v5  }
0x174: {  	[tilespmem:s2+$0x7C80] =	vst.add.f32.msk $0xffff, v5  }
0x175: {  	[tilespmem:s2+$0x9480] =	vst.add.f32.msk $0xffff, v5  }
0x176: {  	[tilespmem:s2+$0xAC80] =	vst.add.f32.msk $0xffff, v5  }
0x177: {  	[tilespmem:s2+$0x6500] =	vst.add.f32.msk $0xffff, v6  }
0x178: {  	[tilespmem:s2+$0x7D00] =	vst.add.f32.msk $0xffff, v6  }
0x179: {  	[tilespmem:s2+$0x9500] =	vst.add.f32.msk $0xffff, v6  }
0x17a: {  	[tilespmem:s2+$0xAD00] =	vst.add.f32.msk $0xffff, v6  }
0x17b: {  	[tilespmem:s2+$0x6580] =	vst.add.f32.msk $0xffff, v7  }
0x17c: {  	[tilespmem:s2+$0x7D80] =	vst.add.f32.msk $0xffff, v7  }
0x17d: {  	[tilespmem:s2+$0x9580] =	vst.add.f32.msk $0xffff, v7  }
0x17e: {  	[tilespmem:s2+$0xAD80] =	vst.add.f32.msk $0xffff, v7  }
0x17f: {  	[tilespmem:s2+$0x6600] =	vst.add.f32.msk $0xffff, v8  }
0x180: {  	[tilespmem:s2+$0x7E00] =	vst.add.f32.msk $0xffff, v8  }
0x181: {  	[tilespmem:s2+$0x9600] =	vst.add.f32.msk $0xffff, v8  }
0x182: {  	[tilespmem:s2+$0xAE00] =	vst.add.f32.msk $0xffff, v8  }
0x183: {  	[tilespmem:s2+$0x6680] =	vst.add.f32.msk $0xffff, v9  }
0x184: {  	[tilespmem:s2+$0x7E80] =	vst.add.f32.msk $0xffff, v9  }
0x185: {  	[tilespmem:s2+$0x9680] =	vst.add.f32.msk $0xffff, v9  }
0x186: {  	[tilespmem:s2+$0xAE80] =	vst.add.f32.msk $0xffff, v9  }
0x187: {  	[tilespmem:s2+$0x6700] =	vst.add.f32.msk $0xffff, v10  }
.Ltmp1:
0x188: {  	[tilespmem:s2+$0x7F00] =	vst.add.f32.msk $0xffff, v10;
	(pc) =	sbr.rel @p0 .LBB2_4-.Ltmp1, $4  }
0x189: {  	[tilespmem:s2+$0x9700] =	vst.add.f32.msk $0xffff, v10  }
0x18a: {  	[tilespmem:s2+$0xAF00] =	vst.add.f32.msk $0xffff, v10  }
0x18b: {  	s4 =	sadd.s32 $0x80, s4;
	[tilespmem:s2+$0x6780] =	vst.add.f32.msk $0xffff, v3  }
0x18c: {  	s10 =	sand.u32 $0x70, s9;
	s9 =	sadd.s32 $0x10, s9;
	s12 =	sand.u32 $0x1C00, s4;
	[tilespmem:s2+$0x7F80] =	vst.add.f32.msk $0xffff, v3  }
0x18d: {  	s4 =	sor.u32 s10, s12;
	[tilespmem:s2+$0x9780] =	vst.add.f32.msk $0xffff, v3  }
0x18e: {  	v3 =	vld [tilespmem:s4+$0x13F80]  }
0x18f: {  	v4 =	vld [tilespmem:s4+$0x13C00]  }
0x190: {  	v5 =	vld [tilespmem:s4+$0x13C80]  }
0x191: {  	v6 =	vld [tilespmem:s4+$0x13D00]  }
0x192: {  	v7 =	vld [tilespmem:s4+$0x13D80]  }
0x193: {  	v8 =	vld [tilespmem:s4+$0x13E00]  }
0x194: {  	v9 =	vld [tilespmem:s4+$0x13E80]  }
0x195: {  	v10 =	vld [tilespmem:s4+$0x13F00]  }
0x196: {  	[tilespmem:s4+$0xAF80] =	vst.add.f32.msk $0xffff, v3  }
0x197: {  	[tilespmem:s4+$0x6400] =	vst.add.f32.msk $0xffff, v4  }
0x198: {  	[tilespmem:s4+$0x7C00] =	vst.add.f32.msk $0xffff, v4  }
0x199: {  	[tilespmem:s4+$0x9400] =	vst.add.f32.msk $0xffff, v4  }
0x19a: {  	[tilespmem:s4+$0xAC00] =	vst.add.f32.msk $0xffff, v4  }
0x19b: {  	[tilespmem:s4+$0x6480] =	vst.add.f32.msk $0xffff, v5  }
0x19c: {  	[tilespmem:s4+$0x7C80] =	vst.add.f32.msk $0xffff, v5  }
0x19d: {  	[tilespmem:s4+$0x9480] =	vst.add.f32.msk $0xffff, v5  }
0x19e: {  	[tilespmem:s4+$0xAC80] =	vst.add.f32.msk $0xffff, v5  }
0x19f: {  	[tilespmem:s4+$0x6500] =	vst.add.f32.msk $0xffff, v6  }
0x1a0: {  	[tilespmem:s4+$0x7D00] =	vst.add.f32.msk $0xffff, v6  }
0x1a1: {  	[tilespmem:s4+$0x9500] =	vst.add.f32.msk $0xffff, v6  }
0x1a2: {  	[tilespmem:s4+$0xAD00] =	vst.add.f32.msk $0xffff, v6  }
0x1a3: {  	[tilespmem:s4+$0x6580] =	vst.add.f32.msk $0xffff, v7  }
0x1a4: {  	[tilespmem:s4+$0x7D80] =	vst.add.f32.msk $0xffff, v7  }
0x1a5: {  	[tilespmem:s4+$0x9580] =	vst.add.f32.msk $0xffff, v7  }
0x1a6: {  	[tilespmem:s4+$0xAD80] =	vst.add.f32.msk $0xffff, v7  }
0x1a7: {  	[tilespmem:s4+$0x6600] =	vst.add.f32.msk $0xffff, v8  }
0x1a8: {  	[tilespmem:s4+$0x7E00] =	vst.add.f32.msk $0xffff, v8  }
0x1a9: {  	[tilespmem:s4+$0x9600] =	vst.add.f32.msk $0xffff, v8  }
0x1aa: {  	[tilespmem:s4+$0xAE00] =	vst.add.f32.msk $0xffff, v8  }
0x1ab: {  	[tilespmem:s4+$0x6680] =	vst.add.f32.msk $0xffff, v9  }
0x1ac: {  	[tilespmem:s4+$0x7E80] =	vst.add.f32.msk $0xffff, v9  }
0x1ad: {  	[tilespmem:s4+$0x9680] =	vst.add.f32.msk $0xffff, v9  }
0x1ae: {  	[tilespmem:s4+$0xAE80] =	vst.add.f32.msk $0xffff, v9  }
0x1af: {  	[tilespmem:s4+$0x6700] =	vst.add.f32.msk $0xffff, v10  }
0x1b0: {  	[tilespmem:s4+$0x7F00] =	vst.add.f32.msk $0xffff, v10  }
0x1b1: {  	[tilespmem:s4+$0x9700] =	vst.add.f32.msk $0xffff, v10  }
0x1b2: {  	[tilespmem:s4+$0xAF00] =	vst.add.f32.msk $0xffff, v10  }
0x1b3: {  	[tilespmem:s4+$0x6780] =	vst.add.f32.msk $0xffff, v3  }
0x1b4: {  	[tilespmem:s4+$0x7F80] =	vst.add.f32.msk $0xffff, v3  }
0x1b5: {  	[tilespmem:s4+$0x9780] =	vst.add.f32.msk $0xffff, v3  }
0x1b6: {  	_ =	strace $0x9000004A  }
0x1b7: {  	s2 =	simm.s32 $0x0;
	s12 =	rddreg [dreg:$0xa]  }
0x1b8: {  	[hbm4b:s12+s2] =	stream.linear.scatter [tilespmem:s29], [sflag:$0x6], $0x1800, $0x38;
	[tilespmem:$0x1E400] =	vst v63  }
0x1b9: {  	s13 =	rddreg [dreg:$0xb]  }
0x1ba: {  	[hbm4b:s13+s2] =	stream.linear.scatter [tilespmem:s0], [sflag:$0x6], $0x1800, $0x38;
	[tilespmem:$0x1E400] =	vst v63  }
0x1bb: {  	s15 =	rddreg [dreg:$0xc]  }
0x1bc: {  	[hbm4b:s15+s2] =	stream.linear.scatter [tilespmem:s5], [sflag:$0x6], $0x1800, $0x38;
	[tilespmem:$0x1E400] =	vst v63  }
0x1bd: {  	s9 =	rddreg [dreg:$0xd]  }
0x1be: {  	[hbm4b:s9+s2] =	stream.linear.scatter [tilespmem:s11], [sflag:$0x6], $0x1800, $0x38;
	[tilespmem:$0x1E400] =	vst v63  }
0x1bf: {  	_ =	swait.ge [sflag:s26], $0x1800  }
0x1c0: {  	[sflag:s26] =	ssyncset.done $0x0  }
0x1c1: {  	[sflag:s26] =	ssyncadd.s32 $0xFFFFE800  }
0x1c2: {  	_ =	swait.ge [sflag:s26], $0x1800  }
0x1c3: {  	[sflag:s26] =	ssyncset.done $0x0  }
0x1c4: {  	[sflag:s26] =	ssyncadd.s32 $0xFFFFE800  }
0x1c5: {  	_ =	swait.ge [sflag:s26], $0x1800  }
0x1c6: {  	[sflag:s26] =	ssyncset.done $0x0  }
0x1c7: {  	[sflag:s26] =	ssyncadd.s32 $0xFFFFE800  }
0x1c8: {  	_ =	swait.ge [sflag:s26], $0x1800  }
0x1c9: {  	[sflag:s26] =	ssyncset.done $0x0  }
0x1ca: {  	[sflag:s26] =	ssyncadd.s32 $0xFFFFE800  }
0x1cb: {  	v3 =	vld [tilespmem:$0x200];
	_ =	sdelay $0x4  }
0x1cc: {  	v4 =	vshrl.u32 v3, $0x3  }
0x1cd: {  	v4 =	vmul.u32 $0x30, v4  }
0x1ce: {  	v3 =	vand.u32 $0x7, v3  }
0x1cf: {  	v3 =	vor.u32 v3, v4  }
0x1d0: {  	v4 =	vperm.xlane v3, v0;
	_ =	sdelay $0x1  }
0x1d1: {  	v4 =	vadd.s32 v1, v4;
	_ =	sdelay $0x3  }
0x1d2: {  	v3 =	vperm.xlane v3, v2  }
0x1d3: {  	[tilespmem:s29], [sflag:$0x3] =	stream.indirect_vreg.gather [hbm4b:s1+s2], $0x80, v4, vm0, $0xb8;
	[tilespmem:$0x1E400] =	vst v63  }
0x1d4: {  	s10 =	simm.s32 $0x6C00;
	v3 =	vadd.s32 v1, v3  }
0x1d5: {  	[tilespmem:s10], [sflag:$0x3] =	stream.indirect_vreg.gather [hbm4b:s6+s2], $0x80, v4, vm0, $0xb8;
	[tilespmem:$0x1E400] =	vst v63  }
0x1d6: {  	s12 =	simm.s32 $0x7400  }
0x1d7: {  	[tilespmem:s12], [sflag:$0x3] =	stream.indirect_vreg.gather [hbm4b:s7+s2], $0x80, v4, vm0, $0xb8;
	[tilespmem:$0x1E400] =	vst v63  }
0x1d8: {  	_ = 	snop  }
0x1d9: {  	[tilespmem:s0], [sflag:$0x3] =	stream.indirect_vreg.gather [hbm4b:s1+s2], $0x80, v3, vm0, $0xb8;
	[tilespmem:$0x1E400] =	vst v63  }
0x1da: {  	s13 =	simm.s32 $0x8400  }
0x1db: {  	[tilespmem:s13], [sflag:$0x3] =	stream.indirect_vreg.gather [hbm4b:s6+s2], $0x80, v3, vm0, $0xb8;
	[tilespmem:$0x1E400] =	vst v63  }
0x1dc: {  	s15 =	simm.s32 $0x8C00  }
0x1dd: {  	[tilespmem:s15], [sflag:$0x3] =	stream.indirect_vreg.gather [hbm4b:s7+s2], $0x80, v3, vm0, $0xb8;
	[tilespmem:$0x1E400] =	vst v63  }
0x1de: {  	v3 =	vld [tilespmem:$0x210];
	_ =	sdelay $0x4  }
0x1df: {  	v4 =	vshrl.u32 v3, $0x3  }
0x1e0: {  	v4 =	vmul.u32 $0x30, v4  }
0x1e1: {  	v3 =	vand.u32 $0x7, v3  }
0x1e2: {  	v3 =	vor.u32 v3, v4  }
0x1e3: {  	v4 =	vperm.xlane v3, v0;
	_ =	sdelay $0x1  }
0x1e4: {  	v4 =	vadd.s32 v1, v4;
	_ =	sdelay $0x3  }
0x1e5: {  	v3 =	vperm.xlane v3, v2  }
0x1e6: {  	[tilespmem:s5], [sflag:$0x3] =	stream.indirect_vreg.gather [hbm4b:s1+s2], $0x80, v4, vm0, $0xb8;
	[tilespmem:$0x1E400] =	vst v63  }
0x1e7: {  	s9 =	simm.s32 $0x9C00;
	v3 =	vadd.s32 v1, v3  }
0x1e8: {  	[tilespmem:s9], [sflag:$0x3] =	stream.indirect_vreg.gather [hbm4b:s6+s2], $0x80, v4, vm0, $0xb8;
	[tilespmem:$0x1E400] =	vst v63  }
0x1e9: {  	s10 =	simm.s32 $0xA400  }
0x1ea: {  	[tilespmem:s10], [sflag:$0x3] =	stream.indirect_vreg.gather [hbm4b:s7+s2], $0x80, v4, vm0, $0xb8;
	[tilespmem:$0x1E400] =	vst v63  }
0x1eb: {  	_ = 	snop  }
0x1ec: {  	[tilespmem:s11], [sflag:$0x3] =	stream.indirect_vreg.gather [hbm4b:s1+s2], $0x80, v3, vm0, $0xb8;
	[tilespmem:$0x1E400] =	vst v63  }
0x1ed: {  	s12 =	simm.s32 $0xB400  }
0x1ee: {  	[tilespmem:s12], [sflag:$0x3] =	stream.indirect_vreg.gather [hbm4b:s6+s2], $0x80, v3, vm0, $0xb8;
	[tilespmem:$0x1E400] =	vst v63  }
0x1ef: {  	s13 =	simm.s32 $0xBC00  }
0x1f0: {  	[tilespmem:s13], [sflag:$0x3] =	stream.indirect_vreg.gather [hbm4b:s7+s2], $0x80, v3, vm0, $0xb8;
	[tilespmem:$0x1E400] =	vst v63  }
0x1f1: {  	_ =	strace $0x8000004B  }
0x1f2: {  	_ =	swait.ge [sflag:s28], $0x6000  }
0x1f3: {  	[sflag:s28] =	ssyncset.done $0x0  }
0x1f4: {  	[sflag:s28] =	ssyncadd.s32 $0xFFFFA000  }
0x1f5: {  	s15 =	sand.u32 $0x70, s2;
	s2 =	sand.u32 $0x1C00, s2;
	_ =	strace $0x9000004B  }
0x1f6: {  	s2 =	sor.u32 s15, s2;
	_ =	strace $0x8000004C  }
0x1f7: {  	v3 =	vld [tilespmem:s2+$0x15780]  }
0x1f8: {  	v4 =	vld [tilespmem:s2+$0x15400]  }
0x1f9: {  	v5 =	vld [tilespmem:s2+$0x15480]  }
0x1fa: {  	v59 =	vld [tilespmem:s2+$0x15500]  }
0x1fb: {  	v60 =	vld [tilespmem:s2+$0x15580]  }
0x1fc: {  	v61 =	vld [tilespmem:s2+$0x15600]  }
0x1fd: {  	v62 =	vld [tilespmem:s2+$0x15680]  }
0x1fe: {  	v63 =	vld [tilespmem:s2+$0x15700]  }
0x1ff: {  	[tilespmem:s2+$0x10F80] =	vst.add.f32.msk $0xffff, v3  }
0x200: {  	[tilespmem:s2+$0xC400] =	vst.add.f32.msk $0xffff, v4  }
0x201: {  	[tilespmem:s2+$0xDC00] =	vst.add.f32.msk $0xffff, v4  }
0x202: {  	[tilespmem:s2+$0xF400] =	vst.add.f32.msk $0xffff, v4  }
0x203: {  	[tilespmem:s2+$0x10C00] =	vst.add.f32.msk $0xffff, v4  }
0x204: {  	[tilespmem:s2+$0xC480] =	vst.add.f32.msk $0xffff, v5  }
0x205: {  	[tilespmem:s2+$0xDC80] =	vst.add.f32.msk $0xffff, v5  }
0x206: {  	[tilespmem:s2+$0xF480] =	vst.add.f32.msk $0xffff, v5  }
0x207: {  	[tilespmem:s2+$0x10C80] =	vst.add.f32.msk $0xffff, v5  }
0x208: {  	[tilespmem:s2+$0xC500] =	vst.add.f32.msk $0xffff, v59  }
0x209: {  	[tilespmem:s2+$0xDD00] =	vst.add.f32.msk $0xffff, v59  }
0x20a: {  	[tilespmem:s2+$0xF500] =	vst.add.f32.msk $0xffff, v59  }
0x20b: {  	[tilespmem:s2+$0x10D00] =	vst.add.f32.msk $0xffff, v59  }
0x20c: {  	[tilespmem:s2+$0xC580] =	vst.add.f32.msk $0xffff, v60  }
0x20d: {  	[tilespmem:s2+$0xDD80] =	vst.add.f32.msk $0xffff, v60  }
0x20e: {  	[tilespmem:s2+$0xF580] =	vst.add.f32.msk $0xffff, v60  }
0x20f: {  	[tilespmem:s2+$0x10D80] =	vst.add.f32.msk $0xffff, v60  }
0x210: {  	[tilespmem:s2+$0xC600] =	vst.add.f32.msk $0xffff, v61  }
0x211: {  	[tilespmem:s2+$0xDE00] =	vst.add.f32.msk $0xffff, v61  }
0x212: {  	[tilespmem:s2+$0xF600] =	vst.add.f32.msk $0xffff, v61  }
0x213: {  	[tilespmem:s2+$0x10E00] =	vst.add.f32.msk $0xffff, v61  }
0x214: {  	[tilespmem:s2+$0xC680] =	vst.add.f32.msk $0xffff, v62  }
0x215: {  	[tilespmem:s2+$0xDE80] =	vst.add.f32.msk $0xffff, v62  }
0x216: {  	[tilespmem:s2+$0xF680] =	vst.add.f32.msk $0xffff, v62  }
0x217: {  	[tilespmem:s2+$0x10E80] =	vst.add.f32.msk $0xffff, v62  }
0x218: {  	[tilespmem:s2+$0xC700] =	vst.add.f32.msk $0xffff, v63  }
0x219: {  	[tilespmem:s2+$0xDF00] =	vst.add.f32.msk $0xffff, v63  }
0x21a: {  	[tilespmem:s2+$0xF700] =	vst.add.f32.msk $0xffff, v63  }
0x21b: {  	[tilespmem:s2+$0x10F00] =	vst.add.f32.msk $0xffff, v63  }
0x21c: {  	s4 =	simm.s32 $0x80;
	s9 =	simm.s32 $0x10;
	[tilespmem:s2+$0xC780] =	vst.add.f32.msk $0xffff, v3  }
0x21d: {  	s10 =	sand.u32 $0x70, s9;
	s9 =	simm.s32 $0x20;
	s12 =	sand.u32 $0x1C00, s4;
	[tilespmem:s2+$0xDF80] =	vst.add.f32.msk $0xffff, v3  }
.LBB2_6:
0x21e: {  	p0 =	sne.s32 s9, $0x2F0;
	[tilespmem:s2+$0xF780] =	vst.add.f32.msk $0xffff, v3;
	s2 =	sor.u32 s10, s12  }
0x21f: {  	v3 =	vld [tilespmem:s2+$0x15780]  }
0x220: {  	v4 =	vld [tilespmem:s2+$0x15400]  }
0x221: {  	v5 =	vld [tilespmem:s2+$0x15480]  }
0x222: {  	v6 =	vld [tilespmem:s2+$0x15500]  }
0x223: {  	v7 =	vld [tilespmem:s2+$0x15580]  }
0x224: {  	[tilespmem:s2+$0x10F80] =	vst.add.f32.msk $0xffff, v3  }
0x225: {  	v8 =	vld [tilespmem:s2+$0x15600]  }
0x226: {  	v9 =	vld [tilespmem:s2+$0x15680]  }
0x227: {  	v10 =	vld [tilespmem:s2+$0x15700]  }
0x228: {  	[tilespmem:s2+$0xC400] =	vst.add.f32.msk $0xffff, v4  }
0x229: {  	[tilespmem:s2+$0xDC00] =	vst.add.f32.msk $0xffff, v4  }
0x22a: {  	[tilespmem:s2+$0xF400] =	vst.add.f32.msk $0xffff, v4  }
0x22b: {  	[tilespmem:s2+$0x10C00] =	vst.add.f32.msk $0xffff, v4  }
0x22c: {  	[tilespmem:s2+$0xC480] =	vst.add.f32.msk $0xffff, v5  }
0x22d: {  	[tilespmem:s2+$0xDC80] =	vst.add.f32.msk $0xffff, v5  }
0x22e: {  	[tilespmem:s2+$0xF480] =	vst.add.f32.msk $0xffff, v5  }
0x22f: {  	[tilespmem:s2+$0x10C80] =	vst.add.f32.msk $0xffff, v5  }
0x230: {  	[tilespmem:s2+$0xC500] =	vst.add.f32.msk $0xffff, v6  }
0x231: {  	[tilespmem:s2+$0xDD00] =	vst.add.f32.msk $0xffff, v6  }
0x232: {  	[tilespmem:s2+$0xF500] =	vst.add.f32.msk $0xffff, v6  }
0x233: {  	[tilespmem:s2+$0x10D00] =	vst.add.f32.msk $0xffff, v6  }
0x234: {  	[tilespmem:s2+$0xC580] =	vst.add.f32.msk $0xffff, v7  }
0x235: {  	[tilespmem:s2+$0xDD80] =	vst.add.f32.msk $0xffff, v7  }
0x236: {  	[tilespmem:s2+$0xF580] =	vst.add.f32.msk $0xffff, v7  }
0x237: {  	[tilespmem:s2+$0x10D80] =	vst.add.f32.msk $0xffff, v7  }
0x238: {  	[tilespmem:s2+$0xC600] =	vst.add.f32.msk $0xffff, v8  }
0x239: {  	[tilespmem:s2+$0xDE00] =	vst.add.f32.msk $0xffff, v8  }
0x23a: {  	[tilespmem:s2+$0xF600] =	vst.add.f32.msk $0xffff, v8  }
0x23b: {  	[tilespmem:s2+$0x10E00] =	vst.add.f32.msk $0xffff, v8  }
0x23c: {  	[tilespmem:s2+$0xC680] =	vst.add.f32.msk $0xffff, v9  }
0x23d: {  	[tilespmem:s2+$0xDE80] =	vst.add.f32.msk $0xffff, v9  }
0x23e: {  	[tilespmem:s2+$0xF680] =	vst.add.f32.msk $0xffff, v9  }
0x23f: {  	[tilespmem:s2+$0x10E80] =	vst.add.f32.msk $0xffff, v9  }
0x240: {  	[tilespmem:s2+$0xC700] =	vst.add.f32.msk $0xffff, v10  }
.Ltmp2:
0x241: {  	[tilespmem:s2+$0xDF00] =	vst.add.f32.msk $0xffff, v10;
	(pc) =	sbr.rel @p0 .LBB2_6-.Ltmp2, $4  }
0x242: {  	[tilespmem:s2+$0xF700] =	vst.add.f32.msk $0xffff, v10  }
0x243: {  	[tilespmem:s2+$0x10F00] =	vst.add.f32.msk $0xffff, v10  }
0x244: {  	s4 =	sadd.s32 $0x80, s4;
	[tilespmem:s2+$0xC780] =	vst.add.f32.msk $0xffff, v3  }
0x245: {  	s10 =	sand.u32 $0x70, s9;
	s9 =	sadd.s32 $0x10, s9;
	s12 =	sand.u32 $0x1C00, s4;
	[tilespmem:s2+$0xDF80] =	vst.add.f32.msk $0xffff, v3  }
0x246: {  	s4 =	sor.u32 s10, s12;
	[tilespmem:s2+$0xF780] =	vst.add.f32.msk $0xffff, v3  }
0x247: {  	v3 =	vld [tilespmem:s4+$0x15780]  }
0x248: {  	v4 =	vld [tilespmem:s4+$0x15400]  }
0x249: {  	v5 =	vld [tilespmem:s4+$0x15480]  }
0x24a: {  	v6 =	vld [tilespmem:s4+$0x15500]  }
0x24b: {  	v7 =	vld [tilespmem:s4+$0x15580]  }
0x24c: {  	v8 =	vld [tilespmem:s4+$0x15600]  }
0x24d: {  	v9 =	vld [tilespmem:s4+$0x15680]  }
0x24e: {  	v10 =	vld [tilespmem:s4+$0x15700]  }
0x24f: {  	[tilespmem:s4+$0x10F80] =	vst.add.f32.msk $0xffff, v3  }
0x250: {  	[tilespmem:s4+$0xC400] =	vst.add.f32.msk $0xffff, v4  }
0x251: {  	[tilespmem:s4+$0xDC00] =	vst.add.f32.msk $0xffff, v4  }
0x252: {  	[tilespmem:s4+$0xF400] =	vst.add.f32.msk $0xffff, v4  }
0x253: {  	[tilespmem:s4+$0x10C00] =	vst.add.f32.msk $0xffff, v4  }
0x254: {  	[tilespmem:s4+$0xC480] =	vst.add.f32.msk $0xffff, v5  }
0x255: {  	[tilespmem:s4+$0xDC80] =	vst.add.f32.msk $0xffff, v5  }
0x256: {  	[tilespmem:s4+$0xF480] =	vst.add.f32.msk $0xffff, v5  }
0x257: {  	[tilespmem:s4+$0x10C80] =	vst.add.f32.msk $0xffff, v5  }
0x258: {  	[tilespmem:s4+$0xC500] =	vst.add.f32.msk $0xffff, v6  }
0x259: {  	[tilespmem:s4+$0xDD00] =	vst.add.f32.msk $0xffff, v6  }
0x25a: {  	[tilespmem:s4+$0xF500] =	vst.add.f32.msk $0xffff, v6  }
0x25b: {  	[tilespmem:s4+$0x10D00] =	vst.add.f32.msk $0xffff, v6  }
0x25c: {  	[tilespmem:s4+$0xC580] =	vst.add.f32.msk $0xffff, v7  }
0x25d: {  	[tilespmem:s4+$0xDD80] =	vst.add.f32.msk $0xffff, v7  }
0x25e: {  	[tilespmem:s4+$0xF580] =	vst.add.f32.msk $0xffff, v7  }
0x25f: {  	[tilespmem:s4+$0x10D80] =	vst.add.f32.msk $0xffff, v7  }
0x260: {  	[tilespmem:s4+$0xC600] =	vst.add.f32.msk $0xffff, v8  }
0x261: {  	[tilespmem:s4+$0xDE00] =	vst.add.f32.msk $0xffff, v8  }
0x262: {  	[tilespmem:s4+$0xF600] =	vst.add.f32.msk $0xffff, v8  }
0x263: {  	[tilespmem:s4+$0x10E00] =	vst.add.f32.msk $0xffff, v8  }
0x264: {  	[tilespmem:s4+$0xC680] =	vst.add.f32.msk $0xffff, v9  }
0x265: {  	[tilespmem:s4+$0xDE80] =	vst.add.f32.msk $0xffff, v9  }
0x266: {  	[tilespmem:s4+$0xF680] =	vst.add.f32.msk $0xffff, v9  }
0x267: {  	[tilespmem:s4+$0x10E80] =	vst.add.f32.msk $0xffff, v9  }
0x268: {  	[tilespmem:s4+$0xC700] =	vst.add.f32.msk $0xffff, v10  }
0x269: {  	[tilespmem:s4+$0xDF00] =	vst.add.f32.msk $0xffff, v10  }
0x26a: {  	[tilespmem:s4+$0xF700] =	vst.add.f32.msk $0xffff, v10  }
0x26b: {  	[tilespmem:s4+$0x10F00] =	vst.add.f32.msk $0xffff, v10  }
0x26c: {  	[tilespmem:s4+$0xC780] =	vst.add.f32.msk $0xffff, v3  }
0x26d: {  	[tilespmem:s4+$0xDF80] =	vst.add.f32.msk $0xffff, v3  }
0x26e: {  	[tilespmem:s4+$0xF780] =	vst.add.f32.msk $0xffff, v3  }
0x26f: {  	_ =	strace $0x9000004C  }
0x270: {  	s2 =	simm.s32 $0x0;
	s12 =	rddreg [dreg:$0xe]  }
0x271: {  	[hbm4b:s12+s2] =	stream.linear.scatter [tilespmem:s17], [sflag:$0x7], $0x1800, $0x38;
	[tilespmem:$0x1E400] =	vst v63  }
0x272: {  	s13 =	rddreg [dreg:$0xf]  }
0x273: {  	[hbm4b:s13+s2] =	stream.linear.scatter [tilespmem:s18], [sflag:$0x7], $0x1800, $0x38;
	[tilespmem:$0x1E400] =	vst v63  }
0x274: {  	s15 =	rddreg [dreg:$0x10]  }
0x275: {  	[hbm4b:s15+s2] =	stream.linear.scatter [tilespmem:s20], [sflag:$0x7], $0x1800, $0x38;
	[tilespmem:$0x1E400] =	vst v63  }
0x276: {  	s9 =	rddreg [dreg:$0x11]  }
0x277: {  	[hbm4b:s9+s2] =	stream.linear.scatter [tilespmem:s21], [sflag:$0x7], $0x1800, $0x38;
	[tilespmem:$0x1E400] =	vst v63  }
0x278: {  	_ =	swait.ge [sflag:s30], $0x1800  }
0x279: {  	[sflag:s30] =	ssyncset.done $0x0  }
0x27a: {  	[sflag:s30] =	ssyncadd.s32 $0xFFFFE800  }
0x27b: {  	_ =	swait.ge [sflag:s30], $0x1800  }
0x27c: {  	[sflag:s30] =	ssyncset.done $0x0  }
0x27d: {  	[sflag:s30] =	ssyncadd.s32 $0xFFFFE800  }
0x27e: {  	_ =	swait.ge [sflag:s30], $0x1800  }
0x27f: {  	[sflag:s30] =	ssyncset.done $0x0  }
0x280: {  	[sflag:s30] =	ssyncadd.s32 $0xFFFFE800  }
0x281: {  	_ =	swait.ge [sflag:s30], $0x1800  }
0x282: {  	[sflag:s30] =	ssyncset.done $0x0  }
0x283: {  	[sflag:s30] =	ssyncadd.s32 $0xFFFFE800  }
0x284: {  	v3 =	vld [tilespmem:$0x280];
	_ =	sdelay $0x4  }
0x285: {  	v4 =	vshrl.u32 v3, $0x3  }
0x286: {  	v4 =	vmul.u32 $0x30, v4  }
0x287: {  	v3 =	vand.u32 $0x7, v3  }
0x288: {  	v3 =	vor.u32 v3, v4  }
0x289: {  	v4 =	vperm.xlane v3, v0;
	_ =	sdelay $0x1  }
0x28a: {  	v4 =	vadd.s32 v1, v4;
	_ =	sdelay $0x3  }
0x28b: {  	v3 =	vperm.xlane v3, v2  }
0x28c: {  	[tilespmem:s17], [sflag:$0x4] =	stream.indirect_vreg.gather [hbm4b:s1+s2], $0x80, v4, vm0, $0xb8;
	[tilespmem:$0x1E400] =	vst v63  }
0x28d: {  	s10 =	simm.s32 $0xCC00;
	v3 =	vadd.s32 v1, v3  }
0x28e: {  	[tilespmem:s10], [sflag:$0x4] =	stream.indirect_vreg.gather [hbm4b:s6+s2], $0x80, v4, vm0, $0xb8;
	[tilespmem:$0x1E400] =	vst v63  }
0x28f: {  	s12 =	simm.s32 $0xD400  }
0x290: {  	[tilespmem:s12], [sflag:$0x4] =	stream.indirect_vreg.gather [hbm4b:s7+s2], $0x80, v4, vm0, $0xb8;
	[tilespmem:$0x1E400] =	vst v63  }
0x291: {  	_ = 	snop  }
0x292: {  	[tilespmem:s18], [sflag:$0x4] =	stream.indirect_vreg.gather [hbm4b:s1+s2], $0x80, v3, vm0, $0xb8;
	[tilespmem:$0x1E400] =	vst v63  }
0x293: {  	s13 =	simm.s32 $0xE400  }
0x294: {  	[tilespmem:s13], [sflag:$0x4] =	stream.indirect_vreg.gather [hbm4b:s6+s2], $0x80, v3, vm0, $0xb8;
	[tilespmem:$0x1E400] =	vst v63  }
0x295: {  	s15 =	simm.s32 $0xEC00  }
0x296: {  	[tilespmem:s15], [sflag:$0x4] =	stream.indirect_vreg.gather [hbm4b:s7+s2], $0x80, v3, vm0, $0xb8;
	[tilespmem:$0x1E400] =	vst v63  }
0x297: {  	v3 =	vld [tilespmem:$0x290];
	_ =	sdelay $0x4  }
0x298: {  	v4 =	vshrl.u32 v3, $0x3  }
0x299: {  	v4 =	vmul.u32 $0x30, v4  }
0x29a: {  	v3 =	vand.u32 $0x7, v3  }
0x29b: {  	v3 =	vor.u32 v3, v4  }
0x29c: {  	v4 =	vperm.xlane v3, v0;
	_ =	sdelay $0x1  }
0x29d: {  	v4 =	vadd.s32 v1, v4;
	_ =	sdelay $0x3  }
0x29e: {  	v3 =	vperm.xlane v3, v2  }
0x29f: {  	[tilespmem:s20], [sflag:$0x4] =	stream.indirect_vreg.gather [hbm4b:s1+s2], $0x80, v4, vm0, $0xb8;
	[tilespmem:$0x1E400] =	vst v63  }
0x2a0: {  	s9 =	simm.s32 $0xFC00;
	v3 =	vadd.s32 v1, v3  }
0x2a1: {  	[tilespmem:s9], [sflag:$0x4] =	stream.indirect_vreg.gather [hbm4b:s6+s2], $0x80, v4, vm0, $0xb8;
	[tilespmem:$0x1E400] =	vst v63  }
0x2a2: {  	s10 =	simm.s32 $0x10400  }
0x2a3: {  	[tilespmem:s10], [sflag:$0x4] =	stream.indirect_vreg.gather [hbm4b:s7+s2], $0x80, v4, vm0, $0xb8;
	[tilespmem:$0x1E400] =	vst v63  }
0x2a4: {  	_ = 	snop  }
0x2a5: {  	[tilespmem:s21], [sflag:$0x4] =	stream.indirect_vreg.gather [hbm4b:s1+s2], $0x80, v3, vm0, $0xb8;
	[tilespmem:$0x1E400] =	vst v63  }
0x2a6: {  	s12 =	simm.s32 $0x11400  }
0x2a7: {  	[tilespmem:s12], [sflag:$0x4] =	stream.indirect_vreg.gather [hbm4b:s6+s2], $0x80, v3, vm0, $0xb8;
	[tilespmem:$0x1E400] =	vst v63  }
0x2a8: {  	s13 =	simm.s32 $0x11C00  }
0x2a9: {  	[tilespmem:s13], [sflag:$0x4] =	stream.indirect_vreg.gather [hbm4b:s7+s2], $0x80, v3, vm0, $0xb8;
	[tilespmem:$0x1E400] =	vst v63  }
0x2aa: {  	_ =	strace $0x8000004D  }
0x2ab: {  	_ =	swait.ge [sflag:s14], $0x6000  }
0x2ac: {  	[sflag:s14] =	ssyncset.done $0x0  }
0x2ad: {  	[sflag:s14] =	ssyncadd.s32 $0xFFFFA000  }
0x2ae: {  	s15 =	sand.u32 $0x70, s2;
	s9 =	sand.u32 $0x1C00, s2;
	_ =	strace $0x9000004D  }
0x2af: {  	s4 =	sor.u32 s15, s9;
	_ =	strace $0x8000004E  }
0x2b0: {  	v4 =	vld [tilespmem:s4+$0x16C00];
	_ =	sdelay $0x2  }
0x2b1: {  	v3 =	vld [tilespmem:s4+$0x16F80]  }
0x2b2: {  	v5 =	vld [tilespmem:s4+$0x16C80]  }
0x2b3: {  	[tilespmem:s4+$0x400] =	vst.add.f32.msk $0xffff, v4  }
0x2b4: {  	[tilespmem:s4+$0x1C00] =	vst.add.f32.msk $0xffff, v4  }
0x2b5: {  	[tilespmem:s4+$0x3400] =	vst.add.f32.msk $0xffff, v4  }
0x2b6: {  	[tilespmem:s4+$0x4C00] =	vst.add.f32.msk $0xffff, v4  }
0x2b7: {  	v4 =	vld [tilespmem:s4+$0x16D00]  }
0x2b8: {  	[tilespmem:s4+$0x480] =	vst.add.f32.msk $0xffff, v5  }
0x2b9: {  	[tilespmem:s4+$0x1C80] =	vst.add.f32.msk $0xffff, v5  }
0x2ba: {  	[tilespmem:s4+$0x3480] =	vst.add.f32.msk $0xffff, v5  }
0x2bb: {  	[tilespmem:s4+$0x4C80] =	vst.add.f32.msk $0xffff, v5  }
0x2bc: {  	v5 =	vld [tilespmem:s4+$0x16D80]  }
0x2bd: {  	[tilespmem:s4+$0x500] =	vst.add.f32.msk $0xffff, v4  }
0x2be: {  	[tilespmem:s4+$0x1D00] =	vst.add.f32.msk $0xffff, v4  }
0x2bf: {  	[tilespmem:s4+$0x3500] =	vst.add.f32.msk $0xffff, v4  }
0x2c0: {  	[tilespmem:s4+$0x4D00] =	vst.add.f32.msk $0xffff, v4  }
0x2c1: {  	v4 =	vld [tilespmem:s4+$0x16E00]  }
0x2c2: {  	[tilespmem:s4+$0x580] =	vst.add.f32.msk $0xffff, v5  }
0x2c3: {  	[tilespmem:s4+$0x1D80] =	vst.add.f32.msk $0xffff, v5  }
0x2c4: {  	[tilespmem:s4+$0x3580] =	vst.add.f32.msk $0xffff, v5  }
0x2c5: {  	[tilespmem:s4+$0x4D80] =	vst.add.f32.msk $0xffff, v5  }
0x2c6: {  	v5 =	vld [tilespmem:s4+$0x16E80]  }
0x2c7: {  	[tilespmem:s4+$0x600] =	vst.add.f32.msk $0xffff, v4  }
0x2c8: {  	[tilespmem:s4+$0x1E00] =	vst.add.f32.msk $0xffff, v4  }
0x2c9: {  	[tilespmem:s4+$0x3600] =	vst.add.f32.msk $0xffff, v4  }
0x2ca: {  	[tilespmem:s4+$0x4E00] =	vst.add.f32.msk $0xffff, v4  }
0x2cb: {  	v4 =	vld [tilespmem:s4+$0x16F00]  }
0x2cc: {  	[tilespmem:s4+$0x680] =	vst.add.f32.msk $0xffff, v5  }
0x2cd: {  	s9 =	simm.s32 $0x0;
	s10 =	simm.s32 $0x10;
	[tilespmem:s4+$0x1E80] =	vst.add.f32.msk $0xffff, v5  }
.LBB2_8:
0x2ce: {  	p0 =	sne.s32 s10, $0x2F0;
	[tilespmem:s4+$0x3680] =	vst.add.f32.msk $0xffff, v5  }
0x2cf: {  	[tilespmem:s4+$0x4E80] =	vst.add.f32.msk $0xffff, v5  }
0x2d0: {  	[tilespmem:s4+$0x700] =	vst.add.f32.msk $0xffff, v4  }
0x2d1: {  	[tilespmem:s4+$0x1F00] =	vst.add.f32.msk $0xffff, v4  }
0x2d2: {  	s12 =	sor.u32 s9, s2;
	s9 =	sadd.s32 $0x80, s9;
	s2 =	smov.u32 s10;
	[tilespmem:s4+$0x3700] =	vst.add.f32.msk $0xffff, v4  }
0x2d3: {  	s13 =	sand.u32 $0x70, s10;
	s15 =	sand.u32 $0x1C00, s9;
	s12 =	sor.u32 $0x380, s12;
	[tilespmem:s4+$0x4F00] =	vst.add.f32.msk $0xffff, v4  }
0x2d4: {  	s13 =	sor.u32 s13, s15;
	[tilespmem:s12+$0x400] =	vst.add.f32.msk $0xffff, v3  }
0x2d5: {  	v4 =	vld [tilespmem:s13+$0x16C00]  }
0x2d6: {  	[tilespmem:s4+$0x1F80] =	vst.add.f32.msk $0xffff, v3  }
0x2d7: {  	[tilespmem:s4+$0x3780] =	vst.add.f32.msk $0xffff, v3  }
0x2d8: {  	[tilespmem:s4+$0x4F80] =	vst.add.f32.msk $0xffff, v3;
	s4 =	smov.u32 s13  }
0x2d9: {  	v3 =	vld [tilespmem:s4+$0x16F80]  }
0x2da: {  	[tilespmem:s4+$0x400] =	vst.add.f32.msk $0xffff, v4  }
0x2db: {  	v5 =	vld [tilespmem:s4+$0x16C80]  }
0x2dc: {  	[tilespmem:s4+$0x1C00] =	vst.add.f32.msk $0xffff, v4  }
0x2dd: {  	[tilespmem:s4+$0x3400] =	vst.add.f32.msk $0xffff, v4  }
0x2de: {  	[tilespmem:s4+$0x4C00] =	vst.add.f32.msk $0xffff, v4  }
0x2df: {  	v4 =	vld [tilespmem:s4+$0x16D00]  }
0x2e0: {  	[tilespmem:s4+$0x480] =	vst.add.f32.msk $0xffff, v5  }
0x2e1: {  	[tilespmem:s4+$0x1C80] =	vst.add.f32.msk $0xffff, v5  }
0x2e2: {  	[tilespmem:s4+$0x3480] =	vst.add.f32.msk $0xffff, v5  }
0x2e3: {  	[tilespmem:s4+$0x4C80] =	vst.add.f32.msk $0xffff, v5  }
0x2e4: {  	[tilespmem:s4+$0x500] =	vst.add.f32.msk $0xffff, v4  }
0x2e5: {  	v5 =	vld [tilespmem:s4+$0x16D80]  }
0x2e6: {  	[tilespmem:s4+$0x1D00] =	vst.add.f32.msk $0xffff, v4  }
0x2e7: {  	[tilespmem:s4+$0x3500] =	vst.add.f32.msk $0xffff, v4  }
0x2e8: {  	[tilespmem:s4+$0x4D00] =	vst.add.f32.msk $0xffff, v4  }
0x2e9: {  	v4 =	vld [tilespmem:s4+$0x16E00]  }
0x2ea: {  	[tilespmem:s4+$0x580] =	vst.add.f32.msk $0xffff, v5  }
0x2eb: {  	[tilespmem:s4+$0x1D80] =	vst.add.f32.msk $0xffff, v5  }
0x2ec: {  	[tilespmem:s4+$0x3580] =	vst.add.f32.msk $0xffff, v5  }
0x2ed: {  	[tilespmem:s4+$0x4D80] =	vst.add.f32.msk $0xffff, v5  }
0x2ee: {  	[tilespmem:s4+$0x600] =	vst.add.f32.msk $0xffff, v4  }
0x2ef: {  	v5 =	vld [tilespmem:s4+$0x16E80]  }
0x2f0: {  	[tilespmem:s4+$0x1E00] =	vst.add.f32.msk $0xffff, v4  }
.Ltmp3:
0x2f1: {  	[tilespmem:s4+$0x3600] =	vst.add.f32.msk $0xffff, v4;
	(pc) =	sbr.rel @p0 .LBB2_8-.Ltmp3, $4  }
0x2f2: {  	[tilespmem:s4+$0x4E00] =	vst.add.f32.msk $0xffff, v4  }
0x2f3: {  	v4 =	vld [tilespmem:s4+$0x16F00]  }
0x2f4: {  	[tilespmem:s4+$0x680] =	vst.add.f32.msk $0xffff, v5  }
0x2f5: {  	s10 =	sadd.s32 $0x10, s10;
	[tilespmem:s4+$0x1E80] =	vst.add.f32.msk $0xffff, v5  }
0x2f6: {  	[tilespmem:s4+$0x3680] =	vst.add.f32.msk $0xffff, v5  }
0x2f7: {  	[tilespmem:s4+$0x4E80] =	vst.add.f32.msk $0xffff, v5  }
0x2f8: {  	[tilespmem:s4+$0x700] =	vst.add.f32.msk $0xffff, v4  }
0x2f9: {  	[tilespmem:s4+$0x1F00] =	vst.add.f32.msk $0xffff, v4  }
0x2fa: {  	s2 =	sor.u32 s9, s2;
	[tilespmem:s4+$0x3700] =	vst.add.f32.msk $0xffff, v4  }
0x2fb: {  	s2 =	sor.u32 $0x380, s2;
	[tilespmem:s4+$0x4F00] =	vst.add.f32.msk $0xffff, v4  }
0x2fc: {  	[tilespmem:s2+$0x400] =	vst.add.f32.msk $0xffff, v3  }
0x2fd: {  	[tilespmem:s4+$0x1F80] =	vst.add.f32.msk $0xffff, v3  }
0x2fe: {  	[tilespmem:s4+$0x3780] =	vst.add.f32.msk $0xffff, v3  }
0x2ff: {  	[tilespmem:s4+$0x4F80] =	vst.add.f32.msk $0xffff, v3  }
0x300: {  	_ =	strace $0x9000004E  }
0x301: {  	s4 =	simm.s32 $0x0;
	s10 =	rddreg [dreg:$0x12]  }
0x302: {  	[hbm4b:s10+s4] =	stream.linear.scatter [tilespmem:s16], [sflag:$0x5], $0x1800, $0x38;
	[tilespmem:$0x1E400] =	vst v63  }
0x303: {  	s12 =	rddreg [dreg:$0x18]  }
0x304: {  	[hbm4b:s12+s4] =	stream.linear.scatter [tilespmem:s19], [sflag:$0x5], $0x1800, $0x38;
	[tilespmem:$0x1E400] =	vst v63  }
0x305: {  	s13 =	rddreg [dreg:$0x19]  }
0x306: {  	[hbm4b:s13+s4] =	stream.linear.scatter [tilespmem:s22], [sflag:$0x5], $0x1800, $0x38;
	[tilespmem:$0x1E400] =	vst v63  }
0x307: {  	s15 =	rddreg [dreg:$0x1a]  }
0x308: {  	[hbm4b:s15+s4] =	stream.linear.scatter [tilespmem:s25], [sflag:$0x5], $0x1800, $0x38;
	[tilespmem:$0x1E400] =	vst v63  }
0x309: {  	_ =	swait.ge [sflag:s23], $0x1800  }
0x30a: {  	[sflag:s23] =	ssyncset.done $0x0  }
0x30b: {  	[sflag:s23] =	ssyncadd.s32 $0xFFFFE800  }
0x30c: {  	_ =	swait.ge [sflag:s23], $0x1800  }
0x30d: {  	[sflag:s23] =	ssyncset.done $0x0  }
0x30e: {  	[sflag:s23] =	ssyncadd.s32 $0xFFFFE800  }
0x30f: {  	_ =	swait.ge [sflag:s23], $0x1800  }
0x310: {  	[sflag:s23] =	ssyncset.done $0x0  }
0x311: {  	[sflag:s23] =	ssyncadd.s32 $0xFFFFE800  }
0x312: {  	_ =	swait.ge [sflag:s23], $0x1800  }
0x313: {  	[sflag:s23] =	ssyncset.done $0x0  }
0x314: {  	[sflag:s23] =	ssyncadd.s32 $0xFFFFE800  }
0x315: {  	v3 =	vld [tilespmem:$0x300];
	_ =	sdelay $0x4  }
0x316: {  	v4 =	vshrl.u32 v3, $0x3  }
0x317: {  	v4 =	vmul.u32 $0x30, v4  }
0x318: {  	v3 =	vand.u32 $0x7, v3  }
0x319: {  	v3 =	vor.u32 v3, v4  }
0x31a: {  	v4 =	vperm.xlane v3, v0;
	_ =	sdelay $0x1  }
0x31b: {  	v4 =	vadd.s32 v1, v4;
	_ =	sdelay $0x3  }
0x31c: {  	v3 =	vperm.xlane v3, v2  }
0x31d: {  	[tilespmem:s16], [sflag:$0x2] =	stream.indirect_vreg.gather [hbm4b:s1+s4], $0x80, v4, vm0, $0xb8;
	[tilespmem:$0x1E400] =	vst v63  }
0x31e: {  	s9 =	simm.s32 $0xC00;
	v3 =	vadd.s32 v1, v3  }
0x31f: {  	[tilespmem:s9], [sflag:$0x2] =	stream.indirect_vreg.gather [hbm4b:s6+s4], $0x80, v4, vm0, $0xb8;
	[tilespmem:$0x1E400] =	vst v63  }
0x320: {  	s10 =	simm.s32 $0x1400  }
0x321: {  	[tilespmem:s10], [sflag:$0x2] =	stream.indirect_vreg.gather [hbm4b:s7+s4], $0x80, v4, vm0, $0xb8;
	[tilespmem:$0x1E400] =	vst v63  }
0x322: {  	_ = 	snop  }
0x323: {  	[tilespmem:s19], [sflag:$0x2] =	stream.indirect_vreg.gather [hbm4b:s1+s4], $0x80, v3, vm0, $0xb8;
	[tilespmem:$0x1E400] =	vst v63  }
0x324: {  	s12 =	simm.s32 $0x2400  }
0x325: {  	[tilespmem:s12], [sflag:$0x2] =	stream.indirect_vreg.gather [hbm4b:s6+s4], $0x80, v3, vm0, $0xb8;
	[tilespmem:$0x1E400] =	vst v63  }
0x326: {  	s13 =	simm.s32 $0x2C00  }
0x327: {  	[tilespmem:s13], [sflag:$0x2] =	stream.indirect_vreg.gather [hbm4b:s7+s4], $0x80, v3, vm0, $0xb8;
	[tilespmem:$0x1E400] =	vst v63  }
0x328: {  	v3 =	vld [tilespmem:$0x310];
	_ =	sdelay $0x4  }
0x329: {  	v4 =	vshrl.u32 v3, $0x3  }
0x32a: {  	v4 =	vmul.u32 $0x30, v4  }
0x32b: {  	v3 =	vand.u32 $0x7, v3  }
0x32c: {  	v3 =	vor.u32 v3, v4  }
0x32d: {  	v4 =	vperm.xlane v3, v0;
	_ =	sdelay $0x1  }
0x32e: {  	v4 =	vadd.s32 v1, v4;
	_ =	sdelay $0x3  }
0x32f: {  	v3 =	vperm.xlane v3, v2  }
0x330: {  	[tilespmem:s22], [sflag:$0x2] =	stream.indirect_vreg.gather [hbm4b:s1+s4], $0x80, v4, vm0, $0xb8;
	[tilespmem:$0x1E400] =	vst v63  }
0x331: {  	s15 =	simm.s32 $0x3C00;
	v3 =	vadd.s32 v1, v3  }
0x332: {  	[tilespmem:s15], [sflag:$0x2] =	stream.indirect_vreg.gather [hbm4b:s6+s4], $0x80, v4, vm0, $0xb8;
	[tilespmem:$0x1E400] =	vst v63  }
0x333: {  	s9 =	simm.s32 $0x4400  }
0x334: {  	[tilespmem:s9], [sflag:$0x2] =	stream.indirect_vreg.gather [hbm4b:s7+s4], $0x80, v4, vm0, $0xb8;
	[tilespmem:$0x1E400] =	vst v63  }
0x335: {  	_ = 	snop  }
0x336: {  	[tilespmem:s25], [sflag:$0x2] =	stream.indirect_vreg.gather [hbm4b:s1+s4], $0x80, v3, vm0, $0xb8;
	[tilespmem:$0x1E400] =	vst v63  }
0x337: {  	s10 =	simm.s32 $0x5400  }
0x338: {  	[tilespmem:s10], [sflag:$0x2] =	stream.indirect_vreg.gather [hbm4b:s6+s4], $0x80, v3, vm0, $0xb8;
	[tilespmem:$0x1E400] =	vst v63  }
0x339: {  	s12 =	simm.s32 $0x5C00  }
0x33a: {  	[tilespmem:s12], [sflag:$0x2] =	stream.indirect_vreg.gather [hbm4b:s7+s4], $0x80, v3, vm0, $0xb8;
	[tilespmem:$0x1E400] =	vst v63  }
0x33b: {  	_ =	strace $0x8000004F  }
0x33c: {  	_ =	swait.ge [sflag:s24], $0x6000  }
0x33d: {  	[sflag:s24] =	ssyncset.done $0x0  }
0x33e: {  	[sflag:s24] =	ssyncadd.s32 $0xFFFFA000  }
0x33f: {  	s13 =	sand.u32 $0x70, s4;
	s15 =	sand.u32 $0x1C00, s4;
	_ =	strace $0x9000004F  }
0x340: {  	s2 =	sor.u32 s13, s15;
	_ =	strace $0x80000050  }
0x341: {  	v3 =	vld [tilespmem:s2+$0x18500]  }
0x342: {  	v4 =	vld [tilespmem:s2+$0x18700]  }
0x343: {  	v5 =	vld [tilespmem:s2+$0x18480]  }
0x344: {  	v6 =	vld [tilespmem:s2+$0x18400]  }
0x345: {  	v7 =	vld [tilespmem:s2+$0x18600]  }
0x346: {  	v8 =	vld [tilespmem:s2+$0x18680]  }
0x347: {  	v9 =	vld [tilespmem:s2+$0x18580]  }
0x348: {  	[tilespmem:s2+$0xAC80] =	vst.add.f32.msk $0xffff, v5  }
0x349: {  	[tilespmem:s2+$0x9480] =	vst.add.f32.msk $0xffff, v5  }
0x34a: {  	[tilespmem:s2+$0x7C80] =	vst.add.f32.msk $0xffff, v5  }
0x34b: {  	[tilespmem:s2+$0xAD00] =	vst.add.f32.msk $0xffff, v3  }
0x34c: {  	[tilespmem:s2+$0x7C00] =	vst.add.f32.msk $0xffff, v6  }
0x34d: {  	[tilespmem:s2+$0x9500] =	vst.add.f32.msk $0xffff, v3  }
0x34e: {  	[tilespmem:s2+$0xAF00] =	vst.add.f32.msk $0xffff, v4  }
0x34f: {  	[tilespmem:s2+$0x6480] =	vst.add.f32.msk $0xffff, v5  }
0x350: {  	[tilespmem:s2+$0x7D00] =	vst.add.f32.msk $0xffff, v3  }
0x351: {  	[tilespmem:s2+$0x9700] =	vst.add.f32.msk $0xffff, v4  }
0x352: {  	[tilespmem:s2+$0x9400] =	vst.add.f32.msk $0xffff, v6  }
0x353: {  	[tilespmem:s2+$0xAC00] =	vst.add.f32.msk $0xffff, v6  }
0x354: {  	[tilespmem:s2+$0x6400] =	vst.add.f32.msk $0xffff, v6  }
0x355: {  	[tilespmem:s2+$0x7F00] =	vst.add.f32.msk $0xffff, v4  }
0x356: {  	[tilespmem:s2+$0x6500] =	vst.add.f32.msk $0xffff, v3  }
0x357: {  	[tilespmem:s2+$0xAE80] =	vst.add.f32.msk $0xffff, v8  }
0x358: {  	[tilespmem:s2+$0x6700] =	vst.add.f32.msk $0xffff, v4  }
0x359: {  	[tilespmem:s2+$0xAD80] =	vst.add.f32.msk $0xffff, v9  }
0x35a: {  	[tilespmem:s2+$0x9680] =	vst.add.f32.msk $0xffff, v8  }
0x35b: {  	[tilespmem:s2+$0x9580] =	vst.add.f32.msk $0xffff, v9  }
0x35c: {  	[tilespmem:s2+$0x7E80] =	vst.add.f32.msk $0xffff, v8  }
0x35d: {  	[tilespmem:s2+$0x6680] =	vst.add.f32.msk $0xffff, v8  }
0x35e: {  	[tilespmem:s2+$0x6580] =	vst.add.f32.msk $0xffff, v9  }
0x35f: {  	[tilespmem:s2+$0xAE00] =	vst.add.f32.msk $0xffff, v7  }
0x360: {  	[tilespmem:s2+$0x7D80] =	vst.add.f32.msk $0xffff, v9  }
0x361: {  	[tilespmem:s2+$0x9600] =	vst.add.f32.msk $0xffff, v7  }
0x362: {  	s4 =	sor.u32 s4, s4;
	[tilespmem:s2+$0x7E00] =	vst.add.f32.msk $0xffff, v7  }
0x363: {  	s4 =	sor.u32 $0x6380, s4;
	[tilespmem:s2+$0x6600] =	vst.add.f32.msk $0xffff, v7  }
0x364: {  	v3 =	vld [tilespmem:s4+$0x12400];
	_ =	sdelay $0x4  }
0x365: {  	[tilespmem:s4+$0x400] =	vst.add.f32.msk $0xffff, v3  }
0x366: {  	s12 =	simm.s32 $0x10;
	s4 =	simm.s32 $0x80;
	[tilespmem:s2+$0x9780] =	vst.add.f32.msk $0xffff, v3  }
.LBB2_10:
0x367: {  	s13 =	sand.u32 $0x70, s12  }
0x368: {  	s15 =	sand.u32 $0x1C00, s4;
	[tilespmem:s2+$0x7F80] =	vst.add.f32.msk $0xffff, v3;
	s10 =	smov.u32 s12;
	s9 =	sadd.s32 $0x10, s12  }
0x369: {  	p0 =	sne.s32 s12, $0x2F0;
	[tilespmem:s2+$0xAF80] =	vst.add.f32.msk $0xffff, v3;
	s2 =	sor.u32 s13, s15  }
0x36a: {  	v3 =	vld [tilespmem:s2+$0x18500]  }
0x36b: {  	v4 =	vld [tilespmem:s2+$0x18700]  }
0x36c: {  	v5 =	vld [tilespmem:s2+$0x18480]  }
0x36d: {  	v6 =	vld [tilespmem:s2+$0x18400]  }
0x36e: {  	v7 =	vld [tilespmem:s2+$0x18600]  }
0x36f: {  	v8 =	vld [tilespmem:s2+$0x18680]  }
0x370: {  	v9 =	vld [tilespmem:s2+$0x18580]  }
0x371: {  	[tilespmem:s2+$0xAC80] =	vst.add.f32.msk $0xffff, v5  }
0x372: {  	[tilespmem:s2+$0x9480] =	vst.add.f32.msk $0xffff, v5  }
0x373: {  	[tilespmem:s2+$0x7C80] =	vst.add.f32.msk $0xffff, v5  }
0x374: {  	[tilespmem:s2+$0xAD00] =	vst.add.f32.msk $0xffff, v3  }
0x375: {  	[tilespmem:s2+$0x7C00] =	vst.add.f32.msk $0xffff, v6  }
0x376: {  	[tilespmem:s2+$0x9500] =	vst.add.f32.msk $0xffff, v3  }
0x377: {  	[tilespmem:s2+$0xAF00] =	vst.add.f32.msk $0xffff, v4  }
0x378: {  	[tilespmem:s2+$0x6480] =	vst.add.f32.msk $0xffff, v5  }
0x379: {  	[tilespmem:s2+$0x7D00] =	vst.add.f32.msk $0xffff, v3  }
0x37a: {  	[tilespmem:s2+$0x9700] =	vst.add.f32.msk $0xffff, v4  }
0x37b: {  	[tilespmem:s2+$0x9400] =	vst.add.f32.msk $0xffff, v6  }
0x37c: {  	[tilespmem:s2+$0xAC00] =	vst.add.f32.msk $0xffff, v6  }
0x37d: {  	[tilespmem:s2+$0x6400] =	vst.add.f32.msk $0xffff, v6  }
0x37e: {  	[tilespmem:s2+$0x7F00] =	vst.add.f32.msk $0xffff, v4  }
0x37f: {  	[tilespmem:s2+$0x6500] =	vst.add.f32.msk $0xffff, v3  }
0x380: {  	[tilespmem:s2+$0xAE80] =	vst.add.f32.msk $0xffff, v8  }
0x381: {  	[tilespmem:s2+$0x6700] =	vst.add.f32.msk $0xffff, v4  }
0x382: {  	[tilespmem:s2+$0xAD80] =	vst.add.f32.msk $0xffff, v9  }
0x383: {  	[tilespmem:s2+$0x9680] =	vst.add.f32.msk $0xffff, v8  }
0x384: {  	[tilespmem:s2+$0x9580] =	vst.add.f32.msk $0xffff, v9  }
0x385: {  	[tilespmem:s2+$0x7E80] =	vst.add.f32.msk $0xffff, v8  }
0x386: {  	[tilespmem:s2+$0x6680] =	vst.add.f32.msk $0xffff, v8  }
0x387: {  	[tilespmem:s2+$0x6580] =	vst.add.f32.msk $0xffff, v9  }
0x388: {  	[tilespmem:s2+$0xAE00] =	vst.add.f32.msk $0xffff, v7  }
0x389: {  	[tilespmem:s2+$0x7D80] =	vst.add.f32.msk $0xffff, v9  }
0x38a: {  	[tilespmem:s2+$0x9600] =	vst.add.f32.msk $0xffff, v7  }
0x38b: {  	s10 =	sor.u32 s4, s10;
	[tilespmem:s2+$0x7E00] =	vst.add.f32.msk $0xffff, v7  }
0x38c: {  	s10 =	sor.u32 $0x6380, s10;
	[tilespmem:s2+$0x6600] =	vst.add.f32.msk $0xffff, v7  }
0x38d: {  	v3 =	vld [tilespmem:s10+$0x12400];
	_ =	sdelay $0x1  }
.Ltmp4:
0x38e: {  	(pc) =	sbr.rel @p0 .LBB2_10-.Ltmp4, $3  }
0x38f: {  	_ =	sdelay $0x1  }
0x390: {  	[tilespmem:s10+$0x400] =	vst.add.f32.msk $0xffff, v3  }
0x391: {  	s4 =	sadd.s32 $0x80, s4;
	s12 =	smov.u32 s9;
	[tilespmem:s2+$0x9780] =	vst.add.f32.msk $0xffff, v3  }
0x392: {  	[tilespmem:s2+$0x7F80] =	vst.add.f32.msk $0xffff, v3  }
0x393: {  	[tilespmem:s2+$0xAF80] =	vst.add.f32.msk $0xffff, v3  }
0x394: {  	_ =	strace $0x90000050  }
0x395: {  	s2 =	simm.s32 $0x0;
	s4 =	rddreg [dreg:$0x13]  }
0x396: {  	[hbm4b:s4+s2] =	stream.linear.scatter [tilespmem:s29], [sflag:$0x6], $0x1800, $0x38;
	[tilespmem:$0x1E400] =	vst v63  }
0x397: {  	s13 =	rddreg [dreg:$0x1b]  }
0x398: {  	[hbm4b:s13+s2] =	stream.linear.scatter [tilespmem:s0], [sflag:$0x6], $0x1800, $0x38;
	[tilespmem:$0x1E400] =	vst v63  }
0x399: {  	s15 =	rddreg [dreg:$0x1c]  }
0x39a: {  	[hbm4b:s15+s2] =	stream.linear.scatter [tilespmem:s5], [sflag:$0x6], $0x1800, $0x38;
	[tilespmem:$0x1E400] =	vst v63  }
0x39b: {  	s9 =	rddreg [dreg:$0x1d]  }
0x39c: {  	[hbm4b:s9+s2] =	stream.linear.scatter [tilespmem:s11], [sflag:$0x6], $0x1800, $0x38;
	[tilespmem:$0x1E400] =	vst v63  }
0x39d: {  	_ =	swait.ge [sflag:s26], $0x1800  }
0x39e: {  	[sflag:s26] =	ssyncset.done $0x0  }
0x39f: {  	[sflag:s26] =	ssyncadd.s32 $0xFFFFE800  }
0x3a0: {  	_ =	swait.ge [sflag:s26], $0x1800  }
0x3a1: {  	[sflag:s26] =	ssyncset.done $0x0  }
0x3a2: {  	[sflag:s26] =	ssyncadd.s32 $0xFFFFE800  }
0x3a3: {  	_ =	swait.ge [sflag:s26], $0x1800  }
0x3a4: {  	[sflag:s26] =	ssyncset.done $0x0  }
0x3a5: {  	[sflag:s26] =	ssyncadd.s32 $0xFFFFE800  }
0x3a6: {  	_ =	swait.ge [sflag:s26], $0x1800  }
0x3a7: {  	[sflag:s26] =	ssyncset.done $0x0  }
0x3a8: {  	[sflag:s26] =	ssyncadd.s32 $0xFFFFE800  }
0x3a9: {  	v3 =	vld [tilespmem:$0x380];
	_ =	sdelay $0x4  }
0x3aa: {  	v4 =	vshrl.u32 v3, $0x3  }
0x3ab: {  	v4 =	vmul.u32 $0x30, v4  }
0x3ac: {  	v3 =	vand.u32 $0x7, v3  }
0x3ad: {  	v3 =	vor.u32 v3, v4  }
0x3ae: {  	v4 =	vperm.xlane v3, v0;
	_ =	sdelay $0x1  }
0x3af: {  	v4 =	vadd.s32 v1, v4;
	_ =	sdelay $0x3  }
0x3b0: {  	v3 =	vperm.xlane v3, v2  }
0x3b1: {  	[tilespmem:s29], [sflag:$0x3] =	stream.indirect_vreg.gather [hbm4b:s1+s2], $0x80, v4, vm0, $0xb8;
	[tilespmem:$0x1E400] =	vst v63  }
0x3b2: {  	s10 =	simm.s32 $0x6C00;
	v3 =	vadd.s32 v1, v3  }
0x3b3: {  	[tilespmem:s10], [sflag:$0x3] =	stream.indirect_vreg.gather [hbm4b:s6+s2], $0x80, v4, vm0, $0xb8;
	[tilespmem:$0x1E400] =	vst v63  }
0x3b4: {  	s12 =	simm.s32 $0x7400  }
0x3b5: {  	[tilespmem:s12], [sflag:$0x3] =	stream.indirect_vreg.gather [hbm4b:s7+s2], $0x80, v4, vm0, $0xb8;
	[tilespmem:$0x1E400] =	vst v63  }
0x3b6: {  	_ = 	snop  }
0x3b7: {  	[tilespmem:s0], [sflag:$0x3] =	stream.indirect_vreg.gather [hbm4b:s1+s2], $0x80, v3, vm0, $0xb8;
	[tilespmem:$0x1E400] =	vst v63  }
0x3b8: {  	s13 =	simm.s32 $0x8400  }
0x3b9: {  	[tilespmem:s13], [sflag:$0x3] =	stream.indirect_vreg.gather [hbm4b:s6+s2], $0x80, v3, vm0, $0xb8;
	[tilespmem:$0x1E400] =	vst v63  }
0x3ba: {  	s15 =	simm.s32 $0x8C00  }
0x3bb: {  	[tilespmem:s15], [sflag:$0x3] =	stream.indirect_vreg.gather [hbm4b:s7+s2], $0x80, v3, vm0, $0xb8;
	[tilespmem:$0x1E400] =	vst v63  }
0x3bc: {  	v3 =	vld [tilespmem:$0x390];
	_ =	sdelay $0x4  }
0x3bd: {  	v4 =	vshrl.u32 v3, $0x3  }
0x3be: {  	v4 =	vmul.u32 $0x30, v4  }
0x3bf: {  	v3 =	vand.u32 $0x7, v3  }
0x3c0: {  	v3 =	vor.u32 v3, v4  }
0x3c1: {  	v4 =	vperm.xlane v3, v0;
	_ =	sdelay $0x1  }
0x3c2: {  	v4 =	vadd.s32 v1, v4;
	_ =	sdelay $0x3  }
0x3c3: {  	v3 =	vperm.xlane v3, v2  }
0x3c4: {  	[tilespmem:s5], [sflag:$0x3] =	stream.indirect_vreg.gather [hbm4b:s1+s2], $0x80, v4, vm0, $0xb8;
	[tilespmem:$0x1E400] =	vst v63  }
0x3c5: {  	s9 =	simm.s32 $0x9C00;
	v3 =	vadd.s32 v1, v3  }
0x3c6: {  	[tilespmem:s9], [sflag:$0x3] =	stream.indirect_vreg.gather [hbm4b:s6+s2], $0x80, v4, vm0, $0xb8;
	[tilespmem:$0x1E400] =	vst v63  }
0x3c7: {  	s10 =	simm.s32 $0xA400  }
0x3c8: {  	[tilespmem:s10], [sflag:$0x3] =	stream.indirect_vreg.gather [hbm4b:s7+s2], $0x80, v4, vm0, $0xb8;
	[tilespmem:$0x1E400] =	vst v63  }
0x3c9: {  	_ = 	snop  }
0x3ca: {  	[tilespmem:s11], [sflag:$0x3] =	stream.indirect_vreg.gather [hbm4b:s1+s2], $0x80, v3, vm0, $0xb8;
	[tilespmem:$0x1E400] =	vst v63  }
0x3cb: {  	s12 =	simm.s32 $0xB400  }
0x3cc: {  	[tilespmem:s12], [sflag:$0x3] =	stream.indirect_vreg.gather [hbm4b:s6+s2], $0x80, v3, vm0, $0xb8;
	[tilespmem:$0x1E400] =	vst v63  }
0x3cd: {  	s13 =	simm.s32 $0xBC00  }
0x3ce: {  	[tilespmem:s13], [sflag:$0x3] =	stream.indirect_vreg.gather [hbm4b:s7+s2], $0x80, v3, vm0, $0xb8;
	[tilespmem:$0x1E400] =	vst v63  }
0x3cf: {  	_ =	strace $0x80000051  }
0x3d0: {  	_ =	swait.ge [sflag:s28], $0x6000  }
0x3d1: {  	[sflag:s28] =	ssyncset.done $0x0  }
0x3d2: {  	[sflag:s28] =	ssyncadd.s32 $0xFFFFA000  }
0x3d3: {  	s15 =	sand.u32 $0x70, s2;
	s2 =	sand.u32 $0x1C00, s2;
	_ =	strace $0x90000051  }
0x3d4: {  	s2 =	sor.u32 s15, s2;
	_ =	strace $0x80000052  }
0x3d5: {  	v3 =	vld [tilespmem:s2+$0x19F80]  }
0x3d6: {  	v4 =	vld [tilespmem:s2+$0x19C00]  }
0x3d7: {  	v5 =	vld [tilespmem:s2+$0x19C80]  }
0x3d8: {  	v6 =	vld [tilespmem:s2+$0x19D00]  }
0x3d9: {  	v7 =	vld [tilespmem:s2+$0x19D80]  }
0x3da: {  	v8 =	vld [tilespmem:s2+$0x19E00]  }
0x3db: {  	v9 =	vld [tilespmem:s2+$0x19E80]  }
0x3dc: {  	v10 =	vld [tilespmem:s2+$0x19F00]  }
0x3dd: {  	[tilespmem:s2+$0x10F80] =	vst.add.f32.msk $0xffff, v3  }
0x3de: {  	[tilespmem:s2+$0xC400] =	vst.add.f32.msk $0xffff, v4  }
0x3df: {  	[tilespmem:s2+$0xDC00] =	vst.add.f32.msk $0xffff, v4  }
0x3e0: {  	[tilespmem:s2+$0xF400] =	vst.add.f32.msk $0xffff, v4  }
0x3e1: {  	[tilespmem:s2+$0x10C00] =	vst.add.f32.msk $0xffff, v4  }
0x3e2: {  	[tilespmem:s2+$0xC480] =	vst.add.f32.msk $0xffff, v5  }
0x3e3: {  	[tilespmem:s2+$0xDC80] =	vst.add.f32.msk $0xffff, v5  }
0x3e4: {  	[tilespmem:s2+$0xF480] =	vst.add.f32.msk $0xffff, v5  }
0x3e5: {  	[tilespmem:s2+$0x10C80] =	vst.add.f32.msk $0xffff, v5  }
0x3e6: {  	[tilespmem:s2+$0xC500] =	vst.add.f32.msk $0xffff, v6  }
0x3e7: {  	[tilespmem:s2+$0xDD00] =	vst.add.f32.msk $0xffff, v6  }
0x3e8: {  	[tilespmem:s2+$0xF500] =	vst.add.f32.msk $0xffff, v6  }
0x3e9: {  	[tilespmem:s2+$0x10D00] =	vst.add.f32.msk $0xffff, v6  }
0x3ea: {  	[tilespmem:s2+$0xC580] =	vst.add.f32.msk $0xffff, v7  }
0x3eb: {  	[tilespmem:s2+$0xDD80] =	vst.add.f32.msk $0xffff, v7  }
0x3ec: {  	[tilespmem:s2+$0xF580] =	vst.add.f32.msk $0xffff, v7  }
0x3ed: {  	[tilespmem:s2+$0x10D80] =	vst.add.f32.msk $0xffff, v7  }
0x3ee: {  	[tilespmem:s2+$0xC600] =	vst.add.f32.msk $0xffff, v8  }
0x3ef: {  	[tilespmem:s2+$0xDE00] =	vst.add.f32.msk $0xffff, v8  }
0x3f0: {  	[tilespmem:s2+$0xF600] =	vst.add.f32.msk $0xffff, v8  }
0x3f1: {  	[tilespmem:s2+$0x10E00] =	vst.add.f32.msk $0xffff, v8  }
0x3f2: {  	[tilespmem:s2+$0xC680] =	vst.add.f32.msk $0xffff, v9  }
0x3f3: {  	[tilespmem:s2+$0xDE80] =	vst.add.f32.msk $0xffff, v9  }
0x3f4: {  	[tilespmem:s2+$0xF680] =	vst.add.f32.msk $0xffff, v9  }
0x3f5: {  	[tilespmem:s2+$0x10E80] =	vst.add.f32.msk $0xffff, v9  }
0x3f6: {  	[tilespmem:s2+$0xC700] =	vst.add.f32.msk $0xffff, v10  }
0x3f7: {  	[tilespmem:s2+$0xDF00] =	vst.add.f32.msk $0xffff, v10  }
0x3f8: {  	[tilespmem:s2+$0xF700] =	vst.add.f32.msk $0xffff, v10  }
0x3f9: {  	[tilespmem:s2+$0x10F00] =	vst.add.f32.msk $0xffff, v10  }
0x3fa: {  	s4 =	simm.s32 $0x80;
	s9 =	simm.s32 $0x10;
	[tilespmem:s2+$0xC780] =	vst.add.f32.msk $0xffff, v3  }
0x3fb: {  	s10 =	sand.u32 $0x70, s9;
	s9 =	simm.s32 $0x20;
	s12 =	sand.u32 $0x1C00, s4;
	[tilespmem:s2+$0xDF80] =	vst.add.f32.msk $0xffff, v3  }
.LBB2_12:
0x3fc: {  	p0 =	sne.s32 s9, $0x2F0;
	[tilespmem:s2+$0xF780] =	vst.add.f32.msk $0xffff, v3;
	s2 =	sor.u32 s10, s12  }
0x3fd: {  	v3 =	vld [tilespmem:s2+$0x19F80]  }
0x3fe: {  	v4 =	vld [tilespmem:s2+$0x19C00]  }
0x3ff: {  	v5 =	vld [tilespmem:s2+$0x19C80]  }
0x400: {  	v6 =	vld [tilespmem:s2+$0x19D00]  }
0x401: {  	v7 =	vld [tilespmem:s2+$0x19D80]  }
0x402: {  	[tilespmem:s2+$0x10F80] =	vst.add.f32.msk $0xffff, v3  }
0x403: {  	v8 =	vld [tilespmem:s2+$0x19E00]  }
0x404: {  	v9 =	vld [tilespmem:s2+$0x19E80]  }
0x405: {  	v10 =	vld [tilespmem:s2+$0x19F00]  }
0x406: {  	[tilespmem:s2+$0xC400] =	vst.add.f32.msk $0xffff, v4  }
0x407: {  	[tilespmem:s2+$0xDC00] =	vst.add.f32.msk $0xffff, v4  }
0x408: {  	[tilespmem:s2+$0xF400] =	vst.add.f32.msk $0xffff, v4  }
0x409: {  	[tilespmem:s2+$0x10C00] =	vst.add.f32.msk $0xffff, v4  }
0x40a: {  	[tilespmem:s2+$0xC480] =	vst.add.f32.msk $0xffff, v5  }
0x40b: {  	[tilespmem:s2+$0xDC80] =	vst.add.f32.msk $0xffff, v5  }
0x40c: {  	[tilespmem:s2+$0xF480] =	vst.add.f32.msk $0xffff, v5  }
0x40d: {  	[tilespmem:s2+$0x10C80] =	vst.add.f32.msk $0xffff, v5  }
0x40e: {  	[tilespmem:s2+$0xC500] =	vst.add.f32.msk $0xffff, v6  }
0x40f: {  	[tilespmem:s2+$0xDD00] =	vst.add.f32.msk $0xffff, v6  }
0x410: {  	[tilespmem:s2+$0xF500] =	vst.add.f32.msk $0xffff, v6  }
0x411: {  	[tilespmem:s2+$0x10D00] =	vst.add.f32.msk $0xffff, v6  }
0x412: {  	[tilespmem:s2+$0xC580] =	vst.add.f32.msk $0xffff, v7  }
0x413: {  	[tilespmem:s2+$0xDD80] =	vst.add.f32.msk $0xffff, v7  }
0x414: {  	[tilespmem:s2+$0xF580] =	vst.add.f32.msk $0xffff, v7  }
0x415: {  	[tilespmem:s2+$0x10D80] =	vst.add.f32.msk $0xffff, v7  }
0x416: {  	[tilespmem:s2+$0xC600] =	vst.add.f32.msk $0xffff, v8  }
0x417: {  	[tilespmem:s2+$0xDE00] =	vst.add.f32.msk $0xffff, v8  }
0x418: {  	[tilespmem:s2+$0xF600] =	vst.add.f32.msk $0xffff, v8  }
0x419: {  	[tilespmem:s2+$0x10E00] =	vst.add.f32.msk $0xffff, v8  }
0x41a: {  	[tilespmem:s2+$0xC680] =	vst.add.f32.msk $0xffff, v9  }
0x41b: {  	[tilespmem:s2+$0xDE80] =	vst.add.f32.msk $0xffff, v9  }
0x41c: {  	[tilespmem:s2+$0xF680] =	vst.add.f32.msk $0xffff, v9  }
0x41d: {  	[tilespmem:s2+$0x10E80] =	vst.add.f32.msk $0xffff, v9  }
0x41e: {  	[tilespmem:s2+$0xC700] =	vst.add.f32.msk $0xffff, v10  }
.Ltmp5:
0x41f: {  	[tilespmem:s2+$0xDF00] =	vst.add.f32.msk $0xffff, v10;
	(pc) =	sbr.rel @p0 .LBB2_12-.Ltmp5, $4  }
0x420: {  	[tilespmem:s2+$0xF700] =	vst.add.f32.msk $0xffff, v10  }
0x421: {  	[tilespmem:s2+$0x10F00] =	vst.add.f32.msk $0xffff, v10  }
0x422: {  	s4 =	sadd.s32 $0x80, s4;
	[tilespmem:s2+$0xC780] =	vst.add.f32.msk $0xffff, v3  }
0x423: {  	s10 =	sand.u32 $0x70, s9;
	s9 =	sadd.s32 $0x10, s9;
	s12 =	sand.u32 $0x1C00, s4;
	[tilespmem:s2+$0xDF80] =	vst.add.f32.msk $0xffff, v3  }
0x424: {  	s4 =	sor.u32 s10, s12;
	[tilespmem:s2+$0xF780] =	vst.add.f32.msk $0xffff, v3  }
0x425: {  	v3 =	vld [tilespmem:s4+$0x19F80]  }
0x426: {  	v4 =	vld [tilespmem:s4+$0x19C00]  }
0x427: {  	v5 =	vld [tilespmem:s4+$0x19C80]  }
0x428: {  	v6 =	vld [tilespmem:s4+$0x19D00]  }
0x429: {  	v7 =	vld [tilespmem:s4+$0x19D80]  }
0x42a: {  	v8 =	vld [tilespmem:s4+$0x19E00]  }
0x42b: {  	v9 =	vld [tilespmem:s4+$0x19E80]  }
0x42c: {  	v10 =	vld [tilespmem:s4+$0x19F00]  }
0x42d: {  	[tilespmem:s4+$0x10F80] =	vst.add.f32.msk $0xffff, v3  }
0x42e: {  	[tilespmem:s4+$0xC400] =	vst.add.f32.msk $0xffff, v4  }
0x42f: {  	[tilespmem:s4+$0xDC00] =	vst.add.f32.msk $0xffff, v4  }
0x430: {  	[tilespmem:s4+$0xF400] =	vst.add.f32.msk $0xffff, v4  }
0x431: {  	[tilespmem:s4+$0x10C00] =	vst.add.f32.msk $0xffff, v4  }
0x432: {  	[tilespmem:s4+$0xC480] =	vst.add.f32.msk $0xffff, v5  }
0x433: {  	[tilespmem:s4+$0xDC80] =	vst.add.f32.msk $0xffff, v5  }
0x434: {  	[tilespmem:s4+$0xF480] =	vst.add.f32.msk $0xffff, v5  }
0x435: {  	[tilespmem:s4+$0x10C80] =	vst.add.f32.msk $0xffff, v5  }
0x436: {  	[tilespmem:s4+$0xC500] =	vst.add.f32.msk $0xffff, v6  }
0x437: {  	[tilespmem:s4+$0xDD00] =	vst.add.f32.msk $0xffff, v6  }
0x438: {  	[tilespmem:s4+$0xF500] =	vst.add.f32.msk $0xffff, v6  }
0x439: {  	[tilespmem:s4+$0x10D00] =	vst.add.f32.msk $0xffff, v6  }
0x43a: {  	[tilespmem:s4+$0xC580] =	vst.add.f32.msk $0xffff, v7  }
0x43b: {  	[tilespmem:s4+$0xDD80] =	vst.add.f32.msk $0xffff, v7  }
0x43c: {  	[tilespmem:s4+$0xF580] =	vst.add.f32.msk $0xffff, v7  }
0x43d: {  	[tilespmem:s4+$0x10D80] =	vst.add.f32.msk $0xffff, v7  }
0x43e: {  	[tilespmem:s4+$0xC600] =	vst.add.f32.msk $0xffff, v8  }
0x43f: {  	[tilespmem:s4+$0xDE00] =	vst.add.f32.msk $0xffff, v8  }
0x440: {  	[tilespmem:s4+$0xF600] =	vst.add.f32.msk $0xffff, v8  }
0x441: {  	[tilespmem:s4+$0x10E00] =	vst.add.f32.msk $0xffff, v8  }
0x442: {  	[tilespmem:s4+$0xC680] =	vst.add.f32.msk $0xffff, v9  }
0x443: {  	[tilespmem:s4+$0xDE80] =	vst.add.f32.msk $0xffff, v9  }
0x444: {  	[tilespmem:s4+$0xF680] =	vst.add.f32.msk $0xffff, v9  }
0x445: {  	[tilespmem:s4+$0x10E80] =	vst.add.f32.msk $0xffff, v9  }
0x446: {  	[tilespmem:s4+$0xC700] =	vst.add.f32.msk $0xffff, v10  }
0x447: {  	[tilespmem:s4+$0xDF00] =	vst.add.f32.msk $0xffff, v10  }
0x448: {  	[tilespmem:s4+$0xF700] =	vst.add.f32.msk $0xffff, v10  }
0x449: {  	[tilespmem:s4+$0x10F00] =	vst.add.f32.msk $0xffff, v10  }
0x44a: {  	[tilespmem:s4+$0xC780] =	vst.add.f32.msk $0xffff, v3  }
0x44b: {  	[tilespmem:s4+$0xDF80] =	vst.add.f32.msk $0xffff, v3  }
0x44c: {  	[tilespmem:s4+$0xF780] =	vst.add.f32.msk $0xffff, v3  }
0x44d: {  	_ =	strace $0x90000052  }
0x44e: {  	s9 =	rddreg [dreg:$0x14]  }
0x44f: {  	s2 =	simm.s32 $0x0;
	s10 =	rddreg [dreg:$0x1e]  }
0x450: {  	[hbm4b:s9+s2] =	stream.linear.scatter [tilespmem:s17], [sflag:$0x7], $0x1800, $0x38;
	[tilespmem:$0x1E400] =	vst v63  }
0x451: {  	s12 =	rddreg [dreg:$0x1f]  }
0x452: {  	[hbm4b:s10+s2] =	stream.linear.scatter [tilespmem:s18], [sflag:$0x7], $0x1800, $0x38;
	[tilespmem:$0x1E400] =	vst v63  }
0x453: {  	s13 =	sld [smem:$0x7F7]  }
0x454: {  	[hbm4b:s12+s2] =	stream.linear.scatter [tilespmem:s20], [sflag:$0x7], $0x1800, $0x38;
	[tilespmem:$0x1E400] =	vst v63  }
0x455: {  	_ = 	snop  }
0x456: {  	[hbm4b:s13+s2] =	stream.linear.scatter [tilespmem:s21], [sflag:$0x7], $0x1800, $0x38;
	[tilespmem:$0x1E400] =	vst v63  }
0x457: {  	_ =	strace $0x80000053  }
0x458: {  	_ =	swait.ge [sflag:s14], $0x6000  }
0x459: {  	[sflag:s14] =	ssyncset.done $0x0  }
0x45a: {  	[sflag:s14] =	ssyncadd.s32 $0xFFFFA000  }
0x45b: {  	s15 =	sand.u32 $0x70, s2;
	s9 =	sand.u32 $0x1C00, s2;
	_ =	strace $0x90000053  }
0x45c: {  	s4 =	sor.u32 s15, s9;
	_ =	strace $0x80000054  }
0x45d: {  	v4 =	vld [tilespmem:s4+$0x1B400];
	_ =	sdelay $0x2  }
0x45e: {  	v3 =	vld [tilespmem:s4+$0x1B780]  }
0x45f: {  	v5 =	vld [tilespmem:s4+$0x1B480]  }
0x460: {  	[tilespmem:s4+$0x400] =	vst.add.f32.msk $0xffff, v4  }
0x461: {  	[tilespmem:s4+$0x1C00] =	vst.add.f32.msk $0xffff, v4  }
0x462: {  	[tilespmem:s4+$0x3400] =	vst.add.f32.msk $0xffff, v4  }
0x463: {  	[tilespmem:s4+$0x4C00] =	vst.add.f32.msk $0xffff, v4  }
0x464: {  	v4 =	vld [tilespmem:s4+$0x1B500]  }
0x465: {  	[tilespmem:s4+$0x480] =	vst.add.f32.msk $0xffff, v5  }
0x466: {  	[tilespmem:s4+$0x1C80] =	vst.add.f32.msk $0xffff, v5  }
0x467: {  	[tilespmem:s4+$0x3480] =	vst.add.f32.msk $0xffff, v5  }
0x468: {  	[tilespmem:s4+$0x4C80] =	vst.add.f32.msk $0xffff, v5  }
0x469: {  	v5 =	vld [tilespmem:s4+$0x1B580]  }
0x46a: {  	[tilespmem:s4+$0x500] =	vst.add.f32.msk $0xffff, v4  }
0x46b: {  	[tilespmem:s4+$0x1D00] =	vst.add.f32.msk $0xffff, v4  }
0x46c: {  	[tilespmem:s4+$0x3500] =	vst.add.f32.msk $0xffff, v4  }
0x46d: {  	[tilespmem:s4+$0x4D00] =	vst.add.f32.msk $0xffff, v4  }
0x46e: {  	v4 =	vld [tilespmem:s4+$0x1B600]  }
0x46f: {  	[tilespmem:s4+$0x580] =	vst.add.f32.msk $0xffff, v5  }
0x470: {  	[tilespmem:s4+$0x1D80] =	vst.add.f32.msk $0xffff, v5  }
0x471: {  	[tilespmem:s4+$0x3580] =	vst.add.f32.msk $0xffff, v5  }
0x472: {  	[tilespmem:s4+$0x4D80] =	vst.add.f32.msk $0xffff, v5  }
0x473: {  	v5 =	vld [tilespmem:s4+$0x1B680]  }
0x474: {  	[tilespmem:s4+$0x600] =	vst.add.f32.msk $0xffff, v4  }
0x475: {  	[tilespmem:s4+$0x1E00] =	vst.add.f32.msk $0xffff, v4  }
0x476: {  	[tilespmem:s4+$0x3600] =	vst.add.f32.msk $0xffff, v4  }
0x477: {  	[tilespmem:s4+$0x4E00] =	vst.add.f32.msk $0xffff, v4  }
0x478: {  	v4 =	vld [tilespmem:s4+$0x1B700]  }
0x479: {  	[tilespmem:s4+$0x680] =	vst.add.f32.msk $0xffff, v5  }
0x47a: {  	s9 =	simm.s32 $0x0;
	s10 =	simm.s32 $0x10;
	[tilespmem:s4+$0x1E80] =	vst.add.f32.msk $0xffff, v5  }
.LBB2_14:
0x47b: {  	p0 =	sne.s32 s10, $0x2F0;
	[tilespmem:s4+$0x3680] =	vst.add.f32.msk $0xffff, v5  }
0x47c: {  	[tilespmem:s4+$0x4E80] =	vst.add.f32.msk $0xffff, v5  }
0x47d: {  	[tilespmem:s4+$0x700] =	vst.add.f32.msk $0xffff, v4  }
0x47e: {  	[tilespmem:s4+$0x1F00] =	vst.add.f32.msk $0xffff, v4  }
0x47f: {  	s12 =	sor.u32 s9, s2;
	s9 =	sadd.s32 $0x80, s9;
	s2 =	smov.u32 s10;
	[tilespmem:s4+$0x3700] =	vst.add.f32.msk $0xffff, v4  }
0x480: {  	s13 =	sand.u32 $0x70, s10;
	s15 =	sand.u32 $0x1C00, s9;
	s12 =	sor.u32 $0x380, s12;
	[tilespmem:s4+$0x4F00] =	vst.add.f32.msk $0xffff, v4  }
0x481: {  	s13 =	sor.u32 s13, s15;
	[tilespmem:s12+$0x400] =	vst.add.f32.msk $0xffff, v3  }
0x482: {  	v4 =	vld [tilespmem:s13+$0x1B400]  }
0x483: {  	[tilespmem:s4+$0x1F80] =	vst.add.f32.msk $0xffff, v3  }
0x484: {  	[tilespmem:s4+$0x3780] =	vst.add.f32.msk $0xffff, v3  }
0x485: {  	[tilespmem:s4+$0x4F80] =	vst.add.f32.msk $0xffff, v3;
	s4 =	smov.u32 s13  }
0x486: {  	v3 =	vld [tilespmem:s4+$0x1B780]  }
0x487: {  	[tilespmem:s4+$0x400] =	vst.add.f32.msk $0xffff, v4  }
0x488: {  	v5 =	vld [tilespmem:s4+$0x1B480]  }
0x489: {  	[tilespmem:s4+$0x1C00] =	vst.add.f32.msk $0xffff, v4  }
0x48a: {  	[tilespmem:s4+$0x3400] =	vst.add.f32.msk $0xffff, v4  }
0x48b: {  	[tilespmem:s4+$0x4C00] =	vst.add.f32.msk $0xffff, v4  }
0x48c: {  	v4 =	vld [tilespmem:s4+$0x1B500]  }
0x48d: {  	[tilespmem:s4+$0x480] =	vst.add.f32.msk $0xffff, v5  }
0x48e: {  	[tilespmem:s4+$0x1C80] =	vst.add.f32.msk $0xffff, v5  }
0x48f: {  	[tilespmem:s4+$0x3480] =	vst.add.f32.msk $0xffff, v5  }
0x490: {  	[tilespmem:s4+$0x4C80] =	vst.add.f32.msk $0xffff, v5  }
0x491: {  	[tilespmem:s4+$0x500] =	vst.add.f32.msk $0xffff, v4  }
0x492: {  	v5 =	vld [tilespmem:s4+$0x1B580]  }
0x493: {  	[tilespmem:s4+$0x1D00] =	vst.add.f32.msk $0xffff, v4  }
0x494: {  	[tilespmem:s4+$0x3500] =	vst.add.f32.msk $0xffff, v4  }
0x495: {  	[tilespmem:s4+$0x4D00] =	vst.add.f32.msk $0xffff, v4  }
0x496: {  	v4 =	vld [tilespmem:s4+$0x1B600]  }
0x497: {  	[tilespmem:s4+$0x580] =	vst.add.f32.msk $0xffff, v5  }
0x498: {  	[tilespmem:s4+$0x1D80] =	vst.add.f32.msk $0xffff, v5  }
0x499: {  	[tilespmem:s4+$0x3580] =	vst.add.f32.msk $0xffff, v5  }
0x49a: {  	[tilespmem:s4+$0x4D80] =	vst.add.f32.msk $0xffff, v5  }
0x49b: {  	[tilespmem:s4+$0x600] =	vst.add.f32.msk $0xffff, v4  }
0x49c: {  	v5 =	vld [tilespmem:s4+$0x1B680]  }
0x49d: {  	[tilespmem:s4+$0x1E00] =	vst.add.f32.msk $0xffff, v4  }
.Ltmp6:
0x49e: {  	[tilespmem:s4+$0x3600] =	vst.add.f32.msk $0xffff, v4;
	(pc) =	sbr.rel @p0 .LBB2_14-.Ltmp6, $4  }
0x49f: {  	[tilespmem:s4+$0x4E00] =	vst.add.f32.msk $0xffff, v4  }
0x4a0: {  	v4 =	vld [tilespmem:s4+$0x1B700]  }
0x4a1: {  	[tilespmem:s4+$0x680] =	vst.add.f32.msk $0xffff, v5  }
0x4a2: {  	s10 =	sadd.s32 $0x10, s10;
	[tilespmem:s4+$0x1E80] =	vst.add.f32.msk $0xffff, v5  }
0x4a3: {  	[tilespmem:s4+$0x3680] =	vst.add.f32.msk $0xffff, v5  }
0x4a4: {  	[tilespmem:s4+$0x4E80] =	vst.add.f32.msk $0xffff, v5  }
0x4a5: {  	[tilespmem:s4+$0x700] =	vst.add.f32.msk $0xffff, v4  }
0x4a6: {  	[tilespmem:s4+$0x1F00] =	vst.add.f32.msk $0xffff, v4  }
0x4a7: {  	s2 =	sor.u32 s9, s2;
	[tilespmem:s4+$0x3700] =	vst.add.f32.msk $0xffff, v4  }
0x4a8: {  	s2 =	sor.u32 $0x380, s2;
	[tilespmem:s4+$0x4F00] =	vst.add.f32.msk $0xffff, v4  }
0x4a9: {  	[tilespmem:s2+$0x400] =	vst.add.f32.msk $0xffff, v3  }
0x4aa: {  	[tilespmem:s4+$0x1F80] =	vst.add.f32.msk $0xffff, v3  }
0x4ab: {  	[tilespmem:s4+$0x3780] =	vst.add.f32.msk $0xffff, v3  }
0x4ac: {  	[tilespmem:s4+$0x4F80] =	vst.add.f32.msk $0xffff, v3  }
0x4ad: {  	_ =	strace $0x90000054  }
0x4ae: {  	s15 =	rddreg [dreg:$0x15]  }
0x4af: {  	s2 =	simm.s32 $0x0;
	s9 =	sld [smem:$0x7F8]  }
0x4b0: {  	[hbm4b:s15+s2] =	stream.linear.scatter [tilespmem:s16], [sflag:$0x5], $0x1800, $0x38;
	[tilespmem:$0x1E400] =	vst v63  }
0x4b1: {  	s10 =	sld [smem:$0x7F9]  }
0x4b2: {  	[hbm4b:s9+s2] =	stream.linear.scatter [tilespmem:s19], [sflag:$0x5], $0x1800, $0x38;
	[tilespmem:$0x1E400] =	vst v63  }
0x4b3: {  	s12 =	sld [smem:$0x7FA]  }
0x4b4: {  	[hbm4b:s10+s2] =	stream.linear.scatter [tilespmem:s22], [sflag:$0x5], $0x1800, $0x38;
	[tilespmem:$0x1E400] =	vst v63  }
0x4b5: {  	_ = 	snop  }
0x4b6: {  	[hbm4b:s12+s2] =	stream.linear.scatter [tilespmem:s25], [sflag:$0x5], $0x1800, $0x38;
	[tilespmem:$0x1E400] =	vst v63  }
0x4b7: {  	_ =	strace $0x80000055  }
0x4b8: {  	_ =	swait.ge [sflag:s24], $0x6000  }
0x4b9: {  	[sflag:s24] =	ssyncset.done $0x0  }
0x4ba: {  	[sflag:s24] =	ssyncadd.s32 $0xFFFFA000  }
0x4bb: {  	s13 =	sand.u32 $0x70, s2;
	s2 =	sand.u32 $0x1C00, s2;
	_ =	strace $0x90000055  }
0x4bc: {  	s2 =	sor.u32 s13, s2;
	_ =	strace $0x80000056  }
0x4bd: {  	v3 =	vld [tilespmem:s2+$0x1CF80]  }
0x4be: {  	v4 =	vld [tilespmem:s2+$0x1CC00]  }
0x4bf: {  	v5 =	vld [tilespmem:s2+$0x1CC80]  }
0x4c0: {  	v6 =	vld [tilespmem:s2+$0x1CD00]  }
0x4c1: {  	v7 =	vld [tilespmem:s2+$0x1CD80]  }
0x4c2: {  	v8 =	vld [tilespmem:s2+$0x1CE00]  }
0x4c3: {  	v9 =	vld [tilespmem:s2+$0x1CE80]  }
0x4c4: {  	v10 =	vld [tilespmem:s2+$0x1CF00]  }
0x4c5: {  	[tilespmem:s2+$0xAF80] =	vst.add.f32.msk $0xffff, v3  }
0x4c6: {  	[tilespmem:s2+$0x6400] =	vst.add.f32.msk $0xffff, v4  }
0x4c7: {  	[tilespmem:s2+$0x7C00] =	vst.add.f32.msk $0xffff, v4  }
0x4c8: {  	[tilespmem:s2+$0x9400] =	vst.add.f32.msk $0xffff, v4  }
0x4c9: {  	[tilespmem:s2+$0xAC00] =	vst.add.f32.msk $0xffff, v4  }
0x4ca: {  	[tilespmem:s2+$0x6480] =	vst.add.f32.msk $0xffff, v5  }
0x4cb: {  	[tilespmem:s2+$0x7C80] =	vst.add.f32.msk $0xffff, v5  }
0x4cc: {  	[tilespmem:s2+$0x9480] =	vst.add.f32.msk $0xffff, v5  }
0x4cd: {  	[tilespmem:s2+$0xAC80] =	vst.add.f32.msk $0xffff, v5  }
0x4ce: {  	[tilespmem:s2+$0x6500] =	vst.add.f32.msk $0xffff, v6  }
0x4cf: {  	[tilespmem:s2+$0x7D00] =	vst.add.f32.msk $0xffff, v6  }
0x4d0: {  	[tilespmem:s2+$0x9500] =	vst.add.f32.msk $0xffff, v6  }
0x4d1: {  	[tilespmem:s2+$0xAD00] =	vst.add.f32.msk $0xffff, v6  }
0x4d2: {  	[tilespmem:s2+$0x6580] =	vst.add.f32.msk $0xffff, v7  }
0x4d3: {  	[tilespmem:s2+$0x7D80] =	vst.add.f32.msk $0xffff, v7  }
0x4d4: {  	[tilespmem:s2+$0x9580] =	vst.add.f32.msk $0xffff, v7  }
0x4d5: {  	[tilespmem:s2+$0xAD80] =	vst.add.f32.msk $0xffff, v7  }
0x4d6: {  	[tilespmem:s2+$0x6600] =	vst.add.f32.msk $0xffff, v8  }
0x4d7: {  	[tilespmem:s2+$0x7E00] =	vst.add.f32.msk $0xffff, v8  }
0x4d8: {  	[tilespmem:s2+$0x9600] =	vst.add.f32.msk $0xffff, v8  }
0x4d9: {  	[tilespmem:s2+$0xAE00] =	vst.add.f32.msk $0xffff, v8  }
0x4da: {  	[tilespmem:s2+$0x6680] =	vst.add.f32.msk $0xffff, v9  }
0x4db: {  	[tilespmem:s2+$0x7E80] =	vst.add.f32.msk $0xffff, v9  }
0x4dc: {  	[tilespmem:s2+$0x9680] =	vst.add.f32.msk $0xffff, v9  }
0x4dd: {  	[tilespmem:s2+$0xAE80] =	vst.add.f32.msk $0xffff, v9  }
0x4de: {  	[tilespmem:s2+$0x6700] =	vst.add.f32.msk $0xffff, v10  }
0x4df: {  	[tilespmem:s2+$0x7F00] =	vst.add.f32.msk $0xffff, v10  }
0x4e0: {  	[tilespmem:s2+$0x9700] =	vst.add.f32.msk $0xffff, v10  }
0x4e1: {  	[tilespmem:s2+$0xAF00] =	vst.add.f32.msk $0xffff, v10  }
0x4e2: {  	s4 =	simm.s32 $0x80;
	s15 =	simm.s32 $0x10;
	[tilespmem:s2+$0x6780] =	vst.add.f32.msk $0xffff, v3  }
0x4e3: {  	s9 =	simm.s32 $0x20;
	s10 =	sand.u32 $0x70, s15;
	s12 =	sand.u32 $0x1C00, s4;
	[tilespmem:s2+$0x7F80] =	vst.add.f32.msk $0xffff, v3  }
.LBB2_16:
0x4e4: {  	p0 =	sne.s32 s9, $0x2F0;
	[tilespmem:s2+$0x9780] =	vst.add.f32.msk $0xffff, v3;
	s2 =	sor.u32 s10, s12  }
0x4e5: {  	v3 =	vld [tilespmem:s2+$0x1CF80]  }
0x4e6: {  	v4 =	vld [tilespmem:s2+$0x1CC00]  }
0x4e7: {  	v5 =	vld [tilespmem:s2+$0x1CC80]  }
0x4e8: {  	v6 =	vld [tilespmem:s2+$0x1CD00]  }
0x4e9: {  	v7 =	vld [tilespmem:s2+$0x1CD80]  }
0x4ea: {  	[tilespmem:s2+$0xAF80] =	vst.add.f32.msk $0xffff, v3  }
0x4eb: {  	v8 =	vld [tilespmem:s2+$0x1CE00]  }
0x4ec: {  	v9 =	vld [tilespmem:s2+$0x1CE80]  }
0x4ed: {  	v10 =	vld [tilespmem:s2+$0x1CF00]  }
0x4ee: {  	[tilespmem:s2+$0x6400] =	vst.add.f32.msk $0xffff, v4  }
0x4ef: {  	[tilespmem:s2+$0x7C00] =	vst.add.f32.msk $0xffff, v4  }
0x4f0: {  	[tilespmem:s2+$0x9400] =	vst.add.f32.msk $0xffff, v4  }
0x4f1: {  	[tilespmem:s2+$0xAC00] =	vst.add.f32.msk $0xffff, v4  }
0x4f2: {  	[tilespmem:s2+$0x6480] =	vst.add.f32.msk $0xffff, v5  }
0x4f3: {  	[tilespmem:s2+$0x7C80] =	vst.add.f32.msk $0xffff, v5  }
0x4f4: {  	[tilespmem:s2+$0x9480] =	vst.add.f32.msk $0xffff, v5  }
0x4f5: {  	[tilespmem:s2+$0xAC80] =	vst.add.f32.msk $0xffff, v5  }
0x4f6: {  	[tilespmem:s2+$0x6500] =	vst.add.f32.msk $0xffff, v6  }
0x4f7: {  	[tilespmem:s2+$0x7D00] =	vst.add.f32.msk $0xffff, v6  }
0x4f8: {  	[tilespmem:s2+$0x9500] =	vst.add.f32.msk $0xffff, v6  }
0x4f9: {  	[tilespmem:s2+$0xAD00] =	vst.add.f32.msk $0xffff, v6  }
0x4fa: {  	[tilespmem:s2+$0x6580] =	vst.add.f32.msk $0xffff, v7  }
0x4fb: {  	[tilespmem:s2+$0x7D80] =	vst.add.f32.msk $0xffff, v7  }
0x4fc: {  	[tilespmem:s2+$0x9580] =	vst.add.f32.msk $0xffff, v7  }
0x4fd: {  	[tilespmem:s2+$0xAD80] =	vst.add.f32.msk $0xffff, v7  }
0x4fe: {  	[tilespmem:s2+$0x6600] =	vst.add.f32.msk $0xffff, v8  }
0x4ff: {  	[tilespmem:s2+$0x7E00] =	vst.add.f32.msk $0xffff, v8  }
0x500: {  	[tilespmem:s2+$0x9600] =	vst.add.f32.msk $0xffff, v8  }
0x501: {  	[tilespmem:s2+$0xAE00] =	vst.add.f32.msk $0xffff, v8  }
0x502: {  	[tilespmem:s2+$0x6680] =	vst.add.f32.msk $0xffff, v9  }
0x503: {  	[tilespmem:s2+$0x7E80] =	vst.add.f32.msk $0xffff, v9  }
0x504: {  	[tilespmem:s2+$0x9680] =	vst.add.f32.msk $0xffff, v9  }
0x505: {  	[tilespmem:s2+$0xAE80] =	vst.add.f32.msk $0xffff, v9  }
0x506: {  	[tilespmem:s2+$0x6700] =	vst.add.f32.msk $0xffff, v10  }
.Ltmp7:
0x507: {  	[tilespmem:s2+$0x7F00] =	vst.add.f32.msk $0xffff, v10;
	(pc) =	sbr.rel @p0 .LBB2_16-.Ltmp7, $4  }
0x508: {  	[tilespmem:s2+$0x9700] =	vst.add.f32.msk $0xffff, v10  }
0x509: {  	[tilespmem:s2+$0xAF00] =	vst.add.f32.msk $0xffff, v10  }
0x50a: {  	s4 =	sadd.s32 $0x80, s4;
	[tilespmem:s2+$0x6780] =	vst.add.f32.msk $0xffff, v3  }
0x50b: {  	s10 =	sand.u32 $0x70, s9;
	s9 =	sadd.s32 $0x10, s9;
	s12 =	sand.u32 $0x1C00, s4;
	[tilespmem:s2+$0x7F80] =	vst.add.f32.msk $0xffff, v3  }
0x50c: {  	s4 =	sor.u32 s10, s12;
	[tilespmem:s2+$0x9780] =	vst.add.f32.msk $0xffff, v3  }
0x50d: {  	v3 =	vld [tilespmem:s4+$0x1CF80]  }
0x50e: {  	v4 =	vld [tilespmem:s4+$0x1CC00]  }
0x50f: {  	v5 =	vld [tilespmem:s4+$0x1CC80]  }
0x510: {  	v6 =	vld [tilespmem:s4+$0x1CD00]  }
0x511: {  	v7 =	vld [tilespmem:s4+$0x1CD80]  }
0x512: {  	v8 =	vld [tilespmem:s4+$0x1CE00]  }
0x513: {  	v9 =	vld [tilespmem:s4+$0x1CE80]  }
0x514: {  	v10 =	vld [tilespmem:s4+$0x1CF00]  }
0x515: {  	[tilespmem:s4+$0xAF80] =	vst.add.f32.msk $0xffff, v3  }
0x516: {  	[tilespmem:s4+$0x6400] =	vst.add.f32.msk $0xffff, v4  }
0x517: {  	[tilespmem:s4+$0x7C00] =	vst.add.f32.msk $0xffff, v4  }
0x518: {  	[tilespmem:s4+$0x9400] =	vst.add.f32.msk $0xffff, v4  }
0x519: {  	[tilespmem:s4+$0xAC00] =	vst.add.f32.msk $0xffff, v4  }
0x51a: {  	[tilespmem:s4+$0x6480] =	vst.add.f32.msk $0xffff, v5  }
0x51b: {  	[tilespmem:s4+$0x7C80] =	vst.add.f32.msk $0xffff, v5  }
0x51c: {  	[tilespmem:s4+$0x9480] =	vst.add.f32.msk $0xffff, v5  }
0x51d: {  	[tilespmem:s4+$0xAC80] =	vst.add.f32.msk $0xffff, v5  }
0x51e: {  	[tilespmem:s4+$0x6500] =	vst.add.f32.msk $0xffff, v6  }
0x51f: {  	[tilespmem:s4+$0x7D00] =	vst.add.f32.msk $0xffff, v6  }
0x520: {  	[tilespmem:s4+$0x9500] =	vst.add.f32.msk $0xffff, v6  }
0x521: {  	[tilespmem:s4+$0xAD00] =	vst.add.f32.msk $0xffff, v6  }
0x522: {  	[tilespmem:s4+$0x6580] =	vst.add.f32.msk $0xffff, v7  }
0x523: {  	[tilespmem:s4+$0x7D80] =	vst.add.f32.msk $0xffff, v7  }
0x524: {  	[tilespmem:s4+$0x9580] =	vst.add.f32.msk $0xffff, v7  }
0x525: {  	[tilespmem:s4+$0xAD80] =	vst.add.f32.msk $0xffff, v7  }
0x526: {  	[tilespmem:s4+$0x6600] =	vst.add.f32.msk $0xffff, v8  }
0x527: {  	[tilespmem:s4+$0x7E00] =	vst.add.f32.msk $0xffff, v8  }
0x528: {  	[tilespmem:s4+$0x9600] =	vst.add.f32.msk $0xffff, v8  }
0x529: {  	[tilespmem:s4+$0xAE00] =	vst.add.f32.msk $0xffff, v8  }
0x52a: {  	[tilespmem:s4+$0x6680] =	vst.add.f32.msk $0xffff, v9  }
0x52b: {  	[tilespmem:s4+$0x7E80] =	vst.add.f32.msk $0xffff, v9  }
0x52c: {  	[tilespmem:s4+$0x9680] =	vst.add.f32.msk $0xffff, v9  }
0x52d: {  	[tilespmem:s4+$0xAE80] =	vst.add.f32.msk $0xffff, v9  }
0x52e: {  	[tilespmem:s4+$0x6700] =	vst.add.f32.msk $0xffff, v10  }
0x52f: {  	[tilespmem:s4+$0x7F00] =	vst.add.f32.msk $0xffff, v10  }
0x530: {  	[tilespmem:s4+$0x9700] =	vst.add.f32.msk $0xffff, v10  }
0x531: {  	[tilespmem:s4+$0xAF00] =	vst.add.f32.msk $0xffff, v10  }
0x532: {  	[tilespmem:s4+$0x6780] =	vst.add.f32.msk $0xffff, v3  }
0x533: {  	[tilespmem:s4+$0x7F80] =	vst.add.f32.msk $0xffff, v3  }
0x534: {  	[tilespmem:s4+$0x9780] =	vst.add.f32.msk $0xffff, v3  }
0x535: {  	_ =	strace $0x90000056  }
0x536: {  	s9 =	rddreg [dreg:$0x16]  }
0x537: {  	s10 =	sld [smem:$0x7FB]  }
0x538: {  	[hbm4b:s9+s3] =	stream.linear.scatter [tilespmem:s29], [sflag:$0x6], $0x1800, $0x38;
	[tilespmem:$0x1E400] =	vst v63  }
0x539: {  	s12 =	sld [smem:$0x7FC]  }
0x53a: {  	[hbm4b:s10+s3] =	stream.linear.scatter [tilespmem:s0], [sflag:$0x6], $0x1800, $0x38;
	[tilespmem:$0x1E400] =	vst v63  }
0x53b: {  	s13 =	sld [smem:$0x7FD]  }
0x53c: {  	[hbm4b:s12+s3] =	stream.linear.scatter [tilespmem:s5], [sflag:$0x6], $0x1800, $0x38;
	[tilespmem:$0x1E400] =	vst v63  }
0x53d: {  	_ = 	snop  }
0x53e: {  	[hbm4b:s13+s3] =	stream.linear.scatter [tilespmem:s11], [sflag:$0x6], $0x1800, $0x38;
	[tilespmem:$0x1E400] =	vst v63  }
0x53f: {  	_ =	strace $0x80000057  }
0x540: {  	_ =	swait.ge [sflag:s30], $0x1800  }
0x541: {  	[sflag:s30] =	ssyncset.done $0x0  }
0x542: {  	[sflag:s30] =	ssyncadd.s32 $0xFFFFE800  }
0x543: {  	_ =	swait.ge [sflag:s30], $0x1800  }
0x544: {  	[sflag:s30] =	ssyncset.done $0x0  }
0x545: {  	[sflag:s30] =	ssyncadd.s32 $0xFFFFE800  }
0x546: {  	_ =	swait.ge [sflag:s30], $0x1800  }
0x547: {  	[sflag:s30] =	ssyncset.done $0x0  }
0x548: {  	[sflag:s30] =	ssyncadd.s32 $0xFFFFE800  }
0x549: {  	_ =	swait.ge [sflag:s30], $0x1800  }
0x54a: {  	[sflag:s30] =	ssyncset.done $0x0  }
0x54b: {  	[sflag:s30] =	ssyncadd.s32 $0xFFFFE800  }
0x54c: {  	_ =	swait.ge [sflag:s23], $0x1800  }
0x54d: {  	[sflag:s23] =	ssyncset.done $0x0  }
0x54e: {  	[sflag:s23] =	ssyncadd.s32 $0xFFFFE800  }
0x54f: {  	_ =	swait.ge [sflag:s23], $0x1800  }
0x550: {  	[sflag:s23] =	ssyncset.done $0x0  }
0x551: {  	[sflag:s23] =	ssyncadd.s32 $0xFFFFE800  }
0x552: {  	_ =	swait.ge [sflag:s23], $0x1800  }
0x553: {  	[sflag:s23] =	ssyncset.done $0x0  }
0x554: {  	[sflag:s23] =	ssyncadd.s32 $0xFFFFE800  }
0x555: {  	_ =	swait.ge [sflag:s23], $0x1800  }
0x556: {  	[sflag:s23] =	ssyncset.done $0x0  }
0x557: {  	[sflag:s23] =	ssyncadd.s32 $0xFFFFE800  }
0x558: {  	_ =	swait.ge [sflag:s26], $0x1800  }
0x559: {  	[sflag:s26] =	ssyncset.done $0x0  }
0x55a: {  	[sflag:s26] =	ssyncadd.s32 $0xFFFFE800  }
0x55b: {  	_ =	swait.ge [sflag:s26], $0x1800  }
0x55c: {  	[sflag:s26] =	ssyncset.done $0x0  }
0x55d: {  	[sflag:s26] =	ssyncadd.s32 $0xFFFFE800  }
0x55e: {  	_ =	swait.ge [sflag:s26], $0x1800  }
0x55f: {  	[sflag:s26] =	ssyncset.done $0x0  }
0x560: {  	[sflag:s26] =	ssyncadd.s32 $0xFFFFE800  }
0x561: {  	_ =	swait.ge [sflag:s26], $0x1800  }
0x562: {  	s31 =	sadd.s32 $0x1, s31;
	s15 =	rddreg [dreg:$0x17]  }
0x563: {  	p0 =	sne.s32 s31, s15  }
.Ltmp8:
0x564: {  	_ = 	snop;
	(pc) =	sbr.rel @p0 .LBB2_1-.Ltmp8, $4  }
0x565: {  	_ = 	snop  }
0x566: {  	[sflag:s26] =	ssyncset.done $0x0  }
0x567: {  	[sflag:s26] =	ssyncadd.s32 $0xFFFFE800  }
0x568: {  	_ =	strace $0x90000057  }
0x569: {  	_ =	sfence.sel $0x180000  }
0x56a: {  	[bflag:$0x0] =	sbarrier.arrive $0xFFFF  }
0x56b: {  	_ =	strace $0x90000047  }
0x56c: {  	s0 =	stileid.u32;
	[bflag:$0x2] =	sbarrier.arrive $0xFFFF  }
0x56d: {  	p0 =	sne.s32 s0, $0x0;
	s0 =	rddreg [dreg:$0x4]  }
0x56e: {  	s0 =	sadd.s32 @!p0 $0x100000, s0  }
0x56f: {  	[sflag:s0] =	ssyncadd.tile.s32 @!p0 $0x1;
	_ =	shalt  }
.Lfunc_end2:
_tile_overlayer_lowered:
.L_overlay_start_2:
0x570: {  	(tag) =	ssettag $0x2  }
0x571: {  	s0 =	rddreg [dreg:$0x0];
	s2 =	stileid.u32  }
0x572: {  	s1 =	rddreg [dreg:$0x1];
	p0 =	sne.s32 s2, $0x0  }
0x573: {  	s3 =	rddreg [dreg:$0x2];
	[bflag:$0x3] =	sbarrier.arrive $0xFFFF;
	s2 =	simm.s32 @!p0 $0x1C08  }
0x574: {  	[timem:s3], [sflag:s2] =	dma.local @!p0 [hbm:s0], s1  }
0x575: {  	s0 =	simm.s32 @!p0 $0x8  }
0x576: {  	_ =	swait.ge @!p0 [sflag:s0], s1  }
0x577: {  	s1 =	ssub.s32 @!p0 $0x0, s1;
	[sflag:s0] =	ssyncset.done @!p0 $0x0  }
0x578: {  	[sflag:s0] =	ssyncadd.s32 @!p0 s1  }
0x579: {  	[bflag:$0x3] =	sbarrier.arrive $0xFFFF  }
0x57a: {  	_ =	shalt  }

</sc_bundles>
